<compile_context>
chip_gen: v7x
topology: tpu7x:2x2x1
jax: 0.10.2.dev20260603
libtpu: 0.0.44.dev20260713+nightly
codegen_flags: <defaults>
</compile_context>

<pallas_src>
import functools
import math

import jax
import jax.numpy as jnp
from jax import lax
from jax.experimental import pallas as pl
from jax.experimental.pallas import tpu as pltpu
from jax.experimental.pallas import tpu_sc as plsc

N = 10000
E = 320000
NUM_GRAPHS = 50
NPG = 200
HID = 64
NUM_HEADS = 4
HD = HID // NUM_HEADS
NUM_SEEDS = 50
SCALE = 1.0 / math.sqrt(HID)

NC = 2
NS = 16
NW = NC * NS
EW = E // NW
CHUNK = 128
MBUF = 8
LEAD = 4
CH = 80
EWP = CH * CHUNK
NPAD = 10112
RPT = NPAD // NS
DEGW = 16



def _sc_mesh():
    return plsc.VectorSubcoreMesh(core_axis_name="c", subcore_axis_name="s")


_SC_PARAMS = pltpu.CompilerParams(use_tc_tiling_on_sc=False)


@functools.partial(
    pl.kernel,
    out_type=jax.ShapeDtypeStruct((NC, NPAD, DEGW), jnp.float32),
    mesh=_sc_mesh(),
    compiler_params=_SC_PARAMS,
    scratch_types=[
        pltpu.VMEM((CH, CHUNK), jnp.int32),
        pltpu.VMEM((CHUNK, DEGW), jnp.float32),
        pltpu.VMEM_SHARED((NPAD, DEGW), jnp.float32),
        pltpu.SemaphoreType.DMA,
    ],
)
def _sc_degree(dstp_hbm, ones_hbm, zeros_hbm, out_hbm, dst_v, ones_v, acc,
               dsem):
    c = lax.axis_index("c")
    s = lax.axis_index("s")
    w = c * NS + s
    pltpu.sync_copy(zeros_hbm, acc.at[pl.ds(s * RPT, RPT)])
    pltpu.sync_copy(ones_hbm, ones_v)
    pltpu.sync_copy(dstp_hbm.at[w], dst_v)
    plsc.subcore_barrier()

    def body(j, carry):
        pltpu.async_copy(ones_v, acc.at[dst_v.at[j]], dsem, add=True)
        return carry

    lax.fori_loop(0, CH, body, 0)

    def drain(j, carry):
        pltpu.make_async_copy(ones_v, acc.at[dst_v.at[0]], dsem).wait()
        return carry

    lax.fori_loop(0, CH, drain, 0)
    plsc.subcore_barrier()
    pltpu.sync_copy(acc.at[pl.ds(s * RPT, RPT)],
                    out_hbm.at[c, pl.ds(s * RPT, RPT)])


def _make_sc_scatter(W):
    @functools.partial(
        pl.kernel,
        out_type=jax.ShapeDtypeStruct((NC, NPAD, W), jnp.float32),
        mesh=_sc_mesh(),
        compiler_params=_SC_PARAMS,
        scratch_types=[
            pltpu.VMEM((CH, CHUNK), jnp.int32),
            pltpu.VMEM((CH, CHUNK), jnp.int32),
            [pltpu.VMEM((CHUNK, W), jnp.float32) for _ in range(MBUF)],
            pltpu.VMEM_SHARED((NPAD, W), jnp.float32),
            [pltpu.SemaphoreType.DMA for _ in range(MBUF)],
            [pltpu.SemaphoreType.DMA for _ in range(MBUF)],
        ],
    )
    def k(hs_hbm, srcp_hbm, dstp_hbm, zeros_hbm, out_hbm,
          src_v, dst_v, rows, acc, gsem, ssem):
        c = lax.axis_index("c")
        s = lax.axis_index("s")
        w = c * NS + s
        pltpu.sync_copy(zeros_hbm, acc.at[pl.ds(s * RPT, RPT)])
        pltpu.sync_copy(srcp_hbm.at[w], src_v)
        pltpu.sync_copy(dstp_hbm.at[w], dst_v)
        for b in range(LEAD):
            pltpu.async_copy(hs_hbm.at[src_v.at[b]], rows[b], gsem[b])
        plsc.subcore_barrier()

        def body(i, carry):
            for b in range(MBUF):
                j = i * MBUF + b
                bg = (b + LEAD) % MBUF

                @pl.when(j + LEAD < CH)
                def _():
                    @pl.when(j + LEAD >= MBUF)
                    def _():
                        pltpu.make_async_copy(
                            rows[bg], acc.at[dst_v.at[0]], ssem[bg]).wait()
                    pltpu.async_copy(hs_hbm.at[src_v.at[j + LEAD]],
                                     rows[bg], gsem[bg])

                pltpu.make_async_copy(hs_hbm.at[src_v.at[j]],
                                      rows[b], gsem[b]).wait()
                pltpu.async_copy(rows[b], acc.at[dst_v.at[j]], ssem[b],
                                 add=True)
            return carry

        lax.fori_loop(0, CH // MBUF, body, 0)
        for b in range(MBUF):
            pltpu.make_async_copy(rows[b], acc.at[dst_v.at[0]],
                                  ssem[b]).wait()
        plsc.subcore_barrier()
        pltpu.sync_copy(acc.at[pl.ds(s * RPT, RPT)],
                        out_hbm.at[c, pl.ds(s * RPT, RPT)])

    return k


_sc_scatter32 = _make_sc_scatter(32)
_sc_scatter64 = _make_sc_scatter(64)



def _tc1(degp_ref, x_ref, w1_ref, dinv_ref, h1s_ref):
    d = degp_ref[0, :N, 0:1] + degp_ref[1, :N, 0:1] + 1.0
    dinv = lax.rsqrt(d)
    dinv_ref[...] = dinv
    h = jnp.dot(x_ref[...], w1_ref[...], preferred_element_type=jnp.float32)
    h1s_ref[...] = dinv * h


def _tc_stage(pp_ref, hs_ref, dinv_ref, b_ref, wn_ref, x_ref, hsn_ref):
    dinv = dinv_ref[...]
    xk = jnp.maximum(
        dinv * (pp_ref[0, :N] + pp_ref[1, :N] + hs_ref[...]) + b_ref[...], 0.0)
    x_ref[...] = xk
    hsn_ref[...] = dinv * jnp.dot(xk, wn_ref[...],
                                  preferred_element_type=jnp.float32)


def _tc4(pp_ref, h3s_ref, dinv_ref, b3_ref, x1_ref, x2_ref,
         wa_ref, wb_ref, wc_ref, bl1_ref, xls_ref):
    dinv = dinv_ref[...]
    x3 = jnp.maximum(
        dinv * (pp_ref[0, :N] + pp_ref[1, :N] + h3s_ref[...]) + b3_ref[...], 0.0)
    xl = (jnp.dot(x1_ref[...], wa_ref[...], preferred_element_type=jnp.float32)
          + jnp.dot(x2_ref[...], wb_ref[...], preferred_element_type=jnp.float32)
          + jnp.dot(x3, wc_ref[...], preferred_element_type=jnp.float32)
          + bl1_ref[...])
    xls_ref[...] = dinv * xl


def _mm(a, b):
    return jnp.dot(a, b, preferred_element_type=jnp.float32)


def _head_masks():
    col = lax.broadcasted_iota(jnp.int32, (1, HID), 1)
    return [(col // HD == h).astype(jnp.float32) for h in range(NUM_HEADS)]


def _stack_heads(Qp, masks):
    return jnp.concatenate([Qp * m for m in masks], axis=0)


def _merge_heads3(O, nq):
    return jnp.concatenate(
        [O[:, h * nq:(h + 1) * nq, h * HD:(h + 1) * HD]
         for h in range(NUM_HEADS)], axis=2)


def _softmax_last(logits):
    m = jnp.max(logits, axis=-1, keepdims=True)
    e = jnp.exp(logits - m)
    return e / jnp.sum(e, axis=-1, keepdims=True)


def _batched_attend(Qs3, K3, V3, nq):
    logits = lax.dot_general(
        Qs3, K3, (((2,), (2,)), ((0,), (0,)))) * SCALE
    a = _softmax_last(logits)
    O = lax.dot_general(a, V3, (((2,), (1,)), ((0,), (0,))))
    return _merge_heads3(O, nq)


def _tc_attn(p4_ref, xls_ref, dinv_ref,
             wk1_ref, bk1_ref, wv1_ref, bv1_ref,
             s1_ref, wq1_ref, bq1_ref, wo1_ref, bo1_ref,
             wq2_ref, bq2_ref, wk2_ref, bk2_ref, wv2_ref, bv2_ref,
             wo2_ref, bo2_ref,
             s2_ref, wq3_ref, bq3_ref, wk3_ref, bk3_ref, wv3_ref, bv3_ref,
             wo3_ref, bo3_ref,
             wg_ref, bg_ref, wl1_ref, bl1_ref, wl2_ref, bl2_ref,
             out_ref):
    masks = _head_masks()
    dinv = dinv_ref[...]
    pxl = dinv * (p4_ref[0, :N] + p4_ref[1, :N] + xls_ref[...])
    K1 = _mm(pxl, wk1_ref[...]) + bk1_ref[...]
    V1 = _mm(pxl, wv1_ref[...]) + bv1_ref[...]

    Qp1 = _mm(s1_ref[...], wq1_ref[...]) + bq1_ref[...]
    Qs1 = _stack_heads(Qp1, masks)
    logitsT = lax.dot_general(K1, Qs1, (((1,), (1,)), ((), ()))) * SCALE
    L = logitsT.reshape(NUM_GRAPHS, NPG, NUM_HEADS * NUM_SEEDS)
    m1 = jnp.max(L, axis=1, keepdims=True)
    e1 = jnp.exp(L - m1)
    a1 = e1 / jnp.sum(e1, axis=1, keepdims=True)
    AV1 = lax.dot_general(a1, V1.reshape(NUM_GRAPHS, NPG, HID),
                          (((1,), (1,)), ((0,), (0,))))
    O1 = (Qp1[None] + _merge_heads3(AV1, NUM_SEEDS)).reshape(
        NUM_GRAPHS * NUM_SEEDS, HID)
    X1 = O1 + jnp.maximum(_mm(O1, wo1_ref[...]) + bo1_ref[...], 0.0)

    Qp2 = _mm(X1, wq2_ref[...]) + bq2_ref[...]
    K2 = _mm(X1, wk2_ref[...]) + bk2_ref[...]
    V2 = _mm(X1, wv2_ref[...]) + bv2_ref[...]
    Qp2_3 = Qp2.reshape(NUM_GRAPHS, NUM_SEEDS, HID)
    Qs2 = jnp.concatenate([Qp2_3 * m for m in masks], axis=1)
    O2 = (Qp2_3 + _batched_attend(
        Qs2, K2.reshape(NUM_GRAPHS, NUM_SEEDS, HID),
        V2.reshape(NUM_GRAPHS, NUM_SEEDS, HID), NUM_SEEDS)).reshape(
            NUM_GRAPHS * NUM_SEEDS, HID)
    X2 = O2 + jnp.maximum(_mm(O2, wo2_ref[...]) + bo2_ref[...], 0.0)

    Qp3 = _mm(s2_ref[...], wq3_ref[...]) + bq3_ref[...]
    Qs3 = _stack_heads(Qp3, masks)
    K3 = _mm(X2, wk3_ref[...]) + bk3_ref[...]
    V3 = _mm(X2, wv3_ref[...]) + bv3_ref[...]
    O3 = (Qp3[None] + _batched_attend(
        jnp.broadcast_to(Qs3[None], (NUM_GRAPHS, NUM_HEADS, HID)),
        K3.reshape(NUM_GRAPHS, NUM_SEEDS, HID),
        V3.reshape(NUM_GRAPHS, NUM_SEEDS, HID), 1)).reshape(
            NUM_GRAPHS, HID)
    X3 = O3 + jnp.maximum(_mm(O3, wo3_ref[...]) + bo3_ref[...], 0.0)

    g = _mm(X3, wg_ref[...]) + bg_ref[...]
    h = jnp.maximum(_mm(g, wl1_ref[...]) + bl1_ref[...], 0.0)
    o = _mm(h, wl2_ref[...]) + bl2_ref[...]
    m = jnp.max(o, axis=-1, keepdims=True)
    lse = jnp.log(jnp.sum(jnp.exp(o - m), axis=-1, keepdims=True)) + m
    out_ref[...] = o - lse


def kernel(x, edge_index, batch, params):
    p = params
    f32 = jnp.float32

    src = edge_index[0].reshape(NW, EW)
    dst = edge_index[1].reshape(NW, EW)
    pad_s = jnp.zeros((NW, EWP - EW), jnp.int32)
    pad_d = jnp.full((NW, EWP - EW), N, jnp.int32)
    srcp = jnp.concatenate([src, pad_s], axis=1).reshape(NW, CH, CHUNK)
    dstp = jnp.concatenate([dst, pad_d], axis=1).reshape(NW, CH, CHUNK)

    ones_deg = jnp.ones((CHUNK, DEGW), f32)
    zeros_deg = jnp.zeros((RPT, DEGW), f32)
    zeros32 = jnp.zeros((RPT, 32), f32)
    zeros64 = jnp.zeros((RPT, 64), f32)

    degp = _sc_degree(dstp, ones_deg, zeros_deg)

    dinv, h1s = pl.pallas_call(
        _tc1,
        out_shape=[jax.ShapeDtypeStruct((N, 1), f32),
                   jax.ShapeDtypeStruct((N, 32), f32)],
    )(degp, x, p["conv1"]["W"])

    p1 = _sc_scatter32(h1s, srcp, dstp, zeros32)
    x1, h2s = pl.pallas_call(
        _tc_stage,
        out_shape=[jax.ShapeDtypeStruct((N, 32), f32),
                   jax.ShapeDtypeStruct((N, 32), f32)],
    )(p1, h1s, dinv, p["conv1"]["b"].reshape(1, 32), p["conv2"]["W"])

    p2 = _sc_scatter32(h2s, srcp, dstp, zeros32)
    x2, h3s = pl.pallas_call(
        _tc_stage,
        out_shape=[jax.ShapeDtypeStruct((N, 32), f32),
                   jax.ShapeDtypeStruct((N, 32), f32)],
    )(p2, h2s, dinv, p["conv2"]["b"].reshape(1, 32), p["conv3"]["W"])

    p3 = _sc_scatter32(h3s, srcp, dstp, zeros32)
    wl1 = p["gmt_lin1"]["W"]
    xls = pl.pallas_call(
        _tc4,
        out_shape=jax.ShapeDtypeStruct((N, HID), f32),
    )(p3, h3s, dinv, p["conv3"]["b"].reshape(1, 32), x1, x2,
      wl1[:32], wl1[32:64], wl1[64:], p["gmt_lin1"]["b"].reshape(1, HID))

    p4 = _sc_scatter64(xls, srcp, dstp, zeros64)

    def lin_args(*names):
        args = []
        for name in names:
            args += [p[name]["W"], p[name]["b"].reshape(1, -1)]
        return args

    s1 = p["S1"].reshape(NUM_SEEDS, HID)
    s2 = p["S2"].reshape(1, HID)

    out = pl.pallas_call(
        _tc_attn,
        out_shape=jax.ShapeDtypeStruct((NUM_GRAPHS, 10), f32),
    )(p4, xls, dinv,
      *lin_args("mab1_layer_k", "mab1_layer_v"),
      s1, *lin_args("mab1_fc_q"), *lin_args("mab1_fc_o"),
      *lin_args("mab2_fc_q", "mab2_layer_k", "mab2_layer_v", "mab2_fc_o"),
      s2, *lin_args("mab3_fc_q", "mab3_layer_k", "mab3_layer_v", "mab3_fc_o"),
      *lin_args("gmt_lin2", "lin1", "lin2"))

    return out

# --- scband reference (transcript-rebuilt; emitter-appended) ---
"""Pipeline reference for scband-net-27865747816553 (READ-ONLY COPY).

The authoritative reference and input builder live on the scoring server;
editing this copy changes nothing except your own understanding.
"""

import jax, jax.numpy as jnp
import numpy as np
import math

N_NODES = 10000
N_EDGES = 320000
NUM_GRAPHS = 50
NPG = 200
D_IN = 128
HID = 64
NUM_HEADS = 4
NUM_SEEDS1 = 50
NUM_CLASSES = 10

def _glorot(key, shape):
    lim = math.sqrt(6.0 / (shape[0] + shape[1]))
    return jax.random.uniform(key, shape, minval=-lim, maxval=lim, dtype=jnp.float32)

def _lin(key, din, dout):
    return {"W": _glorot(key, (din, dout)), "b": jnp.zeros((dout,), jnp.float32)}

def setup_inputs(seed: int = 0):
    key = jax.random.key(seed)
    ks = jax.random.split(key, 24)
    x = jax.random.normal(ks[0], (N_NODES, D_IN), dtype=jnp.float32)
    edge_index = jax.random.randint(ks[1], (2, N_EDGES), 0, N_NODES, dtype=jnp.int32)
    batch = jnp.repeat(jnp.arange(NUM_GRAPHS, dtype=jnp.int32), NPG)
    params = {
        "conv1": _lin(ks[2], D_IN, 32),
        "conv2": _lin(ks[3], 32, 32),
        "conv3": _lin(ks[4], 32, 32),
        "gmt_lin1": _lin(ks[5], 96, HID),
        "S1": jax.random.normal(ks[6], (1, NUM_SEEDS1, HID), dtype=jnp.float32) * 0.1,
        "mab1_fc_q": _lin(ks[7], HID, HID),
        "mab1_layer_k": _lin(ks[8], HID, HID),
        "mab1_layer_v": _lin(ks[9], HID, HID),
        "mab1_fc_o": _lin(ks[10], HID, HID),
        "mab2_fc_q": _lin(ks[11], HID, HID),
        "mab2_layer_k": _lin(ks[12], HID, HID),
        "mab2_layer_v": _lin(ks[13], HID, HID),
        "mab2_fc_o": _lin(ks[14], HID, HID),
        "S2": jax.random.normal(ks[15], (1, 1, HID), dtype=jnp.float32) * 0.1,
        "mab3_fc_q": _lin(ks[16], HID, HID),
        "mab3_layer_k": _lin(ks[17], HID, HID),
        "mab3_layer_v": _lin(ks[18], HID, HID),
        "mab3_fc_o": _lin(ks[19], HID, HID),
        "gmt_lin2": _lin(ks[20], HID, 32),
        "lin1": _lin(ks[21], 32, 16),
        "lin2": _lin(ks[22], 16, NUM_CLASSES),
    }
    return {"x": x, "edge_index": edge_index, "batch": batch, "params": params}

def _gcn_conv(x, edge_index, W, b):
    n = x.shape[0]
    h = x @ W
    src = edge_index[0]
    dst = edge_index[1]
    loop = jnp.arange(n, dtype=src.dtype)
    src = jnp.concatenate([src, loop])
    dst = jnp.concatenate([dst, loop])
    deg = jnp.zeros((n,), h.dtype).at[dst].add(1.0)
    dinv = jnp.where(deg > 0, 1.0 / jnp.sqrt(deg), 0.0)
    norm = dinv[src] * dinv[dst]
    out = jnp.zeros_like(h).at[dst].add(norm[:, None] * h[src])
    return out + b

def _split_heads(t):
    B, n, d = t.shape
    hd = d // NUM_HEADS
    return t.reshape(B, n, NUM_HEADS, hd).transpose(2, 0, 1, 3).reshape(NUM_HEADS * B, n, hd)

def _merge_heads(t, B):
    _, n, hd = t.shape
    return t.reshape(NUM_HEADS, B, n, hd).transpose(1, 2, 0, 3).reshape(B, n, NUM_HEADS * hd)

def _mab_core(Q, K, V, fc_q, fc_o):
    B = Q.shape[0]
    Qp = Q @ fc_q["W"] + fc_q["b"]
    Q_ = _split_heads(Qp)
    K_ = _split_heads(K)
    V_ = _split_heads(V)
    A = jax.nn.softmax(jnp.einsum('bqh,bkh->bqk', Q_, K_) / math.sqrt(HID), axis=-1)
    out = _merge_heads(Q_ + jnp.einsum('bqk,bkh->bqh', A, V_), B)
    out = out + jax.nn.relu(out @ fc_o["W"] + fc_o["b"])
    return out

def _forward(x, edge_index, batch, p):
    x1 = jax.nn.relu(_gcn_conv(x, edge_index, p["conv1"]["W"], p["conv1"]["b"]))
    x2 = jax.nn.relu(_gcn_conv(x1, edge_index, p["conv2"]["W"], p["conv2"]["b"]))
    x3 = jax.nn.relu(_gcn_conv(x2, edge_index, p["conv3"]["W"], p["conv3"]["b"]))
    xc = jnp.concatenate([x1, x2, x3], axis=-1)
    xl = xc @ p["gmt_lin1"]["W"] + p["gmt_lin1"]["b"]
    K1 = _gcn_conv(xl, edge_index, p["mab1_layer_k"]["W"], p["mab1_layer_k"]["b"]).reshape(NUM_GRAPHS, NPG, HID)
    V1 = _gcn_conv(xl, edge_index, p["mab1_layer_v"]["W"], p["mab1_layer_v"]["b"]).reshape(NUM_GRAPHS, NPG, HID)
    Q1 = jnp.broadcast_to(p["S1"], (NUM_GRAPHS, NUM_SEEDS1, HID))
    X = _mab_core(Q1, K1, V1, p["mab1_fc_q"], p["mab1_fc_o"])
    K2 = X @ p["mab2_layer_k"]["W"] + p["mab2_layer_k"]["b"]
    V2 = X @ p["mab2_layer_v"]["W"] + p["mab2_layer_v"]["b"]
    X = _mab_core(X, K2, V2, p["mab2_fc_q"], p["mab2_fc_o"])
    K3 = X @ p["mab3_layer_k"]["W"] + p["mab3_layer_k"]["b"]
    V3 = X @ p["mab3_layer_v"]["W"] + p["mab3_layer_v"]["b"]
    Q3 = jnp.broadcast_to(p["S2"], (NUM_GRAPHS, 1, HID))
    X = _mab_core(Q3, K3, V3, p["mab3_fc_q"], p["mab3_fc_o"])
    g = X[:, 0, :] @ p["gmt_lin2"]["W"] + p["gmt_lin2"]["b"]
    h = jax.nn.relu(g @ p["lin1"]["W"] + p["lin1"]["b"])
    out = h @ p["lin2"]["W"] + p["lin2"]["b"]
    return jax.nn.log_softmax(out, axis=-1)

def reference(x, edge_index, batch, params):
    return _forward(x, edge_index, batch, params)

if __name__ == "__main__":
    import jax
    _d = setup_inputs()
    print(jax.jit(kernel)(*tuple(_d.values())))

</pallas_src>

<mosaic_0001>
#map = affine_map<(d0, d1) -> (0, 0)>
#map1 = affine_map<(d0, d1) -> (0, 0, 0)>
module attributes {stable_mosaic.version = 14 : i64} {
  func.func @k(%arg0: i32, %arg1: i32, %arg2: memref<10000x32xf32, #tpu.memory_space<hbm>>, %arg3: memref<32x80x128xi32, #tpu.memory_space<hbm>>, %arg4: memref<32x80x128xi32, #tpu.memory_space<hbm>>, %arg5: memref<632x32xf32, #tpu.memory_space<hbm>>, %arg6: memref<2x10112x32xf32, #tpu.memory_space<hbm>>, %arg7: memref<80x128xi32, #tpu.memory_space<vmem>>, %arg8: memref<80x128xi32, #tpu.memory_space<vmem>>, %arg9: memref<128x32xf32, #tpu.memory_space<vmem>>, %arg10: memref<128x32xf32, #tpu.memory_space<vmem>>, %arg11: memref<128x32xf32, #tpu.memory_space<vmem>>, %arg12: memref<128x32xf32, #tpu.memory_space<vmem>>, %arg13: memref<128x32xf32, #tpu.memory_space<vmem>>, %arg14: memref<128x32xf32, #tpu.memory_space<vmem>>, %arg15: memref<128x32xf32, #tpu.memory_space<vmem>>, %arg16: memref<128x32xf32, #tpu.memory_space<vmem>>, %arg17: memref<10112x32xf32, #tpu.memory_space<vmem_shared>>, %arg18: memref<!tpu.dma_semaphore, #tpu.memory_space<semaphore_mem>>, %arg19: memref<!tpu.dma_semaphore, #tpu.memory_space<semaphore_mem>>, %arg20: memref<!tpu.dma_semaphore, #tpu.memory_space<semaphore_mem>>, %arg21: memref<!tpu.dma_semaphore, #tpu.memory_space<semaphore_mem>>, %arg22: memref<!tpu.dma_semaphore, #tpu.memory_space<semaphore_mem>>, %arg23: memref<!tpu.dma_semaphore, #tpu.memory_space<semaphore_mem>>, %arg24: memref<!tpu.dma_semaphore, #tpu.memory_space<semaphore_mem>>, %arg25: memref<!tpu.dma_semaphore, #tpu.memory_space<semaphore_mem>>, %arg26: memref<!tpu.dma_semaphore, #tpu.memory_space<semaphore_mem>>, %arg27: memref<!tpu.dma_semaphore, #tpu.memory_space<semaphore_mem>>, %arg28: memref<!tpu.dma_semaphore, #tpu.memory_space<semaphore_mem>>, %arg29: memref<!tpu.dma_semaphore, #tpu.memory_space<semaphore_mem>>, %arg30: memref<!tpu.dma_semaphore, #tpu.memory_space<semaphore_mem>>, %arg31: memref<!tpu.dma_semaphore, #tpu.memory_space<semaphore_mem>>, %arg32: memref<!tpu.dma_semaphore, #tpu.memory_space<semaphore_mem>>, %arg33: memref<!tpu.dma_semaphore, #tpu.memory_space<semaphore_mem>>) attributes {dimension_semantics = [#tpu.dimension_semantics<core_parallel>, #tpu.dimension_semantics<subcore_parallel>], iteration_bounds = array<i64: 2, 16>, scalar_prefetch = 0 : i64, scratch_operands = 27 : i64, tpu.core_type = #tpu.core_type<sc_vector_subcore>, window_params = [{transform_indices = #map}, {transform_indices = #map1}, {transform_indices = #map1}, {transform_indices = #map}, {transform_indices = #map1}]} {
    %mul3A = arith.constant 16 : i32
    %mul3A_0 = arith.muli %arg0, %mul3A : i32
    %add3A = arith.addi %mul3A_0, %arg1 : i32
    %mul3A_1 = arith.constant 632 : i32
    %mul3A_2 = arith.muli %arg1, %mul3A_1 : i32
    "tpu.region"() ({
      %run_scoped3A = tpu.sem_alloc : memref<!tpu.dma_semaphore, #tpu.memory_space<semaphore_mem>>
      %dma_start3A_95 = arith.constant 0 : i32
      %dma_start3A_96 = tpu.memref_slice %arg17[%mul3A_2, %dma_start3A_95] : memref<10112x32xf32, #tpu.memory_space<vmem_shared>> -> memref<632x32xf32, #tpu.memory_space<vmem_shared>>
      tpu.enqueue_dma source(%arg5 : memref<632x32xf32, #tpu.memory_space<hbm>>) target(%dma_start3A_96 : memref<632x32xf32, #tpu.memory_space<vmem_shared>>) target_semaphore(%run_scoped3A : memref<!tpu.dma_semaphore, #tpu.memory_space<semaphore_mem>>)
      %dma_wait3A_97 = arith.constant 0 : i32
      %dma_wait3A_98 = tpu.memref_slice %arg17[%mul3A_2, %dma_wait3A_97] : memref<10112x32xf32, #tpu.memory_space<vmem_shared>> -> memref<632x32xf32, #tpu.memory_space<vmem_shared>>
      tpu.wait_dma2 semaphore(%run_scoped3A : memref<!tpu.dma_semaphore, #tpu.memory_space<semaphore_mem>>) src(%arg5 : memref<632x32xf32, #tpu.memory_space<hbm>>) dst(%dma_wait3A_98 : memref<632x32xf32, #tpu.memory_space<vmem_shared>>)
      tpu.yield
    }) : () -> ()
    "tpu.region"() ({
      %run_scoped3A = tpu.sem_alloc : memref<!tpu.dma_semaphore, #tpu.memory_space<semaphore_mem>>
      %dma_start3A_95 = arith.constant 0 : i32
      %dma_start3A_96 = arith.constant 0 : i32
      %dma_start3A_97 = tpu.memref_slice %arg3[%add3A, %dma_start3A_95, %dma_start3A_96] : memref<32x80x128xi32, #tpu.memory_space<hbm>> -> memref<1x80x128xi32, #tpu.memory_space<hbm>>
      %dma_start3A_98 = tpu.memref_squeeze %dma_start3A_97 : memref<1x80x128xi32, #tpu.memory_space<hbm>> -> memref<80x128xi32, #tpu.memory_space<hbm>>
      %dma_start3A_99 = arith.constant 0 : i32
      %dma_start3A_100 = arith.constant 0 : i32
      %dma_start3A_101 = tpu.memref_slice %arg3[%add3A, %dma_start3A_99, %dma_start3A_100] : memref<32x80x128xi32, #tpu.memory_space<hbm>> -> memref<1x80x128xi32, #tpu.memory_space<hbm>>
      %dma_start3A_102 = tpu.memref_squeeze %dma_start3A_101 : memref<1x80x128xi32, #tpu.memory_space<hbm>> -> memref<80x128xi32, #tpu.memory_space<hbm>>
      tpu.enqueue_dma source(%dma_start3A_102 : memref<80x128xi32, #tpu.memory_space<hbm>>) target(%arg7 : memref<80x128xi32, #tpu.memory_space<vmem>>) target_semaphore(%run_scoped3A : memref<!tpu.dma_semaphore, #tpu.memory_space<semaphore_mem>>)
      %dma_wait3A_103 = arith.constant 0 : i32
      %dma_wait3A_104 = arith.constant 0 : i32
      %dma_wait3A_105 = tpu.memref_slice %arg3[%add3A, %dma_wait3A_103, %dma_wait3A_104] : memref<32x80x128xi32, #tpu.memory_space<hbm>> -> memref<1x80x128xi32, #tpu.memory_space<hbm>>
      %dma_wait3A_106 = tpu.memref_squeeze %dma_wait3A_105 : memref<1x80x128xi32, #tpu.memory_space<hbm>> -> memref<80x128xi32, #tpu.memory_space<hbm>>
      %dma_wait3A_107 = arith.constant 0 : i32
      %dma_wait3A_108 = arith.constant 0 : i32
      %dma_wait3A_109 = tpu.memref_slice %arg3[%add3A, %dma_wait3A_107, %dma_wait3A_108] : memref<32x80x128xi32, #tpu.memory_space<hbm>> -> memref<1x80x128xi32, #tpu.memory_space<hbm>>
      %dma_wait3A_110 = tpu.memref_squeeze %dma_wait3A_109 : memref<1x80x128xi32, #tpu.memory_space<hbm>> -> memref<80x128xi32, #tpu.memory_space<hbm>>
      tpu.wait_dma2 semaphore(%run_scoped3A : memref<!tpu.dma_semaphore, #tpu.memory_space<semaphore_mem>>) src(%dma_wait3A_110 : memref<80x128xi32, #tpu.memory_space<hbm>>) dst(%arg7 : memref<80x128xi32, #tpu.memory_space<vmem>>)
      tpu.yield
    }) : () -> ()
    "tpu.region"() ({
      %run_scoped3A = tpu.sem_alloc : memref<!tpu.dma_semaphore, #tpu.memory_space<semaphore_mem>>
      %dma_start3A_95 = arith.constant 0 : i32
      %dma_start3A_96 = arith.constant 0 : i32
      %dma_start3A_97 = tpu.memref_slice %arg4[%add3A, %dma_start3A_95, %dma_start3A_96] : memref<32x80x128xi32, #tpu.memory_space<hbm>> -> memref<1x80x128xi32, #tpu.memory_space<hbm>>
      %dma_start3A_98 = tpu.memref_squeeze %dma_start3A_97 : memref<1x80x128xi32, #tpu.memory_space<hbm>> -> memref<80x128xi32, #tpu.memory_space<hbm>>
      %dma_start3A_99 = arith.constant 0 : i32
      %dma_start3A_100 = arith.constant 0 : i32
      %dma_start3A_101 = tpu.memref_slice %arg4[%add3A, %dma_start3A_99, %dma_start3A_100] : memref<32x80x128xi32, #tpu.memory_space<hbm>> -> memref<1x80x128xi32, #tpu.memory_space<hbm>>
      %dma_start3A_102 = tpu.memref_squeeze %dma_start3A_101 : memref<1x80x128xi32, #tpu.memory_space<hbm>> -> memref<80x128xi32, #tpu.memory_space<hbm>>
      tpu.enqueue_dma source(%dma_start3A_102 : memref<80x128xi32, #tpu.memory_space<hbm>>) target(%arg8 : memref<80x128xi32, #tpu.memory_space<vmem>>) target_semaphore(%run_scoped3A : memref<!tpu.dma_semaphore, #tpu.memory_space<semaphore_mem>>)
      %dma_wait3A_103 = arith.constant 0 : i32
      %dma_wait3A_104 = arith.constant 0 : i32
      %dma_wait3A_105 = tpu.memref_slice %arg4[%add3A, %dma_wait3A_103, %dma_wait3A_104] : memref<32x80x128xi32, #tpu.memory_space<hbm>> -> memref<1x80x128xi32, #tpu.memory_space<hbm>>
      %dma_wait3A_106 = tpu.memref_squeeze %dma_wait3A_105 : memref<1x80x128xi32, #tpu.memory_space<hbm>> -> memref<80x128xi32, #tpu.memory_space<hbm>>
      %dma_wait3A_107 = arith.constant 0 : i32
      %dma_wait3A_108 = arith.constant 0 : i32
      %dma_wait3A_109 = tpu.memref_slice %arg4[%add3A, %dma_wait3A_107, %dma_wait3A_108] : memref<32x80x128xi32, #tpu.memory_space<hbm>> -> memref<1x80x128xi32, #tpu.memory_space<hbm>>
      %dma_wait3A_110 = tpu.memref_squeeze %dma_wait3A_109 : memref<1x80x128xi32, #tpu.memory_space<hbm>> -> memref<80x128xi32, #tpu.memory_space<hbm>>
      tpu.wait_dma2 semaphore(%run_scoped3A : memref<!tpu.dma_semaphore, #tpu.memory_space<semaphore_mem>>) src(%dma_wait3A_110 : memref<80x128xi32, #tpu.memory_space<hbm>>) dst(%arg8 : memref<80x128xi32, #tpu.memory_space<vmem>>)
      tpu.yield
    }) : () -> ()
    %dma_start3A = arith.constant 0 : i32
    %dma_start3A_3 = arith.constant 0 : i32
    %dma_start3A_4 = tpu.memref_slice %arg7[%dma_start3A, %dma_start3A_3] : memref<80x128xi32, #tpu.memory_space<vmem>> -> memref<1x128xi32, #tpu.memory_space<vmem>>
    %dma_start3A_5 = tpu.memref_squeeze %dma_start3A_4 : memref<1x128xi32, #tpu.memory_space<vmem>> -> memref<128xi32, #tpu.memory_space<vmem>>
    %dma_start3A_6 = arith.constant 0 : i32
    %dma_start3A_7 = arith.constant 0 : i32
    %dma_start3A_8 = tpu.memref_slice %arg2[%dma_start3A_6, %dma_start3A_7] : memref<10000x32xf32, #tpu.memory_space<hbm>> -> memref<10000x32xf32, #tpu.memory_space<hbm>>
    tpu.enqueue_indirect_dma source(%dma_start3A_8 : memref<10000x32xf32, #tpu.memory_space<hbm>>) target(%arg9 : memref<128x32xf32, #tpu.memory_space<vmem>>) offsets(%dma_start3A_5 : memref<128xi32, #tpu.memory_space<vmem>>) semaphore(%arg18 : memref<!tpu.dma_semaphore, #tpu.memory_space<semaphore_mem>>)
    %dma_start3A_9 = arith.constant 1 : i32
    %dma_start3A_10 = arith.constant 0 : i32
    %dma_start3A_11 = tpu.memref_slice %arg7[%dma_start3A_9, %dma_start3A_10] : memref<80x128xi32, #tpu.memory_space<vmem>> -> memref<1x128xi32, #tpu.memory_space<vmem>>
    %dma_start3A_12 = tpu.memref_squeeze %dma_start3A_11 : memref<1x128xi32, #tpu.memory_space<vmem>> -> memref<128xi32, #tpu.memory_space<vmem>>
    %dma_start3A_13 = arith.constant 0 : i32
    %dma_start3A_14 = arith.constant 0 : i32
    %dma_start3A_15 = tpu.memref_slice %arg2[%dma_start3A_13, %dma_start3A_14] : memref<10000x32xf32, #tpu.memory_space<hbm>> -> memref<10000x32xf32, #tpu.memory_space<hbm>>
    tpu.enqueue_indirect_dma source(%dma_start3A_15 : memref<10000x32xf32, #tpu.memory_space<hbm>>) target(%arg10 : memref<128x32xf32, #tpu.memory_space<vmem>>) offsets(%dma_start3A_12 : memref<128xi32, #tpu.memory_space<vmem>>) semaphore(%arg19 : memref<!tpu.dma_semaphore, #tpu.memory_space<semaphore_mem>>)
    %dma_start3A_16 = arith.constant 2 : i32
    %dma_start3A_17 = arith.constant 0 : i32
    %dma_start3A_18 = tpu.memref_slice %arg7[%dma_start3A_16, %dma_start3A_17] : memref<80x128xi32, #tpu.memory_space<vmem>> -> memref<1x128xi32, #tpu.memory_space<vmem>>
    %dma_start3A_19 = tpu.memref_squeeze %dma_start3A_18 : memref<1x128xi32, #tpu.memory_space<vmem>> -> memref<128xi32, #tpu.memory_space<vmem>>
    %dma_start3A_20 = arith.constant 0 : i32
    %dma_start3A_21 = arith.constant 0 : i32
    %dma_start3A_22 = tpu.memref_slice %arg2[%dma_start3A_20, %dma_start3A_21] : memref<10000x32xf32, #tpu.memory_space<hbm>> -> memref<10000x32xf32, #tpu.memory_space<hbm>>
    tpu.enqueue_indirect_dma source(%dma_start3A_22 : memref<10000x32xf32, #tpu.memory_space<hbm>>) target(%arg11 : memref<128x32xf32, #tpu.memory_space<vmem>>) offsets(%dma_start3A_19 : memref<128xi32, #tpu.memory_space<vmem>>) semaphore(%arg20 : memref<!tpu.dma_semaphore, #tpu.memory_space<semaphore_mem>>)
    %dma_start3A_23 = arith.constant 3 : i32
    %dma_start3A_24 = arith.constant 0 : i32
    %dma_start3A_25 = tpu.memref_slice %arg7[%dma_start3A_23, %dma_start3A_24] : memref<80x128xi32, #tpu.memory_space<vmem>> -> memref<1x128xi32, #tpu.memory_space<vmem>>
    %dma_start3A_26 = tpu.memref_squeeze %dma_start3A_25 : memref<1x128xi32, #tpu.memory_space<vmem>> -> memref<128xi32, #tpu.memory_space<vmem>>
    %dma_start3A_27 = arith.constant 0 : i32
    %dma_start3A_28 = arith.constant 0 : i32
    %dma_start3A_29 = tpu.memref_slice %arg2[%dma_start3A_27, %dma_start3A_28] : memref<10000x32xf32, #tpu.memory_space<hbm>> -> memref<10000x32xf32, #tpu.memory_space<hbm>>
    tpu.enqueue_indirect_dma source(%dma_start3A_29 : memref<10000x32xf32, #tpu.memory_space<hbm>>) target(%arg12 : memref<128x32xf32, #tpu.memory_space<vmem>>) offsets(%dma_start3A_26 : memref<128xi32, #tpu.memory_space<vmem>>) semaphore(%arg21 : memref<!tpu.dma_semaphore, #tpu.memory_space<semaphore_mem>>)
    %barrier3A = arith.constant 0 : index
    tpu.barrier barrier_id(%barrier3A)
    %scan3A = arith.constant 0 : i32
    %scan3A_30 = arith.constant 0 : i32
    %scan3A_31 = arith.constant 10 : i32
    %scan3A_32 = arith.addi %scan3A_30, %scan3A_31 : i32
    %scan3A_33 = arith.constant 1 : i32
    scf.for %scan3A_95 = %scan3A_30 to %scan3A_32 step %scan3A_33  : i32 {
      %mul3A_96 = arith.constant 8 : i32
      %mul3A_97 = arith.muli %scan3A_95, %mul3A_96 : i32
      %add3A_98 = arith.constant 0 : i32
      %add3A_99 = arith.addi %mul3A_97, %add3A_98 : i32
      %add3A_100 = arith.constant 4 : i32
      %add3A_101 = arith.addi %add3A_99, %add3A_100 : i32
      %lt3A = arith.constant 80 : i32
      %lt3A_102 = arith.cmpi slt, %add3A_101, %lt3A : i32
      %convert_element_type3A = arith.extui %lt3A_102 : i1 to i32
      %cond3A = arith.constant 0 : i32
      %cond3A_103 = arith.cmpi ne, %convert_element_type3A, %cond3A : i32
      scf.if %cond3A_103 {
        %add3A_277 = arith.constant 4 : i32
        %add3A_278 = arith.addi %add3A_99, %add3A_277 : i32
        %ge3A = arith.constant 8 : i32
        %ge3A_279 = arith.cmpi sge, %add3A_278, %ge3A : i32
        %convert_element_type3A_280 = arith.extui %ge3A_279 : i1 to i32
        %cond3A_281 = arith.constant 0 : i32
        %cond3A_282 = arith.cmpi ne, %convert_element_type3A_280, %cond3A_281 : i32
        scf.if %cond3A_282 {
          %dma_wait3A_291 = arith.constant 0 : i32
          %dma_wait3A_292 = arith.constant 0 : i32
          %dma_wait3A_293 = tpu.memref_slice %arg8[%dma_wait3A_291, %dma_wait3A_292] : memref<80x128xi32, #tpu.memory_space<vmem>> -> memref<1x128xi32, #tpu.memory_space<vmem>>
          %dma_wait3A_294 = tpu.memref_squeeze %dma_wait3A_293 : memref<1x128xi32, #tpu.memory_space<vmem>> -> memref<128xi32, #tpu.memory_space<vmem>>
          %dma_wait3A_295 = arith.constant 0 : i32
          %dma_wait3A_296 = arith.constant 0 : i32
          %dma_wait3A_297 = tpu.memref_slice %arg17[%dma_wait3A_295, %dma_wait3A_296] : memref<10112x32xf32, #tpu.memory_space<vmem_shared>> -> memref<10112x32xf32, #tpu.memory_space<vmem_shared>>
          tpu.wait_indirect_dma semaphore(%arg30 : memref<!tpu.dma_semaphore, #tpu.memory_space<semaphore_mem>>) src(%arg13 : memref<128x32xf32, #tpu.memory_space<vmem>>) dst(%dma_wait3A_297 : memref<10112x32xf32, #tpu.memory_space<vmem_shared>>)
        } else {
        }
        %add3A_283 = arith.constant 4 : i32
        %add3A_284 = arith.addi %add3A_99, %add3A_283 : i32
        %dma_start3A_285 = arith.constant 0 : i32
        %dma_start3A_286 = tpu.memref_slice %arg7[%add3A_284, %dma_start3A_285] : memref<80x128xi32, #tpu.memory_space<vmem>> -> memref<1x128xi32, #tpu.memory_space<vmem>>
        %dma_start3A_287 = tpu.memref_squeeze %dma_start3A_286 : memref<1x128xi32, #tpu.memory_space<vmem>> -> memref<128xi32, #tpu.memory_space<vmem>>
        %dma_start3A_288 = arith.constant 0 : i32
        %dma_start3A_289 = arith.constant 0 : i32
        %dma_start3A_290 = tpu.memref_slice %arg2[%dma_start3A_288, %dma_start3A_289] : memref<10000x32xf32, #tpu.memory_space<hbm>> -> memref<10000x32xf32, #tpu.memory_space<hbm>>
        tpu.enqueue_indirect_dma source(%dma_start3A_290 : memref<10000x32xf32, #tpu.memory_space<hbm>>) target(%arg13 : memref<128x32xf32, #tpu.memory_space<vmem>>) offsets(%dma_start3A_287 : memref<128xi32, #tpu.memory_space<vmem>>) semaphore(%arg22 : memref<!tpu.dma_semaphore, #tpu.memory_space<semaphore_mem>>)
      } else {
      }
      %dma_wait3A_104 = arith.constant 0 : i32
      %dma_wait3A_105 = tpu.memref_slice %arg7[%add3A_99, %dma_wait3A_104] : memref<80x128xi32, #tpu.memory_space<vmem>> -> memref<1x128xi32, #tpu.memory_space<vmem>>
      %dma_wait3A_106 = tpu.memref_squeeze %dma_wait3A_105 : memref<1x128xi32, #tpu.memory_space<vmem>> -> memref<128xi32, #tpu.memory_space<vmem>>
      %dma_wait3A_107 = arith.constant 0 : i32
      %dma_wait3A_108 = arith.constant 0 : i32
      %dma_wait3A_109 = tpu.memref_slice %arg2[%dma_wait3A_107, %dma_wait3A_108] : memref<10000x32xf32, #tpu.memory_space<hbm>> -> memref<10000x32xf32, #tpu.memory_space<hbm>>
      tpu.wait_indirect_dma semaphore(%arg18 : memref<!tpu.dma_semaphore, #tpu.memory_space<semaphore_mem>>) src(%dma_wait3A_109 : memref<10000x32xf32, #tpu.memory_space<hbm>>) dst(%arg9 : memref<128x32xf32, #tpu.memory_space<vmem>>)
      %dma_start3A_110 = arith.constant 0 : i32
      %dma_start3A_111 = tpu.memref_slice %arg8[%add3A_99, %dma_start3A_110] : memref<80x128xi32, #tpu.memory_space<vmem>> -> memref<1x128xi32, #tpu.memory_space<vmem>>
      %dma_start3A_112 = tpu.memref_squeeze %dma_start3A_111 : memref<1x128xi32, #tpu.memory_space<vmem>> -> memref<128xi32, #tpu.memory_space<vmem>>
      %dma_start3A_113 = arith.constant 0 : i32
      %dma_start3A_114 = arith.constant 0 : i32
      %dma_start3A_115 = tpu.memref_slice %arg17[%dma_start3A_113, %dma_start3A_114] : memref<10112x32xf32, #tpu.memory_space<vmem_shared>> -> memref<10112x32xf32, #tpu.memory_space<vmem_shared>>
      tpu.enqueue_indirect_dma source(%arg9 : memref<128x32xf32, #tpu.memory_space<vmem>>) target(%dma_start3A_115 : memref<10112x32xf32, #tpu.memory_space<vmem_shared>>) offsets(%dma_start3A_112 : memref<128xi32, #tpu.memory_space<vmem>>) semaphore(%arg26 : memref<!tpu.dma_semaphore, #tpu.memory_space<semaphore_mem>>) {add = true}
      %mul3A_116 = arith.constant 8 : i32
      %mul3A_117 = arith.muli %scan3A_95, %mul3A_116 : i32
      %add3A_118 = arith.constant 1 : i32
      %add3A_119 = arith.addi %mul3A_117, %add3A_118 : i32
      %add3A_120 = arith.constant 4 : i32
      %add3A_121 = arith.addi %add3A_119, %add3A_120 : i32
      %lt3A_122 = arith.constant 80 : i32
      %lt3A_123 = arith.cmpi slt, %add3A_121, %lt3A_122 : i32
      %convert_element_type3A_124 = arith.extui %lt3A_123 : i1 to i32
      %cond3A_125 = arith.constant 0 : i32
      %cond3A_126 = arith.cmpi ne, %convert_element_type3A_124, %cond3A_125 : i32
      scf.if %cond3A_126 {
        %add3A_277 = arith.constant 4 : i32
        %add3A_278 = arith.addi %add3A_119, %add3A_277 : i32
        %ge3A = arith.constant 8 : i32
        %ge3A_279 = arith.cmpi sge, %add3A_278, %ge3A : i32
        %convert_element_type3A_280 = arith.extui %ge3A_279 : i1 to i32
        %cond3A_281 = arith.constant 0 : i32
        %cond3A_282 = arith.cmpi ne, %convert_element_type3A_280, %cond3A_281 : i32
        scf.if %cond3A_282 {
          %dma_wait3A_291 = arith.constant 0 : i32
          %dma_wait3A_292 = arith.constant 0 : i32
          %dma_wait3A_293 = tpu.memref_slice %arg8[%dma_wait3A_291, %dma_wait3A_292] : memref<80x128xi32, #tpu.memory_space<vmem>> -> memref<1x128xi32, #tpu.memory_space<vmem>>
          %dma_wait3A_294 = tpu.memref_squeeze %dma_wait3A_293 : memref<1x128xi32, #tpu.memory_space<vmem>> -> memref<128xi32, #tpu.memory_space<vmem>>
          %dma_wait3A_295 = arith.constant 0 : i32
          %dma_wait3A_296 = arith.constant 0 : i32
          %dma_wait3A_297 = tpu.memref_slice %arg17[%dma_wait3A_295, %dma_wait3A_296] : memref<10112x32xf32, #tpu.memory_space<vmem_shared>> -> memref<10112x32xf32, #tpu.memory_space<vmem_shared>>
          tpu.wait_indirect_dma semaphore(%arg31 : memref<!tpu.dma_semaphore, #tpu.memory_space<semaphore_mem>>) src(%arg14 : memref<128x32xf32, #tpu.memory_space<vmem>>) dst(%dma_wait3A_297 : memref<10112x32xf32, #tpu.memory_space<vmem_shared>>)
        } else {
        }
        %add3A_283 = arith.constant 4 : i32
        %add3A_284 = arith.addi %add3A_119, %add3A_283 : i32
        %dma_start3A_285 = arith.constant 0 : i32
        %dma_start3A_286 = tpu.memref_slice %arg7[%add3A_284, %dma_start3A_285] : memref<80x128xi32, #tpu.memory_space<vmem>> -> memref<1x128xi32, #tpu.memory_space<vmem>>
        %dma_start3A_287 = tpu.memref_squeeze %dma_start3A_286 : memref<1x128xi32, #tpu.memory_space<vmem>> -> memref<128xi32, #tpu.memory_space<vmem>>
        %dma_start3A_288 = arith.constant 0 : i32
        %dma_start3A_289 = arith.constant 0 : i32
        %dma_start3A_290 = tpu.memref_slice %arg2[%dma_start3A_288, %dma_start3A_289] : memref<10000x32xf32, #tpu.memory_space<hbm>> -> memref<10000x32xf32, #tpu.memory_space<hbm>>
        tpu.enqueue_indirect_dma source(%dma_start3A_290 : memref<10000x32xf32, #tpu.memory_space<hbm>>) target(%arg14 : memref<128x32xf32, #tpu.memory_space<vmem>>) offsets(%dma_start3A_287 : memref<128xi32, #tpu.memory_space<vmem>>) semaphore(%arg23 : memref<!tpu.dma_semaphore, #tpu.memory_space<semaphore_mem>>)
      } else {
      }
      %dma_wait3A_127 = arith.constant 0 : i32
      %dma_wait3A_128 = tpu.memref_slice %arg7[%add3A_119, %dma_wait3A_127] : memref<80x128xi32, #tpu.memory_space<vmem>> -> memref<1x128xi32, #tpu.memory_space<vmem>>
      %dma_wait3A_129 = tpu.memref_squeeze %dma_wait3A_128 : memref<1x128xi32, #tpu.memory_space<vmem>> -> memref<128xi32, #tpu.memory_space<vmem>>
      %dma_wait3A_130 = arith.constant 0 : i32
      %dma_wait3A_131 = arith.constant 0 : i32
      %dma_wait3A_132 = tpu.memref_slice %arg2[%dma_wait3A_130, %dma_wait3A_131] : memref<10000x32xf32, #tpu.memory_space<hbm>> -> memref<10000x32xf32, #tpu.memory_space<hbm>>
      tpu.wait_indirect_dma semaphore(%arg19 : memref<!tpu.dma_semaphore, #tpu.memory_space<semaphore_mem>>) src(%dma_wait3A_132 : memref<10000x32xf32, #tpu.memory_space<hbm>>) dst(%arg10 : memref<128x32xf32, #tpu.memory_space<vmem>>)
      %dma_start3A_133 = arith.constant 0 : i32
      %dma_start3A_134 = tpu.memref_slice %arg8[%add3A_119, %dma_start3A_133] : memref<80x128xi32, #tpu.memory_space<vmem>> -> memref<1x128xi32, #tpu.memory_space<vmem>>
      %dma_start3A_135 = tpu.memref_squeeze %dma_start3A_134 : memref<1x128xi32, #tpu.memory_space<vmem>> -> memref<128xi32, #tpu.memory_space<vmem>>
      %dma_start3A_136 = arith.constant 0 : i32
      %dma_start3A_137 = arith.constant 0 : i32
      %dma_start3A_138 = tpu.memref_slice %arg17[%dma_start3A_136, %dma_start3A_137] : memref<10112x32xf32, #tpu.memory_space<vmem_shared>> -> memref<10112x32xf32, #tpu.memory_space<vmem_shared>>
      tpu.enqueue_indirect_dma source(%arg10 : memref<128x32xf32, #tpu.memory_space<vmem>>) target(%dma_start3A_138 : memref<10112x32xf32, #tpu.memory_space<vmem_shared>>) offsets(%dma_start3A_135 : memref<128xi32, #tpu.memory_space<vmem>>) semaphore(%arg27 : memref<!tpu.dma_semaphore, #tpu.memory_space<semaphore_mem>>) {add = true}
      %mul3A_139 = arith.constant 8 : i32
      %mul3A_140 = arith.muli %scan3A_95, %mul3A_139 : i32
      %add3A_141 = arith.constant 2 : i32
      %add3A_142 = arith.addi %mul3A_140, %add3A_141 : i32
      %add3A_143 = arith.constant 4 : i32
      %add3A_144 = arith.addi %add3A_142, %add3A_143 : i32
      %lt3A_145 = arith.constant 80 : i32
      %lt3A_146 = arith.cmpi slt, %add3A_144, %lt3A_145 : i32
      %convert_element_type3A_147 = arith.extui %lt3A_146 : i1 to i32
      %cond3A_148 = arith.constant 0 : i32
      %cond3A_149 = arith.cmpi ne, %convert_element_type3A_147, %cond3A_148 : i32
      scf.if %cond3A_149 {
        %add3A_277 = arith.constant 4 : i32
        %add3A_278 = arith.addi %add3A_142, %add3A_277 : i32
        %ge3A = arith.constant 8 : i32
        %ge3A_279 = arith.cmpi sge, %add3A_278, %ge3A : i32
        %convert_element_type3A_280 = arith.extui %ge3A_279 : i1 to i32
        %cond3A_281 = arith.constant 0 : i32
        %cond3A_282 = arith.cmpi ne, %convert_element_type3A_280, %cond3A_281 : i32
        scf.if %cond3A_282 {
          %dma_wait3A_291 = arith.constant 0 : i32
          %dma_wait3A_292 = arith.constant 0 : i32
          %dma_wait3A_293 = tpu.memref_slice %arg8[%dma_wait3A_291, %dma_wait3A_292] : memref<80x128xi32, #tpu.memory_space<vmem>> -> memref<1x128xi32, #tpu.memory_space<vmem>>
          %dma_wait3A_294 = tpu.memref_squeeze %dma_wait3A_293 : memref<1x128xi32, #tpu.memory_space<vmem>> -> memref<128xi32, #tpu.memory_space<vmem>>
          %dma_wait3A_295 = arith.constant 0 : i32
          %dma_wait3A_296 = arith.constant 0 : i32
          %dma_wait3A_297 = tpu.memref_slice %arg17[%dma_wait3A_295, %dma_wait3A_296] : memref<10112x32xf32, #tpu.memory_space<vmem_shared>> -> memref<10112x32xf32, #tpu.memory_space<vmem_shared>>
          tpu.wait_indirect_dma semaphore(%arg32 : memref<!tpu.dma_semaphore, #tpu.memory_space<semaphore_mem>>) src(%arg15 : memref<128x32xf32, #tpu.memory_space<vmem>>) dst(%dma_wait3A_297 : memref<10112x32xf32, #tpu.memory_space<vmem_shared>>)
        } else {
        }
        %add3A_283 = arith.constant 4 : i32
        %add3A_284 = arith.addi %add3A_142, %add3A_283 : i32
        %dma_start3A_285 = arith.constant 0 : i32
        %dma_start3A_286 = tpu.memref_slice %arg7[%add3A_284, %dma_start3A_285] : memref<80x128xi32, #tpu.memory_space<vmem>> -> memref<1x128xi32, #tpu.memory_space<vmem>>
        %dma_start3A_287 = tpu.memref_squeeze %dma_start3A_286 : memref<1x128xi32, #tpu.memory_space<vmem>> -> memref<128xi32, #tpu.memory_space<vmem>>
        %dma_start3A_288 = arith.constant 0 : i32
        %dma_start3A_289 = arith.constant 0 : i32
        %dma_start3A_290 = tpu.memref_slice %arg2[%dma_start3A_288, %dma_start3A_289] : memref<10000x32xf32, #tpu.memory_space<hbm>> -> memref<10000x32xf32, #tpu.memory_space<hbm>>
        tpu.enqueue_indirect_dma source(%dma_start3A_290 : memref<10000x32xf32, #tpu.memory_space<hbm>>) target(%arg15 : memref<128x32xf32, #tpu.memory_space<vmem>>) offsets(%dma_start3A_287 : memref<128xi32, #tpu.memory_space<vmem>>) semaphore(%arg24 : memref<!tpu.dma_semaphore, #tpu.memory_space<semaphore_mem>>)
      } else {
      }
      %dma_wait3A_150 = arith.constant 0 : i32
      %dma_wait3A_151 = tpu.memref_slice %arg7[%add3A_142, %dma_wait3A_150] : memref<80x128xi32, #tpu.memory_space<vmem>> -> memref<1x128xi32, #tpu.memory_space<vmem>>
      %dma_wait3A_152 = tpu.memref_squeeze %dma_wait3A_151 : memref<1x128xi32, #tpu.memory_space<vmem>> -> memref<128xi32, #tpu.memory_space<vmem>>
      %dma_wait3A_153 = arith.constant 0 : i32
      %dma_wait3A_154 = arith.constant 0 : i32
      %dma_wait3A_155 = tpu.memref_slice %arg2[%dma_wait3A_153, %dma_wait3A_154] : memref<10000x32xf32, #tpu.memory_space<hbm>> -> memref<10000x32xf32, #tpu.memory_space<hbm>>
      tpu.wait_indirect_dma semaphore(%arg20 : memref<!tpu.dma_semaphore, #tpu.memory_space<semaphore_mem>>) src(%dma_wait3A_155 : memref<10000x32xf32, #tpu.memory_space<hbm>>) dst(%arg11 : memref<128x32xf32, #tpu.memory_space<vmem>>)
      %dma_start3A_156 = arith.constant 0 : i32
      %dma_start3A_157 = tpu.memref_slice %arg8[%add3A_142, %dma_start3A_156] : memref<80x128xi32, #tpu.memory_space<vmem>> -> memref<1x128xi32, #tpu.memory_space<vmem>>
      %dma_start3A_158 = tpu.memref_squeeze %dma_start3A_157 : memref<1x128xi32, #tpu.memory_space<vmem>> -> memref<128xi32, #tpu.memory_space<vmem>>
      %dma_start3A_159 = arith.constant 0 : i32
      %dma_start3A_160 = arith.constant 0 : i32
      %dma_start3A_161 = tpu.memref_slice %arg17[%dma_start3A_159, %dma_start3A_160] : memref<10112x32xf32, #tpu.memory_space<vmem_shared>> -> memref<10112x32xf32, #tpu.memory_space<vmem_shared>>
      tpu.enqueue_indirect_dma source(%arg11 : memref<128x32xf32, #tpu.memory_space<vmem>>) target(%dma_start3A_161 : memref<10112x32xf32, #tpu.memory_space<vmem_shared>>) offsets(%dma_start3A_158 : memref<128xi32, #tpu.memory_space<vmem>>) semaphore(%arg28 : memref<!tpu.dma_semaphore, #tpu.memory_space<semaphore_mem>>) {add = true}
      %mul3A_162 = arith.constant 8 : i32
      %mul3A_163 = arith.muli %scan3A_95, %mul3A_162 : i32
      %add3A_164 = arith.constant 3 : i32
      %add3A_165 = arith.addi %mul3A_163, %add3A_164 : i32
      %add3A_166 = arith.constant 4 : i32
      %add3A_167 = arith.addi %add3A_165, %add3A_166 : i32
      %lt3A_168 = arith.constant 80 : i32
      %lt3A_169 = arith.cmpi slt, %add3A_167, %lt3A_168 : i32
      %convert_element_type3A_170 = arith.extui %lt3A_169 : i1 to i32
      %cond3A_171 = arith.constant 0 : i32
      %cond3A_172 = arith.cmpi ne, %convert_element_type3A_170, %cond3A_171 : i32
      scf.if %cond3A_172 {
        %add3A_277 = arith.constant 4 : i32
        %add3A_278 = arith.addi %add3A_165, %add3A_277 : i32
        %ge3A = arith.constant 8 : i32
        %ge3A_279 = arith.cmpi sge, %add3A_278, %ge3A : i32
        %convert_element_type3A_280 = arith.extui %ge3A_279 : i1 to i32
        %cond3A_281 = arith.constant 0 : i32
        %cond3A_282 = arith.cmpi ne, %convert_element_type3A_280, %cond3A_281 : i32
        scf.if %cond3A_282 {
          %dma_wait3A_291 = arith.constant 0 : i32
          %dma_wait3A_292 = arith.constant 0 : i32
          %dma_wait3A_293 = tpu.memref_slice %arg8[%dma_wait3A_291, %dma_wait3A_292] : memref<80x128xi32, #tpu.memory_space<vmem>> -> memref<1x128xi32, #tpu.memory_space<vmem>>
          %dma_wait3A_294 = tpu.memref_squeeze %dma_wait3A_293 : memref<1x128xi32, #tpu.memory_space<vmem>> -> memref<128xi32, #tpu.memory_space<vmem>>
          %dma_wait3A_295 = arith.constant 0 : i32
          %dma_wait3A_296 = arith.constant 0 : i32
          %dma_wait3A_297 = tpu.memref_slice %arg17[%dma_wait3A_295, %dma_wait3A_296] : memref<10112x32xf32, #tpu.memory_space<vmem_shared>> -> memref<10112x32xf32, #tpu.memory_space<vmem_shared>>
          tpu.wait_indirect_dma semaphore(%arg33 : memref<!tpu.dma_semaphore, #tpu.memory_space<semaphore_mem>>) src(%arg16 : memref<128x32xf32, #tpu.memory_space<vmem>>) dst(%dma_wait3A_297 : memref<10112x32xf32, #tpu.memory_space<vmem_shared>>)
        } else {
        }
        %add3A_283 = arith.constant 4 : i32
        %add3A_284 = arith.addi %add3A_165, %add3A_283 : i32
        %dma_start3A_285 = arith.constant 0 : i32
        %dma_start3A_286 = tpu.memref_slice %arg7[%add3A_284, %dma_start3A_285] : memref<80x128xi32, #tpu.memory_space<vmem>> -> memref<1x128xi32, #tpu.memory_space<vmem>>
        %dma_start3A_287 = tpu.memref_squeeze %dma_start3A_286 : memref<1x128xi32, #tpu.memory_space<vmem>> -> memref<128xi32, #tpu.memory_space<vmem>>
        %dma_start3A_288 = arith.constant 0 : i32
        %dma_start3A_289 = arith.constant 0 : i32
        %dma_start3A_290 = tpu.memref_slice %arg2[%dma_start3A_288, %dma_start3A_289] : memref<10000x32xf32, #tpu.memory_space<hbm>> -> memref<10000x32xf32, #tpu.memory_space<hbm>>
        tpu.enqueue_indirect_dma source(%dma_start3A_290 : memref<10000x32xf32, #tpu.memory_space<hbm>>) target(%arg16 : memref<128x32xf32, #tpu.memory_space<vmem>>) offsets(%dma_start3A_287 : memref<128xi32, #tpu.memory_space<vmem>>) semaphore(%arg25 : memref<!tpu.dma_semaphore, #tpu.memory_space<semaphore_mem>>)
      } else {
      }
      %dma_wait3A_173 = arith.constant 0 : i32
      %dma_wait3A_174 = tpu.memref_slice %arg7[%add3A_165, %dma_wait3A_173] : memref<80x128xi32, #tpu.memory_space<vmem>> -> memref<1x128xi32, #tpu.memory_space<vmem>>
      %dma_wait3A_175 = tpu.memref_squeeze %dma_wait3A_174 : memref<1x128xi32, #tpu.memory_space<vmem>> -> memref<128xi32, #tpu.memory_space<vmem>>
      %dma_wait3A_176 = arith.constant 0 : i32
      %dma_wait3A_177 = arith.constant 0 : i32
      %dma_wait3A_178 = tpu.memref_slice %arg2[%dma_wait3A_176, %dma_wait3A_177] : memref<10000x32xf32, #tpu.memory_space<hbm>> -> memref<10000x32xf32, #tpu.memory_space<hbm>>
      tpu.wait_indirect_dma semaphore(%arg21 : memref<!tpu.dma_semaphore, #tpu.memory_space<semaphore_mem>>) src(%dma_wait3A_178 : memref<10000x32xf32, #tpu.memory_space<hbm>>) dst(%arg12 : memref<128x32xf32, #tpu.memory_space<vmem>>)
      %dma_start3A_179 = arith.constant 0 : i32
      %dma_start3A_180 = tpu.memref_slice %arg8[%add3A_165, %dma_start3A_179] : memref<80x128xi32, #tpu.memory_space<vmem>> -> memref<1x128xi32, #tpu.memory_space<vmem>>
      %dma_start3A_181 = tpu.memref_squeeze %dma_start3A_180 : memref<1x128xi32, #tpu.memory_space<vmem>> -> memref<128xi32, #tpu.memory_space<vmem>>
      %dma_start3A_182 = arith.constant 0 : i32
      %dma_start3A_183 = arith.constant 0 : i32
      %dma_start3A_184 = tpu.memref_slice %arg17[%dma_start3A_182, %dma_start3A_183] : memref<10112x32xf32, #tpu.memory_space<vmem_shared>> -> memref<10112x32xf32, #tpu.memory_space<vmem_shared>>
      tpu.enqueue_indirect_dma source(%arg12 : memref<128x32xf32, #tpu.memory_space<vmem>>) target(%dma_start3A_184 : memref<10112x32xf32, #tpu.memory_space<vmem_shared>>) offsets(%dma_start3A_181 : memref<128xi32, #tpu.memory_space<vmem>>) semaphore(%arg29 : memref<!tpu.dma_semaphore, #tpu.memory_space<semaphore_mem>>) {add = true}
      %mul3A_185 = arith.constant 8 : i32
      %mul3A_186 = arith.muli %scan3A_95, %mul3A_185 : i32
      %add3A_187 = arith.constant 4 : i32
      %add3A_188 = arith.addi %mul3A_186, %add3A_187 : i32
      %add3A_189 = arith.constant 4 : i32
      %add3A_190 = arith.addi %add3A_188, %add3A_189 : i32
      %lt3A_191 = arith.constant 80 : i32
      %lt3A_192 = arith.cmpi slt, %add3A_190, %lt3A_191 : i32
      %convert_element_type3A_193 = arith.extui %lt3A_192 : i1 to i32
      %cond3A_194 = arith.constant 0 : i32
      %cond3A_195 = arith.cmpi ne, %convert_element_type3A_193, %cond3A_194 : i32
      scf.if %cond3A_195 {
        %add3A_277 = arith.constant 4 : i32
        %add3A_278 = arith.addi %add3A_188, %add3A_277 : i32
        %ge3A = arith.constant 8 : i32
        %ge3A_279 = arith.cmpi sge, %add3A_278, %ge3A : i32
        %convert_element_type3A_280 = arith.extui %ge3A_279 : i1 to i32
        %cond3A_281 = arith.constant 0 : i32
        %cond3A_282 = arith.cmpi ne, %convert_element_type3A_280, %cond3A_281 : i32
        scf.if %cond3A_282 {
          %dma_wait3A_291 = arith.constant 0 : i32
          %dma_wait3A_292 = arith.constant 0 : i32
          %dma_wait3A_293 = tpu.memref_slice %arg8[%dma_wait3A_291, %dma_wait3A_292] : memref<80x128xi32, #tpu.memory_space<vmem>> -> memref<1x128xi32, #tpu.memory_space<vmem>>
          %dma_wait3A_294 = tpu.memref_squeeze %dma_wait3A_293 : memref<1x128xi32, #tpu.memory_space<vmem>> -> memref<128xi32, #tpu.memory_space<vmem>>
          %dma_wait3A_295 = arith.constant 0 : i32
          %dma_wait3A_296 = arith.constant 0 : i32
          %dma_wait3A_297 = tpu.memref_slice %arg17[%dma_wait3A_295, %dma_wait3A_296] : memref<10112x32xf32, #tpu.memory_space<vmem_shared>> -> memref<10112x32xf32, #tpu.memory_space<vmem_shared>>
          tpu.wait_indirect_dma semaphore(%arg26 : memref<!tpu.dma_semaphore, #tpu.memory_space<semaphore_mem>>) src(%arg9 : memref<128x32xf32, #tpu.memory_space<vmem>>) dst(%dma_wait3A_297 : memref<10112x32xf32, #tpu.memory_space<vmem_shared>>)
        } else {
        }
        %add3A_283 = arith.constant 4 : i32
        %add3A_284 = arith.addi %add3A_188, %add3A_283 : i32
        %dma_start3A_285 = arith.constant 0 : i32
        %dma_start3A_286 = tpu.memref_slice %arg7[%add3A_284, %dma_start3A_285] : memref<80x128xi32, #tpu.memory_space<vmem>> -> memref<1x128xi32, #tpu.memory_space<vmem>>
        %dma_start3A_287 = tpu.memref_squeeze %dma_start3A_286 : memref<1x128xi32, #tpu.memory_space<vmem>> -> memref<128xi32, #tpu.memory_space<vmem>>
        %dma_start3A_288 = arith.constant 0 : i32
        %dma_start3A_289 = arith.constant 0 : i32
        %dma_start3A_290 = tpu.memref_slice %arg2[%dma_start3A_288, %dma_start3A_289] : memref<10000x32xf32, #tpu.memory_space<hbm>> -> memref<10000x32xf32, #tpu.memory_space<hbm>>
        tpu.enqueue_indirect_dma source(%dma_start3A_290 : memref<10000x32xf32, #tpu.memory_space<hbm>>) target(%arg9 : memref<128x32xf32, #tpu.memory_space<vmem>>) offsets(%dma_start3A_287 : memref<128xi32, #tpu.memory_space<vmem>>) semaphore(%arg18 : memref<!tpu.dma_semaphore, #tpu.memory_space<semaphore_mem>>)
      } else {
      }
      %dma_wait3A_196 = arith.constant 0 : i32
      %dma_wait3A_197 = tpu.memref_slice %arg7[%add3A_188, %dma_wait3A_196] : memref<80x128xi32, #tpu.memory_space<vmem>> -> memref<1x128xi32, #tpu.memory_space<vmem>>
      %dma_wait3A_198 = tpu.memref_squeeze %dma_wait3A_197 : memref<1x128xi32, #tpu.memory_space<vmem>> -> memref<128xi32, #tpu.memory_space<vmem>>
      %dma_wait3A_199 = arith.constant 0 : i32
      %dma_wait3A_200 = arith.constant 0 : i32
      %dma_wait3A_201 = tpu.memref_slice %arg2[%dma_wait3A_199, %dma_wait3A_200] : memref<10000x32xf32, #tpu.memory_space<hbm>> -> memref<10000x32xf32, #tpu.memory_space<hbm>>
      tpu.wait_indirect_dma semaphore(%arg22 : memref<!tpu.dma_semaphore, #tpu.memory_space<semaphore_mem>>) src(%dma_wait3A_201 : memref<10000x32xf32, #tpu.memory_space<hbm>>) dst(%arg13 : memref<128x32xf32, #tpu.memory_space<vmem>>)
      %dma_start3A_202 = arith.constant 0 : i32
      %dma_start3A_203 = tpu.memref_slice %arg8[%add3A_188, %dma_start3A_202] : memref<80x128xi32, #tpu.memory_space<vmem>> -> memref<1x128xi32, #tpu.memory_space<vmem>>
      %dma_start3A_204 = tpu.memref_squeeze %dma_start3A_203 : memref<1x128xi32, #tpu.memory_space<vmem>> -> memref<128xi32, #tpu.memory_space<vmem>>
      %dma_start3A_205 = arith.constant 0 : i32
      %dma_start3A_206 = arith.constant 0 : i32
      %dma_start3A_207 = tpu.memref_slice %arg17[%dma_start3A_205, %dma_start3A_206] : memref<10112x32xf32, #tpu.memory_space<vmem_shared>> -> memref<10112x32xf32, #tpu.memory_space<vmem_shared>>
      tpu.enqueue_indirect_dma source(%arg13 : memref<128x32xf32, #tpu.memory_space<vmem>>) target(%dma_start3A_207 : memref<10112x32xf32, #tpu.memory_space<vmem_shared>>) offsets(%dma_start3A_204 : memref<128xi32, #tpu.memory_space<vmem>>) semaphore(%arg30 : memref<!tpu.dma_semaphore, #tpu.memory_space<semaphore_mem>>) {add = true}
      %mul3A_208 = arith.constant 8 : i32
      %mul3A_209 = arith.muli %scan3A_95, %mul3A_208 : i32
      %add3A_210 = arith.constant 5 : i32
      %add3A_211 = arith.addi %mul3A_209, %add3A_210 : i32
      %add3A_212 = arith.constant 4 : i32
      %add3A_213 = arith.addi %add3A_211, %add3A_212 : i32
      %lt3A_214 = arith.constant 80 : i32
      %lt3A_215 = arith.cmpi slt, %add3A_213, %lt3A_214 : i32
      %convert_element_type3A_216 = arith.extui %lt3A_215 : i1 to i32
      %cond3A_217 = arith.constant 0 : i32
      %cond3A_218 = arith.cmpi ne, %convert_element_type3A_216, %cond3A_217 : i32
      scf.if %cond3A_218 {
        %add3A_277 = arith.constant 4 : i32
        %add3A_278 = arith.addi %add3A_211, %add3A_277 : i32
        %ge3A = arith.constant 8 : i32
        %ge3A_279 = arith.cmpi sge, %add3A_278, %ge3A : i32
        %convert_element_type3A_280 = arith.extui %ge3A_279 : i1 to i32
        %cond3A_281 = arith.constant 0 : i32
        %cond3A_282 = arith.cmpi ne, %convert_element_type3A_280, %cond3A_281 : i32
        scf.if %cond3A_282 {
          %dma_wait3A_291 = arith.constant 0 : i32
          %dma_wait3A_292 = arith.constant 0 : i32
          %dma_wait3A_293 = tpu.memref_slice %arg8[%dma_wait3A_291, %dma_wait3A_292] : memref<80x128xi32, #tpu.memory_space<vmem>> -> memref<1x128xi32, #tpu.memory_space<vmem>>
          %dma_wait3A_294 = tpu.memref_squeeze %dma_wait3A_293 : memref<1x128xi32, #tpu.memory_space<vmem>> -> memref<128xi32, #tpu.memory_space<vmem>>
          %dma_wait3A_295 = arith.constant 0 : i32
          %dma_wait3A_296 = arith.constant 0 : i32
          %dma_wait3A_297 = tpu.memref_slice %arg17[%dma_wait3A_295, %dma_wait3A_296] : memref<10112x32xf32, #tpu.memory_space<vmem_shared>> -> memref<10112x32xf32, #tpu.memory_space<vmem_shared>>
          tpu.wait_indirect_dma semaphore(%arg27 : memref<!tpu.dma_semaphore, #tpu.memory_space<semaphore_mem>>) src(%arg10 : memref<128x32xf32, #tpu.memory_space<vmem>>) dst(%dma_wait3A_297 : memref<10112x32xf32, #tpu.memory_space<vmem_shared>>)
        } else {
        }
        %add3A_283 = arith.constant 4 : i32
        %add3A_284 = arith.addi %add3A_211, %add3A_283 : i32
        %dma_start3A_285 = arith.constant 0 : i32
        %dma_start3A_286 = tpu.memref_slice %arg7[%add3A_284, %dma_start3A_285] : memref<80x128xi32, #tpu.memory_space<vmem>> -> memref<1x128xi32, #tpu.memory_space<vmem>>
        %dma_start3A_287 = tpu.memref_squeeze %dma_start3A_286 : memref<1x128xi32, #tpu.memory_space<vmem>> -> memref<128xi32, #tpu.memory_space<vmem>>
        %dma_start3A_288 = arith.constant 0 : i32
        %dma_start3A_289 = arith.constant 0 : i32
        %dma_start3A_290 = tpu.memref_slice %arg2[%dma_start3A_288, %dma_start3A_289] : memref<10000x32xf32, #tpu.memory_space<hbm>> -> memref<10000x32xf32, #tpu.memory_space<hbm>>
        tpu.enqueue_indirect_dma source(%dma_start3A_290 : memref<10000x32xf32, #tpu.memory_space<hbm>>) target(%arg10 : memref<128x32xf32, #tpu.memory_space<vmem>>) offsets(%dma_start3A_287 : memref<128xi32, #tpu.memory_space<vmem>>) semaphore(%arg19 : memref<!tpu.dma_semaphore, #tpu.memory_space<semaphore_mem>>)
      } else {
      }
      %dma_wait3A_219 = arith.constant 0 : i32
      %dma_wait3A_220 = tpu.memref_slice %arg7[%add3A_211, %dma_wait3A_219] : memref<80x128xi32, #tpu.memory_space<vmem>> -> memref<1x128xi32, #tpu.memory_space<vmem>>
      %dma_wait3A_221 = tpu.memref_squeeze %dma_wait3A_220 : memref<1x128xi32, #tpu.memory_space<vmem>> -> memref<128xi32, #tpu.memory_space<vmem>>
      %dma_wait3A_222 = arith.constant 0 : i32
      %dma_wait3A_223 = arith.constant 0 : i32
      %dma_wait3A_224 = tpu.memref_slice %arg2[%dma_wait3A_222, %dma_wait3A_223] : memref<10000x32xf32, #tpu.memory_space<hbm>> -> memref<10000x32xf32, #tpu.memory_space<hbm>>
      tpu.wait_indirect_dma semaphore(%arg23 : memref<!tpu.dma_semaphore, #tpu.memory_space<semaphore_mem>>) src(%dma_wait3A_224 : memref<10000x32xf32, #tpu.memory_space<hbm>>) dst(%arg14 : memref<128x32xf32, #tpu.memory_space<vmem>>)
      %dma_start3A_225 = arith.constant 0 : i32
      %dma_start3A_226 = tpu.memref_slice %arg8[%add3A_211, %dma_start3A_225] : memref<80x128xi32, #tpu.memory_space<vmem>> -> memref<1x128xi32, #tpu.memory_space<vmem>>
      %dma_start3A_227 = tpu.memref_squeeze %dma_start3A_226 : memref<1x128xi32, #tpu.memory_space<vmem>> -> memref<128xi32, #tpu.memory_space<vmem>>
      %dma_start3A_228 = arith.constant 0 : i32
      %dma_start3A_229 = arith.constant 0 : i32
      %dma_start3A_230 = tpu.memref_slice %arg17[%dma_start3A_228, %dma_start3A_229] : memref<10112x32xf32, #tpu.memory_space<vmem_shared>> -> memref<10112x32xf32, #tpu.memory_space<vmem_shared>>
      tpu.enqueue_indirect_dma source(%arg14 : memref<128x32xf32, #tpu.memory_space<vmem>>) target(%dma_start3A_230 : memref<10112x32xf32, #tpu.memory_space<vmem_shared>>) offsets(%dma_start3A_227 : memref<128xi32, #tpu.memory_space<vmem>>) semaphore(%arg31 : memref<!tpu.dma_semaphore, #tpu.memory_space<semaphore_mem>>) {add = true}
      %mul3A_231 = arith.constant 8 : i32
      %mul3A_232 = arith.muli %scan3A_95, %mul3A_231 : i32
      %add3A_233 = arith.constant 6 : i32
      %add3A_234 = arith.addi %mul3A_232, %add3A_233 : i32
      %add3A_235 = arith.constant 4 : i32
      %add3A_236 = arith.addi %add3A_234, %add3A_235 : i32
      %lt3A_237 = arith.constant 80 : i32
      %lt3A_238 = arith.cmpi slt, %add3A_236, %lt3A_237 : i32
      %convert_element_type3A_239 = arith.extui %lt3A_238 : i1 to i32
      %cond3A_240 = arith.constant 0 : i32
      %cond3A_241 = arith.cmpi ne, %convert_element_type3A_239, %cond3A_240 : i32
      scf.if %cond3A_241 {
        %add3A_277 = arith.constant 4 : i32
        %add3A_278 = arith.addi %add3A_234, %add3A_277 : i32
        %ge3A = arith.constant 8 : i32
        %ge3A_279 = arith.cmpi sge, %add3A_278, %ge3A : i32
        %convert_element_type3A_280 = arith.extui %ge3A_279 : i1 to i32
        %cond3A_281 = arith.constant 0 : i32
        %cond3A_282 = arith.cmpi ne, %convert_element_type3A_280, %cond3A_281 : i32
        scf.if %cond3A_282 {
          %dma_wait3A_291 = arith.constant 0 : i32
          %dma_wait3A_292 = arith.constant 0 : i32
          %dma_wait3A_293 = tpu.memref_slice %arg8[%dma_wait3A_291, %dma_wait3A_292] : memref<80x128xi32, #tpu.memory_space<vmem>> -> memref<1x128xi32, #tpu.memory_space<vmem>>
          %dma_wait3A_294 = tpu.memref_squeeze %dma_wait3A_293 : memref<1x128xi32, #tpu.memory_space<vmem>> -> memref<128xi32, #tpu.memory_space<vmem>>
          %dma_wait3A_295 = arith.constant 0 : i32
          %dma_wait3A_296 = arith.constant 0 : i32
          %dma_wait3A_297 = tpu.memref_slice %arg17[%dma_wait3A_295, %dma_wait3A_296] : memref<10112x32xf32, #tpu.memory_space<vmem_shared>> -> memref<10112x32xf32, #tpu.memory_space<vmem_shared>>
          tpu.wait_indirect_dma semaphore(%arg28 : memref<!tpu.dma_semaphore, #tpu.memory_space<semaphore_mem>>) src(%arg11 : memref<128x32xf32, #tpu.memory_space<vmem>>) dst(%dma_wait3A_297 : memref<10112x32xf32, #tpu.memory_space<vmem_shared>>)
        } else {
        }
        %add3A_283 = arith.constant 4 : i32
        %add3A_284 = arith.addi %add3A_234, %add3A_283 : i32
        %dma_start3A_285 = arith.constant 0 : i32
        %dma_start3A_286 = tpu.memref_slice %arg7[%add3A_284, %dma_start3A_285] : memref<80x128xi32, #tpu.memory_space<vmem>> -> memref<1x128xi32, #tpu.memory_space<vmem>>
        %dma_start3A_287 = tpu.memref_squeeze %dma_start3A_286 : memref<1x128xi32, #tpu.memory_space<vmem>> -> memref<128xi32, #tpu.memory_space<vmem>>
        %dma_start3A_288 = arith.constant 0 : i32
        %dma_start3A_289 = arith.constant 0 : i32
        %dma_start3A_290 = tpu.memref_slice %arg2[%dma_start3A_288, %dma_start3A_289] : memref<10000x32xf32, #tpu.memory_space<hbm>> -> memref<10000x32xf32, #tpu.memory_space<hbm>>
        tpu.enqueue_indirect_dma source(%dma_start3A_290 : memref<10000x32xf32, #tpu.memory_space<hbm>>) target(%arg11 : memref<128x32xf32, #tpu.memory_space<vmem>>) offsets(%dma_start3A_287 : memref<128xi32, #tpu.memory_space<vmem>>) semaphore(%arg20 : memref<!tpu.dma_semaphore, #tpu.memory_space<semaphore_mem>>)
      } else {
      }
      %dma_wait3A_242 = arith.constant 0 : i32
      %dma_wait3A_243 = tpu.memref_slice %arg7[%add3A_234, %dma_wait3A_242] : memref<80x128xi32, #tpu.memory_space<vmem>> -> memref<1x128xi32, #tpu.memory_space<vmem>>
      %dma_wait3A_244 = tpu.memref_squeeze %dma_wait3A_243 : memref<1x128xi32, #tpu.memory_space<vmem>> -> memref<128xi32, #tpu.memory_space<vmem>>
      %dma_wait3A_245 = arith.constant 0 : i32
      %dma_wait3A_246 = arith.constant 0 : i32
      %dma_wait3A_247 = tpu.memref_slice %arg2[%dma_wait3A_245, %dma_wait3A_246] : memref<10000x32xf32, #tpu.memory_space<hbm>> -> memref<10000x32xf32, #tpu.memory_space<hbm>>
      tpu.wait_indirect_dma semaphore(%arg24 : memref<!tpu.dma_semaphore, #tpu.memory_space<semaphore_mem>>) src(%dma_wait3A_247 : memref<10000x32xf32, #tpu.memory_space<hbm>>) dst(%arg15 : memref<128x32xf32, #tpu.memory_space<vmem>>)
      %dma_start3A_248 = arith.constant 0 : i32
      %dma_start3A_249 = tpu.memref_slice %arg8[%add3A_234, %dma_start3A_248] : memref<80x128xi32, #tpu.memory_space<vmem>> -> memref<1x128xi32, #tpu.memory_space<vmem>>
      %dma_start3A_250 = tpu.memref_squeeze %dma_start3A_249 : memref<1x128xi32, #tpu.memory_space<vmem>> -> memref<128xi32, #tpu.memory_space<vmem>>
      %dma_start3A_251 = arith.constant 0 : i32
      %dma_start3A_252 = arith.constant 0 : i32
      %dma_start3A_253 = tpu.memref_slice %arg17[%dma_start3A_251, %dma_start3A_252] : memref<10112x32xf32, #tpu.memory_space<vmem_shared>> -> memref<10112x32xf32, #tpu.memory_space<vmem_shared>>
      tpu.enqueue_indirect_dma source(%arg15 : memref<128x32xf32, #tpu.memory_space<vmem>>) target(%dma_start3A_253 : memref<10112x32xf32, #tpu.memory_space<vmem_shared>>) offsets(%dma_start3A_250 : memref<128xi32, #tpu.memory_space<vmem>>) semaphore(%arg32 : memref<!tpu.dma_semaphore, #tpu.memory_space<semaphore_mem>>) {add = true}
      %mul3A_254 = arith.constant 8 : i32
      %mul3A_255 = arith.muli %scan3A_95, %mul3A_254 : i32
      %add3A_256 = arith.constant 7 : i32
      %add3A_257 = arith.addi %mul3A_255, %add3A_256 : i32
      %add3A_258 = arith.constant 4 : i32
      %add3A_259 = arith.addi %add3A_257, %add3A_258 : i32
      %lt3A_260 = arith.constant 80 : i32
      %lt3A_261 = arith.cmpi slt, %add3A_259, %lt3A_260 : i32
      %convert_element_type3A_262 = arith.extui %lt3A_261 : i1 to i32
      %cond3A_263 = arith.constant 0 : i32
      %cond3A_264 = arith.cmpi ne, %convert_element_type3A_262, %cond3A_263 : i32
      scf.if %cond3A_264 {
        %add3A_277 = arith.constant 4 : i32
        %add3A_278 = arith.addi %add3A_257, %add3A_277 : i32
        %ge3A = arith.constant 8 : i32
        %ge3A_279 = arith.cmpi sge, %add3A_278, %ge3A : i32
        %convert_element_type3A_280 = arith.extui %ge3A_279 : i1 to i32
        %cond3A_281 = arith.constant 0 : i32
        %cond3A_282 = arith.cmpi ne, %convert_element_type3A_280, %cond3A_281 : i32
        scf.if %cond3A_282 {
          %dma_wait3A_291 = arith.constant 0 : i32
          %dma_wait3A_292 = arith.constant 0 : i32
          %dma_wait3A_293 = tpu.memref_slice %arg8[%dma_wait3A_291, %dma_wait3A_292] : memref<80x128xi32, #tpu.memory_space<vmem>> -> memref<1x128xi32, #tpu.memory_space<vmem>>
          %dma_wait3A_294 = tpu.memref_squeeze %dma_wait3A_293 : memref<1x128xi32, #tpu.memory_space<vmem>> -> memref<128xi32, #tpu.memory_space<vmem>>
          %dma_wait3A_295 = arith.constant 0 : i32
          %dma_wait3A_296 = arith.constant 0 : i32
          %dma_wait3A_297 = tpu.memref_slice %arg17[%dma_wait3A_295, %dma_wait3A_296] : memref<10112x32xf32, #tpu.memory_space<vmem_shared>> -> memref<10112x32xf32, #tpu.memory_space<vmem_shared>>
          tpu.wait_indirect_dma semaphore(%arg29 : memref<!tpu.dma_semaphore, #tpu.memory_space<semaphore_mem>>) src(%arg12 : memref<128x32xf32, #tpu.memory_space<vmem>>) dst(%dma_wait3A_297 : memref<10112x32xf32, #tpu.memory_space<vmem_shared>>)
        } else {
        }
        %add3A_283 = arith.constant 4 : i32
        %add3A_284 = arith.addi %add3A_257, %add3A_283 : i32
        %dma_start3A_285 = arith.constant 0 : i32
        %dma_start3A_286 = tpu.memref_slice %arg7[%add3A_284, %dma_start3A_285] : memref<80x128xi32, #tpu.memory_space<vmem>> -> memref<1x128xi32, #tpu.memory_space<vmem>>
        %dma_start3A_287 = tpu.memref_squeeze %dma_start3A_286 : memref<1x128xi32, #tpu.memory_space<vmem>> -> memref<128xi32, #tpu.memory_space<vmem>>
        %dma_start3A_288 = arith.constant 0 : i32
        %dma_start3A_289 = arith.constant 0 : i32
        %dma_start3A_290 = tpu.memref_slice %arg2[%dma_start3A_288, %dma_start3A_289] : memref<10000x32xf32, #tpu.memory_space<hbm>> -> memref<10000x32xf32, #tpu.memory_space<hbm>>
        tpu.enqueue_indirect_dma source(%dma_start3A_290 : memref<10000x32xf32, #tpu.memory_space<hbm>>) target(%arg12 : memref<128x32xf32, #tpu.memory_space<vmem>>) offsets(%dma_start3A_287 : memref<128xi32, #tpu.memory_space<vmem>>) semaphore(%arg21 : memref<!tpu.dma_semaphore, #tpu.memory_space<semaphore_mem>>)
      } else {
      }
      %dma_wait3A_265 = arith.constant 0 : i32
      %dma_wait3A_266 = tpu.memref_slice %arg7[%add3A_257, %dma_wait3A_265] : memref<80x128xi32, #tpu.memory_space<vmem>> -> memref<1x128xi32, #tpu.memory_space<vmem>>
      %dma_wait3A_267 = tpu.memref_squeeze %dma_wait3A_266 : memref<1x128xi32, #tpu.memory_space<vmem>> -> memref<128xi32, #tpu.memory_space<vmem>>
      %dma_wait3A_268 = arith.constant 0 : i32
      %dma_wait3A_269 = arith.constant 0 : i32
      %dma_wait3A_270 = tpu.memref_slice %arg2[%dma_wait3A_268, %dma_wait3A_269] : memref<10000x32xf32, #tpu.memory_space<hbm>> -> memref<10000x32xf32, #tpu.memory_space<hbm>>
      tpu.wait_indirect_dma semaphore(%arg25 : memref<!tpu.dma_semaphore, #tpu.memory_space<semaphore_mem>>) src(%dma_wait3A_270 : memref<10000x32xf32, #tpu.memory_space<hbm>>) dst(%arg16 : memref<128x32xf32, #tpu.memory_space<vmem>>)
      %dma_start3A_271 = arith.constant 0 : i32
      %dma_start3A_272 = tpu.memref_slice %arg8[%add3A_257, %dma_start3A_271] : memref<80x128xi32, #tpu.memory_space<vmem>> -> memref<1x128xi32, #tpu.memory_space<vmem>>
      %dma_start3A_273 = tpu.memref_squeeze %dma_start3A_272 : memref<1x128xi32, #tpu.memory_space<vmem>> -> memref<128xi32, #tpu.memory_space<vmem>>
      %dma_start3A_274 = arith.constant 0 : i32
      %dma_start3A_275 = arith.constant 0 : i32
      %dma_start3A_276 = tpu.memref_slice %arg17[%dma_start3A_274, %dma_start3A_275] : memref<10112x32xf32, #tpu.memory_space<vmem_shared>> -> memref<10112x32xf32, #tpu.memory_space<vmem_shared>>
      tpu.enqueue_indirect_dma source(%arg16 : memref<128x32xf32, #tpu.memory_space<vmem>>) target(%dma_start3A_276 : memref<10112x32xf32, #tpu.memory_space<vmem_shared>>) offsets(%dma_start3A_273 : memref<128xi32, #tpu.memory_space<vmem>>) semaphore(%arg33 : memref<!tpu.dma_semaphore, #tpu.memory_space<semaphore_mem>>) {add = true}
    }
    %scan3A_34 = arith.constant 10 : i32
    %dma_wait3A = arith.constant 0 : i32
    %dma_wait3A_35 = arith.constant 0 : i32
    %dma_wait3A_36 = tpu.memref_slice %arg8[%dma_wait3A, %dma_wait3A_35] : memref<80x128xi32, #tpu.memory_space<vmem>> -> memref<1x128xi32, #tpu.memory_space<vmem>>
    %dma_wait3A_37 = tpu.memref_squeeze %dma_wait3A_36 : memref<1x128xi32, #tpu.memory_space<vmem>> -> memref<128xi32, #tpu.memory_space<vmem>>
    %dma_wait3A_38 = arith.constant 0 : i32
    %dma_wait3A_39 = arith.constant 0 : i32
    %dma_wait3A_40 = tpu.memref_slice %arg17[%dma_wait3A_38, %dma_wait3A_39] : memref<10112x32xf32, #tpu.memory_space<vmem_shared>> -> memref<10112x32xf32, #tpu.memory_space<vmem_shared>>
    tpu.wait_indirect_dma semaphore(%arg26 : memref<!tpu.dma_semaphore, #tpu.memory_space<semaphore_mem>>) src(%arg9 : memref<128x32xf32, #tpu.memory_space<vmem>>) dst(%dma_wait3A_40 : memref<10112x32xf32, #tpu.memory_space<vmem_shared>>)
    %dma_wait3A_41 = arith.constant 0 : i32
    %dma_wait3A_42 = arith.constant 0 : i32
    %dma_wait3A_43 = tpu.memref_slice %arg8[%dma_wait3A_41, %dma_wait3A_42] : memref<80x128xi32, #tpu.memory_space<vmem>> -> memref<1x128xi32, #tpu.memory_space<vmem>>
    %dma_wait3A_44 = tpu.memref_squeeze %dma_wait3A_43 : memref<1x128xi32, #tpu.memory_space<vmem>> -> memref<128xi32, #tpu.memory_space<vmem>>
    %dma_wait3A_45 = arith.constant 0 : i32
    %dma_wait3A_46 = arith.constant 0 : i32
    %dma_wait3A_47 = tpu.memref_slice %arg17[%dma_wait3A_45, %dma_wait3A_46] : memref<10112x32xf32, #tpu.memory_space<vmem_shared>> -> memref<10112x32xf32, #tpu.memory_space<vmem_shared>>
    tpu.wait_indirect_dma semaphore(%arg27 : memref<!tpu.dma_semaphore, #tpu.memory_space<semaphore_mem>>) src(%arg10 : memref<128x32xf32, #tpu.memory_space<vmem>>) dst(%dma_wait3A_47 : memref<10112x32xf32, #tpu.memory_space<vmem_shared>>)
    %dma_wait3A_48 = arith.constant 0 : i32
    %dma_wait3A_49 = arith.constant 0 : i32
    %dma_wait3A_50 = tpu.memref_slice %arg8[%dma_wait3A_48, %dma_wait3A_49] : memref<80x128xi32, #tpu.memory_space<vmem>> -> memref<1x128xi32, #tpu.memory_space<vmem>>
    %dma_wait3A_51 = tpu.memref_squeeze %dma_wait3A_50 : memref<1x128xi32, #tpu.memory_space<vmem>> -> memref<128xi32, #tpu.memory_space<vmem>>
    %dma_wait3A_52 = arith.constant 0 : i32
    %dma_wait3A_53 = arith.constant 0 : i32
    %dma_wait3A_54 = tpu.memref_slice %arg17[%dma_wait3A_52, %dma_wait3A_53] : memref<10112x32xf32, #tpu.memory_space<vmem_shared>> -> memref<10112x32xf32, #tpu.memory_space<vmem_shared>>
    tpu.wait_indirect_dma semaphore(%arg28 : memref<!tpu.dma_semaphore, #tpu.memory_space<semaphore_mem>>) src(%arg11 : memref<128x32xf32, #tpu.memory_space<vmem>>) dst(%dma_wait3A_54 : memref<10112x32xf32, #tpu.memory_space<vmem_shared>>)
    %dma_wait3A_55 = arith.constant 0 : i32
    %dma_wait3A_56 = arith.constant 0 : i32
    %dma_wait3A_57 = tpu.memref_slice %arg8[%dma_wait3A_55, %dma_wait3A_56] : memref<80x128xi32, #tpu.memory_space<vmem>> -> memref<1x128xi32, #tpu.memory_space<vmem>>
    %dma_wait3A_58 = tpu.memref_squeeze %dma_wait3A_57 : memref<1x128xi32, #tpu.memory_space<vmem>> -> memref<128xi32, #tpu.memory_space<vmem>>
    %dma_wait3A_59 = arith.constant 0 : i32
    %dma_wait3A_60 = arith.constant 0 : i32
    %dma_wait3A_61 = tpu.memref_slice %arg17[%dma_wait3A_59, %dma_wait3A_60] : memref<10112x32xf32, #tpu.memory_space<vmem_shared>> -> memref<10112x32xf32, #tpu.memory_space<vmem_shared>>
    tpu.wait_indirect_dma semaphore(%arg29 : memref<!tpu.dma_semaphore, #tpu.memory_space<semaphore_mem>>) src(%arg12 : memref<128x32xf32, #tpu.memory_space<vmem>>) dst(%dma_wait3A_61 : memref<10112x32xf32, #tpu.memory_space<vmem_shared>>)
    %dma_wait3A_62 = arith.constant 0 : i32
    %dma_wait3A_63 = arith.constant 0 : i32
    %dma_wait3A_64 = tpu.memref_slice %arg8[%dma_wait3A_62, %dma_wait3A_63] : memref<80x128xi32, #tpu.memory_space<vmem>> -> memref<1x128xi32, #tpu.memory_space<vmem>>
    %dma_wait3A_65 = tpu.memref_squeeze %dma_wait3A_64 : memref<1x128xi32, #tpu.memory_space<vmem>> -> memref<128xi32, #tpu.memory_space<vmem>>
    %dma_wait3A_66 = arith.constant 0 : i32
    %dma_wait3A_67 = arith.constant 0 : i32
    %dma_wait3A_68 = tpu.memref_slice %arg17[%dma_wait3A_66, %dma_wait3A_67] : memref<10112x32xf32, #tpu.memory_space<vmem_shared>> -> memref<10112x32xf32, #tpu.memory_space<vmem_shared>>
    tpu.wait_indirect_dma semaphore(%arg30 : memref<!tpu.dma_semaphore, #tpu.memory_space<semaphore_mem>>) src(%arg13 : memref<128x32xf32, #tpu.memory_space<vmem>>) dst(%dma_wait3A_68 : memref<10112x32xf32, #tpu.memory_space<vmem_shared>>)
    %dma_wait3A_69 = arith.constant 0 : i32
    %dma_wait3A_70 = arith.constant 0 : i32
    %dma_wait3A_71 = tpu.memref_slice %arg8[%dma_wait3A_69, %dma_wait3A_70] : memref<80x128xi32, #tpu.memory_space<vmem>> -> memref<1x128xi32, #tpu.memory_space<vmem>>
    %dma_wait3A_72 = tpu.memref_squeeze %dma_wait3A_71 : memref<1x128xi32, #tpu.memory_space<vmem>> -> memref<128xi32, #tpu.memory_space<vmem>>
    %dma_wait3A_73 = arith.constant 0 : i32
    %dma_wait3A_74 = arith.constant 0 : i32
    %dma_wait3A_75 = tpu.memref_slice %arg17[%dma_wait3A_73, %dma_wait3A_74] : memref<10112x32xf32, #tpu.memory_space<vmem_shared>> -> memref<10112x32xf32, #tpu.memory_space<vmem_shared>>
    tpu.wait_indirect_dma semaphore(%arg31 : memref<!tpu.dma_semaphore, #tpu.memory_space<semaphore_mem>>) src(%arg14 : memref<128x32xf32, #tpu.memory_space<vmem>>) dst(%dma_wait3A_75 : memref<10112x32xf32, #tpu.memory_space<vmem_shared>>)
    %dma_wait3A_76 = arith.constant 0 : i32
    %dma_wait3A_77 = arith.constant 0 : i32
    %dma_wait3A_78 = tpu.memref_slice %arg8[%dma_wait3A_76, %dma_wait3A_77] : memref<80x128xi32, #tpu.memory_space<vmem>> -> memref<1x128xi32, #tpu.memory_space<vmem>>
    %dma_wait3A_79 = tpu.memref_squeeze %dma_wait3A_78 : memref<1x128xi32, #tpu.memory_space<vmem>> -> memref<128xi32, #tpu.memory_space<vmem>>
    %dma_wait3A_80 = arith.constant 0 : i32
    %dma_wait3A_81 = arith.constant 0 : i32
    %dma_wait3A_82 = tpu.memref_slice %arg17[%dma_wait3A_80, %dma_wait3A_81] : memref<10112x32xf32, #tpu.memory_space<vmem_shared>> -> memref<10112x32xf32, #tpu.memory_space<vmem_shared>>
    tpu.wait_indirect_dma semaphore(%arg32 : memref<!tpu.dma_semaphore, #tpu.memory_space<semaphore_mem>>) src(%arg15 : memref<128x32xf32, #tpu.memory_space<vmem>>) dst(%dma_wait3A_82 : memref<10112x32xf32, #tpu.memory_space<vmem_shared>>)
    %dma_wait3A_83 = arith.constant 0 : i32
    %dma_wait3A_84 = arith.constant 0 : i32
    %dma_wait3A_85 = tpu.memref_slice %arg8[%dma_wait3A_83, %dma_wait3A_84] : memref<80x128xi32, #tpu.memory_space<vmem>> -> memref<1x128xi32, #tpu.memory_space<vmem>>
    %dma_wait3A_86 = tpu.memref_squeeze %dma_wait3A_85 : memref<1x128xi32, #tpu.memory_space<vmem>> -> memref<128xi32, #tpu.memory_space<vmem>>
    %dma_wait3A_87 = arith.constant 0 : i32
    %dma_wait3A_88 = arith.constant 0 : i32
    %dma_wait3A_89 = tpu.memref_slice %arg17[%dma_wait3A_87, %dma_wait3A_88] : memref<10112x32xf32, #tpu.memory_space<vmem_shared>> -> memref<10112x32xf32, #tpu.memory_space<vmem_shared>>
    tpu.wait_indirect_dma semaphore(%arg33 : memref<!tpu.dma_semaphore, #tpu.memory_space<semaphore_mem>>) src(%arg16 : memref<128x32xf32, #tpu.memory_space<vmem>>) dst(%dma_wait3A_89 : memref<10112x32xf32, #tpu.memory_space<vmem_shared>>)
    %barrier3A_90 = arith.constant 0 : index
    tpu.barrier barrier_id(%barrier3A_90)
    %mul3A_91 = arith.constant 632 : i32
    %mul3A_92 = arith.muli %arg1, %mul3A_91 : i32
    %mul3A_93 = arith.constant 632 : i32
    %mul3A_94 = arith.muli %arg1, %mul3A_93 : i32
    "tpu.region"() ({
      %run_scoped3A = tpu.sem_alloc : memref<!tpu.dma_semaphore, #tpu.memory_space<semaphore_mem>>
      %dma_start3A_95 = arith.constant 0 : i32
      %dma_start3A_96 = tpu.memref_slice %arg6[%arg0, %mul3A_94, %dma_start3A_95] : memref<2x10112x32xf32, #tpu.memory_space<hbm>> -> memref<1x632x32xf32, #tpu.memory_space<hbm>>
      %dma_start3A_97 = tpu.memref_squeeze %dma_start3A_96 : memref<1x632x32xf32, #tpu.memory_space<hbm>> -> memref<632x32xf32, #tpu.memory_space<hbm>>
      %dma_start3A_98 = arith.constant 0 : i32
      %dma_start3A_99 = tpu.memref_slice %arg17[%mul3A_92, %dma_start3A_98] : memref<10112x32xf32, #tpu.memory_space<vmem_shared>> -> memref<632x32xf32, #tpu.memory_space<vmem_shared>>
      tpu.enqueue_dma source(%dma_start3A_99 : memref<632x32xf32, #tpu.memory_space<vmem_shared>>) target(%dma_start3A_97 : memref<632x32xf32, #tpu.memory_space<hbm>>) target_semaphore(%run_scoped3A : memref<!tpu.dma_semaphore, #tpu.memory_space<semaphore_mem>>)
      %dma_wait3A_100 = arith.constant 0 : i32
      %dma_wait3A_101 = tpu.memref_slice %arg6[%arg0, %mul3A_94, %dma_wait3A_100] : memref<2x10112x32xf32, #tpu.memory_space<hbm>> -> memref<1x632x32xf32, #tpu.memory_space<hbm>>
      %dma_wait3A_102 = tpu.memref_squeeze %dma_wait3A_101 : memref<1x632x32xf32, #tpu.memory_space<hbm>> -> memref<632x32xf32, #tpu.memory_space<hbm>>
      %dma_wait3A_103 = arith.constant 0 : i32
      %dma_wait3A_104 = tpu.memref_slice %arg17[%mul3A_92, %dma_wait3A_103] : memref<10112x32xf32, #tpu.memory_space<vmem_shared>> -> memref<632x32xf32, #tpu.memory_space<vmem_shared>>
      tpu.wait_dma2 semaphore(%run_scoped3A : memref<!tpu.dma_semaphore, #tpu.memory_space<semaphore_mem>>) src(%dma_wait3A_104 : memref<632x32xf32, #tpu.memory_space<vmem_shared>>) dst(%dma_wait3A_102 : memref<632x32xf32, #tpu.memory_space<hbm>>)
      tpu.yield
    }) : () -> ()
    return
  }
}

#map = affine_map<(d0, d1) -> (0, 0)>
#map1 = affine_map<(d0, d1) -> (0, 0, 0)>
module attributes {stable_mosaic.version = 14 : i64} {
  func.func @k(%arg0: i32, %arg1: i32, %arg2: memref<10000x32xf32, #tpu.memory_space<hbm>>, %arg3: memref<32x80x128xi32, #tpu.memory_space<hbm>>, %arg4: memref<32x80x128xi32, #tpu.memory_space<hbm>>, %arg5: memref<632x32xf32, #tpu.memory_space<hbm>>, %arg6: memref<2x10112x32xf32, #tpu.memory_space<hbm>>, %arg7: memref<80x128xi32, #tpu.memory_space<vmem>>, %arg8: memref<80x128xi32, #tpu.memory_space<vmem>>, %arg9: memref<128x32xf32, #tpu.memory_space<vmem>>, %arg10: memref<128x32xf32, #tpu.memory_space<vmem>>, %arg11: memref<128x32xf32, #tpu.memory_space<vmem>>, %arg12: memref<128x32xf32, #tpu.memory_space<vmem>>, %arg13: memref<128x32xf32, #tpu.memory_space<vmem>>, %arg14: memref<128x32xf32, #tpu.memory_space<vmem>>, %arg15: memref<128x32xf32, #tpu.memory_space<vmem>>, %arg16: memref<128x32xf32, #tpu.memory_space<vmem>>, %arg17: memref<10112x32xf32, #tpu.memory_space<vmem_shared>>, %arg18: memref<!tpu.dma_semaphore, #tpu.memory_space<semaphore_mem>>, %arg19: memref<!tpu.dma_semaphore, #tpu.memory_space<semaphore_mem>>, %arg20: memref<!tpu.dma_semaphore, #tpu.memory_space<semaphore_mem>>, %arg21: memref<!tpu.dma_semaphore, #tpu.memory_space<semaphore_mem>>, %arg22: memref<!tpu.dma_semaphore, #tpu.memory_space<semaphore_mem>>, %arg23: memref<!tpu.dma_semaphore, #tpu.memory_space<semaphore_mem>>, %arg24: memref<!tpu.dma_semaphore, #tpu.memory_space<semaphore_mem>>, %arg25: memref<!tpu.dma_semaphore, #tpu.memory_space<semaphore_mem>>, %arg26: memref<!tpu.dma_semaphore, #tpu.memory_space<semaphore_mem>>, %arg27: memref<!tpu.dma_semaphore, #tpu.memory_space<semaphore_mem>>, %arg28: memref<!tpu.dma_semaphore, #tpu.memory_space<semaphore_mem>>, %arg29: memref<!tpu.dma_semaphore, #tpu.memory_space<semaphore_mem>>, %arg30: memref<!tpu.dma_semaphore, #tpu.memory_space<semaphore_mem>>, %arg31: memref<!tpu.dma_semaphore, #tpu.memory_space<semaphore_mem>>, %arg32: memref<!tpu.dma_semaphore, #tpu.memory_space<semaphore_mem>>, %arg33: memref<!tpu.dma_semaphore, #tpu.memory_space<semaphore_mem>>) attributes {dimension_semantics = [#tpu.dimension_semantics<core_parallel>, #tpu.dimension_semantics<subcore_parallel>], iteration_bounds = array<i64: 2, 16>, scalar_prefetch = 0 : i64, scratch_operands = 27 : i64, tpu.core_type = #tpu.core_type<sc_vector_subcore>, window_params = [{transform_indices = #map}, {transform_indices = #map1}, {transform_indices = #map1}, {transform_indices = #map}, {transform_indices = #map1}]} {
    %mul3A = arith.constant 16 : i32
    %mul3A_0 = arith.muli %arg0, %mul3A : i32
    %add3A = arith.addi %mul3A_0, %arg1 : i32
    %mul3A_1 = arith.constant 632 : i32
    %mul3A_2 = arith.muli %arg1, %mul3A_1 : i32
    "tpu.region"() ({
      %run_scoped3A = tpu.sem_alloc : memref<!tpu.dma_semaphore, #tpu.memory_space<semaphore_mem>>
      %dma_start3A_95 = arith.constant 0 : i32
      %dma_start3A_96 = tpu.memref_slice %arg17[%mul3A_2, %dma_start3A_95] : memref<10112x32xf32, #tpu.memory_space<vmem_shared>> -> memref<632x32xf32, #tpu.memory_space<vmem_shared>>
      tpu.enqueue_dma source(%arg5 : memref<632x32xf32, #tpu.memory_space<hbm>>) target(%dma_start3A_96 : memref<632x32xf32, #tpu.memory_space<vmem_shared>>) target_semaphore(%run_scoped3A : memref<!tpu.dma_semaphore, #tpu.memory_space<semaphore_mem>>)
      %dma_wait3A_97 = arith.constant 0 : i32
      %dma_wait3A_98 = tpu.memref_slice %arg17[%mul3A_2, %dma_wait3A_97] : memref<10112x32xf32, #tpu.memory_space<vmem_shared>> -> memref<632x32xf32, #tpu.memory_space<vmem_shared>>
      tpu.wait_dma2 semaphore(%run_scoped3A : memref<!tpu.dma_semaphore, #tpu.memory_space<semaphore_mem>>) src(%arg5 : memref<632x32xf32, #tpu.memory_space<hbm>>) dst(%dma_wait3A_98 : memref<632x32xf32, #tpu.memory_space<vmem_shared>>)
      tpu.yield
    }) : () -> ()
    "tpu.region"() ({
      %run_scoped3A = tpu.sem_alloc : memref<!tpu.dma_semaphore, #tpu.memory_space<semaphore_mem>>
      %dma_start3A_95 = arith.constant 0 : i32
      %dma_start3A_96 = arith.constant 0 : i32
      %dma_start3A_97 = tpu.memref_slice %arg3[%add3A, %dma_start3A_95, %dma_start3A_96] : memref<32x80x128xi32, #tpu.memory_space<hbm>> -> memref<1x80x128xi32, #tpu.memory_space<hbm>>
      %dma_start3A_98 = tpu.memref_squeeze %dma_start3A_97 : memref<1x80x128xi32, #tpu.memory_space<hbm>> -> memref<80x128xi32, #tpu.memory_space<hbm>>
      %dma_start3A_99 = arith.constant 0 : i32
      %dma_start3A_100 = arith.constant 0 : i32
      %dma_start3A_101 = tpu.memref_slice %arg3[%add3A, %dma_start3A_99, %dma_start3A_100] : memref<32x80x128xi32, #tpu.memory_space<hbm>> -> memref<1x80x128xi32, #tpu.memory_space<hbm>>
      %dma_start3A_102 = tpu.memref_squeeze %dma_start3A_101 : memref<1x80x128xi32, #tpu.memory_space<hbm>> -> memref<80x128xi32, #tpu.memory_space<hbm>>
      tpu.enqueue_dma source(%dma_start3A_102 : memref<80x128xi32, #tpu.memory_space<hbm>>) target(%arg7 : memref<80x128xi32, #tpu.memory_space<vmem>>) target_semaphore(%run_scoped3A : memref<!tpu.dma_semaphore, #tpu.memory_space<semaphore_mem>>)
      %dma_wait3A_103 = arith.constant 0 : i32
      %dma_wait3A_104 = arith.constant 0 : i32
      %dma_wait3A_105 = tpu.memref_slice %arg3[%add3A, %dma_wait3A_103, %dma_wait3A_104] : memref<32x80x128xi32, #tpu.memory_space<hbm>> -> memref<1x80x128xi32, #tpu.memory_space<hbm>>
      %dma_wait3A_106 = tpu.memref_squeeze %dma_wait3A_105 : memref<1x80x128xi32, #tpu.memory_space<hbm>> -> memref<80x128xi32, #tpu.memory_space<hbm>>
      %dma_wait3A_107 = arith.constant 0 : i32
      %dma_wait3A_108 = arith.constant 0 : i32
      %dma_wait3A_109 = tpu.memref_slice %arg3[%add3A, %dma_wait3A_107, %dma_wait3A_108] : memref<32x80x128xi32, #tpu.memory_space<hbm>> -> memref<1x80x128xi32, #tpu.memory_space<hbm>>
      %dma_wait3A_110 = tpu.memref_squeeze %dma_wait3A_109 : memref<1x80x128xi32, #tpu.memory_space<hbm>> -> memref<80x128xi32, #tpu.memory_space<hbm>>
      tpu.wait_dma2 semaphore(%run_scoped3A : memref<!tpu.dma_semaphore, #tpu.memory_space<semaphore_mem>>) src(%dma_wait3A_110 : memref<80x128xi32, #tpu.memory_space<hbm>>) dst(%arg7 : memref<80x128xi32, #tpu.memory_space<vmem>>)
      tpu.yield
    }) : () -> ()
    "tpu.region"() ({
      %run_scoped3A = tpu.sem_alloc : memref<!tpu.dma_semaphore, #tpu.memory_space<semaphore_mem>>
      %dma_start3A_95 = arith.constant 0 : i32
      %dma_start3A_96 = arith.constant 0 : i32
      %dma_start3A_97 = tpu.memref_slice %arg4[%add3A, %dma_start3A_95, %dma_start3A_96] : memref<32x80x128xi32, #tpu.memory_space<hbm>> -> memref<1x80x128xi32, #tpu.memory_space<hbm>>
      %dma_start3A_98 = tpu.memref_squeeze %dma_start3A_97 : memref<1x80x128xi32, #tpu.memory_space<hbm>> -> memref<80x128xi32, #tpu.memory_space<hbm>>
      %dma_start3A_99 = arith.constant 0 : i32
      %dma_start3A_100 = arith.constant 0 : i32
      %dma_start3A_101 = tpu.memref_slice %arg4[%add3A, %dma_start3A_99, %dma_start3A_100] : memref<32x80x128xi32, #tpu.memory_space<hbm>> -> memref<1x80x128xi32, #tpu.memory_space<hbm>>
      %dma_start3A_102 = tpu.memref_squeeze %dma_start3A_101 : memref<1x80x128xi32, #tpu.memory_space<hbm>> -> memref<80x128xi32, #tpu.memory_space<hbm>>
      tpu.enqueue_dma source(%dma_start3A_102 : memref<80x128xi32, #tpu.memory_space<hbm>>) target(%arg8 : memref<80x128xi32, #tpu.memory_space<vmem>>) target_semaphore(%run_scoped3A : memref<!tpu.dma_semaphore, #tpu.memory_space<semaphore_mem>>)
      %dma_wait3A_103 = arith.constant 0 : i32
      %dma_wait3A_104 = arith.constant 0 : i32
      %dma_wait3A_105 = tpu.memref_slice %arg4[%add3A, %dma_wait3A_103, %dma_wait3A_104] : memref<32x80x128xi32, #tpu.memory_space<hbm>> -> memref<1x80x128xi32, #tpu.memory_space<hbm>>
      %dma_wait3A_106 = tpu.memref_squeeze %dma_wait3A_105 : memref<1x80x128xi32, #tpu.memory_space<hbm>> -> memref<80x128xi32, #tpu.memory_space<hbm>>
      %dma_wait3A_107 = arith.constant 0 : i32
      %dma_wait3A_108 = arith.constant 0 : i32
      %dma_wait3A_109 = tpu.memref_slice %arg4[%add3A, %dma_wait3A_107, %dma_wait3A_108] : memref<32x80x128xi32, #tpu.memory_space<hbm>> -> memref<1x80x128xi32, #tpu.memory_space<hbm>>
      %dma_wait3A_110 = tpu.memref_squeeze %dma_wait3A_109 : memref<1x80x128xi32, #tpu.memory_space<hbm>> -> memref<80x128xi32, #tpu.memory_space<hbm>>
      tpu.wait_dma2 semaphore(%run_scoped3A : memref<!tpu.dma_semaphore, #tpu.memory_space<semaphore_mem>>) src(%dma_wait3A_110 : memref<80x128xi32, #tpu.memory_space<hbm>>) dst(%arg8 : memref<80x128xi32, #tpu.memory_space<vmem>>)
      tpu.yield
    }) : () -> ()
    %dma_start3A = arith.constant 0 : i32
    %dma_start3A_3 = arith.constant 0 : i32
    %dma_start3A_4 = tpu.memref_slice %arg7[%dma_start3A, %dma_start3A_3] : memref<80x128xi32, #tpu.memory_space<vmem>> -> memref<1x128xi32, #tpu.memory_space<vmem>>
    %dma_start3A_5 = tpu.memref_squeeze %dma_start3A_4 : memref<1x128xi32, #tpu.memory_space<vmem>> -> memref<128xi32, #tpu.memory_space<vmem>>
    %dma_start3A_6 = arith.constant 0 : i32
    %dma_start3A_7 = arith.constant 0 : i32
    %dma_start3A_8 = tpu.memref_slice %arg2[%dma_start3A_6, %dma_start3A_7] : memref<10000x32xf32, #tpu.memory_space<hbm>> -> memref<10000x32xf32, #tpu.memory_space<hbm>>
    tpu.enqueue_indirect_dma source(%dma_start3A_8 : memref<10000x32xf32, #tpu.memory_space<hbm>>) target(%arg9 : memref<128x32xf32, #tpu.memory_space<vmem>>) offsets(%dma_start3A_5 : memref<128xi32, #tpu.memory_space<vmem>>) semaphore(%arg18 : memref<!tpu.dma_semaphore, #tpu.memory_space<semaphore_mem>>)
    %dma_start3A_9 = arith.constant 1 : i32
    %dma_start3A_10 = arith.constant 0 : i32
    %dma_start3A_11 = tpu.memref_slice %arg7[%dma_start3A_9, %dma_start3A_10] : memref<80x128xi32, #tpu.memory_space<vmem>> -> memref<1x128xi32, #tpu.memory_space<vmem>>
    %dma_start3A_12 = tpu.memref_squeeze %dma_start3A_11 : memref<1x128xi32, #tpu.memory_space<vmem>> -> memref<128xi32, #tpu.memory_space<vmem>>
    %dma_start3A_13 = arith.constant 0 : i32
    %dma_start3A_14 = arith.constant 0 : i32
    %dma_start3A_15 = tpu.memref_slice %arg2[%dma_start3A_13, %dma_start3A_14] : memref<10000x32xf32, #tpu.memory_space<hbm>> -> memref<10000x32xf32, #tpu.memory_space<hbm>>
    tpu.enqueue_indirect_dma source(%dma_start3A_15 : memref<10000x32xf32, #tpu.memory_space<hbm>>) target(%arg10 : memref<128x32xf32, #tpu.memory_space<vmem>>) offsets(%dma_start3A_12 : memref<128xi32, #tpu.memory_space<vmem>>) semaphore(%arg19 : memref<!tpu.dma_semaphore, #tpu.memory_space<semaphore_mem>>)
    %dma_start3A_16 = arith.constant 2 : i32
    %dma_start3A_17 = arith.constant 0 : i32
    %dma_start3A_18 = tpu.memref_slice %arg7[%dma_start3A_16, %dma_start3A_17] : memref<80x128xi32, #tpu.memory_space<vmem>> -> memref<1x128xi32, #tpu.memory_space<vmem>>
    %dma_start3A_19 = tpu.memref_squeeze %dma_start3A_18 : memref<1x128xi32, #tpu.memory_space<vmem>> -> memref<128xi32, #tpu.memory_space<vmem>>
    %dma_start3A_20 = arith.constant 0 : i32
    %dma_start3A_21 = arith.constant 0 : i32
    %dma_start3A_22 = tpu.memref_slice %arg2[%dma_start3A_20, %dma_start3A_21] : memref<10000x32xf32, #tpu.memory_space<hbm>> -> memref<10000x32xf32, #tpu.memory_space<hbm>>
    tpu.enqueue_indirect_dma source(%dma_start3A_22 : memref<10000x32xf32, #tpu.memory_space<hbm>>) target(%arg11 : memref<128x32xf32, #tpu.memory_space<vmem>>) offsets(%dma_start3A_19 : memref<128xi32, #tpu.memory_space<vmem>>) semaphore(%arg20 : memref<!tpu.dma_semaphore, #tpu.memory_space<semaphore_mem>>)
    %dma_start3A_23 = arith.constant 3 : i32
    %dma_start3A_24 = arith.constant 0 : i32
    %dma_start3A_25 = tpu.memref_slice %arg7[%dma_start3A_23, %dma_start3A_24] : memref<80x128xi32, #tpu.memory_space<vmem>> -> memref<1x128xi32, #tpu.memory_space<vmem>>
    %dma_start3A_26 = tpu.memref_squeeze %dma_start3A_25 : memref<1x128xi32, #tpu.memory_space<vmem>> -> memref<128xi32, #tpu.memory_space<vmem>>
    %dma_start3A_27 = arith.constant 0 : i32
    %dma_start3A_28 = arith.constant 0 : i32
    %dma_start3A_29 = tpu.memref_slice %arg2[%dma_start3A_27, %dma_start3A_28] : memref<10000x32xf32, #tpu.memory_space<hbm>> -> memref<10000x32xf32, #tpu.memory_space<hbm>>
    tpu.enqueue_indirect_dma source(%dma_start3A_29 : memref<10000x32xf32, #tpu.memory_space<hbm>>) target(%arg12 : memref<128x32xf32, #tpu.memory_space<vmem>>) offsets(%dma_start3A_26 : memref<128xi32, #tpu.memory_space<vmem>>) semaphore(%arg21 : memref<!tpu.dma_semaphore, #tpu.memory_space<semaphore_mem>>)
    %barrier3A = arith.constant 0 : index
    tpu.barrier barrier_id(%barrier3A)
    %scan3A = arith.constant 0 : i32
    %scan3A_30 = arith.constant 0 : i32
    %scan3A_31 = arith.constant 10 : i32
    %scan3A_32 = arith.addi %scan3A_30, %scan3A_31 : i32
    %scan3A_33 = arith.constant 1 : i32
    scf.for %scan3A_95 = %scan3A_30 to %scan3A_32 step %scan3A_33  : i32 {
      %mul3A_96 = arith.constant 8 : i32
      %mul3A_97 = arith.muli %scan3A_95, %mul3A_96 : i32
      %add3A_98 = arith.constant 0 : i32
      %add3A_99 = arith.addi %mul3A_97, %add3A_98 : i32
      %add3A_100 = arith.constant 4 : i32
      %add3A_101 = arith.addi %add3A_99, %add3A_100 : i32
      %lt3A = arith.constant 80 : i32
      %lt3A_102 = arith.cmpi slt, %add3A_101, %lt3A : i32
      %convert_element_type3A = arith.extui %lt3A_102 : i1 to i32
      %cond3A = arith.constant 0 : i32
      %cond3A_103 = arith.cmpi ne, %convert_element_type3A, %cond3A : i32
      scf.if %cond3A_103 {
        %add3A_277 = arith.constant 4 : i32
        %add3A_278 = arith.addi %add3A_99, %add3A_277 : i32
        %ge3A = arith.constant 8 : i32
        %ge3A_279 = arith.cmpi sge, %add3A_278, %ge3A : i32
        %convert_element_type3A_280 = arith.extui %ge3A_279 : i1 to i32
        %cond3A_281 = arith.constant 0 : i32
        %cond3A_282 = arith.cmpi ne, %convert_element_type3A_280, %cond3A_281 : i32
        scf.if %cond3A_282 {
          %dma_wait3A_291 = arith.constant 0 : i32
          %dma_wait3A_292 = arith.constant 0 : i32
          %dma_wait3A_293 = tpu.memref_slice %arg8[%dma_wait3A_291, %dma_wait3A_292] : memref<80x128xi32, #tpu.memory_space<vmem>> -> memref<1x128xi32, #tpu.memory_space<vmem>>
          %dma_wait3A_294 = tpu.memref_squeeze %dma_wait3A_293 : memref<1x128xi32, #tpu.memory_space<vmem>> -> memref<128xi32, #tpu.memory_space<vmem>>
          %dma_wait3A_295 = arith.constant 0 : i32
          %dma_wait3A_296 = arith.constant 0 : i32
          %dma_wait3A_297 = tpu.memref_slice %arg17[%dma_wait3A_295, %dma_wait3A_296] : memref<10112x32xf32, #tpu.memory_space<vmem_shared>> -> memref<10112x32xf32, #tpu.memory_space<vmem_shared>>
          tpu.wait_indirect_dma semaphore(%arg30 : memref<!tpu.dma_semaphore, #tpu.memory_space<semaphore_mem>>) src(%arg13 : memref<128x32xf32, #tpu.memory_space<vmem>>) dst(%dma_wait3A_297 : memref<10112x32xf32, #tpu.memory_space<vmem_shared>>)
        } else {
        }
        %add3A_283 = arith.constant 4 : i32
        %add3A_284 = arith.addi %add3A_99, %add3A_283 : i32
        %dma_start3A_285 = arith.constant 0 : i32
        %dma_start3A_286 = tpu.memref_slice %arg7[%add3A_284, %dma_start3A_285] : memref<80x128xi32, #tpu.memory_space<vmem>> -> memref<1x128xi32, #tpu.memory_space<vmem>>
        %dma_start3A_287 = tpu.memref_squeeze %dma_start3A_286 : memref<1x128xi32, #tpu.memory_space<vmem>> -> memref<128xi32, #tpu.memory_space<vmem>>
        %dma_start3A_288 = arith.constant 0 : i32
        %dma_start3A_289 = arith.constant 0 : i32
        %dma_start3A_290 = tpu.memref_slice %arg2[%dma_start3A_288, %dma_start3A_289] : memref<10000x32xf32, #tpu.memory_space<hbm>> -> memref<10000x32xf32, #tpu.memory_space<hbm>>
        tpu.enqueue_indirect_dma source(%dma_start3A_290 : memref<10000x32xf32, #tpu.memory_space<hbm>>) target(%arg13 : memref<128x32xf32, #tpu.memory_space<vmem>>) offsets(%dma_start3A_287 : memref<128xi32, #tpu.memory_space<vmem>>) semaphore(%arg22 : memref<!tpu.dma_semaphore, #tpu.memory_space<semaphore_mem>>)
      } else {
      }
      %dma_wait3A_104 = arith.constant 0 : i32
      %dma_wait3A_105 = tpu.memref_slice %arg7[%add3A_99, %dma_wait3A_104] : memref<80x128xi32, #tpu.memory_space<vmem>> -> memref<1x128xi32, #tpu.memory_space<vmem>>
      %dma_wait3A_106 = tpu.memref_squeeze %dma_wait3A_105 : memref<1x128xi32, #tpu.memory_space<vmem>> -> memref<128xi32, #tpu.memory_space<vmem>>
      %dma_wait3A_107 = arith.constant 0 : i32
      %dma_wait3A_108 = arith.constant 0 : i32
      %dma_wait3A_109 = tpu.memref_slice %arg2[%dma_wait3A_107, %dma_wait3A_108] : memref<10000x32xf32, #tpu.memory_space<hbm>> -> memref<10000x32xf32, #tpu.memory_space<hbm>>
      tpu.wait_indirect_dma semaphore(%arg18 : memref<!tpu.dma_semaphore, #tpu.memory_space<semaphore_mem>>) src(%dma_wait3A_109 : memref<10000x32xf32, #tpu.memory_space<hbm>>) dst(%arg9 : memref<128x32xf32, #tpu.memory_space<vmem>>)
      %dma_start3A_110 = arith.constant 0 : i32
      %dma_start3A_111 = tpu.memref_slice %arg8[%add3A_99, %dma_start3A_110] : memref<80x128xi32, #tpu.memory_space<vmem>> -> memref<1x128xi32, #tpu.memory_space<vmem>>
      %dma_start3A_112 = tpu.memref_squeeze %dma_start3A_111 : memref<1x128xi32, #tpu.memory_space<vmem>> -> memref<128xi32, #tpu.memory_space<vmem>>
      %dma_start3A_113 = arith.constant 0 : i32
      %dma_start3A_114 = arith.constant 0 : i32
      %dma_start3A_115 = tpu.memref_slice %arg17[%dma_start3A_113, %dma_start3A_114] : memref<10112x32xf32, #tpu.memory_space<vmem_shared>> -> memref<10112x32xf32, #tpu.memory_space<vmem_shared>>
      tpu.enqueue_indirect_dma source(%arg9 : memref<128x32xf32, #tpu.memory_space<vmem>>) target(%dma_start3A_115 : memref<10112x32xf32, #tpu.memory_space<vmem_shared>>) offsets(%dma_start3A_112 : memref<128xi32, #tpu.memory_space<vmem>>) semaphore(%arg26 : memref<!tpu.dma_semaphore, #tpu.memory_space<semaphore_mem>>) {add = true}
      %mul3A_116 = arith.constant 8 : i32
      %mul3A_117 = arith.muli %scan3A_95, %mul3A_116 : i32
      %add3A_118 = arith.constant 1 : i32
      %add3A_119 = arith.addi %mul3A_117, %add3A_118 : i32
      %add3A_120 = arith.constant 4 : i32
      %add3A_121 = arith.addi %add3A_119, %add3A_120 : i32
      %lt3A_122 = arith.constant 80 : i32
      %lt3A_123 = arith.cmpi slt, %add3A_121, %lt3A_122 : i32
      %convert_element_type3A_124 = arith.extui %lt3A_123 : i1 to i32
      %cond3A_125 = arith.constant 0 : i32
      %cond3A_126 = arith.cmpi ne, %convert_element_type3A_124, %cond3A_125 : i32
      scf.if %cond3A_126 {
        %add3A_277 = arith.constant 4 : i32
        %add3A_278 = arith.addi %add3A_119, %add3A_277 : i32
        %ge3A = arith.constant 8 : i32
        %ge3A_279 = arith.cmpi sge, %add3A_278, %ge3A : i32
        %convert_element_type3A_280 = arith.extui %ge3A_279 : i1 to i32
        %cond3A_281 = arith.constant 0 : i32
        %cond3A_282 = arith.cmpi ne, %convert_element_type3A_280, %cond3A_281 : i32
        scf.if %cond3A_282 {
          %dma_wait3A_291 = arith.constant 0 : i32
          %dma_wait3A_292 = arith.constant 0 : i32
          %dma_wait3A_293 = tpu.memref_slice %arg8[%dma_wait3A_291, %dma_wait3A_292] : memref<80x128xi32, #tpu.memory_space<vmem>> -> memref<1x128xi32, #tpu.memory_space<vmem>>
          %dma_wait3A_294 = tpu.memref_squeeze %dma_wait3A_293 : memref<1x128xi32, #tpu.memory_space<vmem>> -> memref<128xi32, #tpu.memory_space<vmem>>
          %dma_wait3A_295 = arith.constant 0 : i32
          %dma_wait3A_296 = arith.constant 0 : i32
          %dma_wait3A_297 = tpu.memref_slice %arg17[%dma_wait3A_295, %dma_wait3A_296] : memref<10112x32xf32, #tpu.memory_space<vmem_shared>> -> memref<10112x32xf32, #tpu.memory_space<vmem_shared>>
          tpu.wait_indirect_dma semaphore(%arg31 : memref<!tpu.dma_semaphore, #tpu.memory_space<semaphore_mem>>) src(%arg14 : memref<128x32xf32, #tpu.memory_space<vmem>>) dst(%dma_wait3A_297 : memref<10112x32xf32, #tpu.memory_space<vmem_shared>>)
        } else {
        }
        %add3A_283 = arith.constant 4 : i32
        %add3A_284 = arith.addi %add3A_119, %add3A_283 : i32
        %dma_start3A_285 = arith.constant 0 : i32
        %dma_start3A_286 = tpu.memref_slice %arg7[%add3A_284, %dma_start3A_285] : memref<80x128xi32, #tpu.memory_space<vmem>> -> memref<1x128xi32, #tpu.memory_space<vmem>>
        %dma_start3A_287 = tpu.memref_squeeze %dma_start3A_286 : memref<1x128xi32, #tpu.memory_space<vmem>> -> memref<128xi32, #tpu.memory_space<vmem>>
        %dma_start3A_288 = arith.constant 0 : i32
        %dma_start3A_289 = arith.constant 0 : i32
        %dma_start3A_290 = tpu.memref_slice %arg2[%dma_start3A_288, %dma_start3A_289] : memref<10000x32xf32, #tpu.memory_space<hbm>> -> memref<10000x32xf32, #tpu.memory_space<hbm>>
        tpu.enqueue_indirect_dma source(%dma_start3A_290 : memref<10000x32xf32, #tpu.memory_space<hbm>>) target(%arg14 : memref<128x32xf32, #tpu.memory_space<vmem>>) offsets(%dma_start3A_287 : memref<128xi32, #tpu.memory_space<vmem>>) semaphore(%arg23 : memref<!tpu.dma_semaphore, #tpu.memory_space<semaphore_mem>>)
      } else {
      }
      %dma_wait3A_127 = arith.constant 0 : i32
      %dma_wait3A_128 = tpu.memref_slice %arg7[%add3A_119, %dma_wait3A_127] : memref<80x128xi32, #tpu.memory_space<vmem>> -> memref<1x128xi32, #tpu.memory_space<vmem>>
      %dma_wait3A_129 = tpu.memref_squeeze %dma_wait3A_128 : memref<1x128xi32, #tpu.memory_space<vmem>> -> memref<128xi32, #tpu.memory_space<vmem>>
      %dma_wait3A_130 = arith.constant 0 : i32
      %dma_wait3A_131 = arith.constant 0 : i32
      %dma_wait3A_132 = tpu.memref_slice %arg2[%dma_wait3A_130, %dma_wait3A_131] : memref<10000x32xf32, #tpu.memory_space<hbm>> -> memref<10000x32xf32, #tpu.memory_space<hbm>>
      tpu.wait_indirect_dma semaphore(%arg19 : memref<!tpu.dma_semaphore, #tpu.memory_space<semaphore_mem>>) src(%dma_wait3A_132 : memref<10000x32xf32, #tpu.memory_space<hbm>>) dst(%arg10 : memref<128x32xf32, #tpu.memory_space<vmem>>)
      %dma_start3A_133 = arith.constant 0 : i32
      %dma_start3A_134 = tpu.memref_slice %arg8[%add3A_119, %dma_start3A_133] : memref<80x128xi32, #tpu.memory_space<vmem>> -> memref<1x128xi32, #tpu.memory_space<vmem>>
      %dma_start3A_135 = tpu.memref_squeeze %dma_start3A_134 : memref<1x128xi32, #tpu.memory_space<vmem>> -> memref<128xi32, #tpu.memory_space<vmem>>
      %dma_start3A_136 = arith.constant 0 : i32
      %dma_start3A_137 = arith.constant 0 : i32
      %dma_start3A_138 = tpu.memref_slice %arg17[%dma_start3A_136, %dma_start3A_137] : memref<10112x32xf32, #tpu.memory_space<vmem_shared>> -> memref<10112x32xf32, #tpu.memory_space<vmem_shared>>
      tpu.enqueue_indirect_dma source(%arg10 : memref<128x32xf32, #tpu.memory_space<vmem>>) target(%dma_start3A_138 : memref<10112x32xf32, #tpu.memory_space<vmem_shared>>) offsets(%dma_start3A_135 : memref<128xi32, #tpu.memory_space<vmem>>) semaphore(%arg27 : memref<!tpu.dma_semaphore, #tpu.memory_space<semaphore_mem>>) {add = true}
      %mul3A_139 = arith.constant 8 : i32
      %mul3A_140 = arith.muli %scan3A_95, %mul3A_139 : i32
      %add3A_141 = arith.constant 2 : i32
      %add3A_142 = arith.addi %mul3A_140, %add3A_141 : i32
      %add3A_143 = arith.constant 4 : i32
      %add3A_144 = arith.addi %add3A_142, %add3A_143 : i32
      %lt3A_145 = arith.constant 80 : i32
      %lt3A_146 = arith.cmpi slt, %add3A_144, %lt3A_145 : i32
      %convert_element_type3A_147 = arith.extui %lt3A_146 : i1 to i32
      %cond3A_148 = arith.constant 0 : i32
      %cond3A_149 = arith.cmpi ne, %convert_element_type3A_147, %cond3A_148 : i32
      scf.if %cond3A_149 {
        %add3A_277 = arith.constant 4 : i32
        %add3A_278 = arith.addi %add3A_142, %add3A_277 : i32
        %ge3A = arith.constant 8 : i32
        %ge3A_279 = arith.cmpi sge, %add3A_278, %ge3A : i32
        %convert_element_type3A_280 = arith.extui %ge3A_279 : i1 to i32
        %cond3A_281 = arith.constant 0 : i32
        %cond3A_282 = arith.cmpi ne, %convert_element_type3A_280, %cond3A_281 : i32
        scf.if %cond3A_282 {
          %dma_wait3A_291 = arith.constant 0 : i32
          %dma_wait3A_292 = arith.constant 0 : i32
          %dma_wait3A_293 = tpu.memref_slice %arg8[%dma_wait3A_291, %dma_wait3A_292] : memref<80x128xi32, #tpu.memory_space<vmem>> -> memref<1x128xi32, #tpu.memory_space<vmem>>
          %dma_wait3A_294 = tpu.memref_squeeze %dma_wait3A_293 : memref<1x128xi32, #tpu.memory_space<vmem>> -> memref<128xi32, #tpu.memory_space<vmem>>
          %dma_wait3A_295 = arith.constant 0 : i32
          %dma_wait3A_296 = arith.constant 0 : i32
          %dma_wait3A_297 = tpu.memref_slice %arg17[%dma_wait3A_295, %dma_wait3A_296] : memref<10112x32xf32, #tpu.memory_space<vmem_shared>> -> memref<10112x32xf32, #tpu.memory_space<vmem_shared>>
          tpu.wait_indirect_dma semaphore(%arg32 : memref<!tpu.dma_semaphore, #tpu.memory_space<semaphore_mem>>) src(%arg15 : memref<128x32xf32, #tpu.memory_space<vmem>>) dst(%dma_wait3A_297 : memref<10112x32xf32, #tpu.memory_space<vmem_shared>>)
        } else {
        }
        %add3A_283 = arith.constant 4 : i32
        %add3A_284 = arith.addi %add3A_142, %add3A_283 : i32
        %dma_start3A_285 = arith.constant 0 : i32
        %dma_start3A_286 = tpu.memref_slice %arg7[%add3A_284, %dma_start3A_285] : memref<80x128xi32, #tpu.memory_space<vmem>> -> memref<1x128xi32, #tpu.memory_space<vmem>>
        %dma_start3A_287 = tpu.memref_squeeze %dma_start3A_286 : memref<1x128xi32, #tpu.memory_space<vmem>> -> memref<128xi32, #tpu.memory_space<vmem>>
        %dma_start3A_288 = arith.constant 0 : i32
        %dma_start3A_289 = arith.constant 0 : i32
        %dma_start3A_290 = tpu.memref_slice %arg2[%dma_start3A_288, %dma_start3A_289] : memref<10000x32xf32, #tpu.memory_space<hbm>> -> memref<10000x32xf32, #tpu.memory_space<hbm>>
        tpu.enqueue_indirect_dma source(%dma_start3A_290 : memref<10000x32xf32, #tpu.memory_space<hbm>>) target(%arg15 : memref<128x32xf32, #tpu.memory_space<vmem>>) offsets(%dma_start3A_287 : memref<128xi32, #tpu.memory_space<vmem>>) semaphore(%arg24 : memref<!tpu.dma_semaphore, #tpu.memory_space<semaphore_mem>>)
      } else {
      }
      %dma_wait3A_150 = arith.constant 0 : i32
      %dma_wait3A_151 = tpu.memref_slice %arg7[%add3A_142, %dma_wait3A_150] : memref<80x128xi32, #tpu.memory_space<vmem>> -> memref<1x128xi32, #tpu.memory_space<vmem>>
      %dma_wait3A_152 = tpu.memref_squeeze %dma_wait3A_151 : memref<1x128xi32, #tpu.memory_space<vmem>> -> memref<128xi32, #tpu.memory_space<vmem>>
      %dma_wait3A_153 = arith.constant 0 : i32
      %dma_wait3A_154 = arith.constant 0 : i32
      %dma_wait3A_155 = tpu.memref_slice %arg2[%dma_wait3A_153, %dma_wait3A_154] : memref<10000x32xf32, #tpu.memory_space<hbm>> -> memref<10000x32xf32, #tpu.memory_space<hbm>>
      tpu.wait_indirect_dma semaphore(%arg20 : memref<!tpu.dma_semaphore, #tpu.memory_space<semaphore_mem>>) src(%dma_wait3A_155 : memref<10000x32xf32, #tpu.memory_space<hbm>>) dst(%arg11 : memref<128x32xf32, #tpu.memory_space<vmem>>)
      %dma_start3A_156 = arith.constant 0 : i32
      %dma_start3A_157 = tpu.memref_slice %arg8[%add3A_142, %dma_start3A_156] : memref<80x128xi32, #tpu.memory_space<vmem>> -> memref<1x128xi32, #tpu.memory_space<vmem>>
      %dma_start3A_158 = tpu.memref_squeeze %dma_start3A_157 : memref<1x128xi32, #tpu.memory_space<vmem>> -> memref<128xi32, #tpu.memory_space<vmem>>
      %dma_start3A_159 = arith.constant 0 : i32
      %dma_start3A_160 = arith.constant 0 : i32
      %dma_start3A_161 = tpu.memref_slice %arg17[%dma_start3A_159, %dma_start3A_160] : memref<10112x32xf32, #tpu.memory_space<vmem_shared>> -> memref<10112x32xf32, #tpu.memory_space<vmem_shared>>
      tpu.enqueue_indirect_dma source(%arg11 : memref<128x32xf32, #tpu.memory_space<vmem>>) target(%dma_start3A_161 : memref<10112x32xf32, #tpu.memory_space<vmem_shared>>) offsets(%dma_start3A_158 : memref<128xi32, #tpu.memory_space<vmem>>) semaphore(%arg28 : memref<!tpu.dma_semaphore, #tpu.memory_space<semaphore_mem>>) {add = true}
      %mul3A_162 = arith.constant 8 : i32
      %mul3A_163 = arith.muli %scan3A_95, %mul3A_162 : i32
      %add3A_164 = arith.constant 3 : i32
      %add3A_165 = arith.addi %mul3A_163, %add3A_164 : i32
      %add3A_166 = arith.constant 4 : i32
      %add3A_167 = arith.addi %add3A_165, %add3A_166 : i32
      %lt3A_168 = arith.constant 80 : i32
      %lt3A_169 = arith.cmpi slt, %add3A_167, %lt3A_168 : i32
      %convert_element_type3A_170 = arith.extui %lt3A_169 : i1 to i32
      %cond3A_171 = arith.constant 0 : i32
      %cond3A_172 = arith.cmpi ne, %convert_element_type3A_170, %cond3A_171 : i32
      scf.if %cond3A_172 {
        %add3A_277 = arith.constant 4 : i32
        %add3A_278 = arith.addi %add3A_165, %add3A_277 : i32
        %ge3A = arith.constant 8 : i32
        %ge3A_279 = arith.cmpi sge, %add3A_278, %ge3A : i32
        %convert_element_type3A_280 = arith.extui %ge3A_279 : i1 to i32
        %cond3A_281 = arith.constant 0 : i32
        %cond3A_282 = arith.cmpi ne, %convert_element_type3A_280, %cond3A_281 : i32
        scf.if %cond3A_282 {
          %dma_wait3A_291 = arith.constant 0 : i32
          %dma_wait3A_292 = arith.constant 0 : i32
          %dma_wait3A_293 = tpu.memref_slice %arg8[%dma_wait3A_291, %dma_wait3A_292] : memref<80x128xi32, #tpu.memory_space<vmem>> -> memref<1x128xi32, #tpu.memory_space<vmem>>
          %dma_wait3A_294 = tpu.memref_squeeze %dma_wait3A_293 : memref<1x128xi32, #tpu.memory_space<vmem>> -> memref<128xi32, #tpu.memory_space<vmem>>
          %dma_wait3A_295 = arith.constant 0 : i32
          %dma_wait3A_296 = arith.constant 0 : i32
          %dma_wait3A_297 = tpu.memref_slice %arg17[%dma_wait3A_295, %dma_wait3A_296] : memref<10112x32xf32, #tpu.memory_space<vmem_shared>> -> memref<10112x32xf32, #tpu.memory_space<vmem_shared>>
          tpu.wait_indirect_dma semaphore(%arg33 : memref<!tpu.dma_semaphore, #tpu.memory_space<semaphore_mem>>) src(%arg16 : memref<128x32xf32, #tpu.memory_space<vmem>>) dst(%dma_wait3A_297 : memref<10112x32xf32, #tpu.memory_space<vmem_shared>>)
        } else {
        }
        %add3A_283 = arith.constant 4 : i32
        %add3A_284 = arith.addi %add3A_165, %add3A_283 : i32
        %dma_start3A_285 = arith.constant 0 : i32
        %dma_start3A_286 = tpu.memref_slice %arg7[%add3A_284, %dma_start3A_285] : memref<80x128xi32, #tpu.memory_space<vmem>> -> memref<1x128xi32, #tpu.memory_space<vmem>>
        %dma_start3A_287 = tpu.memref_squeeze %dma_start3A_286 : memref<1x128xi32, #tpu.memory_space<vmem>> -> memref<128xi32, #tpu.memory_space<vmem>>
        %dma_start3A_288 = arith.constant 0 : i32
        %dma_start3A_289 = arith.constant 0 : i32
        %dma_start3A_290 = tpu.memref_slice %arg2[%dma_start3A_288, %dma_start3A_289] : memref<10000x32xf32, #tpu.memory_space<hbm>> -> memref<10000x32xf32, #tpu.memory_space<hbm>>
        tpu.enqueue_indirect_dma source(%dma_start3A_290 : memref<10000x32xf32, #tpu.memory_space<hbm>>) target(%arg16 : memref<128x32xf32, #tpu.memory_space<vmem>>) offsets(%dma_start3A_287 : memref<128xi32, #tpu.memory_space<vmem>>) semaphore(%arg25 : memref<!tpu.dma_semaphore, #tpu.memory_space<semaphore_mem>>)
      } else {
      }
      %dma_wait3A_173 = arith.constant 0 : i32
      %dma_wait3A_174 = tpu.memref_slice %arg7[%add3A_165, %dma_wait3A_173] : memref<80x128xi32, #tpu.memory_space<vmem>> -> memref<1x128xi32, #tpu.memory_space<vmem>>
      %dma_wait3A_175 = tpu.memref_squeeze %dma_wait3A_174 : memref<1x128xi32, #tpu.memory_space<vmem>> -> memref<128xi32, #tpu.memory_space<vmem>>
      %dma_wait3A_176 = arith.constant 0 : i32
      %dma_wait3A_177 = arith.constant 0 : i32
      %dma_wait3A_178 = tpu.memref_slice %arg2[%dma_wait3A_176, %dma_wait3A_177] : memref<10000x32xf32, #tpu.memory_space<hbm>> -> memref<10000x32xf32, #tpu.memory_space<hbm>>
      tpu.wait_indirect_dma semaphore(%arg21 : memref<!tpu.dma_semaphore, #tpu.memory_space<semaphore_mem>>) src(%dma_wait3A_178 : memref<10000x32xf32, #tpu.memory_space<hbm>>) dst(%arg12 : memref<128x32xf32, #tpu.memory_space<vmem>>)
      %dma_start3A_179 = arith.constant 0 : i32
      %dma_start3A_180 = tpu.memref_slice %arg8[%add3A_165, %dma_start3A_179] : memref<80x128xi32, #tpu.memory_space<vmem>> -> memref<1x128xi32, #tpu.memory_space<vmem>>
      %dma_start3A_181 = tpu.memref_squeeze %dma_start3A_180 : memref<1x128xi32, #tpu.memory_space<vmem>> -> memref<128xi32, #tpu.memory_space<vmem>>
      %dma_start3A_182 = arith.constant 0 : i32
      %dma_start3A_183 = arith.constant 0 : i32
      %dma_start3A_184 = tpu.memref_slice %arg17[%dma_start3A_182, %dma_start3A_183] : memref<10112x32xf32, #tpu.memory_space<vmem_shared>> -> memref<10112x32xf32, #tpu.memory_space<vmem_shared>>
      tpu.enqueue_indirect_dma source(%arg12 : memref<128x32xf32, #tpu.memory_space<vmem>>) target(%dma_start3A_184 : memref<10112x32xf32, #tpu.memory_space<vmem_shared>>) offsets(%dma_start3A_181 : memref<128xi32, #tpu.memory_space<vmem>>) semaphore(%arg29 : memref<!tpu.dma_semaphore, #tpu.memory_space<semaphore_mem>>) {add = true}
      %mul3A_185 = arith.constant 8 : i32
      %mul3A_186 = arith.muli %scan3A_95, %mul3A_185 : i32
      %add3A_187 = arith.constant 4 : i32
      %add3A_188 = arith.addi %mul3A_186, %add3A_187 : i32
      %add3A_189 = arith.constant 4 : i32
      %add3A_190 = arith.addi %add3A_188, %add3A_189 : i32
      %lt3A_191 = arith.constant 80 : i32
      %lt3A_192 = arith.cmpi slt, %add3A_190, %lt3A_191 : i32
      %convert_element_type3A_193 = arith.extui %lt3A_192 : i1 to i32
      %cond3A_194 = arith.constant 0 : i32
      %cond3A_195 = arith.cmpi ne, %convert_element_type3A_193, %cond3A_194 : i32
      scf.if %cond3A_195 {
        %add3A_277 = arith.constant 4 : i32
        %add3A_278 = arith.addi %add3A_188, %add3A_277 : i32
        %ge3A = arith.constant 8 : i32
        %ge3A_279 = arith.cmpi sge, %add3A_278, %ge3A : i32
        %convert_element_type3A_280 = arith.extui %ge3A_279 : i1 to i32
        %cond3A_281 = arith.constant 0 : i32
        %cond3A_282 = arith.cmpi ne, %convert_element_type3A_280, %cond3A_281 : i32
        scf.if %cond3A_282 {
          %dma_wait3A_291 = arith.constant 0 : i32
          %dma_wait3A_292 = arith.constant 0 : i32
          %dma_wait3A_293 = tpu.memref_slice %arg8[%dma_wait3A_291, %dma_wait3A_292] : memref<80x128xi32, #tpu.memory_space<vmem>> -> memref<1x128xi32, #tpu.memory_space<vmem>>
          %dma_wait3A_294 = tpu.memref_squeeze %dma_wait3A_293 : memref<1x128xi32, #tpu.memory_space<vmem>> -> memref<128xi32, #tpu.memory_space<vmem>>
          %dma_wait3A_295 = arith.constant 0 : i32
          %dma_wait3A_296 = arith.constant 0 : i32
          %dma_wait3A_297 = tpu.memref_slice %arg17[%dma_wait3A_295, %dma_wait3A_296] : memref<10112x32xf32, #tpu.memory_space<vmem_shared>> -> memref<10112x32xf32, #tpu.memory_space<vmem_shared>>
          tpu.wait_indirect_dma semaphore(%arg26 : memref<!tpu.dma_semaphore, #tpu.memory_space<semaphore_mem>>) src(%arg9 : memref<128x32xf32, #tpu.memory_space<vmem>>) dst(%dma_wait3A_297 : memref<10112x32xf32, #tpu.memory_space<vmem_shared>>)
        } else {
        }
        %add3A_283 = arith.constant 4 : i32
        %add3A_284 = arith.addi %add3A_188, %add3A_283 : i32
        %dma_start3A_285 = arith.constant 0 : i32
        %dma_start3A_286 = tpu.memref_slice %arg7[%add3A_284, %dma_start3A_285] : memref<80x128xi32, #tpu.memory_space<vmem>> -> memref<1x128xi32, #tpu.memory_space<vmem>>
        %dma_start3A_287 = tpu.memref_squeeze %dma_start3A_286 : memref<1x128xi32, #tpu.memory_space<vmem>> -> memref<128xi32, #tpu.memory_space<vmem>>
        %dma_start3A_288 = arith.constant 0 : i32
        %dma_start3A_289 = arith.constant 0 : i32
        %dma_start3A_290 = tpu.memref_slice %arg2[%dma_start3A_288, %dma_start3A_289] : memref<10000x32xf32, #tpu.memory_space<hbm>> -> memref<10000x32xf32, #tpu.memory_space<hbm>>
        tpu.enqueue_indirect_dma source(%dma_start3A_290 : memref<10000x32xf32, #tpu.memory_space<hbm>>) target(%arg9 : memref<128x32xf32, #tpu.memory_space<vmem>>) offsets(%dma_start3A_287 : memref<128xi32, #tpu.memory_space<vmem>>) semaphore(%arg18 : memref<!tpu.dma_semaphore, #tpu.memory_space<semaphore_mem>>)
      } else {
      }
      %dma_wait3A_196 = arith.constant 0 : i32
      %dma_wait3A_197 = tpu.memref_slice %arg7[%add3A_188, %dma_wait3A_196] : memref<80x128xi32, #tpu.memory_space<vmem>> -> memref<1x128xi32, #tpu.memory_space<vmem>>
      %dma_wait3A_198 = tpu.memref_squeeze %dma_wait3A_197 : memref<1x128xi32, #tpu.memory_space<vmem>> -> memref<128xi32, #tpu.memory_space<vmem>>
      %dma_wait3A_199 = arith.constant 0 : i32
      %dma_wait3A_200 = arith.constant 0 : i32
      %dma_wait3A_201 = tpu.memref_slice %arg2[%dma_wait3A_199, %dma_wait3A_200] : memref<10000x32xf32, #tpu.memory_space<hbm>> -> memref<10000x32xf32, #tpu.memory_space<hbm>>
      tpu.wait_indirect_dma semaphore(%arg22 : memref<!tpu.dma_semaphore, #tpu.memory_space<semaphore_mem>>) src(%dma_wait3A_201 : memref<10000x32xf32, #tpu.memory_space<hbm>>) dst(%arg13 : memref<128x32xf32, #tpu.memory_space<vmem>>)
      %dma_start3A_202 = arith.constant 0 : i32
      %dma_start3A_203 = tpu.memref_slice %arg8[%add3A_188, %dma_start3A_202] : memref<80x128xi32, #tpu.memory_space<vmem>> -> memref<1x128xi32, #tpu.memory_space<vmem>>
      %dma_start3A_204 = tpu.memref_squeeze %dma_start3A_203 : memref<1x128xi32, #tpu.memory_space<vmem>> -> memref<128xi32, #tpu.memory_space<vmem>>
      %dma_start3A_205 = arith.constant 0 : i32
      %dma_start3A_206 = arith.constant 0 : i32
      %dma_start3A_207 = tpu.memref_slice %arg17[%dma_start3A_205, %dma_start3A_206] : memref<10112x32xf32, #tpu.memory_space<vmem_shared>> -> memref<10112x32xf32, #tpu.memory_space<vmem_shared>>
      tpu.enqueue_indirect_dma source(%arg13 : memref<128x32xf32, #tpu.memory_space<vmem>>) target(%dma_start3A_207 : memref<10112x32xf32, #tpu.memory_space<vmem_shared>>) offsets(%dma_start3A_204 : memref<128xi32, #tpu.memory_space<vmem>>) semaphore(%arg30 : memref<!tpu.dma_semaphore, #tpu.memory_space<semaphore_mem>>) {add = true}
      %mul3A_208 = arith.constant 8 : i32
      %mul3A_209 = arith.muli %scan3A_95, %mul3A_208 : i32
      %add3A_210 = arith.constant 5 : i32
      %add3A_211 = arith.addi %mul3A_209, %add3A_210 : i32
      %add3A_212 = arith.constant 4 : i32
      %add3A_213 = arith.addi %add3A_211, %add3A_212 : i32
      %lt3A_214 = arith.constant 80 : i32
      %lt3A_215 = arith.cmpi slt, %add3A_213, %lt3A_214 : i32
      %convert_element_type3A_216 = arith.extui %lt3A_215 : i1 to i32
      %cond3A_217 = arith.constant 0 : i32
      %cond3A_218 = arith.cmpi ne, %convert_element_type3A_216, %cond3A_217 : i32
      scf.if %cond3A_218 {
        %add3A_277 = arith.constant 4 : i32
        %add3A_278 = arith.addi %add3A_211, %add3A_277 : i32
        %ge3A = arith.constant 8 : i32
        %ge3A_279 = arith.cmpi sge, %add3A_278, %ge3A : i32
        %convert_element_type3A_280 = arith.extui %ge3A_279 : i1 to i32
        %cond3A_281 = arith.constant 0 : i32
        %cond3A_282 = arith.cmpi ne, %convert_element_type3A_280, %cond3A_281 : i32
        scf.if %cond3A_282 {
          %dma_wait3A_291 = arith.constant 0 : i32
          %dma_wait3A_292 = arith.constant 0 : i32
          %dma_wait3A_293 = tpu.memref_slice %arg8[%dma_wait3A_291, %dma_wait3A_292] : memref<80x128xi32, #tpu.memory_space<vmem>> -> memref<1x128xi32, #tpu.memory_space<vmem>>
          %dma_wait3A_294 = tpu.memref_squeeze %dma_wait3A_293 : memref<1x128xi32, #tpu.memory_space<vmem>> -> memref<128xi32, #tpu.memory_space<vmem>>
          %dma_wait3A_295 = arith.constant 0 : i32
          %dma_wait3A_296 = arith.constant 0 : i32
          %dma_wait3A_297 = tpu.memref_slice %arg17[%dma_wait3A_295, %dma_wait3A_296] : memref<10112x32xf32, #tpu.memory_space<vmem_shared>> -> memref<10112x32xf32, #tpu.memory_space<vmem_shared>>
          tpu.wait_indirect_dma semaphore(%arg27 : memref<!tpu.dma_semaphore, #tpu.memory_space<semaphore_mem>>) src(%arg10 : memref<128x32xf32, #tpu.memory_space<vmem>>) dst(%dma_wait3A_297 : memref<10112x32xf32, #tpu.memory_space<vmem_shared>>)
        } else {
        }
        %add3A_283 = arith.constant 4 : i32
        %add3A_284 = arith.addi %add3A_211, %add3A_283 : i32
        %dma_start3A_285 = arith.constant 0 : i32
        %dma_start3A_286 = tpu.memref_slice %arg7[%add3A_284, %dma_start3A_285] : memref<80x128xi32, #tpu.memory_space<vmem>> -> memref<1x128xi32, #tpu.memory_space<vmem>>
        %dma_start3A_287 = tpu.memref_squeeze %dma_start3A_286 : memref<1x128xi32, #tpu.memory_space<vmem>> -> memref<128xi32, #tpu.memory_space<vmem>>
        %dma_start3A_288 = arith.constant 0 : i32
        %dma_start3A_289 = arith.constant 0 : i32
        %dma_start3A_290 = tpu.memref_slice %arg2[%dma_start3A_288, %dma_start3A_289] : memref<10000x32xf32, #tpu.memory_space<hbm>> -> memref<10000x32xf32, #tpu.memory_space<hbm>>
        tpu.enqueue_indirect_dma source(%dma_start3A_290 : memref<10000x32xf32, #tpu.memory_space<hbm>>) target(%arg10 : memref<128x32xf32, #tpu.memory_space<vmem>>) offsets(%dma_start3A_287 : memref<128xi32, #tpu.memory_space<vmem>>) semaphore(%arg19 : memref<!tpu.dma_semaphore, #tpu.memory_space<semaphore_mem>>)
      } else {
      }
      %dma_wait3A_219 = arith.constant 0 : i32
      %dma_wait3A_220 = tpu.memref_slice %arg7[%add3A_211, %dma_wait3A_219] : memref<80x128xi32, #tpu.memory_space<vmem>> -> memref<1x128xi32, #tpu.memory_space<vmem>>
      %dma_wait3A_221 = tpu.memref_squeeze %dma_wait3A_220 : memref<1x128xi32, #tpu.memory_space<vmem>> -> memref<128xi32, #tpu.memory_space<vmem>>
      %dma_wait3A_222 = arith.constant 0 : i32
      %dma_wait3A_223 = arith.constant 0 : i32
      %dma_wait3A_224 = tpu.memref_slice %arg2[%dma_wait3A_222, %dma_wait3A_223] : memref<10000x32xf32, #tpu.memory_space<hbm>> -> memref<10000x32xf32, #tpu.memory_space<hbm>>
      tpu.wait_indirect_dma semaphore(%arg23 : memref<!tpu.dma_semaphore, #tpu.memory_space<semaphore_mem>>) src(%dma_wait3A_224 : memref<10000x32xf32, #tpu.memory_space<hbm>>) dst(%arg14 : memref<128x32xf32, #tpu.memory_space<vmem>>)
      %dma_start3A_225 = arith.constant 0 : i32
      %dma_start3A_226 = tpu.memref_slice %arg8[%add3A_211, %dma_start3A_225] : memref<80x128xi32, #tpu.memory_space<vmem>> -> memref<1x128xi32, #tpu.memory_space<vmem>>
      %dma_start3A_227 = tpu.memref_squeeze %dma_start3A_226 : memref<1x128xi32, #tpu.memory_space<vmem>> -> memref<128xi32, #tpu.memory_space<vmem>>
      %dma_start3A_228 = arith.constant 0 : i32
      %dma_start3A_229 = arith.constant 0 : i32
      %dma_start3A_230 = tpu.memref_slice %arg17[%dma_start3A_228, %dma_start3A_229] : memref<10112x32xf32, #tpu.memory_space<vmem_shared>> -> memref<10112x32xf32, #tpu.memory_space<vmem_shared>>
      tpu.enqueue_indirect_dma source(%arg14 : memref<128x32xf32, #tpu.memory_space<vmem>>) target(%dma_start3A_230 : memref<10112x32xf32, #tpu.memory_space<vmem_shared>>) offsets(%dma_start3A_227 : memref<128xi32, #tpu.memory_space<vmem>>) semaphore(%arg31 : memref<!tpu.dma_semaphore, #tpu.memory_space<semaphore_mem>>) {add = true}
      %mul3A_231 = arith.constant 8 : i32
      %mul3A_232 = arith.muli %scan3A_95, %mul3A_231 : i32
      %add3A_233 = arith.constant 6 : i32
      %add3A_234 = arith.addi %mul3A_232, %add3A_233 : i32
      %add3A_235 = arith.constant 4 : i32
      %add3A_236 = arith.addi %add3A_234, %add3A_235 : i32
      %lt3A_237 = arith.constant 80 : i32
      %lt3A_238 = arith.cmpi slt, %add3A_236, %lt3A_237 : i32
      %convert_element_type3A_239 = arith.extui %lt3A_238 : i1 to i32
      %cond3A_240 = arith.constant 0 : i32
      %cond3A_241 = arith.cmpi ne, %convert_element_type3A_239, %cond3A_240 : i32
      scf.if %cond3A_241 {
        %add3A_277 = arith.constant 4 : i32
        %add3A_278 = arith.addi %add3A_234, %add3A_277 : i32
        %ge3A = arith.constant 8 : i32
        %ge3A_279 = arith.cmpi sge, %add3A_278, %ge3A : i32
        %convert_element_type3A_280 = arith.extui %ge3A_279 : i1 to i32
        %cond3A_281 = arith.constant 0 : i32
        %cond3A_282 = arith.cmpi ne, %convert_element_type3A_280, %cond3A_281 : i32
        scf.if %cond3A_282 {
          %dma_wait3A_291 = arith.constant 0 : i32
          %dma_wait3A_292 = arith.constant 0 : i32
          %dma_wait3A_293 = tpu.memref_slice %arg8[%dma_wait3A_291, %dma_wait3A_292] : memref<80x128xi32, #tpu.memory_space<vmem>> -> memref<1x128xi32, #tpu.memory_space<vmem>>
          %dma_wait3A_294 = tpu.memref_squeeze %dma_wait3A_293 : memref<1x128xi32, #tpu.memory_space<vmem>> -> memref<128xi32, #tpu.memory_space<vmem>>
          %dma_wait3A_295 = arith.constant 0 : i32
          %dma_wait3A_296 = arith.constant 0 : i32
          %dma_wait3A_297 = tpu.memref_slice %arg17[%dma_wait3A_295, %dma_wait3A_296] : memref<10112x32xf32, #tpu.memory_space<vmem_shared>> -> memref<10112x32xf32, #tpu.memory_space<vmem_shared>>
          tpu.wait_indirect_dma semaphore(%arg28 : memref<!tpu.dma_semaphore, #tpu.memory_space<semaphore_mem>>) src(%arg11 : memref<128x32xf32, #tpu.memory_space<vmem>>) dst(%dma_wait3A_297 : memref<10112x32xf32, #tpu.memory_space<vmem_shared>>)
        } else {
        }
        %add3A_283 = arith.constant 4 : i32
        %add3A_284 = arith.addi %add3A_234, %add3A_283 : i32
        %dma_start3A_285 = arith.constant 0 : i32
        %dma_start3A_286 = tpu.memref_slice %arg7[%add3A_284, %dma_start3A_285] : memref<80x128xi32, #tpu.memory_space<vmem>> -> memref<1x128xi32, #tpu.memory_space<vmem>>
        %dma_start3A_287 = tpu.memref_squeeze %dma_start3A_286 : memref<1x128xi32, #tpu.memory_space<vmem>> -> memref<128xi32, #tpu.memory_space<vmem>>
        %dma_start3A_288 = arith.constant 0 : i32
        %dma_start3A_289 = arith.constant 0 : i32
        %dma_start3A_290 = tpu.memref_slice %arg2[%dma_start3A_288, %dma_start3A_289] : memref<10000x32xf32, #tpu.memory_space<hbm>> -> memref<10000x32xf32, #tpu.memory_space<hbm>>
        tpu.enqueue_indirect_dma source(%dma_start3A_290 : memref<10000x32xf32, #tpu.memory_space<hbm>>) target(%arg11 : memref<128x32xf32, #tpu.memory_space<vmem>>) offsets(%dma_start3A_287 : memref<128xi32, #tpu.memory_space<vmem>>) semaphore(%arg20 : memref<!tpu.dma_semaphore, #tpu.memory_space<semaphore_mem>>)
      } else {
      }
      %dma_wait3A_242 = arith.constant 0 : i32
      %dma_wait3A_243 = tpu.memref_slice %arg7[%add3A_234, %dma_wait3A_242] : memref<80x128xi32, #tpu.memory_space<vmem>> -> memref<1x128xi32, #tpu.memory_space<vmem>>
      %dma_wait3A_244 = tpu.memref_squeeze %dma_wait3A_243 : memref<1x128xi32, #tpu.memory_space<vmem>> -> memref<128xi32, #tpu.memory_space<vmem>>
      %dma_wait3A_245 = arith.constant 0 : i32
      %dma_wait3A_246 = arith.constant 0 : i32
      %dma_wait3A_247 = tpu.memref_slice %arg2[%dma_wait3A_245, %dma_wait3A_246] : memref<10000x32xf32, #tpu.memory_space<hbm>> -> memref<10000x32xf32, #tpu.memory_space<hbm>>
      tpu.wait_indirect_dma semaphore(%arg24 : memref<!tpu.dma_semaphore, #tpu.memory_space<semaphore_mem>>) src(%dma_wait3A_247 : memref<10000x32xf32, #tpu.memory_space<hbm>>) dst(%arg15 : memref<128x32xf32, #tpu.memory_space<vmem>>)
      %dma_start3A_248 = arith.constant 0 : i32
      %dma_start3A_249 = tpu.memref_slice %arg8[%add3A_234, %dma_start3A_248] : memref<80x128xi32, #tpu.memory_space<vmem>> -> memref<1x128xi32, #tpu.memory_space<vmem>>
      %dma_start3A_250 = tpu.memref_squeeze %dma_start3A_249 : memref<1x128xi32, #tpu.memory_space<vmem>> -> memref<128xi32, #tpu.memory_space<vmem>>
      %dma_start3A_251 = arith.constant 0 : i32
      %dma_start3A_252 = arith.constant 0 : i32
      %dma_start3A_253 = tpu.memref_slice %arg17[%dma_start3A_251, %dma_start3A_252] : memref<10112x32xf32, #tpu.memory_space<vmem_shared>> -> memref<10112x32xf32, #tpu.memory_space<vmem_shared>>
      tpu.enqueue_indirect_dma source(%arg15 : memref<128x32xf32, #tpu.memory_space<vmem>>) target(%dma_start3A_253 : memref<10112x32xf32, #tpu.memory_space<vmem_shared>>) offsets(%dma_start3A_250 : memref<128xi32, #tpu.memory_space<vmem>>) semaphore(%arg32 : memref<!tpu.dma_semaphore, #tpu.memory_space<semaphore_mem>>) {add = true}
      %mul3A_254 = arith.constant 8 : i32
      %mul3A_255 = arith.muli %scan3A_95, %mul3A_254 : i32
      %add3A_256 = arith.constant 7 : i32
      %add3A_257 = arith.addi %mul3A_255, %add3A_256 : i32
      %add3A_258 = arith.constant 4 : i32
      %add3A_259 = arith.addi %add3A_257, %add3A_258 : i32
      %lt3A_260 = arith.constant 80 : i32
      %lt3A_261 = arith.cmpi slt, %add3A_259, %lt3A_260 : i32
      %convert_element_type3A_262 = arith.extui %lt3A_261 : i1 to i32
      %cond3A_263 = arith.constant 0 : i32
      %cond3A_264 = arith.cmpi ne, %convert_element_type3A_262, %cond3A_263 : i32
      scf.if %cond3A_264 {
        %add3A_277 = arith.constant 4 : i32
        %add3A_278 = arith.addi %add3A_257, %add3A_277 : i32
        %ge3A = arith.constant 8 : i32
        %ge3A_279 = arith.cmpi sge, %add3A_278, %ge3A : i32
        %convert_element_type3A_280 = arith.extui %ge3A_279 : i1 to i32
        %cond3A_281 = arith.constant 0 : i32
        %cond3A_282 = arith.cmpi ne, %convert_element_type3A_280, %cond3A_281 : i32
        scf.if %cond3A_282 {
          %dma_wait3A_291 = arith.constant 0 : i32
          %dma_wait3A_292 = arith.constant 0 : i32
          %dma_wait3A_293 = tpu.memref_slice %arg8[%dma_wait3A_291, %dma_wait3A_292] : memref<80x128xi32, #tpu.memory_space<vmem>> -> memref<1x128xi32, #tpu.memory_space<vmem>>
          %dma_wait3A_294 = tpu.memref_squeeze %dma_wait3A_293 : memref<1x128xi32, #tpu.memory_space<vmem>> -> memref<128xi32, #tpu.memory_space<vmem>>
          %dma_wait3A_295 = arith.constant 0 : i32
          %dma_wait3A_296 = arith.constant 0 : i32
          %dma_wait3A_297 = tpu.memref_slice %arg17[%dma_wait3A_295, %dma_wait3A_296] : memref<10112x32xf32, #tpu.memory_space<vmem_shared>> -> memref<10112x32xf32, #tpu.memory_space<vmem_shared>>
          tpu.wait_indirect_dma semaphore(%arg29 : memref<!tpu.dma_semaphore, #tpu.memory_space<semaphore_mem>>) src(%arg12 : memref<128x32xf32, #tpu.memory_space<vmem>>) dst(%dma_wait3A_297 : memref<10112x32xf32, #tpu.memory_space<vmem_shared>>)
        } else {
        }
        %add3A_283 = arith.constant 4 : i32
        %add3A_284 = arith.addi %add3A_257, %add3A_283 : i32
        %dma_start3A_285 = arith.constant 0 : i32
        %dma_start3A_286 = tpu.memref_slice %arg7[%add3A_284, %dma_start3A_285] : memref<80x128xi32, #tpu.memory_space<vmem>> -> memref<1x128xi32, #tpu.memory_space<vmem>>
        %dma_start3A_287 = tpu.memref_squeeze %dma_start3A_286 : memref<1x128xi32, #tpu.memory_space<vmem>> -> memref<128xi32, #tpu.memory_space<vmem>>
        %dma_start3A_288 = arith.constant 0 : i32
        %dma_start3A_289 = arith.constant 0 : i32
        %dma_start3A_290 = tpu.memref_slice %arg2[%dma_start3A_288, %dma_start3A_289] : memref<10000x32xf32, #tpu.memory_space<hbm>> -> memref<10000x32xf32, #tpu.memory_space<hbm>>
        tpu.enqueue_indirect_dma source(%dma_start3A_290 : memref<10000x32xf32, #tpu.memory_space<hbm>>) target(%arg12 : memref<128x32xf32, #tpu.memory_space<vmem>>) offsets(%dma_start3A_287 : memref<128xi32, #tpu.memory_space<vmem>>) semaphore(%arg21 : memref<!tpu.dma_semaphore, #tpu.memory_space<semaphore_mem>>)
      } else {
      }
      %dma_wait3A_265 = arith.constant 0 : i32
      %dma_wait3A_266 = tpu.memref_slice %arg7[%add3A_257, %dma_wait3A_265] : memref<80x128xi32, #tpu.memory_space<vmem>> -> memref<1x128xi32, #tpu.memory_space<vmem>>
      %dma_wait3A_267 = tpu.memref_squeeze %dma_wait3A_266 : memref<1x128xi32, #tpu.memory_space<vmem>> -> memref<128xi32, #tpu.memory_space<vmem>>
      %dma_wait3A_268 = arith.constant 0 : i32
      %dma_wait3A_269 = arith.constant 0 : i32
      %dma_wait3A_270 = tpu.memref_slice %arg2[%dma_wait3A_268, %dma_wait3A_269] : memref<10000x32xf32, #tpu.memory_space<hbm>> -> memref<10000x32xf32, #tpu.memory_space<hbm>>
      tpu.wait_indirect_dma semaphore(%arg25 : memref<!tpu.dma_semaphore, #tpu.memory_space<semaphore_mem>>) src(%dma_wait3A_270 : memref<10000x32xf32, #tpu.memory_space<hbm>>) dst(%arg16 : memref<128x32xf32, #tpu.memory_space<vmem>>)
      %dma_start3A_271 = arith.constant 0 : i32
      %dma_start3A_272 = tpu.memref_slice %arg8[%add3A_257, %dma_start3A_271] : memref<80x128xi32, #tpu.memory_space<vmem>> -> memref<1x128xi32, #tpu.memory_space<vmem>>
      %dma_start3A_273 = tpu.memref_squeeze %dma_start3A_272 : memref<1x128xi32, #tpu.memory_space<vmem>> -> memref<128xi32, #tpu.memory_space<vmem>>
      %dma_start3A_274 = arith.constant 0 : i32
      %dma_start3A_275 = arith.constant 0 : i32
      %dma_start3A_276 = tpu.memref_slice %arg17[%dma_start3A_274, %dma_start3A_275] : memref<10112x32xf32, #tpu.memory_space<vmem_shared>> -> memref<10112x32xf32, #tpu.memory_space<vmem_shared>>
      tpu.enqueue_indirect_dma source(%arg16 : memref<128x32xf32, #tpu.memory_space<vmem>>) target(%dma_start3A_276 : memref<10112x32xf32, #tpu.memory_space<vmem_shared>>) offsets(%dma_start3A_273 : memref<128xi32, #tpu.memory_space<vmem>>) semaphore(%arg33 : memref<!tpu.dma_semaphore, #tpu.memory_space<semaphore_mem>>) {add = true}
    }
    %scan3A_34 = arith.constant 10 : i32
    %dma_wait3A = arith.constant 0 : i32
    %dma_wait3A_35 = arith.constant 0 : i32
    %dma_wait3A_36 = tpu.memref_slice %arg8[%dma_wait3A, %dma_wait3A_35] : memref<80x128xi32, #tpu.memory_space<vmem>> -> memref<1x128xi32, #tpu.memory_space<vmem>>
    %dma_wait3A_37 = tpu.memref_squeeze %dma_wait3A_36 : memref<1x128xi32, #tpu.memory_space<vmem>> -> memref<128xi32, #tpu.memory_space<vmem>>
    %dma_wait3A_38 = arith.constant 0 : i32
    %dma_wait3A_39 = arith.constant 0 : i32
    %dma_wait3A_40 = tpu.memref_slice %arg17[%dma_wait3A_38, %dma_wait3A_39] : memref<10112x32xf32, #tpu.memory_space<vmem_shared>> -> memref<10112x32xf32, #tpu.memory_space<vmem_shared>>
    tpu.wait_indirect_dma semaphore(%arg26 : memref<!tpu.dma_semaphore, #tpu.memory_space<semaphore_mem>>) src(%arg9 : memref<128x32xf32, #tpu.memory_space<vmem>>) dst(%dma_wait3A_40 : memref<10112x32xf32, #tpu.memory_space<vmem_shared>>)
    %dma_wait3A_41 = arith.constant 0 : i32
    %dma_wait3A_42 = arith.constant 0 : i32
    %dma_wait3A_43 = tpu.memref_slice %arg8[%dma_wait3A_41, %dma_wait3A_42] : memref<80x128xi32, #tpu.memory_space<vmem>> -> memref<1x128xi32, #tpu.memory_space<vmem>>
    %dma_wait3A_44 = tpu.memref_squeeze %dma_wait3A_43 : memref<1x128xi32, #tpu.memory_space<vmem>> -> memref<128xi32, #tpu.memory_space<vmem>>
    %dma_wait3A_45 = arith.constant 0 : i32
    %dma_wait3A_46 = arith.constant 0 : i32
    %dma_wait3A_47 = tpu.memref_slice %arg17[%dma_wait3A_45, %dma_wait3A_46] : memref<10112x32xf32, #tpu.memory_space<vmem_shared>> -> memref<10112x32xf32, #tpu.memory_space<vmem_shared>>
    tpu.wait_indirect_dma semaphore(%arg27 : memref<!tpu.dma_semaphore, #tpu.memory_space<semaphore_mem>>) src(%arg10 : memref<128x32xf32, #tpu.memory_space<vmem>>) dst(%dma_wait3A_47 : memref<10112x32xf32, #tpu.memory_space<vmem_shared>>)
    %dma_wait3A_48 = arith.constant 0 : i32
    %dma_wait3A_49 = arith.constant 0 : i32
    %dma_wait3A_50 = tpu.memref_slice %arg8[%dma_wait3A_48, %dma_wait3A_49] : memref<80x128xi32, #tpu.memory_space<vmem>> -> memref<1x128xi32, #tpu.memory_space<vmem>>
    %dma_wait3A_51 = tpu.memref_squeeze %dma_wait3A_50 : memref<1x128xi32, #tpu.memory_space<vmem>> -> memref<128xi32, #tpu.memory_space<vmem>>
    %dma_wait3A_52 = arith.constant 0 : i32
    %dma_wait3A_53 = arith.constant 0 : i32
    %dma_wait3A_54 = tpu.memref_slice %arg17[%dma_wait3A_52, %dma_wait3A_53] : memref<10112x32xf32, #tpu.memory_space<vmem_shared>> -> memref<10112x32xf32, #tpu.memory_space<vmem_shared>>
    tpu.wait_indirect_dma semaphore(%arg28 : memref<!tpu.dma_semaphore, #tpu.memory_space<semaphore_mem>>) src(%arg11 : memref<128x32xf32, #tpu.memory_space<vmem>>) dst(%dma_wait3A_54 : memref<10112x32xf32, #tpu.memory_space<vmem_shared>>)
    %dma_wait3A_55 = arith.constant 0 : i32
    %dma_wait3A_56 = arith.constant 0 : i32
    %dma_wait3A_57 = tpu.memref_slice %arg8[%dma_wait3A_55, %dma_wait3A_56] : memref<80x128xi32, #tpu.memory_space<vmem>> -> memref<1x128xi32, #tpu.memory_space<vmem>>
    %dma_wait3A_58 = tpu.memref_squeeze %dma_wait3A_57 : memref<1x128xi32, #tpu.memory_space<vmem>> -> memref<128xi32, #tpu.memory_space<vmem>>
    %dma_wait3A_59 = arith.constant 0 : i32
    %dma_wait3A_60 = arith.constant 0 : i32
    %dma_wait3A_61 = tpu.memref_slice %arg17[%dma_wait3A_59, %dma_wait3A_60] : memref<10112x32xf32, #tpu.memory_space<vmem_shared>> -> memref<10112x32xf32, #tpu.memory_space<vmem_shared>>
    tpu.wait_indirect_dma semaphore(%arg29 : memref<!tpu.dma_semaphore, #tpu.memory_space<semaphore_mem>>) src(%arg12 : memref<128x32xf32, #tpu.memory_space<vmem>>) dst(%dma_wait3A_61 : memref<10112x32xf32, #tpu.memory_space<vmem_shared>>)
    %dma_wait3A_62 = arith.constant 0 : i32
    %dma_wait3A_63 = arith.constant 0 : i32
    %dma_wait3A_64 = tpu.memref_slice %arg8[%dma_wait3A_62, %dma_wait3A_63] : memref<80x128xi32, #tpu.memory_space<vmem>> -> memref<1x128xi32, #tpu.memory_space<vmem>>
    %dma_wait3A_65 = tpu.memref_squeeze %dma_wait3A_64 : memref<1x128xi32, #tpu.memory_space<vmem>> -> memref<128xi32, #tpu.memory_space<vmem>>
    %dma_wait3A_66 = arith.constant 0 : i32
    %dma_wait3A_67 = arith.constant 0 : i32
    %dma_wait3A_68 = tpu.memref_slice %arg17[%dma_wait3A_66, %dma_wait3A_67] : memref<10112x32xf32, #tpu.memory_space<vmem_shared>> -> memref<10112x32xf32, #tpu.memory_space<vmem_shared>>
    tpu.wait_indirect_dma semaphore(%arg30 : memref<!tpu.dma_semaphore, #tpu.memory_space<semaphore_mem>>) src(%arg13 : memref<128x32xf32, #tpu.memory_space<vmem>>) dst(%dma_wait3A_68 : memref<10112x32xf32, #tpu.memory_space<vmem_shared>>)
    %dma_wait3A_69 = arith.constant 0 : i32
    %dma_wait3A_70 = arith.constant 0 : i32
    %dma_wait3A_71 = tpu.memref_slice %arg8[%dma_wait3A_69, %dma_wait3A_70] : memref<80x128xi32, #tpu.memory_space<vmem>> -> memref<1x128xi32, #tpu.memory_space<vmem>>
    %dma_wait3A_72 = tpu.memref_squeeze %dma_wait3A_71 : memref<1x128xi32, #tpu.memory_space<vmem>> -> memref<128xi32, #tpu.memory_space<vmem>>
    %dma_wait3A_73 = arith.constant 0 : i32
    %dma_wait3A_74 = arith.constant 0 : i32
    %dma_wait3A_75 = tpu.memref_slice %arg17[%dma_wait3A_73, %dma_wait3A_74] : memref<10112x32xf32, #tpu.memory_space<vmem_shared>> -> memref<10112x32xf32, #tpu.memory_space<vmem_shared>>
    tpu.wait_indirect_dma semaphore(%arg31 : memref<!tpu.dma_semaphore, #tpu.memory_space<semaphore_mem>>) src(%arg14 : memref<128x32xf32, #tpu.memory_space<vmem>>) dst(%dma_wait3A_75 : memref<10112x32xf32, #tpu.memory_space<vmem_shared>>)
    %dma_wait3A_76 = arith.constant 0 : i32
    %dma_wait3A_77 = arith.constant 0 : i32
    %dma_wait3A_78 = tpu.memref_slice %arg8[%dma_wait3A_76, %dma_wait3A_77] : memref<80x128xi32, #tpu.memory_space<vmem>> -> memref<1x128xi32, #tpu.memory_space<vmem>>
    %dma_wait3A_79 = tpu.memref_squeeze %dma_wait3A_78 : memref<1x128xi32, #tpu.memory_space<vmem>> -> memref<128xi32, #tpu.memory_space<vmem>>
    %dma_wait3A_80 = arith.constant 0 : i32
    %dma_wait3A_81 = arith.constant 0 : i32
    %dma_wait3A_82 = tpu.memref_slice %arg17[%dma_wait3A_80, %dma_wait3A_81] : memref<10112x32xf32, #tpu.memory_space<vmem_shared>> -> memref<10112x32xf32, #tpu.memory_space<vmem_shared>>
    tpu.wait_indirect_dma semaphore(%arg32 : memref<!tpu.dma_semaphore, #tpu.memory_space<semaphore_mem>>) src(%arg15 : memref<128x32xf32, #tpu.memory_space<vmem>>) dst(%dma_wait3A_82 : memref<10112x32xf32, #tpu.memory_space<vmem_shared>>)
    %dma_wait3A_83 = arith.constant 0 : i32
    %dma_wait3A_84 = arith.constant 0 : i32
    %dma_wait3A_85 = tpu.memref_slice %arg8[%dma_wait3A_83, %dma_wait3A_84] : memref<80x128xi32, #tpu.memory_space<vmem>> -> memref<1x128xi32, #tpu.memory_space<vmem>>
    %dma_wait3A_86 = tpu.memref_squeeze %dma_wait3A_85 : memref<1x128xi32, #tpu.memory_space<vmem>> -> memref<128xi32, #tpu.memory_space<vmem>>
    %dma_wait3A_87 = arith.constant 0 : i32
    %dma_wait3A_88 = arith.constant 0 : i32
    %dma_wait3A_89 = tpu.memref_slice %arg17[%dma_wait3A_87, %dma_wait3A_88] : memref<10112x32xf32, #tpu.memory_space<vmem_shared>> -> memref<10112x32xf32, #tpu.memory_space<vmem_shared>>
    tpu.wait_indirect_dma semaphore(%arg33 : memref<!tpu.dma_semaphore, #tpu.memory_space<semaphore_mem>>) src(%arg16 : memref<128x32xf32, #tpu.memory_space<vmem>>) dst(%dma_wait3A_89 : memref<10112x32xf32, #tpu.memory_space<vmem_shared>>)
    %barrier3A_90 = arith.constant 0 : index
    tpu.barrier barrier_id(%barrier3A_90)
    %mul3A_91 = arith.constant 632 : i32
    %mul3A_92 = arith.muli %arg1, %mul3A_91 : i32
    %mul3A_93 = arith.constant 632 : i32
    %mul3A_94 = arith.muli %arg1, %mul3A_93 : i32
    "tpu.region"() ({
      %run_scoped3A = tpu.sem_alloc : memref<!tpu.dma_semaphore, #tpu.memory_space<semaphore_mem>>
      %dma_start3A_95 = arith.constant 0 : i32
      %dma_start3A_96 = tpu.memref_slice %arg6[%arg0, %mul3A_94, %dma_start3A_95] : memref<2x10112x32xf32, #tpu.memory_space<hbm>> -> memref<1x632x32xf32, #tpu.memory_space<hbm>>
      %dma_start3A_97 = tpu.memref_squeeze %dma_start3A_96 : memref<1x632x32xf32, #tpu.memory_space<hbm>> -> memref<632x32xf32, #tpu.memory_space<hbm>>
      %dma_start3A_98 = arith.constant 0 : i32
      %dma_start3A_99 = tpu.memref_slice %arg17[%mul3A_92, %dma_start3A_98] : memref<10112x32xf32, #tpu.memory_space<vmem_shared>> -> memref<632x32xf32, #tpu.memory_space<vmem_shared>>
      tpu.enqueue_dma source(%dma_start3A_99 : memref<632x32xf32, #tpu.memory_space<vmem_shared>>) target(%dma_start3A_97 : memref<632x32xf32, #tpu.memory_space<hbm>>) target_semaphore(%run_scoped3A : memref<!tpu.dma_semaphore, #tpu.memory_space<semaphore_mem>>)
      %dma_wait3A_100 = arith.constant 0 : i32
      %dma_wait3A_101 = tpu.memref_slice %arg6[%arg0, %mul3A_94, %dma_wait3A_100] : memref<2x10112x32xf32, #tpu.memory_space<hbm>> -> memref<1x632x32xf32, #tpu.memory_space<hbm>>
      %dma_wait3A_102 = tpu.memref_squeeze %dma_wait3A_101 : memref<1x632x32xf32, #tpu.memory_space<hbm>> -> memref<632x32xf32, #tpu.memory_space<hbm>>
      %dma_wait3A_103 = arith.constant 0 : i32
      %dma_wait3A_104 = tpu.memref_slice %arg17[%mul3A_92, %dma_wait3A_103] : memref<10112x32xf32, #tpu.memory_space<vmem_shared>> -> memref<632x32xf32, #tpu.memory_space<vmem_shared>>
      tpu.wait_dma2 semaphore(%run_scoped3A : memref<!tpu.dma_semaphore, #tpu.memory_space<semaphore_mem>>) src(%dma_wait3A_104 : memref<632x32xf32, #tpu.memory_space<vmem_shared>>) dst(%dma_wait3A_102 : memref<632x32xf32, #tpu.memory_space<hbm>>)
      tpu.yield
    }) : () -> ()
    return
  }
}

#map = affine_map<(d0, d1) -> (0, 0, 0)>
#map1 = affine_map<(d0, d1) -> (0, 0)>
module attributes {stable_mosaic.version = 14 : i64} {
  func.func @_sc_degree(%arg0: i32, %arg1: i32, %arg2: memref<32x80x128xi32, #tpu.memory_space<hbm>>, %arg3: memref<128x16xf32, #tpu.memory_space<hbm>>, %arg4: memref<632x16xf32, #tpu.memory_space<hbm>>, %arg5: memref<2x10112x16xf32, #tpu.memory_space<hbm>>, %arg6: memref<80x128xi32, #tpu.memory_space<vmem>>, %arg7: memref<128x16xf32, #tpu.memory_space<vmem>>, %arg8: memref<10112x16xf32, #tpu.memory_space<vmem_shared>>, %arg9: memref<!tpu.dma_semaphore, #tpu.memory_space<semaphore_mem>>) attributes {dimension_semantics = [#tpu.dimension_semantics<core_parallel>, #tpu.dimension_semantics<subcore_parallel>], iteration_bounds = array<i64: 2, 16>, scalar_prefetch = 0 : i64, scratch_operands = 4 : i64, tpu.core_type = #tpu.core_type<sc_vector_subcore>, window_params = [{transform_indices = #map}, {transform_indices = #map1}, {transform_indices = #map1}, {transform_indices = #map}]} {
    %mul3A = arith.constant 16 : i32
    %mul3A_0 = arith.muli %arg0, %mul3A : i32
    %add3A = arith.addi %mul3A_0, %arg1 : i32
    %mul3A_1 = arith.constant 632 : i32
    %mul3A_2 = arith.muli %arg1, %mul3A_1 : i32
    "tpu.region"() ({
      %run_scoped3A = tpu.sem_alloc : memref<!tpu.dma_semaphore, #tpu.memory_space<semaphore_mem>>
      %dma_start3A = arith.constant 0 : i32
      %dma_start3A_19 = tpu.memref_slice %arg8[%mul3A_2, %dma_start3A] : memref<10112x16xf32, #tpu.memory_space<vmem_shared>> -> memref<632x16xf32, #tpu.memory_space<vmem_shared>>
      tpu.enqueue_dma source(%arg4 : memref<632x16xf32, #tpu.memory_space<hbm>>) target(%dma_start3A_19 : memref<632x16xf32, #tpu.memory_space<vmem_shared>>) target_semaphore(%run_scoped3A : memref<!tpu.dma_semaphore, #tpu.memory_space<semaphore_mem>>)
      %dma_wait3A = arith.constant 0 : i32
      %dma_wait3A_20 = tpu.memref_slice %arg8[%mul3A_2, %dma_wait3A] : memref<10112x16xf32, #tpu.memory_space<vmem_shared>> -> memref<632x16xf32, #tpu.memory_space<vmem_shared>>
      tpu.wait_dma2 semaphore(%run_scoped3A : memref<!tpu.dma_semaphore, #tpu.memory_space<semaphore_mem>>) src(%arg4 : memref<632x16xf32, #tpu.memory_space<hbm>>) dst(%dma_wait3A_20 : memref<632x16xf32, #tpu.memory_space<vmem_shared>>)
      tpu.yield
    }) : () -> ()
    "tpu.region"() ({
      %run_scoped3A = tpu.sem_alloc : memref<!tpu.dma_semaphore, #tpu.memory_space<semaphore_mem>>
      tpu.enqueue_dma source(%arg3 : memref<128x16xf32, #tpu.memory_space<hbm>>) target(%arg7 : memref<128x16xf32, #tpu.memory_space<vmem>>) target_semaphore(%run_scoped3A : memref<!tpu.dma_semaphore, #tpu.memory_space<semaphore_mem>>)
      tpu.wait_dma2 semaphore(%run_scoped3A : memref<!tpu.dma_semaphore, #tpu.memory_space<semaphore_mem>>) src(%arg3 : memref<128x16xf32, #tpu.memory_space<hbm>>) dst(%arg7 : memref<128x16xf32, #tpu.memory_space<vmem>>)
      tpu.yield
    }) : () -> ()
    "tpu.region"() ({
      %run_scoped3A = tpu.sem_alloc : memref<!tpu.dma_semaphore, #tpu.memory_space<semaphore_mem>>
      %dma_start3A = arith.constant 0 : i32
      %dma_start3A_19 = arith.constant 0 : i32
      %dma_start3A_20 = tpu.memref_slice %arg2[%add3A, %dma_start3A, %dma_start3A_19] : memref<32x80x128xi32, #tpu.memory_space<hbm>> -> memref<1x80x128xi32, #tpu.memory_space<hbm>>
      %dma_start3A_21 = tpu.memref_squeeze %dma_start3A_20 : memref<1x80x128xi32, #tpu.memory_space<hbm>> -> memref<80x128xi32, #tpu.memory_space<hbm>>
      %dma_start3A_22 = arith.constant 0 : i32
      %dma_start3A_23 = arith.constant 0 : i32
      %dma_start3A_24 = tpu.memref_slice %arg2[%add3A, %dma_start3A_22, %dma_start3A_23] : memref<32x80x128xi32, #tpu.memory_space<hbm>> -> memref<1x80x128xi32, #tpu.memory_space<hbm>>
      %dma_start3A_25 = tpu.memref_squeeze %dma_start3A_24 : memref<1x80x128xi32, #tpu.memory_space<hbm>> -> memref<80x128xi32, #tpu.memory_space<hbm>>
      tpu.enqueue_dma source(%dma_start3A_25 : memref<80x128xi32, #tpu.memory_space<hbm>>) target(%arg6 : memref<80x128xi32, #tpu.memory_space<vmem>>) target_semaphore(%run_scoped3A : memref<!tpu.dma_semaphore, #tpu.memory_space<semaphore_mem>>)
      %dma_wait3A = arith.constant 0 : i32
      %dma_wait3A_26 = arith.constant 0 : i32
      %dma_wait3A_27 = tpu.memref_slice %arg2[%add3A, %dma_wait3A, %dma_wait3A_26] : memref<32x80x128xi32, #tpu.memory_space<hbm>> -> memref<1x80x128xi32, #tpu.memory_space<hbm>>
      %dma_wait3A_28 = tpu.memref_squeeze %dma_wait3A_27 : memref<1x80x128xi32, #tpu.memory_space<hbm>> -> memref<80x128xi32, #tpu.memory_space<hbm>>
      %dma_wait3A_29 = arith.constant 0 : i32
      %dma_wait3A_30 = arith.constant 0 : i32
      %dma_wait3A_31 = tpu.memref_slice %arg2[%add3A, %dma_wait3A_29, %dma_wait3A_30] : memref<32x80x128xi32, #tpu.memory_space<hbm>> -> memref<1x80x128xi32, #tpu.memory_space<hbm>>
      %dma_wait3A_32 = tpu.memref_squeeze %dma_wait3A_31 : memref<1x80x128xi32, #tpu.memory_space<hbm>> -> memref<80x128xi32, #tpu.memory_space<hbm>>
      tpu.wait_dma2 semaphore(%run_scoped3A : memref<!tpu.dma_semaphore, #tpu.memory_space<semaphore_mem>>) src(%dma_wait3A_32 : memref<80x128xi32, #tpu.memory_space<hbm>>) dst(%arg6 : memref<80x128xi32, #tpu.memory_space<vmem>>)
      tpu.yield
    }) : () -> ()
    %barrier3A = arith.constant 0 : index
    tpu.barrier barrier_id(%barrier3A)
    %scan3A = arith.constant 0 : i32
    %scan3A_3 = arith.constant 0 : i32
    %scan3A_4 = arith.constant 80 : i32
    %scan3A_5 = arith.addi %scan3A_3, %scan3A_4 : i32
    %scan3A_6 = arith.constant 1 : i32
    scf.for %scan3A_19 = %scan3A_3 to %scan3A_5 step %scan3A_6  : i32 {
      %dma_start3A = arith.constant 0 : i32
      %dma_start3A_20 = tpu.memref_slice %arg6[%scan3A_19, %dma_start3A] : memref<80x128xi32, #tpu.memory_space<vmem>> -> memref<1x128xi32, #tpu.memory_space<vmem>>
      %dma_start3A_21 = tpu.memref_squeeze %dma_start3A_20 : memref<1x128xi32, #tpu.memory_space<vmem>> -> memref<128xi32, #tpu.memory_space<vmem>>
      %dma_start3A_22 = arith.constant 0 : i32
      %dma_start3A_23 = arith.constant 0 : i32
      %dma_start3A_24 = tpu.memref_slice %arg8[%dma_start3A_22, %dma_start3A_23] : memref<10112x16xf32, #tpu.memory_space<vmem_shared>> -> memref<10112x16xf32, #tpu.memory_space<vmem_shared>>
      tpu.enqueue_indirect_dma source(%arg7 : memref<128x16xf32, #tpu.memory_space<vmem>>) target(%dma_start3A_24 : memref<10112x16xf32, #tpu.memory_space<vmem_shared>>) offsets(%dma_start3A_21 : memref<128xi32, #tpu.memory_space<vmem>>) semaphore(%arg9 : memref<!tpu.dma_semaphore, #tpu.memory_space<semaphore_mem>>) {add = true}
    }
    %scan3A_7 = arith.constant 80 : i32
    %scan3A_8 = arith.constant 0 : i32
    %scan3A_9 = arith.constant 0 : i32
    %scan3A_10 = arith.constant 80 : i32
    %scan3A_11 = arith.addi %scan3A_9, %scan3A_10 : i32
    %scan3A_12 = arith.constant 1 : i32
    scf.for %scan3A_19 = %scan3A_9 to %scan3A_11 step %scan3A_12  : i32 {
      %dma_wait3A = arith.constant 0 : i32
      %dma_wait3A_20 = arith.constant 0 : i32
      %dma_wait3A_21 = tpu.memref_slice %arg6[%dma_wait3A, %dma_wait3A_20] : memref<80x128xi32, #tpu.memory_space<vmem>> -> memref<1x128xi32, #tpu.memory_space<vmem>>
      %dma_wait3A_22 = tpu.memref_squeeze %dma_wait3A_21 : memref<1x128xi32, #tpu.memory_space<vmem>> -> memref<128xi32, #tpu.memory_space<vmem>>
      %dma_wait3A_23 = arith.constant 0 : i32
      %dma_wait3A_24 = arith.constant 0 : i32
      %dma_wait3A_25 = tpu.memref_slice %arg8[%dma_wait3A_23, %dma_wait3A_24] : memref<10112x16xf32, #tpu.memory_space<vmem_shared>> -> memref<10112x16xf32, #tpu.memory_space<vmem_shared>>
      tpu.wait_indirect_dma semaphore(%arg9 : memref<!tpu.dma_semaphore, #tpu.memory_space<semaphore_mem>>) src(%arg7 : memref<128x16xf32, #tpu.memory_space<vmem>>) dst(%dma_wait3A_25 : memref<10112x16xf32, #tpu.memory_space<vmem_shared>>)
    }
    %scan3A_13 = arith.constant 80 : i32
    %barrier3A_14 = arith.constant 0 : index
    tpu.barrier barrier_id(%barrier3A_14)
    %mul3A_15 = arith.constant 632 : i32
    %mul3A_16 = arith.muli %arg1, %mul3A_15 : i32
    %mul3A_17 = arith.constant 632 : i32
    %mul3A_18 = arith.muli %arg1, %mul3A_17 : i32
    "tpu.region"() ({
      %run_scoped3A = tpu.sem_alloc : memref<!tpu.dma_semaphore, #tpu.memory_space<semaphore_mem>>
      %dma_start3A = arith.constant 0 : i32
      %dma_start3A_19 = tpu.memref_slice %arg5[%arg0, %mul3A_18, %dma_start3A] : memref<2x10112x16xf32, #tpu.memory_space<hbm>> -> memref<1x632x16xf32, #tpu.memory_space<hbm>>
      %dma_start3A_20 = tpu.memref_squeeze %dma_start3A_19 : memref<1x632x16xf32, #tpu.memory_space<hbm>> -> memref<632x16xf32, #tpu.memory_space<hbm>>
      %dma_start3A_21 = arith.constant 0 : i32
      %dma_start3A_22 = tpu.memref_slice %arg8[%mul3A_16, %dma_start3A_21] : memref<10112x16xf32, #tpu.memory_space<vmem_shared>> -> memref<632x16xf32, #tpu.memory_space<vmem_shared>>
      tpu.enqueue_dma source(%dma_start3A_22 : memref<632x16xf32, #tpu.memory_space<vmem_shared>>) target(%dma_start3A_20 : memref<632x16xf32, #tpu.memory_space<hbm>>) target_semaphore(%run_scoped3A : memref<!tpu.dma_semaphore, #tpu.memory_space<semaphore_mem>>)
      %dma_wait3A = arith.constant 0 : i32
      %dma_wait3A_23 = tpu.memref_slice %arg5[%arg0, %mul3A_18, %dma_wait3A] : memref<2x10112x16xf32, #tpu.memory_space<hbm>> -> memref<1x632x16xf32, #tpu.memory_space<hbm>>
      %dma_wait3A_24 = tpu.memref_squeeze %dma_wait3A_23 : memref<1x632x16xf32, #tpu.memory_space<hbm>> -> memref<632x16xf32, #tpu.memory_space<hbm>>
      %dma_wait3A_25 = arith.constant 0 : i32
      %dma_wait3A_26 = tpu.memref_slice %arg8[%mul3A_16, %dma_wait3A_25] : memref<10112x16xf32, #tpu.memory_space<vmem_shared>> -> memref<632x16xf32, #tpu.memory_space<vmem_shared>>
      tpu.wait_dma2 semaphore(%run_scoped3A : memref<!tpu.dma_semaphore, #tpu.memory_space<semaphore_mem>>) src(%dma_wait3A_26 : memref<632x16xf32, #tpu.memory_space<vmem_shared>>) dst(%dma_wait3A_24 : memref<632x16xf32, #tpu.memory_space<hbm>>)
      tpu.yield
    }) : () -> ()
    return
  }
}

#map = affine_map<(d0, d1) -> (0, 0)>
#map1 = affine_map<(d0, d1) -> (0, 0, 0)>
module attributes {stable_mosaic.version = 14 : i64} {
  func.func @k(%arg0: i32, %arg1: i32, %arg2: memref<10000x32xf32, #tpu.memory_space<hbm>>, %arg3: memref<32x80x128xi32, #tpu.memory_space<hbm>>, %arg4: memref<32x80x128xi32, #tpu.memory_space<hbm>>, %arg5: memref<632x32xf32, #tpu.memory_space<hbm>>, %arg6: memref<2x10112x32xf32, #tpu.memory_space<hbm>>, %arg7: memref<80x128xi32, #tpu.memory_space<vmem>>, %arg8: memref<80x128xi32, #tpu.memory_space<vmem>>, %arg9: memref<128x32xf32, #tpu.memory_space<vmem>>, %arg10: memref<128x32xf32, #tpu.memory_space<vmem>>, %arg11: memref<128x32xf32, #tpu.memory_space<vmem>>, %arg12: memref<128x32xf32, #tpu.memory_space<vmem>>, %arg13: memref<128x32xf32, #tpu.memory_space<vmem>>, %arg14: memref<128x32xf32, #tpu.memory_space<vmem>>, %arg15: memref<128x32xf32, #tpu.memory_space<vmem>>, %arg16: memref<128x32xf32, #tpu.memory_space<vmem>>, %arg17: memref<10112x32xf32, #tpu.memory_space<vmem_shared>>, %arg18: memref<!tpu.dma_semaphore, #tpu.memory_space<semaphore_mem>>, %arg19: memref<!tpu.dma_semaphore, #tpu.memory_space<semaphore_mem>>, %arg20: memref<!tpu.dma_semaphore, #tpu.memory_space<semaphore_mem>>, %arg21: memref<!tpu.dma_semaphore, #tpu.memory_space<semaphore_mem>>, %arg22: memref<!tpu.dma_semaphore, #tpu.memory_space<semaphore_mem>>, %arg23: memref<!tpu.dma_semaphore, #tpu.memory_space<semaphore_mem>>, %arg24: memref<!tpu.dma_semaphore, #tpu.memory_space<semaphore_mem>>, %arg25: memref<!tpu.dma_semaphore, #tpu.memory_space<semaphore_mem>>, %arg26: memref<!tpu.dma_semaphore, #tpu.memory_space<semaphore_mem>>, %arg27: memref<!tpu.dma_semaphore, #tpu.memory_space<semaphore_mem>>, %arg28: memref<!tpu.dma_semaphore, #tpu.memory_space<semaphore_mem>>, %arg29: memref<!tpu.dma_semaphore, #tpu.memory_space<semaphore_mem>>, %arg30: memref<!tpu.dma_semaphore, #tpu.memory_space<semaphore_mem>>, %arg31: memref<!tpu.dma_semaphore, #tpu.memory_space<semaphore_mem>>, %arg32: memref<!tpu.dma_semaphore, #tpu.memory_space<semaphore_mem>>, %arg33: memref<!tpu.dma_semaphore, #tpu.memory_space<semaphore_mem>>) attributes {dimension_semantics = [#tpu.dimension_semantics<core_parallel>, #tpu.dimension_semantics<subcore_parallel>], iteration_bounds = array<i64: 2, 16>, scalar_prefetch = 0 : i64, scratch_operands = 27 : i64, tpu.core_type = #tpu.core_type<sc_vector_subcore>, window_params = [{transform_indices = #map}, {transform_indices = #map1}, {transform_indices = #map1}, {transform_indices = #map}, {transform_indices = #map1}]} {
    %mul3A = arith.constant 16 : i32
    %mul3A_0 = arith.muli %arg0, %mul3A : i32
    %add3A = arith.addi %mul3A_0, %arg1 : i32
    %mul3A_1 = arith.constant 632 : i32
    %mul3A_2 = arith.muli %arg1, %mul3A_1 : i32
    "tpu.region"() ({
      %run_scoped3A = tpu.sem_alloc : memref<!tpu.dma_semaphore, #tpu.memory_space<semaphore_mem>>
      %dma_start3A_95 = arith.constant 0 : i32
      %dma_start3A_96 = tpu.memref_slice %arg17[%mul3A_2, %dma_start3A_95] : memref<10112x32xf32, #tpu.memory_space<vmem_shared>> -> memref<632x32xf32, #tpu.memory_space<vmem_shared>>
      tpu.enqueue_dma source(%arg5 : memref<632x32xf32, #tpu.memory_space<hbm>>) target(%dma_start3A_96 : memref<632x32xf32, #tpu.memory_space<vmem_shared>>) target_semaphore(%run_scoped3A : memref<!tpu.dma_semaphore, #tpu.memory_space<semaphore_mem>>)
      %dma_wait3A_97 = arith.constant 0 : i32
      %dma_wait3A_98 = tpu.memref_slice %arg17[%mul3A_2, %dma_wait3A_97] : memref<10112x32xf32, #tpu.memory_space<vmem_shared>> -> memref<632x32xf32, #tpu.memory_space<vmem_shared>>
      tpu.wait_dma2 semaphore(%run_scoped3A : memref<!tpu.dma_semaphore, #tpu.memory_space<semaphore_mem>>) src(%arg5 : memref<632x32xf32, #tpu.memory_space<hbm>>) dst(%dma_wait3A_98 : memref<632x32xf32, #tpu.memory_space<vmem_shared>>)
      tpu.yield
    }) : () -> ()
    "tpu.region"() ({
      %run_scoped3A = tpu.sem_alloc : memref<!tpu.dma_semaphore, #tpu.memory_space<semaphore_mem>>
      %dma_start3A_95 = arith.constant 0 : i32
      %dma_start3A_96 = arith.constant 0 : i32
      %dma_start3A_97 = tpu.memref_slice %arg3[%add3A, %dma_start3A_95, %dma_start3A_96] : memref<32x80x128xi32, #tpu.memory_space<hbm>> -> memref<1x80x128xi32, #tpu.memory_space<hbm>>
      %dma_start3A_98 = tpu.memref_squeeze %dma_start3A_97 : memref<1x80x128xi32, #tpu.memory_space<hbm>> -> memref<80x128xi32, #tpu.memory_space<hbm>>
      %dma_start3A_99 = arith.constant 0 : i32
      %dma_start3A_100 = arith.constant 0 : i32
      %dma_start3A_101 = tpu.memref_slice %arg3[%add3A, %dma_start3A_99, %dma_start3A_100] : memref<32x80x128xi32, #tpu.memory_space<hbm>> -> memref<1x80x128xi32, #tpu.memory_space<hbm>>
      %dma_start3A_102 = tpu.memref_squeeze %dma_start3A_101 : memref<1x80x128xi32, #tpu.memory_space<hbm>> -> memref<80x128xi32, #tpu.memory_space<hbm>>
      tpu.enqueue_dma source(%dma_start3A_102 : memref<80x128xi32, #tpu.memory_space<hbm>>) target(%arg7 : memref<80x128xi32, #tpu.memory_space<vmem>>) target_semaphore(%run_scoped3A : memref<!tpu.dma_semaphore, #tpu.memory_space<semaphore_mem>>)
      %dma_wait3A_103 = arith.constant 0 : i32
      %dma_wait3A_104 = arith.constant 0 : i32
      %dma_wait3A_105 = tpu.memref_slice %arg3[%add3A, %dma_wait3A_103, %dma_wait3A_104] : memref<32x80x128xi32, #tpu.memory_space<hbm>> -> memref<1x80x128xi32, #tpu.memory_space<hbm>>
      %dma_wait3A_106 = tpu.memref_squeeze %dma_wait3A_105 : memref<1x80x128xi32, #tpu.memory_space<hbm>> -> memref<80x128xi32, #tpu.memory_space<hbm>>
      %dma_wait3A_107 = arith.constant 0 : i32
      %dma_wait3A_108 = arith.constant 0 : i32
      %dma_wait3A_109 = tpu.memref_slice %arg3[%add3A, %dma_wait3A_107, %dma_wait3A_108] : memref<32x80x128xi32, #tpu.memory_space<hbm>> -> memref<1x80x128xi32, #tpu.memory_space<hbm>>
      %dma_wait3A_110 = tpu.memref_squeeze %dma_wait3A_109 : memref<1x80x128xi32, #tpu.memory_space<hbm>> -> memref<80x128xi32, #tpu.memory_space<hbm>>
      tpu.wait_dma2 semaphore(%run_scoped3A : memref<!tpu.dma_semaphore, #tpu.memory_space<semaphore_mem>>) src(%dma_wait3A_110 : memref<80x128xi32, #tpu.memory_space<hbm>>) dst(%arg7 : memref<80x128xi32, #tpu.memory_space<vmem>>)
      tpu.yield
    }) : () -> ()
    "tpu.region"() ({
      %run_scoped3A = tpu.sem_alloc : memref<!tpu.dma_semaphore, #tpu.memory_space<semaphore_mem>>
      %dma_start3A_95 = arith.constant 0 : i32
      %dma_start3A_96 = arith.constant 0 : i32
      %dma_start3A_97 = tpu.memref_slice %arg4[%add3A, %dma_start3A_95, %dma_start3A_96] : memref<32x80x128xi32, #tpu.memory_space<hbm>> -> memref<1x80x128xi32, #tpu.memory_space<hbm>>
      %dma_start3A_98 = tpu.memref_squeeze %dma_start3A_97 : memref<1x80x128xi32, #tpu.memory_space<hbm>> -> memref<80x128xi32, #tpu.memory_space<hbm>>
      %dma_start3A_99 = arith.constant 0 : i32
      %dma_start3A_100 = arith.constant 0 : i32
      %dma_start3A_101 = tpu.memref_slice %arg4[%add3A, %dma_start3A_99, %dma_start3A_100] : memref<32x80x128xi32, #tpu.memory_space<hbm>> -> memref<1x80x128xi32, #tpu.memory_space<hbm>>
      %dma_start3A_102 = tpu.memref_squeeze %dma_start3A_101 : memref<1x80x128xi32, #tpu.memory_space<hbm>> -> memref<80x128xi32, #tpu.memory_space<hbm>>
      tpu.enqueue_dma source(%dma_start3A_102 : memref<80x128xi32, #tpu.memory_space<hbm>>) target(%arg8 : memref<80x128xi32, #tpu.memory_space<vmem>>) target_semaphore(%run_scoped3A : memref<!tpu.dma_semaphore, #tpu.memory_space<semaphore_mem>>)
      %dma_wait3A_103 = arith.constant 0 : i32
      %dma_wait3A_104 = arith.constant 0 : i32
      %dma_wait3A_105 = tpu.memref_slice %arg4[%add3A, %dma_wait3A_103, %dma_wait3A_104] : memref<32x80x128xi32, #tpu.memory_space<hbm>> -> memref<1x80x128xi32, #tpu.memory_space<hbm>>
      %dma_wait3A_106 = tpu.memref_squeeze %dma_wait3A_105 : memref<1x80x128xi32, #tpu.memory_space<hbm>> -> memref<80x128xi32, #tpu.memory_space<hbm>>
      %dma_wait3A_107 = arith.constant 0 : i32
      %dma_wait3A_108 = arith.constant 0 : i32
      %dma_wait3A_109 = tpu.memref_slice %arg4[%add3A, %dma_wait3A_107, %dma_wait3A_108] : memref<32x80x128xi32, #tpu.memory_space<hbm>> -> memref<1x80x128xi32, #tpu.memory_space<hbm>>
      %dma_wait3A_110 = tpu.memref_squeeze %dma_wait3A_109 : memref<1x80x128xi32, #tpu.memory_space<hbm>> -> memref<80x128xi32, #tpu.memory_space<hbm>>
      tpu.wait_dma2 semaphore(%run_scoped3A : memref<!tpu.dma_semaphore, #tpu.memory_space<semaphore_mem>>) src(%dma_wait3A_110 : memref<80x128xi32, #tpu.memory_space<hbm>>) dst(%arg8 : memref<80x128xi32, #tpu.memory_space<vmem>>)
      tpu.yield
    }) : () -> ()
    %dma_start3A = arith.constant 0 : i32
    %dma_start3A_3 = arith.constant 0 : i32
    %dma_start3A_4 = tpu.memref_slice %arg7[%dma_start3A, %dma_start3A_3] : memref<80x128xi32, #tpu.memory_space<vmem>> -> memref<1x128xi32, #tpu.memory_space<vmem>>
    %dma_start3A_5 = tpu.memref_squeeze %dma_start3A_4 : memref<1x128xi32, #tpu.memory_space<vmem>> -> memref<128xi32, #tpu.memory_space<vmem>>
    %dma_start3A_6 = arith.constant 0 : i32
    %dma_start3A_7 = arith.constant 0 : i32
    %dma_start3A_8 = tpu.memref_slice %arg2[%dma_start3A_6, %dma_start3A_7] : memref<10000x32xf32, #tpu.memory_space<hbm>> -> memref<10000x32xf32, #tpu.memory_space<hbm>>
    tpu.enqueue_indirect_dma source(%dma_start3A_8 : memref<10000x32xf32, #tpu.memory_space<hbm>>) target(%arg9 : memref<128x32xf32, #tpu.memory_space<vmem>>) offsets(%dma_start3A_5 : memref<128xi32, #tpu.memory_space<vmem>>) semaphore(%arg18 : memref<!tpu.dma_semaphore, #tpu.memory_space<semaphore_mem>>)
    %dma_start3A_9 = arith.constant 1 : i32
    %dma_start3A_10 = arith.constant 0 : i32
    %dma_start3A_11 = tpu.memref_slice %arg7[%dma_start3A_9, %dma_start3A_10] : memref<80x128xi32, #tpu.memory_space<vmem>> -> memref<1x128xi32, #tpu.memory_space<vmem>>
    %dma_start3A_12 = tpu.memref_squeeze %dma_start3A_11 : memref<1x128xi32, #tpu.memory_space<vmem>> -> memref<128xi32, #tpu.memory_space<vmem>>
    %dma_start3A_13 = arith.constant 0 : i32
    %dma_start3A_14 = arith.constant 0 : i32
    %dma_start3A_15 = tpu.memref_slice %arg2[%dma_start3A_13, %dma_start3A_14] : memref<10000x32xf32, #tpu.memory_space<hbm>> -> memref<10000x32xf32, #tpu.memory_space<hbm>>
    tpu.enqueue_indirect_dma source(%dma_start3A_15 : memref<10000x32xf32, #tpu.memory_space<hbm>>) target(%arg10 : memref<128x32xf32, #tpu.memory_space<vmem>>) offsets(%dma_start3A_12 : memref<128xi32, #tpu.memory_space<vmem>>) semaphore(%arg19 : memref<!tpu.dma_semaphore, #tpu.memory_space<semaphore_mem>>)
    %dma_start3A_16 = arith.constant 2 : i32
    %dma_start3A_17 = arith.constant 0 : i32
    %dma_start3A_18 = tpu.memref_slice %arg7[%dma_start3A_16, %dma_start3A_17] : memref<80x128xi32, #tpu.memory_space<vmem>> -> memref<1x128xi32, #tpu.memory_space<vmem>>
    %dma_start3A_19 = tpu.memref_squeeze %dma_start3A_18 : memref<1x128xi32, #tpu.memory_space<vmem>> -> memref<128xi32, #tpu.memory_space<vmem>>
    %dma_start3A_20 = arith.constant 0 : i32
    %dma_start3A_21 = arith.constant 0 : i32
    %dma_start3A_22 = tpu.memref_slice %arg2[%dma_start3A_20, %dma_start3A_21] : memref<10000x32xf32, #tpu.memory_space<hbm>> -> memref<10000x32xf32, #tpu.memory_space<hbm>>
    tpu.enqueue_indirect_dma source(%dma_start3A_22 : memref<10000x32xf32, #tpu.memory_space<hbm>>) target(%arg11 : memref<128x32xf32, #tpu.memory_space<vmem>>) offsets(%dma_start3A_19 : memref<128xi32, #tpu.memory_space<vmem>>) semaphore(%arg20 : memref<!tpu.dma_semaphore, #tpu.memory_space<semaphore_mem>>)
    %dma_start3A_23 = arith.constant 3 : i32
    %dma_start3A_24 = arith.constant 0 : i32
    %dma_start3A_25 = tpu.memref_slice %arg7[%dma_start3A_23, %dma_start3A_24] : memref<80x128xi32, #tpu.memory_space<vmem>> -> memref<1x128xi32, #tpu.memory_space<vmem>>
    %dma_start3A_26 = tpu.memref_squeeze %dma_start3A_25 : memref<1x128xi32, #tpu.memory_space<vmem>> -> memref<128xi32, #tpu.memory_space<vmem>>
    %dma_start3A_27 = arith.constant 0 : i32
    %dma_start3A_28 = arith.constant 0 : i32
    %dma_start3A_29 = tpu.memref_slice %arg2[%dma_start3A_27, %dma_start3A_28] : memref<10000x32xf32, #tpu.memory_space<hbm>> -> memref<10000x32xf32, #tpu.memory_space<hbm>>
    tpu.enqueue_indirect_dma source(%dma_start3A_29 : memref<10000x32xf32, #tpu.memory_space<hbm>>) target(%arg12 : memref<128x32xf32, #tpu.memory_space<vmem>>) offsets(%dma_start3A_26 : memref<128xi32, #tpu.memory_space<vmem>>) semaphore(%arg21 : memref<!tpu.dma_semaphore, #tpu.memory_space<semaphore_mem>>)
    %barrier3A = arith.constant 0 : index
    tpu.barrier barrier_id(%barrier3A)
    %scan3A = arith.constant 0 : i32
    %scan3A_30 = arith.constant 0 : i32
    %scan3A_31 = arith.constant 10 : i32
    %scan3A_32 = arith.addi %scan3A_30, %scan3A_31 : i32
    %scan3A_33 = arith.constant 1 : i32
    scf.for %scan3A_95 = %scan3A_30 to %scan3A_32 step %scan3A_33  : i32 {
      %mul3A_96 = arith.constant 8 : i32
      %mul3A_97 = arith.muli %scan3A_95, %mul3A_96 : i32
      %add3A_98 = arith.constant 0 : i32
      %add3A_99 = arith.addi %mul3A_97, %add3A_98 : i32
      %add3A_100 = arith.constant 4 : i32
      %add3A_101 = arith.addi %add3A_99, %add3A_100 : i32
      %lt3A = arith.constant 80 : i32
      %lt3A_102 = arith.cmpi slt, %add3A_101, %lt3A : i32
      %convert_element_type3A = arith.extui %lt3A_102 : i1 to i32
      %cond3A = arith.constant 0 : i32
      %cond3A_103 = arith.cmpi ne, %convert_element_type3A, %cond3A : i32
      scf.if %cond3A_103 {
        %add3A_277 = arith.constant 4 : i32
        %add3A_278 = arith.addi %add3A_99, %add3A_277 : i32
        %ge3A = arith.constant 8 : i32
        %ge3A_279 = arith.cmpi sge, %add3A_278, %ge3A : i32
        %convert_element_type3A_280 = arith.extui %ge3A_279 : i1 to i32
        %cond3A_281 = arith.constant 0 : i32
        %cond3A_282 = arith.cmpi ne, %convert_element_type3A_280, %cond3A_281 : i32
        scf.if %cond3A_282 {
          %dma_wait3A_291 = arith.constant 0 : i32
          %dma_wait3A_292 = arith.constant 0 : i32
          %dma_wait3A_293 = tpu.memref_slice %arg8[%dma_wait3A_291, %dma_wait3A_292] : memref<80x128xi32, #tpu.memory_space<vmem>> -> memref<1x128xi32, #tpu.memory_space<vmem>>
          %dma_wait3A_294 = tpu.memref_squeeze %dma_wait3A_293 : memref<1x128xi32, #tpu.memory_space<vmem>> -> memref<128xi32, #tpu.memory_space<vmem>>
          %dma_wait3A_295 = arith.constant 0 : i32
          %dma_wait3A_296 = arith.constant 0 : i32
          %dma_wait3A_297 = tpu.memref_slice %arg17[%dma_wait3A_295, %dma_wait3A_296] : memref<10112x32xf32, #tpu.memory_space<vmem_shared>> -> memref<10112x32xf32, #tpu.memory_space<vmem_shared>>
          tpu.wait_indirect_dma semaphore(%arg30 : memref<!tpu.dma_semaphore, #tpu.memory_space<semaphore_mem>>) src(%arg13 : memref<128x32xf32, #tpu.memory_space<vmem>>) dst(%dma_wait3A_297 : memref<10112x32xf32, #tpu.memory_space<vmem_shared>>)
        } else {
        }
        %add3A_283 = arith.constant 4 : i32
        %add3A_284 = arith.addi %add3A_99, %add3A_283 : i32
        %dma_start3A_285 = arith.constant 0 : i32
        %dma_start3A_286 = tpu.memref_slice %arg7[%add3A_284, %dma_start3A_285] : memref<80x128xi32, #tpu.memory_space<vmem>> -> memref<1x128xi32, #tpu.memory_space<vmem>>
        %dma_start3A_287 = tpu.memref_squeeze %dma_start3A_286 : memref<1x128xi32, #tpu.memory_space<vmem>> -> memref<128xi32, #tpu.memory_space<vmem>>
        %dma_start3A_288 = arith.constant 0 : i32
        %dma_start3A_289 = arith.constant 0 : i32
        %dma_start3A_290 = tpu.memref_slice %arg2[%dma_start3A_288, %dma_start3A_289] : memref<10000x32xf32, #tpu.memory_space<hbm>> -> memref<10000x32xf32, #tpu.memory_space<hbm>>
        tpu.enqueue_indirect_dma source(%dma_start3A_290 : memref<10000x32xf32, #tpu.memory_space<hbm>>) target(%arg13 : memref<128x32xf32, #tpu.memory_space<vmem>>) offsets(%dma_start3A_287 : memref<128xi32, #tpu.memory_space<vmem>>) semaphore(%arg22 : memref<!tpu.dma_semaphore, #tpu.memory_space<semaphore_mem>>)
      } else {
      }
      %dma_wait3A_104 = arith.constant 0 : i32
      %dma_wait3A_105 = tpu.memref_slice %arg7[%add3A_99, %dma_wait3A_104] : memref<80x128xi32, #tpu.memory_space<vmem>> -> memref<1x128xi32, #tpu.memory_space<vmem>>
      %dma_wait3A_106 = tpu.memref_squeeze %dma_wait3A_105 : memref<1x128xi32, #tpu.memory_space<vmem>> -> memref<128xi32, #tpu.memory_space<vmem>>
      %dma_wait3A_107 = arith.constant 0 : i32
      %dma_wait3A_108 = arith.constant 0 : i32
      %dma_wait3A_109 = tpu.memref_slice %arg2[%dma_wait3A_107, %dma_wait3A_108] : memref<10000x32xf32, #tpu.memory_space<hbm>> -> memref<10000x32xf32, #tpu.memory_space<hbm>>
      tpu.wait_indirect_dma semaphore(%arg18 : memref<!tpu.dma_semaphore, #tpu.memory_space<semaphore_mem>>) src(%dma_wait3A_109 : memref<10000x32xf32, #tpu.memory_space<hbm>>) dst(%arg9 : memref<128x32xf32, #tpu.memory_space<vmem>>)
      %dma_start3A_110 = arith.constant 0 : i32
      %dma_start3A_111 = tpu.memref_slice %arg8[%add3A_99, %dma_start3A_110] : memref<80x128xi32, #tpu.memory_space<vmem>> -> memref<1x128xi32, #tpu.memory_space<vmem>>
      %dma_start3A_112 = tpu.memref_squeeze %dma_start3A_111 : memref<1x128xi32, #tpu.memory_space<vmem>> -> memref<128xi32, #tpu.memory_space<vmem>>
      %dma_start3A_113 = arith.constant 0 : i32
      %dma_start3A_114 = arith.constant 0 : i32
      %dma_start3A_115 = tpu.memref_slice %arg17[%dma_start3A_113, %dma_start3A_114] : memref<10112x32xf32, #tpu.memory_space<vmem_shared>> -> memref<10112x32xf32, #tpu.memory_space<vmem_shared>>
      tpu.enqueue_indirect_dma source(%arg9 : memref<128x32xf32, #tpu.memory_space<vmem>>) target(%dma_start3A_115 : memref<10112x32xf32, #tpu.memory_space<vmem_shared>>) offsets(%dma_start3A_112 : memref<128xi32, #tpu.memory_space<vmem>>) semaphore(%arg26 : memref<!tpu.dma_semaphore, #tpu.memory_space<semaphore_mem>>) {add = true}
      %mul3A_116 = arith.constant 8 : i32
      %mul3A_117 = arith.muli %scan3A_95, %mul3A_116 : i32
      %add3A_118 = arith.constant 1 : i32
      %add3A_119 = arith.addi %mul3A_117, %add3A_118 : i32
      %add3A_120 = arith.constant 4 : i32
      %add3A_121 = arith.addi %add3A_119, %add3A_120 : i32
      %lt3A_122 = arith.constant 80 : i32
      %lt3A_123 = arith.cmpi slt, %add3A_121, %lt3A_122 : i32
      %convert_element_type3A_124 = arith.extui %lt3A_123 : i1 to i32
      %cond3A_125 = arith.constant 0 : i32
      %cond3A_126 = arith.cmpi ne, %convert_element_type3A_124, %cond3A_125 : i32
      scf.if %cond3A_126 {
        %add3A_277 = arith.constant 4 : i32
        %add3A_278 = arith.addi %add3A_119, %add3A_277 : i32
        %ge3A = arith.constant 8 : i32
        %ge3A_279 = arith.cmpi sge, %add3A_278, %ge3A : i32
        %convert_element_type3A_280 = arith.extui %ge3A_279 : i1 to i32
        %cond3A_281 = arith.constant 0 : i32
        %cond3A_282 = arith.cmpi ne, %convert_element_type3A_280, %cond3A_281 : i32
        scf.if %cond3A_282 {
          %dma_wait3A_291 = arith.constant 0 : i32
          %dma_wait3A_292 = arith.constant 0 : i32
          %dma_wait3A_293 = tpu.memref_slice %arg8[%dma_wait3A_291, %dma_wait3A_292] : memref<80x128xi32, #tpu.memory_space<vmem>> -> memref<1x128xi32, #tpu.memory_space<vmem>>
          %dma_wait3A_294 = tpu.memref_squeeze %dma_wait3A_293 : memref<1x128xi32, #tpu.memory_space<vmem>> -> memref<128xi32, #tpu.memory_space<vmem>>
          %dma_wait3A_295 = arith.constant 0 : i32
          %dma_wait3A_296 = arith.constant 0 : i32
          %dma_wait3A_297 = tpu.memref_slice %arg17[%dma_wait3A_295, %dma_wait3A_296] : memref<10112x32xf32, #tpu.memory_space<vmem_shared>> -> memref<10112x32xf32, #tpu.memory_space<vmem_shared>>
          tpu.wait_indirect_dma semaphore(%arg31 : memref<!tpu.dma_semaphore, #tpu.memory_space<semaphore_mem>>) src(%arg14 : memref<128x32xf32, #tpu.memory_space<vmem>>) dst(%dma_wait3A_297 : memref<10112x32xf32, #tpu.memory_space<vmem_shared>>)
        } else {
        }
        %add3A_283 = arith.constant 4 : i32
        %add3A_284 = arith.addi %add3A_119, %add3A_283 : i32
        %dma_start3A_285 = arith.constant 0 : i32
        %dma_start3A_286 = tpu.memref_slice %arg7[%add3A_284, %dma_start3A_285] : memref<80x128xi32, #tpu.memory_space<vmem>> -> memref<1x128xi32, #tpu.memory_space<vmem>>
        %dma_start3A_287 = tpu.memref_squeeze %dma_start3A_286 : memref<1x128xi32, #tpu.memory_space<vmem>> -> memref<128xi32, #tpu.memory_space<vmem>>
        %dma_start3A_288 = arith.constant 0 : i32
        %dma_start3A_289 = arith.constant 0 : i32
        %dma_start3A_290 = tpu.memref_slice %arg2[%dma_start3A_288, %dma_start3A_289] : memref<10000x32xf32, #tpu.memory_space<hbm>> -> memref<10000x32xf32, #tpu.memory_space<hbm>>
        tpu.enqueue_indirect_dma source(%dma_start3A_290 : memref<10000x32xf32, #tpu.memory_space<hbm>>) target(%arg14 : memref<128x32xf32, #tpu.memory_space<vmem>>) offsets(%dma_start3A_287 : memref<128xi32, #tpu.memory_space<vmem>>) semaphore(%arg23 : memref<!tpu.dma_semaphore, #tpu.memory_space<semaphore_mem>>)
      } else {
      }
      %dma_wait3A_127 = arith.constant 0 : i32
      %dma_wait3A_128 = tpu.memref_slice %arg7[%add3A_119, %dma_wait3A_127] : memref<80x128xi32, #tpu.memory_space<vmem>> -> memref<1x128xi32, #tpu.memory_space<vmem>>
      %dma_wait3A_129 = tpu.memref_squeeze %dma_wait3A_128 : memref<1x128xi32, #tpu.memory_space<vmem>> -> memref<128xi32, #tpu.memory_space<vmem>>
      %dma_wait3A_130 = arith.constant 0 : i32
      %dma_wait3A_131 = arith.constant 0 : i32
      %dma_wait3A_132 = tpu.memref_slice %arg2[%dma_wait3A_130, %dma_wait3A_131] : memref<10000x32xf32, #tpu.memory_space<hbm>> -> memref<10000x32xf32, #tpu.memory_space<hbm>>
      tpu.wait_indirect_dma semaphore(%arg19 : memref<!tpu.dma_semaphore, #tpu.memory_space<semaphore_mem>>) src(%dma_wait3A_132 : memref<10000x32xf32, #tpu.memory_space<hbm>>) dst(%arg10 : memref<128x32xf32, #tpu.memory_space<vmem>>)
      %dma_start3A_133 = arith.constant 0 : i32
      %dma_start3A_134 = tpu.memref_slice %arg8[%add3A_119, %dma_start3A_133] : memref<80x128xi32, #tpu.memory_space<vmem>> -> memref<1x128xi32, #tpu.memory_space<vmem>>
      %dma_start3A_135 = tpu.memref_squeeze %dma_start3A_134 : memref<1x128xi32, #tpu.memory_space<vmem>> -> memref<128xi32, #tpu.memory_space<vmem>>
      %dma_start3A_136 = arith.constant 0 : i32
      %dma_start3A_137 = arith.constant 0 : i32
      %dma_start3A_138 = tpu.memref_slice %arg17[%dma_start3A_136, %dma_start3A_137] : memref<10112x32xf32, #tpu.memory_space<vmem_shared>> -> memref<10112x32xf32, #tpu.memory_space<vmem_shared>>
      tpu.enqueue_indirect_dma source(%arg10 : memref<128x32xf32, #tpu.memory_space<vmem>>) target(%dma_start3A_138 : memref<10112x32xf32, #tpu.memory_space<vmem_shared>>) offsets(%dma_start3A_135 : memref<128xi32, #tpu.memory_space<vmem>>) semaphore(%arg27 : memref<!tpu.dma_semaphore, #tpu.memory_space<semaphore_mem>>) {add = true}
      %mul3A_139 = arith.constant 8 : i32
      %mul3A_140 = arith.muli %scan3A_95, %mul3A_139 : i32
      %add3A_141 = arith.constant 2 : i32
      %add3A_142 = arith.addi %mul3A_140, %add3A_141 : i32
      %add3A_143 = arith.constant 4 : i32
      %add3A_144 = arith.addi %add3A_142, %add3A_143 : i32
      %lt3A_145 = arith.constant 80 : i32
      %lt3A_146 = arith.cmpi slt, %add3A_144, %lt3A_145 : i32
      %convert_element_type3A_147 = arith.extui %lt3A_146 : i1 to i32
      %cond3A_148 = arith.constant 0 : i32
      %cond3A_149 = arith.cmpi ne, %convert_element_type3A_147, %cond3A_148 : i32
      scf.if %cond3A_149 {
        %add3A_277 = arith.constant 4 : i32
        %add3A_278 = arith.addi %add3A_142, %add3A_277 : i32
        %ge3A = arith.constant 8 : i32
        %ge3A_279 = arith.cmpi sge, %add3A_278, %ge3A : i32
        %convert_element_type3A_280 = arith.extui %ge3A_279 : i1 to i32
        %cond3A_281 = arith.constant 0 : i32
        %cond3A_282 = arith.cmpi ne, %convert_element_type3A_280, %cond3A_281 : i32
        scf.if %cond3A_282 {
          %dma_wait3A_291 = arith.constant 0 : i32
          %dma_wait3A_292 = arith.constant 0 : i32
          %dma_wait3A_293 = tpu.memref_slice %arg8[%dma_wait3A_291, %dma_wait3A_292] : memref<80x128xi32, #tpu.memory_space<vmem>> -> memref<1x128xi32, #tpu.memory_space<vmem>>
          %dma_wait3A_294 = tpu.memref_squeeze %dma_wait3A_293 : memref<1x128xi32, #tpu.memory_space<vmem>> -> memref<128xi32, #tpu.memory_space<vmem>>
          %dma_wait3A_295 = arith.constant 0 : i32
          %dma_wait3A_296 = arith.constant 0 : i32
          %dma_wait3A_297 = tpu.memref_slice %arg17[%dma_wait3A_295, %dma_wait3A_296] : memref<10112x32xf32, #tpu.memory_space<vmem_shared>> -> memref<10112x32xf32, #tpu.memory_space<vmem_shared>>
          tpu.wait_indirect_dma semaphore(%arg32 : memref<!tpu.dma_semaphore, #tpu.memory_space<semaphore_mem>>) src(%arg15 : memref<128x32xf32, #tpu.memory_space<vmem>>) dst(%dma_wait3A_297 : memref<10112x32xf32, #tpu.memory_space<vmem_shared>>)
        } else {
        }
        %add3A_283 = arith.constant 4 : i32
        %add3A_284 = arith.addi %add3A_142, %add3A_283 : i32
        %dma_start3A_285 = arith.constant 0 : i32
        %dma_start3A_286 = tpu.memref_slice %arg7[%add3A_284, %dma_start3A_285] : memref<80x128xi32, #tpu.memory_space<vmem>> -> memref<1x128xi32, #tpu.memory_space<vmem>>
        %dma_start3A_287 = tpu.memref_squeeze %dma_start3A_286 : memref<1x128xi32, #tpu.memory_space<vmem>> -> memref<128xi32, #tpu.memory_space<vmem>>
        %dma_start3A_288 = arith.constant 0 : i32
        %dma_start3A_289 = arith.constant 0 : i32
        %dma_start3A_290 = tpu.memref_slice %arg2[%dma_start3A_288, %dma_start3A_289] : memref<10000x32xf32, #tpu.memory_space<hbm>> -> memref<10000x32xf32, #tpu.memory_space<hbm>>
        tpu.enqueue_indirect_dma source(%dma_start3A_290 : memref<10000x32xf32, #tpu.memory_space<hbm>>) target(%arg15 : memref<128x32xf32, #tpu.memory_space<vmem>>) offsets(%dma_start3A_287 : memref<128xi32, #tpu.memory_space<vmem>>) semaphore(%arg24 : memref<!tpu.dma_semaphore, #tpu.memory_space<semaphore_mem>>)
      } else {
      }
      %dma_wait3A_150 = arith.constant 0 : i32
      %dma_wait3A_151 = tpu.memref_slice %arg7[%add3A_142, %dma_wait3A_150] : memref<80x128xi32, #tpu.memory_space<vmem>> -> memref<1x128xi32, #tpu.memory_space<vmem>>
      %dma_wait3A_152 = tpu.memref_squeeze %dma_wait3A_151 : memref<1x128xi32, #tpu.memory_space<vmem>> -> memref<128xi32, #tpu.memory_space<vmem>>
      %dma_wait3A_153 = arith.constant 0 : i32
      %dma_wait3A_154 = arith.constant 0 : i32
      %dma_wait3A_155 = tpu.memref_slice %arg2[%dma_wait3A_153, %dma_wait3A_154] : memref<10000x32xf32, #tpu.memory_space<hbm>> -> memref<10000x32xf32, #tpu.memory_space<hbm>>
      tpu.wait_indirect_dma semaphore(%arg20 : memref<!tpu.dma_semaphore, #tpu.memory_space<semaphore_mem>>) src(%dma_wait3A_155 : memref<10000x32xf32, #tpu.memory_space<hbm>>) dst(%arg11 : memref<128x32xf32, #tpu.memory_space<vmem>>)
      %dma_start3A_156 = arith.constant 0 : i32
      %dma_start3A_157 = tpu.memref_slice %arg8[%add3A_142, %dma_start3A_156] : memref<80x128xi32, #tpu.memory_space<vmem>> -> memref<1x128xi32, #tpu.memory_space<vmem>>
      %dma_start3A_158 = tpu.memref_squeeze %dma_start3A_157 : memref<1x128xi32, #tpu.memory_space<vmem>> -> memref<128xi32, #tpu.memory_space<vmem>>
      %dma_start3A_159 = arith.constant 0 : i32
      %dma_start3A_160 = arith.constant 0 : i32
      %dma_start3A_161 = tpu.memref_slice %arg17[%dma_start3A_159, %dma_start3A_160] : memref<10112x32xf32, #tpu.memory_space<vmem_shared>> -> memref<10112x32xf32, #tpu.memory_space<vmem_shared>>
      tpu.enqueue_indirect_dma source(%arg11 : memref<128x32xf32, #tpu.memory_space<vmem>>) target(%dma_start3A_161 : memref<10112x32xf32, #tpu.memory_space<vmem_shared>>) offsets(%dma_start3A_158 : memref<128xi32, #tpu.memory_space<vmem>>) semaphore(%arg28 : memref<!tpu.dma_semaphore, #tpu.memory_space<semaphore_mem>>) {add = true}
      %mul3A_162 = arith.constant 8 : i32
      %mul3A_163 = arith.muli %scan3A_95, %mul3A_162 : i32
      %add3A_164 = arith.constant 3 : i32
      %add3A_165 = arith.addi %mul3A_163, %add3A_164 : i32
      %add3A_166 = arith.constant 4 : i32
      %add3A_167 = arith.addi %add3A_165, %add3A_166 : i32
      %lt3A_168 = arith.constant 80 : i32
      %lt3A_169 = arith.cmpi slt, %add3A_167, %lt3A_168 : i32
      %convert_element_type3A_170 = arith.extui %lt3A_169 : i1 to i32
      %cond3A_171 = arith.constant 0 : i32
      %cond3A_172 = arith.cmpi ne, %convert_element_type3A_170, %cond3A_171 : i32
      scf.if %cond3A_172 {
        %add3A_277 = arith.constant 4 : i32
        %add3A_278 = arith.addi %add3A_165, %add3A_277 : i32
        %ge3A = arith.constant 8 : i32
        %ge3A_279 = arith.cmpi sge, %add3A_278, %ge3A : i32
        %convert_element_type3A_280 = arith.extui %ge3A_279 : i1 to i32
        %cond3A_281 = arith.constant 0 : i32
        %cond3A_282 = arith.cmpi ne, %convert_element_type3A_280, %cond3A_281 : i32
        scf.if %cond3A_282 {
          %dma_wait3A_291 = arith.constant 0 : i32
          %dma_wait3A_292 = arith.constant 0 : i32
          %dma_wait3A_293 = tpu.memref_slice %arg8[%dma_wait3A_291, %dma_wait3A_292] : memref<80x128xi32, #tpu.memory_space<vmem>> -> memref<1x128xi32, #tpu.memory_space<vmem>>
          %dma_wait3A_294 = tpu.memref_squeeze %dma_wait3A_293 : memref<1x128xi32, #tpu.memory_space<vmem>> -> memref<128xi32, #tpu.memory_space<vmem>>
          %dma_wait3A_295 = arith.constant 0 : i32
          %dma_wait3A_296 = arith.constant 0 : i32
          %dma_wait3A_297 = tpu.memref_slice %arg17[%dma_wait3A_295, %dma_wait3A_296] : memref<10112x32xf32, #tpu.memory_space<vmem_shared>> -> memref<10112x32xf32, #tpu.memory_space<vmem_shared>>
          tpu.wait_indirect_dma semaphore(%arg33 : memref<!tpu.dma_semaphore, #tpu.memory_space<semaphore_mem>>) src(%arg16 : memref<128x32xf32, #tpu.memory_space<vmem>>) dst(%dma_wait3A_297 : memref<10112x32xf32, #tpu.memory_space<vmem_shared>>)
        } else {
        }
        %add3A_283 = arith.constant 4 : i32
        %add3A_284 = arith.addi %add3A_165, %add3A_283 : i32
        %dma_start3A_285 = arith.constant 0 : i32
        %dma_start3A_286 = tpu.memref_slice %arg7[%add3A_284, %dma_start3A_285] : memref<80x128xi32, #tpu.memory_space<vmem>> -> memref<1x128xi32, #tpu.memory_space<vmem>>
        %dma_start3A_287 = tpu.memref_squeeze %dma_start3A_286 : memref<1x128xi32, #tpu.memory_space<vmem>> -> memref<128xi32, #tpu.memory_space<vmem>>
        %dma_start3A_288 = arith.constant 0 : i32
        %dma_start3A_289 = arith.constant 0 : i32
        %dma_start3A_290 = tpu.memref_slice %arg2[%dma_start3A_288, %dma_start3A_289] : memref<10000x32xf32, #tpu.memory_space<hbm>> -> memref<10000x32xf32, #tpu.memory_space<hbm>>
        tpu.enqueue_indirect_dma source(%dma_start3A_290 : memref<10000x32xf32, #tpu.memory_space<hbm>>) target(%arg16 : memref<128x32xf32, #tpu.memory_space<vmem>>) offsets(%dma_start3A_287 : memref<128xi32, #tpu.memory_space<vmem>>) semaphore(%arg25 : memref<!tpu.dma_semaphore, #tpu.memory_space<semaphore_mem>>)
      } else {
      }
      %dma_wait3A_173 = arith.constant 0 : i32
      %dma_wait3A_174 = tpu.memref_slice %arg7[%add3A_165, %dma_wait3A_173] : memref<80x128xi32, #tpu.memory_space<vmem>> -> memref<1x128xi32, #tpu.memory_space<vmem>>
      %dma_wait3A_175 = tpu.memref_squeeze %dma_wait3A_174 : memref<1x128xi32, #tpu.memory_space<vmem>> -> memref<128xi32, #tpu.memory_space<vmem>>
      %dma_wait3A_176 = arith.constant 0 : i32
      %dma_wait3A_177 = arith.constant 0 : i32
      %dma_wait3A_178 = tpu.memref_slice %arg2[%dma_wait3A_176, %dma_wait3A_177] : memref<10000x32xf32, #tpu.memory_space<hbm>> -> memref<10000x32xf32, #tpu.memory_space<hbm>>
      tpu.wait_indirect_dma semaphore(%arg21 : memref<!tpu.dma_semaphore, #tpu.memory_space<semaphore_mem>>) src(%dma_wait3A_178 : memref<10000x32xf32, #tpu.memory_space<hbm>>) dst(%arg12 : memref<128x32xf32, #tpu.memory_space<vmem>>)
      %dma_start3A_179 = arith.constant 0 : i32
      %dma_start3A_180 = tpu.memref_slice %arg8[%add3A_165, %dma_start3A_179] : memref<80x128xi32, #tpu.memory_space<vmem>> -> memref<1x128xi32, #tpu.memory_space<vmem>>
      %dma_start3A_181 = tpu.memref_squeeze %dma_start3A_180 : memref<1x128xi32, #tpu.memory_space<vmem>> -> memref<128xi32, #tpu.memory_space<vmem>>
      %dma_start3A_182 = arith.constant 0 : i32
      %dma_start3A_183 = arith.constant 0 : i32
      %dma_start3A_184 = tpu.memref_slice %arg17[%dma_start3A_182, %dma_start3A_183] : memref<10112x32xf32, #tpu.memory_space<vmem_shared>> -> memref<10112x32xf32, #tpu.memory_space<vmem_shared>>
      tpu.enqueue_indirect_dma source(%arg12 : memref<128x32xf32, #tpu.memory_space<vmem>>) target(%dma_start3A_184 : memref<10112x32xf32, #tpu.memory_space<vmem_shared>>) offsets(%dma_start3A_181 : memref<128xi32, #tpu.memory_space<vmem>>) semaphore(%arg29 : memref<!tpu.dma_semaphore, #tpu.memory_space<semaphore_mem>>) {add = true}
      %mul3A_185 = arith.constant 8 : i32
      %mul3A_186 = arith.muli %scan3A_95, %mul3A_185 : i32
      %add3A_187 = arith.constant 4 : i32
      %add3A_188 = arith.addi %mul3A_186, %add3A_187 : i32
      %add3A_189 = arith.constant 4 : i32
      %add3A_190 = arith.addi %add3A_188, %add3A_189 : i32
      %lt3A_191 = arith.constant 80 : i32
      %lt3A_192 = arith.cmpi slt, %add3A_190, %lt3A_191 : i32
      %convert_element_type3A_193 = arith.extui %lt3A_192 : i1 to i32
      %cond3A_194 = arith.constant 0 : i32
      %cond3A_195 = arith.cmpi ne, %convert_element_type3A_193, %cond3A_194 : i32
      scf.if %cond3A_195 {
        %add3A_277 = arith.constant 4 : i32
        %add3A_278 = arith.addi %add3A_188, %add3A_277 : i32
        %ge3A = arith.constant 8 : i32
        %ge3A_279 = arith.cmpi sge, %add3A_278, %ge3A : i32
        %convert_element_type3A_280 = arith.extui %ge3A_279 : i1 to i32
        %cond3A_281 = arith.constant 0 : i32
        %cond3A_282 = arith.cmpi ne, %convert_element_type3A_280, %cond3A_281 : i32
        scf.if %cond3A_282 {
          %dma_wait3A_291 = arith.constant 0 : i32
          %dma_wait3A_292 = arith.constant 0 : i32
          %dma_wait3A_293 = tpu.memref_slice %arg8[%dma_wait3A_291, %dma_wait3A_292] : memref<80x128xi32, #tpu.memory_space<vmem>> -> memref<1x128xi32, #tpu.memory_space<vmem>>
          %dma_wait3A_294 = tpu.memref_squeeze %dma_wait3A_293 : memref<1x128xi32, #tpu.memory_space<vmem>> -> memref<128xi32, #tpu.memory_space<vmem>>
          %dma_wait3A_295 = arith.constant 0 : i32
          %dma_wait3A_296 = arith.constant 0 : i32
          %dma_wait3A_297 = tpu.memref_slice %arg17[%dma_wait3A_295, %dma_wait3A_296] : memref<10112x32xf32, #tpu.memory_space<vmem_shared>> -> memref<10112x32xf32, #tpu.memory_space<vmem_shared>>
          tpu.wait_indirect_dma semaphore(%arg26 : memref<!tpu.dma_semaphore, #tpu.memory_space<semaphore_mem>>) src(%arg9 : memref<128x32xf32, #tpu.memory_space<vmem>>) dst(%dma_wait3A_297 : memref<10112x32xf32, #tpu.memory_space<vmem_shared>>)
        } else {
        }
        %add3A_283 = arith.constant 4 : i32
        %add3A_284 = arith.addi %add3A_188, %add3A_283 : i32
        %dma_start3A_285 = arith.constant 0 : i32
        %dma_start3A_286 = tpu.memref_slice %arg7[%add3A_284, %dma_start3A_285] : memref<80x128xi32, #tpu.memory_space<vmem>> -> memref<1x128xi32, #tpu.memory_space<vmem>>
        %dma_start3A_287 = tpu.memref_squeeze %dma_start3A_286 : memref<1x128xi32, #tpu.memory_space<vmem>> -> memref<128xi32, #tpu.memory_space<vmem>>
        %dma_start3A_288 = arith.constant 0 : i32
        %dma_start3A_289 = arith.constant 0 : i32
        %dma_start3A_290 = tpu.memref_slice %arg2[%dma_start3A_288, %dma_start3A_289] : memref<10000x32xf32, #tpu.memory_space<hbm>> -> memref<10000x32xf32, #tpu.memory_space<hbm>>
        tpu.enqueue_indirect_dma source(%dma_start3A_290 : memref<10000x32xf32, #tpu.memory_space<hbm>>) target(%arg9 : memref<128x32xf32, #tpu.memory_space<vmem>>) offsets(%dma_start3A_287 : memref<128xi32, #tpu.memory_space<vmem>>) semaphore(%arg18 : memref<!tpu.dma_semaphore, #tpu.memory_space<semaphore_mem>>)
      } else {
      }
      %dma_wait3A_196 = arith.constant 0 : i32
      %dma_wait3A_197 = tpu.memref_slice %arg7[%add3A_188, %dma_wait3A_196] : memref<80x128xi32, #tpu.memory_space<vmem>> -> memref<1x128xi32, #tpu.memory_space<vmem>>
      %dma_wait3A_198 = tpu.memref_squeeze %dma_wait3A_197 : memref<1x128xi32, #tpu.memory_space<vmem>> -> memref<128xi32, #tpu.memory_space<vmem>>
      %dma_wait3A_199 = arith.constant 0 : i32
      %dma_wait3A_200 = arith.constant 0 : i32
      %dma_wait3A_201 = tpu.memref_slice %arg2[%dma_wait3A_199, %dma_wait3A_200] : memref<10000x32xf32, #tpu.memory_space<hbm>> -> memref<10000x32xf32, #tpu.memory_space<hbm>>
      tpu.wait_indirect_dma semaphore(%arg22 : memref<!tpu.dma_semaphore, #tpu.memory_space<semaphore_mem>>) src(%dma_wait3A_201 : memref<10000x32xf32, #tpu.memory_space<hbm>>) dst(%arg13 : memref<128x32xf32, #tpu.memory_space<vmem>>)
      %dma_start3A_202 = arith.constant 0 : i32
      %dma_start3A_203 = tpu.memref_slice %arg8[%add3A_188, %dma_start3A_202] : memref<80x128xi32, #tpu.memory_space<vmem>> -> memref<1x128xi32, #tpu.memory_space<vmem>>
      %dma_start3A_204 = tpu.memref_squeeze %dma_start3A_203 : memref<1x128xi32, #tpu.memory_space<vmem>> -> memref<128xi32, #tpu.memory_space<vmem>>
      %dma_start3A_205 = arith.constant 0 : i32
      %dma_start3A_206 = arith.constant 0 : i32
      %dma_start3A_207 = tpu.memref_slice %arg17[%dma_start3A_205, %dma_start3A_206] : memref<10112x32xf32, #tpu.memory_space<vmem_shared>> -> memref<10112x32xf32, #tpu.memory_space<vmem_shared>>
      tpu.enqueue_indirect_dma source(%arg13 : memref<128x32xf32, #tpu.memory_space<vmem>>) target(%dma_start3A_207 : memref<10112x32xf32, #tpu.memory_space<vmem_shared>>) offsets(%dma_start3A_204 : memref<128xi32, #tpu.memory_space<vmem>>) semaphore(%arg30 : memref<!tpu.dma_semaphore, #tpu.memory_space<semaphore_mem>>) {add = true}
      %mul3A_208 = arith.constant 8 : i32
      %mul3A_209 = arith.muli %scan3A_95, %mul3A_208 : i32
      %add3A_210 = arith.constant 5 : i32
      %add3A_211 = arith.addi %mul3A_209, %add3A_210 : i32
      %add3A_212 = arith.constant 4 : i32
      %add3A_213 = arith.addi %add3A_211, %add3A_212 : i32
      %lt3A_214 = arith.constant 80 : i32
      %lt3A_215 = arith.cmpi slt, %add3A_213, %lt3A_214 : i32
      %convert_element_type3A_216 = arith.extui %lt3A_215 : i1 to i32
      %cond3A_217 = arith.constant 0 : i32
      %cond3A_218 = arith.cmpi ne, %convert_element_type3A_216, %cond3A_217 : i32
      scf.if %cond3A_218 {
        %add3A_277 = arith.constant 4 : i32
        %add3A_278 = arith.addi %add3A_211, %add3A_277 : i32
        %ge3A = arith.constant 8 : i32
        %ge3A_279 = arith.cmpi sge, %add3A_278, %ge3A : i32
        %convert_element_type3A_280 = arith.extui %ge3A_279 : i1 to i32
        %cond3A_281 = arith.constant 0 : i32
        %cond3A_282 = arith.cmpi ne, %convert_element_type3A_280, %cond3A_281 : i32
        scf.if %cond3A_282 {
          %dma_wait3A_291 = arith.constant 0 : i32
          %dma_wait3A_292 = arith.constant 0 : i32
          %dma_wait3A_293 = tpu.memref_slice %arg8[%dma_wait3A_291, %dma_wait3A_292] : memref<80x128xi32, #tpu.memory_space<vmem>> -> memref<1x128xi32, #tpu.memory_space<vmem>>
          %dma_wait3A_294 = tpu.memref_squeeze %dma_wait3A_293 : memref<1x128xi32, #tpu.memory_space<vmem>> -> memref<128xi32, #tpu.memory_space<vmem>>
          %dma_wait3A_295 = arith.constant 0 : i32
          %dma_wait3A_296 = arith.constant 0 : i32
          %dma_wait3A_297 = tpu.memref_slice %arg17[%dma_wait3A_295, %dma_wait3A_296] : memref<10112x32xf32, #tpu.memory_space<vmem_shared>> -> memref<10112x32xf32, #tpu.memory_space<vmem_shared>>
          tpu.wait_indirect_dma semaphore(%arg27 : memref<!tpu.dma_semaphore, #tpu.memory_space<semaphore_mem>>) src(%arg10 : memref<128x32xf32, #tpu.memory_space<vmem>>) dst(%dma_wait3A_297 : memref<10112x32xf32, #tpu.memory_space<vmem_shared>>)
        } else {
        }
        %add3A_283 = arith.constant 4 : i32
        %add3A_284 = arith.addi %add3A_211, %add3A_283 : i32
        %dma_start3A_285 = arith.constant 0 : i32
        %dma_start3A_286 = tpu.memref_slice %arg7[%add3A_284, %dma_start3A_285] : memref<80x128xi32, #tpu.memory_space<vmem>> -> memref<1x128xi32, #tpu.memory_space<vmem>>
        %dma_start3A_287 = tpu.memref_squeeze %dma_start3A_286 : memref<1x128xi32, #tpu.memory_space<vmem>> -> memref<128xi32, #tpu.memory_space<vmem>>
        %dma_start3A_288 = arith.constant 0 : i32
        %dma_start3A_289 = arith.constant 0 : i32
        %dma_start3A_290 = tpu.memref_slice %arg2[%dma_start3A_288, %dma_start3A_289] : memref<10000x32xf32, #tpu.memory_space<hbm>> -> memref<10000x32xf32, #tpu.memory_space<hbm>>
        tpu.enqueue_indirect_dma source(%dma_start3A_290 : memref<10000x32xf32, #tpu.memory_space<hbm>>) target(%arg10 : memref<128x32xf32, #tpu.memory_space<vmem>>) offsets(%dma_start3A_287 : memref<128xi32, #tpu.memory_space<vmem>>) semaphore(%arg19 : memref<!tpu.dma_semaphore, #tpu.memory_space<semaphore_mem>>)
      } else {
      }
      %dma_wait3A_219 = arith.constant 0 : i32
      %dma_wait3A_220 = tpu.memref_slice %arg7[%add3A_211, %dma_wait3A_219] : memref<80x128xi32, #tpu.memory_space<vmem>> -> memref<1x128xi32, #tpu.memory_space<vmem>>
      %dma_wait3A_221 = tpu.memref_squeeze %dma_wait3A_220 : memref<1x128xi32, #tpu.memory_space<vmem>> -> memref<128xi32, #tpu.memory_space<vmem>>
      %dma_wait3A_222 = arith.constant 0 : i32
      %dma_wait3A_223 = arith.constant 0 : i32
      %dma_wait3A_224 = tpu.memref_slice %arg2[%dma_wait3A_222, %dma_wait3A_223] : memref<10000x32xf32, #tpu.memory_space<hbm>> -> memref<10000x32xf32, #tpu.memory_space<hbm>>
      tpu.wait_indirect_dma semaphore(%arg23 : memref<!tpu.dma_semaphore, #tpu.memory_space<semaphore_mem>>) src(%dma_wait3A_224 : memref<10000x32xf32, #tpu.memory_space<hbm>>) dst(%arg14 : memref<128x32xf32, #tpu.memory_space<vmem>>)
      %dma_start3A_225 = arith.constant 0 : i32
      %dma_start3A_226 = tpu.memref_slice %arg8[%add3A_211, %dma_start3A_225] : memref<80x128xi32, #tpu.memory_space<vmem>> -> memref<1x128xi32, #tpu.memory_space<vmem>>
      %dma_start3A_227 = tpu.memref_squeeze %dma_start3A_226 : memref<1x128xi32, #tpu.memory_space<vmem>> -> memref<128xi32, #tpu.memory_space<vmem>>
      %dma_start3A_228 = arith.constant 0 : i32
      %dma_start3A_229 = arith.constant 0 : i32
      %dma_start3A_230 = tpu.memref_slice %arg17[%dma_start3A_228, %dma_start3A_229] : memref<10112x32xf32, #tpu.memory_space<vmem_shared>> -> memref<10112x32xf32, #tpu.memory_space<vmem_shared>>
      tpu.enqueue_indirect_dma source(%arg14 : memref<128x32xf32, #tpu.memory_space<vmem>>) target(%dma_start3A_230 : memref<10112x32xf32, #tpu.memory_space<vmem_shared>>) offsets(%dma_start3A_227 : memref<128xi32, #tpu.memory_space<vmem>>) semaphore(%arg31 : memref<!tpu.dma_semaphore, #tpu.memory_space<semaphore_mem>>) {add = true}
      %mul3A_231 = arith.constant 8 : i32
      %mul3A_232 = arith.muli %scan3A_95, %mul3A_231 : i32
      %add3A_233 = arith.constant 6 : i32
      %add3A_234 = arith.addi %mul3A_232, %add3A_233 : i32
      %add3A_235 = arith.constant 4 : i32
      %add3A_236 = arith.addi %add3A_234, %add3A_235 : i32
      %lt3A_237 = arith.constant 80 : i32
      %lt3A_238 = arith.cmpi slt, %add3A_236, %lt3A_237 : i32
      %convert_element_type3A_239 = arith.extui %lt3A_238 : i1 to i32
      %cond3A_240 = arith.constant 0 : i32
      %cond3A_241 = arith.cmpi ne, %convert_element_type3A_239, %cond3A_240 : i32
      scf.if %cond3A_241 {
        %add3A_277 = arith.constant 4 : i32
        %add3A_278 = arith.addi %add3A_234, %add3A_277 : i32
        %ge3A = arith.constant 8 : i32
        %ge3A_279 = arith.cmpi sge, %add3A_278, %ge3A : i32
        %convert_element_type3A_280 = arith.extui %ge3A_279 : i1 to i32
        %cond3A_281 = arith.constant 0 : i32
        %cond3A_282 = arith.cmpi ne, %convert_element_type3A_280, %cond3A_281 : i32
        scf.if %cond3A_282 {
          %dma_wait3A_291 = arith.constant 0 : i32
          %dma_wait3A_292 = arith.constant 0 : i32
          %dma_wait3A_293 = tpu.memref_slice %arg8[%dma_wait3A_291, %dma_wait3A_292] : memref<80x128xi32, #tpu.memory_space<vmem>> -> memref<1x128xi32, #tpu.memory_space<vmem>>
          %dma_wait3A_294 = tpu.memref_squeeze %dma_wait3A_293 : memref<1x128xi32, #tpu.memory_space<vmem>> -> memref<128xi32, #tpu.memory_space<vmem>>
          %dma_wait3A_295 = arith.constant 0 : i32
          %dma_wait3A_296 = arith.constant 0 : i32
          %dma_wait3A_297 = tpu.memref_slice %arg17[%dma_wait3A_295, %dma_wait3A_296] : memref<10112x32xf32, #tpu.memory_space<vmem_shared>> -> memref<10112x32xf32, #tpu.memory_space<vmem_shared>>
          tpu.wait_indirect_dma semaphore(%arg28 : memref<!tpu.dma_semaphore, #tpu.memory_space<semaphore_mem>>) src(%arg11 : memref<128x32xf32, #tpu.memory_space<vmem>>) dst(%dma_wait3A_297 : memref<10112x32xf32, #tpu.memory_space<vmem_shared>>)
        } else {
        }
        %add3A_283 = arith.constant 4 : i32
        %add3A_284 = arith.addi %add3A_234, %add3A_283 : i32
        %dma_start3A_285 = arith.constant 0 : i32
        %dma_start3A_286 = tpu.memref_slice %arg7[%add3A_284, %dma_start3A_285] : memref<80x128xi32, #tpu.memory_space<vmem>> -> memref<1x128xi32, #tpu.memory_space<vmem>>
        %dma_start3A_287 = tpu.memref_squeeze %dma_start3A_286 : memref<1x128xi32, #tpu.memory_space<vmem>> -> memref<128xi32, #tpu.memory_space<vmem>>
        %dma_start3A_288 = arith.constant 0 : i32
        %dma_start3A_289 = arith.constant 0 : i32
        %dma_start3A_290 = tpu.memref_slice %arg2[%dma_start3A_288, %dma_start3A_289] : memref<10000x32xf32, #tpu.memory_space<hbm>> -> memref<10000x32xf32, #tpu.memory_space<hbm>>
        tpu.enqueue_indirect_dma source(%dma_start3A_290 : memref<10000x32xf32, #tpu.memory_space<hbm>>) target(%arg11 : memref<128x32xf32, #tpu.memory_space<vmem>>) offsets(%dma_start3A_287 : memref<128xi32, #tpu.memory_space<vmem>>) semaphore(%arg20 : memref<!tpu.dma_semaphore, #tpu.memory_space<semaphore_mem>>)
      } else {
      }
      %dma_wait3A_242 = arith.constant 0 : i32
      %dma_wait3A_243 = tpu.memref_slice %arg7[%add3A_234, %dma_wait3A_242] : memref<80x128xi32, #tpu.memory_space<vmem>> -> memref<1x128xi32, #tpu.memory_space<vmem>>
      %dma_wait3A_244 = tpu.memref_squeeze %dma_wait3A_243 : memref<1x128xi32, #tpu.memory_space<vmem>> -> memref<128xi32, #tpu.memory_space<vmem>>
      %dma_wait3A_245 = arith.constant 0 : i32
      %dma_wait3A_246 = arith.constant 0 : i32
      %dma_wait3A_247 = tpu.memref_slice %arg2[%dma_wait3A_245, %dma_wait3A_246] : memref<10000x32xf32, #tpu.memory_space<hbm>> -> memref<10000x32xf32, #tpu.memory_space<hbm>>
      tpu.wait_indirect_dma semaphore(%arg24 : memref<!tpu.dma_semaphore, #tpu.memory_space<semaphore_mem>>) src(%dma_wait3A_247 : memref<10000x32xf32, #tpu.memory_space<hbm>>) dst(%arg15 : memref<128x32xf32, #tpu.memory_space<vmem>>)
      %dma_start3A_248 = arith.constant 0 : i32
      %dma_start3A_249 = tpu.memref_slice %arg8[%add3A_234, %dma_start3A_248] : memref<80x128xi32, #tpu.memory_space<vmem>> -> memref<1x128xi32, #tpu.memory_space<vmem>>
      %dma_start3A_250 = tpu.memref_squeeze %dma_start3A_249 : memref<1x128xi32, #tpu.memory_space<vmem>> -> memref<128xi32, #tpu.memory_space<vmem>>
      %dma_start3A_251 = arith.constant 0 : i32
      %dma_start3A_252 = arith.constant 0 : i32
      %dma_start3A_253 = tpu.memref_slice %arg17[%dma_start3A_251, %dma_start3A_252] : memref<10112x32xf32, #tpu.memory_space<vmem_shared>> -> memref<10112x32xf32, #tpu.memory_space<vmem_shared>>
      tpu.enqueue_indirect_dma source(%arg15 : memref<128x32xf32, #tpu.memory_space<vmem>>) target(%dma_start3A_253 : memref<10112x32xf32, #tpu.memory_space<vmem_shared>>) offsets(%dma_start3A_250 : memref<128xi32, #tpu.memory_space<vmem>>) semaphore(%arg32 : memref<!tpu.dma_semaphore, #tpu.memory_space<semaphore_mem>>) {add = true}
      %mul3A_254 = arith.constant 8 : i32
      %mul3A_255 = arith.muli %scan3A_95, %mul3A_254 : i32
      %add3A_256 = arith.constant 7 : i32
      %add3A_257 = arith.addi %mul3A_255, %add3A_256 : i32
      %add3A_258 = arith.constant 4 : i32
      %add3A_259 = arith.addi %add3A_257, %add3A_258 : i32
      %lt3A_260 = arith.constant 80 : i32
      %lt3A_261 = arith.cmpi slt, %add3A_259, %lt3A_260 : i32
      %convert_element_type3A_262 = arith.extui %lt3A_261 : i1 to i32
      %cond3A_263 = arith.constant 0 : i32
      %cond3A_264 = arith.cmpi ne, %convert_element_type3A_262, %cond3A_263 : i32
      scf.if %cond3A_264 {
        %add3A_277 = arith.constant 4 : i32
        %add3A_278 = arith.addi %add3A_257, %add3A_277 : i32
        %ge3A = arith.constant 8 : i32
        %ge3A_279 = arith.cmpi sge, %add3A_278, %ge3A : i32
        %convert_element_type3A_280 = arith.extui %ge3A_279 : i1 to i32
        %cond3A_281 = arith.constant 0 : i32
        %cond3A_282 = arith.cmpi ne, %convert_element_type3A_280, %cond3A_281 : i32
        scf.if %cond3A_282 {
          %dma_wait3A_291 = arith.constant 0 : i32
          %dma_wait3A_292 = arith.constant 0 : i32
          %dma_wait3A_293 = tpu.memref_slice %arg8[%dma_wait3A_291, %dma_wait3A_292] : memref<80x128xi32, #tpu.memory_space<vmem>> -> memref<1x128xi32, #tpu.memory_space<vmem>>
          %dma_wait3A_294 = tpu.memref_squeeze %dma_wait3A_293 : memref<1x128xi32, #tpu.memory_space<vmem>> -> memref<128xi32, #tpu.memory_space<vmem>>
          %dma_wait3A_295 = arith.constant 0 : i32
          %dma_wait3A_296 = arith.constant 0 : i32
          %dma_wait3A_297 = tpu.memref_slice %arg17[%dma_wait3A_295, %dma_wait3A_296] : memref<10112x32xf32, #tpu.memory_space<vmem_shared>> -> memref<10112x32xf32, #tpu.memory_space<vmem_shared>>
          tpu.wait_indirect_dma semaphore(%arg29 : memref<!tpu.dma_semaphore, #tpu.memory_space<semaphore_mem>>) src(%arg12 : memref<128x32xf32, #tpu.memory_space<vmem>>) dst(%dma_wait3A_297 : memref<10112x32xf32, #tpu.memory_space<vmem_shared>>)
        } else {
        }
        %add3A_283 = arith.constant 4 : i32
        %add3A_284 = arith.addi %add3A_257, %add3A_283 : i32
        %dma_start3A_285 = arith.constant 0 : i32
        %dma_start3A_286 = tpu.memref_slice %arg7[%add3A_284, %dma_start3A_285] : memref<80x128xi32, #tpu.memory_space<vmem>> -> memref<1x128xi32, #tpu.memory_space<vmem>>
        %dma_start3A_287 = tpu.memref_squeeze %dma_start3A_286 : memref<1x128xi32, #tpu.memory_space<vmem>> -> memref<128xi32, #tpu.memory_space<vmem>>
        %dma_start3A_288 = arith.constant 0 : i32
        %dma_start3A_289 = arith.constant 0 : i32
        %dma_start3A_290 = tpu.memref_slice %arg2[%dma_start3A_288, %dma_start3A_289] : memref<10000x32xf32, #tpu.memory_space<hbm>> -> memref<10000x32xf32, #tpu.memory_space<hbm>>
        tpu.enqueue_indirect_dma source(%dma_start3A_290 : memref<10000x32xf32, #tpu.memory_space<hbm>>) target(%arg12 : memref<128x32xf32, #tpu.memory_space<vmem>>) offsets(%dma_start3A_287 : memref<128xi32, #tpu.memory_space<vmem>>) semaphore(%arg21 : memref<!tpu.dma_semaphore, #tpu.memory_space<semaphore_mem>>)
      } else {
      }
      %dma_wait3A_265 = arith.constant 0 : i32
      %dma_wait3A_266 = tpu.memref_slice %arg7[%add3A_257, %dma_wait3A_265] : memref<80x128xi32, #tpu.memory_space<vmem>> -> memref<1x128xi32, #tpu.memory_space<vmem>>
      %dma_wait3A_267 = tpu.memref_squeeze %dma_wait3A_266 : memref<1x128xi32, #tpu.memory_space<vmem>> -> memref<128xi32, #tpu.memory_space<vmem>>
      %dma_wait3A_268 = arith.constant 0 : i32
      %dma_wait3A_269 = arith.constant 0 : i32
      %dma_wait3A_270 = tpu.memref_slice %arg2[%dma_wait3A_268, %dma_wait3A_269] : memref<10000x32xf32, #tpu.memory_space<hbm>> -> memref<10000x32xf32, #tpu.memory_space<hbm>>
      tpu.wait_indirect_dma semaphore(%arg25 : memref<!tpu.dma_semaphore, #tpu.memory_space<semaphore_mem>>) src(%dma_wait3A_270 : memref<10000x32xf32, #tpu.memory_space<hbm>>) dst(%arg16 : memref<128x32xf32, #tpu.memory_space<vmem>>)
      %dma_start3A_271 = arith.constant 0 : i32
      %dma_start3A_272 = tpu.memref_slice %arg8[%add3A_257, %dma_start3A_271] : memref<80x128xi32, #tpu.memory_space<vmem>> -> memref<1x128xi32, #tpu.memory_space<vmem>>
      %dma_start3A_273 = tpu.memref_squeeze %dma_start3A_272 : memref<1x128xi32, #tpu.memory_space<vmem>> -> memref<128xi32, #tpu.memory_space<vmem>>
      %dma_start3A_274 = arith.constant 0 : i32
      %dma_start3A_275 = arith.constant 0 : i32
      %dma_start3A_276 = tpu.memref_slice %arg17[%dma_start3A_274, %dma_start3A_275] : memref<10112x32xf32, #tpu.memory_space<vmem_shared>> -> memref<10112x32xf32, #tpu.memory_space<vmem_shared>>
      tpu.enqueue_indirect_dma source(%arg16 : memref<128x32xf32, #tpu.memory_space<vmem>>) target(%dma_start3A_276 : memref<10112x32xf32, #tpu.memory_space<vmem_shared>>) offsets(%dma_start3A_273 : memref<128xi32, #tpu.memory_space<vmem>>) semaphore(%arg33 : memref<!tpu.dma_semaphore, #tpu.memory_space<semaphore_mem>>) {add = true}
    }
    %scan3A_34 = arith.constant 10 : i32
    %dma_wait3A = arith.constant 0 : i32
    %dma_wait3A_35 = arith.constant 0 : i32
    %dma_wait3A_36 = tpu.memref_slice %arg8[%dma_wait3A, %dma_wait3A_35] : memref<80x128xi32, #tpu.memory_space<vmem>> -> memref<1x128xi32, #tpu.memory_space<vmem>>
    %dma_wait3A_37 = tpu.memref_squeeze %dma_wait3A_36 : memref<1x128xi32, #tpu.memory_space<vmem>> -> memref<128xi32, #tpu.memory_space<vmem>>
    %dma_wait3A_38 = arith.constant 0 : i32
    %dma_wait3A_39 = arith.constant 0 : i32
    %dma_wait3A_40 = tpu.memref_slice %arg17[%dma_wait3A_38, %dma_wait3A_39] : memref<10112x32xf32, #tpu.memory_space<vmem_shared>> -> memref<10112x32xf32, #tpu.memory_space<vmem_shared>>
    tpu.wait_indirect_dma semaphore(%arg26 : memref<!tpu.dma_semaphore, #tpu.memory_space<semaphore_mem>>) src(%arg9 : memref<128x32xf32, #tpu.memory_space<vmem>>) dst(%dma_wait3A_40 : memref<10112x32xf32, #tpu.memory_space<vmem_shared>>)
    %dma_wait3A_41 = arith.constant 0 : i32
    %dma_wait3A_42 = arith.constant 0 : i32
    %dma_wait3A_43 = tpu.memref_slice %arg8[%dma_wait3A_41, %dma_wait3A_42] : memref<80x128xi32, #tpu.memory_space<vmem>> -> memref<1x128xi32, #tpu.memory_space<vmem>>
    %dma_wait3A_44 = tpu.memref_squeeze %dma_wait3A_43 : memref<1x128xi32, #tpu.memory_space<vmem>> -> memref<128xi32, #tpu.memory_space<vmem>>
    %dma_wait3A_45 = arith.constant 0 : i32
    %dma_wait3A_46 = arith.constant 0 : i32
    %dma_wait3A_47 = tpu.memref_slice %arg17[%dma_wait3A_45, %dma_wait3A_46] : memref<10112x32xf32, #tpu.memory_space<vmem_shared>> -> memref<10112x32xf32, #tpu.memory_space<vmem_shared>>
    tpu.wait_indirect_dma semaphore(%arg27 : memref<!tpu.dma_semaphore, #tpu.memory_space<semaphore_mem>>) src(%arg10 : memref<128x32xf32, #tpu.memory_space<vmem>>) dst(%dma_wait3A_47 : memref<10112x32xf32, #tpu.memory_space<vmem_shared>>)
    %dma_wait3A_48 = arith.constant 0 : i32
    %dma_wait3A_49 = arith.constant 0 : i32
    %dma_wait3A_50 = tpu.memref_slice %arg8[%dma_wait3A_48, %dma_wait3A_49] : memref<80x128xi32, #tpu.memory_space<vmem>> -> memref<1x128xi32, #tpu.memory_space<vmem>>
    %dma_wait3A_51 = tpu.memref_squeeze %dma_wait3A_50 : memref<1x128xi32, #tpu.memory_space<vmem>> -> memref<128xi32, #tpu.memory_space<vmem>>
    %dma_wait3A_52 = arith.constant 0 : i32
    %dma_wait3A_53 = arith.constant 0 : i32
    %dma_wait3A_54 = tpu.memref_slice %arg17[%dma_wait3A_52, %dma_wait3A_53] : memref<10112x32xf32, #tpu.memory_space<vmem_shared>> -> memref<10112x32xf32, #tpu.memory_space<vmem_shared>>
    tpu.wait_indirect_dma semaphore(%arg28 : memref<!tpu.dma_semaphore, #tpu.memory_space<semaphore_mem>>) src(%arg11 : memref<128x32xf32, #tpu.memory_space<vmem>>) dst(%dma_wait3A_54 : memref<10112x32xf32, #tpu.memory_space<vmem_shared>>)
    %dma_wait3A_55 = arith.constant 0 : i32
    %dma_wait3A_56 = arith.constant 0 : i32
    %dma_wait3A_57 = tpu.memref_slice %arg8[%dma_wait3A_55, %dma_wait3A_56] : memref<80x128xi32, #tpu.memory_space<vmem>> -> memref<1x128xi32, #tpu.memory_space<vmem>>
    %dma_wait3A_58 = tpu.memref_squeeze %dma_wait3A_57 : memref<1x128xi32, #tpu.memory_space<vmem>> -> memref<128xi32, #tpu.memory_space<vmem>>
    %dma_wait3A_59 = arith.constant 0 : i32
    %dma_wait3A_60 = arith.constant 0 : i32
    %dma_wait3A_61 = tpu.memref_slice %arg17[%dma_wait3A_59, %dma_wait3A_60] : memref<10112x32xf32, #tpu.memory_space<vmem_shared>> -> memref<10112x32xf32, #tpu.memory_space<vmem_shared>>
    tpu.wait_indirect_dma semaphore(%arg29 : memref<!tpu.dma_semaphore, #tpu.memory_space<semaphore_mem>>) src(%arg12 : memref<128x32xf32, #tpu.memory_space<vmem>>) dst(%dma_wait3A_61 : memref<10112x32xf32, #tpu.memory_space<vmem_shared>>)
    %dma_wait3A_62 = arith.constant 0 : i32
    %dma_wait3A_63 = arith.constant 0 : i32
    %dma_wait3A_64 = tpu.memref_slice %arg8[%dma_wait3A_62, %dma_wait3A_63] : memref<80x128xi32, #tpu.memory_space<vmem>> -> memref<1x128xi32, #tpu.memory_space<vmem>>
    %dma_wait3A_65 = tpu.memref_squeeze %dma_wait3A_64 : memref<1x128xi32, #tpu.memory_space<vmem>> -> memref<128xi32, #tpu.memory_space<vmem>>
    %dma_wait3A_66 = arith.constant 0 : i32
    %dma_wait3A_67 = arith.constant 0 : i32
    %dma_wait3A_68 = tpu.memref_slice %arg17[%dma_wait3A_66, %dma_wait3A_67] : memref<10112x32xf32, #tpu.memory_space<vmem_shared>> -> memref<10112x32xf32, #tpu.memory_space<vmem_shared>>
    tpu.wait_indirect_dma semaphore(%arg30 : memref<!tpu.dma_semaphore, #tpu.memory_space<semaphore_mem>>) src(%arg13 : memref<128x32xf32, #tpu.memory_space<vmem>>) dst(%dma_wait3A_68 : memref<10112x32xf32, #tpu.memory_space<vmem_shared>>)
    %dma_wait3A_69 = arith.constant 0 : i32
    %dma_wait3A_70 = arith.constant 0 : i32
    %dma_wait3A_71 = tpu.memref_slice %arg8[%dma_wait3A_69, %dma_wait3A_70] : memref<80x128xi32, #tpu.memory_space<vmem>> -> memref<1x128xi32, #tpu.memory_space<vmem>>
    %dma_wait3A_72 = tpu.memref_squeeze %dma_wait3A_71 : memref<1x128xi32, #tpu.memory_space<vmem>> -> memref<128xi32, #tpu.memory_space<vmem>>
    %dma_wait3A_73 = arith.constant 0 : i32
    %dma_wait3A_74 = arith.constant 0 : i32
    %dma_wait3A_75 = tpu.memref_slice %arg17[%dma_wait3A_73, %dma_wait3A_74] : memref<10112x32xf32, #tpu.memory_space<vmem_shared>> -> memref<10112x32xf32, #tpu.memory_space<vmem_shared>>
    tpu.wait_indirect_dma semaphore(%arg31 : memref<!tpu.dma_semaphore, #tpu.memory_space<semaphore_mem>>) src(%arg14 : memref<128x32xf32, #tpu.memory_space<vmem>>) dst(%dma_wait3A_75 : memref<10112x32xf32, #tpu.memory_space<vmem_shared>>)
    %dma_wait3A_76 = arith.constant 0 : i32
    %dma_wait3A_77 = arith.constant 0 : i32
    %dma_wait3A_78 = tpu.memref_slice %arg8[%dma_wait3A_76, %dma_wait3A_77] : memref<80x128xi32, #tpu.memory_space<vmem>> -> memref<1x128xi32, #tpu.memory_space<vmem>>
    %dma_wait3A_79 = tpu.memref_squeeze %dma_wait3A_78 : memref<1x128xi32, #tpu.memory_space<vmem>> -> memref<128xi32, #tpu.memory_space<vmem>>
    %dma_wait3A_80 = arith.constant 0 : i32
    %dma_wait3A_81 = arith.constant 0 : i32
    %dma_wait3A_82 = tpu.memref_slice %arg17[%dma_wait3A_80, %dma_wait3A_81] : memref<10112x32xf32, #tpu.memory_space<vmem_shared>> -> memref<10112x32xf32, #tpu.memory_space<vmem_shared>>
    tpu.wait_indirect_dma semaphore(%arg32 : memref<!tpu.dma_semaphore, #tpu.memory_space<semaphore_mem>>) src(%arg15 : memref<128x32xf32, #tpu.memory_space<vmem>>) dst(%dma_wait3A_82 : memref<10112x32xf32, #tpu.memory_space<vmem_shared>>)
    %dma_wait3A_83 = arith.constant 0 : i32
    %dma_wait3A_84 = arith.constant 0 : i32
    %dma_wait3A_85 = tpu.memref_slice %arg8[%dma_wait3A_83, %dma_wait3A_84] : memref<80x128xi32, #tpu.memory_space<vmem>> -> memref<1x128xi32, #tpu.memory_space<vmem>>
    %dma_wait3A_86 = tpu.memref_squeeze %dma_wait3A_85 : memref<1x128xi32, #tpu.memory_space<vmem>> -> memref<128xi32, #tpu.memory_space<vmem>>
    %dma_wait3A_87 = arith.constant 0 : i32
    %dma_wait3A_88 = arith.constant 0 : i32
    %dma_wait3A_89 = tpu.memref_slice %arg17[%dma_wait3A_87, %dma_wait3A_88] : memref<10112x32xf32, #tpu.memory_space<vmem_shared>> -> memref<10112x32xf32, #tpu.memory_space<vmem_shared>>
    tpu.wait_indirect_dma semaphore(%arg33 : memref<!tpu.dma_semaphore, #tpu.memory_space<semaphore_mem>>) src(%arg16 : memref<128x32xf32, #tpu.memory_space<vmem>>) dst(%dma_wait3A_89 : memref<10112x32xf32, #tpu.memory_space<vmem_shared>>)
    %barrier3A_90 = arith.constant 0 : index
    tpu.barrier barrier_id(%barrier3A_90)
    %mul3A_91 = arith.constant 632 : i32
    %mul3A_92 = arith.muli %arg1, %mul3A_91 : i32
    %mul3A_93 = arith.constant 632 : i32
    %mul3A_94 = arith.muli %arg1, %mul3A_93 : i32
    "tpu.region"() ({
      %run_scoped3A = tpu.sem_alloc : memref<!tpu.dma_semaphore, #tpu.memory_space<semaphore_mem>>
      %dma_start3A_95 = arith.constant 0 : i32
      %dma_start3A_96 = tpu.memref_slice %arg6[%arg0, %mul3A_94, %dma_start3A_95] : memref<2x10112x32xf32, #tpu.memory_space<hbm>> -> memref<1x632x32xf32, #tpu.memory_space<hbm>>
      %dma_start3A_97 = tpu.memref_squeeze %dma_start3A_96 : memref<1x632x32xf32, #tpu.memory_space<hbm>> -> memref<632x32xf32, #tpu.memory_space<hbm>>
      %dma_start3A_98 = arith.constant 0 : i32
      %dma_start3A_99 = tpu.memref_slice %arg17[%mul3A_92, %dma_start3A_98] : memref<10112x32xf32, #tpu.memory_space<vmem_shared>> -> memref<632x32xf32, #tpu.memory_space<vmem_shared>>
      tpu.enqueue_dma source(%dma_start3A_99 : memref<632x32xf32, #tpu.memory_space<vmem_shared>>) target(%dma_start3A_97 : memref<632x32xf32, #tpu.memory_space<hbm>>) target_semaphore(%run_scoped3A : memref<!tpu.dma_semaphore, #tpu.memory_space<semaphore_mem>>)
      %dma_wait3A_100 = arith.constant 0 : i32
      %dma_wait3A_101 = tpu.memref_slice %arg6[%arg0, %mul3A_94, %dma_wait3A_100] : memref<2x10112x32xf32, #tpu.memory_space<hbm>> -> memref<1x632x32xf32, #tpu.memory_space<hbm>>
      %dma_wait3A_102 = tpu.memref_squeeze %dma_wait3A_101 : memref<1x632x32xf32, #tpu.memory_space<hbm>> -> memref<632x32xf32, #tpu.memory_space<hbm>>
      %dma_wait3A_103 = arith.constant 0 : i32
      %dma_wait3A_104 = tpu.memref_slice %arg17[%mul3A_92, %dma_wait3A_103] : memref<10112x32xf32, #tpu.memory_space<vmem_shared>> -> memref<632x32xf32, #tpu.memory_space<vmem_shared>>
      tpu.wait_dma2 semaphore(%run_scoped3A : memref<!tpu.dma_semaphore, #tpu.memory_space<semaphore_mem>>) src(%dma_wait3A_104 : memref<632x32xf32, #tpu.memory_space<vmem_shared>>) dst(%dma_wait3A_102 : memref<632x32xf32, #tpu.memory_space<hbm>>)
      tpu.yield
    }) : () -> ()
    return
  }
}

#map = affine_map<(d0, d1) -> (0, 0)>
#map1 = affine_map<(d0, d1) -> (0, 0, 0)>
module attributes {stable_mosaic.version = 14 : i64} {
  func.func @k(%arg0: i32, %arg1: i32, %arg2: memref<10000x64xf32, #tpu.memory_space<hbm>>, %arg3: memref<32x80x128xi32, #tpu.memory_space<hbm>>, %arg4: memref<32x80x128xi32, #tpu.memory_space<hbm>>, %arg5: memref<632x64xf32, #tpu.memory_space<hbm>>, %arg6: memref<2x10112x64xf32, #tpu.memory_space<hbm>>, %arg7: memref<80x128xi32, #tpu.memory_space<vmem>>, %arg8: memref<80x128xi32, #tpu.memory_space<vmem>>, %arg9: memref<128x64xf32, #tpu.memory_space<vmem>>, %arg10: memref<128x64xf32, #tpu.memory_space<vmem>>, %arg11: memref<128x64xf32, #tpu.memory_space<vmem>>, %arg12: memref<128x64xf32, #tpu.memory_space<vmem>>, %arg13: memref<128x64xf32, #tpu.memory_space<vmem>>, %arg14: memref<128x64xf32, #tpu.memory_space<vmem>>, %arg15: memref<128x64xf32, #tpu.memory_space<vmem>>, %arg16: memref<128x64xf32, #tpu.memory_space<vmem>>, %arg17: memref<10112x64xf32, #tpu.memory_space<vmem_shared>>, %arg18: memref<!tpu.dma_semaphore, #tpu.memory_space<semaphore_mem>>, %arg19: memref<!tpu.dma_semaphore, #tpu.memory_space<semaphore_mem>>, %arg20: memref<!tpu.dma_semaphore, #tpu.memory_space<semaphore_mem>>, %arg21: memref<!tpu.dma_semaphore, #tpu.memory_space<semaphore_mem>>, %arg22: memref<!tpu.dma_semaphore, #tpu.memory_space<semaphore_mem>>, %arg23: memref<!tpu.dma_semaphore, #tpu.memory_space<semaphore_mem>>, %arg24: memref<!tpu.dma_semaphore, #tpu.memory_space<semaphore_mem>>, %arg25: memref<!tpu.dma_semaphore, #tpu.memory_space<semaphore_mem>>, %arg26: memref<!tpu.dma_semaphore, #tpu.memory_space<semaphore_mem>>, %arg27: memref<!tpu.dma_semaphore, #tpu.memory_space<semaphore_mem>>, %arg28: memref<!tpu.dma_semaphore, #tpu.memory_space<semaphore_mem>>, %arg29: memref<!tpu.dma_semaphore, #tpu.memory_space<semaphore_mem>>, %arg30: memref<!tpu.dma_semaphore, #tpu.memory_space<semaphore_mem>>, %arg31: memref<!tpu.dma_semaphore, #tpu.memory_space<semaphore_mem>>, %arg32: memref<!tpu.dma_semaphore, #tpu.memory_space<semaphore_mem>>, %arg33: memref<!tpu.dma_semaphore, #tpu.memory_space<semaphore_mem>>) attributes {dimension_semantics = [#tpu.dimension_semantics<core_parallel>, #tpu.dimension_semantics<subcore_parallel>], iteration_bounds = array<i64: 2, 16>, scalar_prefetch = 0 : i64, scratch_operands = 27 : i64, tpu.core_type = #tpu.core_type<sc_vector_subcore>, window_params = [{transform_indices = #map}, {transform_indices = #map1}, {transform_indices = #map1}, {transform_indices = #map}, {transform_indices = #map1}]} {
    %mul3A = arith.constant 16 : i32
    %mul3A_0 = arith.muli %arg0, %mul3A : i32
    %add3A = arith.addi %mul3A_0, %arg1 : i32
    %mul3A_1 = arith.constant 632 : i32
    %mul3A_2 = arith.muli %arg1, %mul3A_1 : i32
    "tpu.region"() ({
      %run_scoped3A = tpu.sem_alloc : memref<!tpu.dma_semaphore, #tpu.memory_space<semaphore_mem>>
      %dma_start3A_95 = arith.constant 0 : i32
      %dma_start3A_96 = tpu.memref_slice %arg17[%mul3A_2, %dma_start3A_95] : memref<10112x64xf32, #tpu.memory_space<vmem_shared>> -> memref<632x64xf32, #tpu.memory_space<vmem_shared>>
      tpu.enqueue_dma source(%arg5 : memref<632x64xf32, #tpu.memory_space<hbm>>) target(%dma_start3A_96 : memref<632x64xf32, #tpu.memory_space<vmem_shared>>) target_semaphore(%run_scoped3A : memref<!tpu.dma_semaphore, #tpu.memory_space<semaphore_mem>>)
      %dma_wait3A_97 = arith.constant 0 : i32
      %dma_wait3A_98 = tpu.memref_slice %arg17[%mul3A_2, %dma_wait3A_97] : memref<10112x64xf32, #tpu.memory_space<vmem_shared>> -> memref<632x64xf32, #tpu.memory_space<vmem_shared>>
      tpu.wait_dma2 semaphore(%run_scoped3A : memref<!tpu.dma_semaphore, #tpu.memory_space<semaphore_mem>>) src(%arg5 : memref<632x64xf32, #tpu.memory_space<hbm>>) dst(%dma_wait3A_98 : memref<632x64xf32, #tpu.memory_space<vmem_shared>>)
      tpu.yield
    }) : () -> ()
    "tpu.region"() ({
      %run_scoped3A = tpu.sem_alloc : memref<!tpu.dma_semaphore, #tpu.memory_space<semaphore_mem>>
      %dma_start3A_95 = arith.constant 0 : i32
      %dma_start3A_96 = arith.constant 0 : i32
      %dma_start3A_97 = tpu.memref_slice %arg3[%add3A, %dma_start3A_95, %dma_start3A_96] : memref<32x80x128xi32, #tpu.memory_space<hbm>> -> memref<1x80x128xi32, #tpu.memory_space<hbm>>
      %dma_start3A_98 = tpu.memref_squeeze %dma_start3A_97 : memref<1x80x128xi32, #tpu.memory_space<hbm>> -> memref<80x128xi32, #tpu.memory_space<hbm>>
      %dma_start3A_99 = arith.constant 0 : i32
      %dma_start3A_100 = arith.constant 0 : i32
      %dma_start3A_101 = tpu.memref_slice %arg3[%add3A, %dma_start3A_99, %dma_start3A_100] : memref<32x80x128xi32, #tpu.memory_space<hbm>> -> memref<1x80x128xi32, #tpu.memory_space<hbm>>
      %dma_start3A_102 = tpu.memref_squeeze %dma_start3A_101 : memref<1x80x128xi32, #tpu.memory_space<hbm>> -> memref<80x128xi32, #tpu.memory_space<hbm>>
      tpu.enqueue_dma source(%dma_start3A_102 : memref<80x128xi32, #tpu.memory_space<hbm>>) target(%arg7 : memref<80x128xi32, #tpu.memory_space<vmem>>) target_semaphore(%run_scoped3A : memref<!tpu.dma_semaphore, #tpu.memory_space<semaphore_mem>>)
      %dma_wait3A_103 = arith.constant 0 : i32
      %dma_wait3A_104 = arith.constant 0 : i32
      %dma_wait3A_105 = tpu.memref_slice %arg3[%add3A, %dma_wait3A_103, %dma_wait3A_104] : memref<32x80x128xi32, #tpu.memory_space<hbm>> -> memref<1x80x128xi32, #tpu.memory_space<hbm>>
      %dma_wait3A_106 = tpu.memref_squeeze %dma_wait3A_105 : memref<1x80x128xi32, #tpu.memory_space<hbm>> -> memref<80x128xi32, #tpu.memory_space<hbm>>
      %dma_wait3A_107 = arith.constant 0 : i32
      %dma_wait3A_108 = arith.constant 0 : i32
      %dma_wait3A_109 = tpu.memref_slice %arg3[%add3A, %dma_wait3A_107, %dma_wait3A_108] : memref<32x80x128xi32, #tpu.memory_space<hbm>> -> memref<1x80x128xi32, #tpu.memory_space<hbm>>
      %dma_wait3A_110 = tpu.memref_squeeze %dma_wait3A_109 : memref<1x80x128xi32, #tpu.memory_space<hbm>> -> memref<80x128xi32, #tpu.memory_space<hbm>>
      tpu.wait_dma2 semaphore(%run_scoped3A : memref<!tpu.dma_semaphore, #tpu.memory_space<semaphore_mem>>) src(%dma_wait3A_110 : memref<80x128xi32, #tpu.memory_space<hbm>>) dst(%arg7 : memref<80x128xi32, #tpu.memory_space<vmem>>)
      tpu.yield
    }) : () -> ()
    "tpu.region"() ({
      %run_scoped3A = tpu.sem_alloc : memref<!tpu.dma_semaphore, #tpu.memory_space<semaphore_mem>>
      %dma_start3A_95 = arith.constant 0 : i32
      %dma_start3A_96 = arith.constant 0 : i32
      %dma_start3A_97 = tpu.memref_slice %arg4[%add3A, %dma_start3A_95, %dma_start3A_96] : memref<32x80x128xi32, #tpu.memory_space<hbm>> -> memref<1x80x128xi32, #tpu.memory_space<hbm>>
      %dma_start3A_98 = tpu.memref_squeeze %dma_start3A_97 : memref<1x80x128xi32, #tpu.memory_space<hbm>> -> memref<80x128xi32, #tpu.memory_space<hbm>>
      %dma_start3A_99 = arith.constant 0 : i32
      %dma_start3A_100 = arith.constant 0 : i32
      %dma_start3A_101 = tpu.memref_slice %arg4[%add3A, %dma_start3A_99, %dma_start3A_100] : memref<32x80x128xi32, #tpu.memory_space<hbm>> -> memref<1x80x128xi32, #tpu.memory_space<hbm>>
      %dma_start3A_102 = tpu.memref_squeeze %dma_start3A_101 : memref<1x80x128xi32, #tpu.memory_space<hbm>> -> memref<80x128xi32, #tpu.memory_space<hbm>>
      tpu.enqueue_dma source(%dma_start3A_102 : memref<80x128xi32, #tpu.memory_space<hbm>>) target(%arg8 : memref<80x128xi32, #tpu.memory_space<vmem>>) target_semaphore(%run_scoped3A : memref<!tpu.dma_semaphore, #tpu.memory_space<semaphore_mem>>)
      %dma_wait3A_103 = arith.constant 0 : i32
      %dma_wait3A_104 = arith.constant 0 : i32
      %dma_wait3A_105 = tpu.memref_slice %arg4[%add3A, %dma_wait3A_103, %dma_wait3A_104] : memref<32x80x128xi32, #tpu.memory_space<hbm>> -> memref<1x80x128xi32, #tpu.memory_space<hbm>>
      %dma_wait3A_106 = tpu.memref_squeeze %dma_wait3A_105 : memref<1x80x128xi32, #tpu.memory_space<hbm>> -> memref<80x128xi32, #tpu.memory_space<hbm>>
      %dma_wait3A_107 = arith.constant 0 : i32
      %dma_wait3A_108 = arith.constant 0 : i32
      %dma_wait3A_109 = tpu.memref_slice %arg4[%add3A, %dma_wait3A_107, %dma_wait3A_108] : memref<32x80x128xi32, #tpu.memory_space<hbm>> -> memref<1x80x128xi32, #tpu.memory_space<hbm>>
      %dma_wait3A_110 = tpu.memref_squeeze %dma_wait3A_109 : memref<1x80x128xi32, #tpu.memory_space<hbm>> -> memref<80x128xi32, #tpu.memory_space<hbm>>
      tpu.wait_dma2 semaphore(%run_scoped3A : memref<!tpu.dma_semaphore, #tpu.memory_space<semaphore_mem>>) src(%dma_wait3A_110 : memref<80x128xi32, #tpu.memory_space<hbm>>) dst(%arg8 : memref<80x128xi32, #tpu.memory_space<vmem>>)
      tpu.yield
    }) : () -> ()
    %dma_start3A = arith.constant 0 : i32
    %dma_start3A_3 = arith.constant 0 : i32
    %dma_start3A_4 = tpu.memref_slice %arg7[%dma_start3A, %dma_start3A_3] : memref<80x128xi32, #tpu.memory_space<vmem>> -> memref<1x128xi32, #tpu.memory_space<vmem>>
    %dma_start3A_5 = tpu.memref_squeeze %dma_start3A_4 : memref<1x128xi32, #tpu.memory_space<vmem>> -> memref<128xi32, #tpu.memory_space<vmem>>
    %dma_start3A_6 = arith.constant 0 : i32
    %dma_start3A_7 = arith.constant 0 : i32
    %dma_start3A_8 = tpu.memref_slice %arg2[%dma_start3A_6, %dma_start3A_7] : memref<10000x64xf32, #tpu.memory_space<hbm>> -> memref<10000x64xf32, #tpu.memory_space<hbm>>
    tpu.enqueue_indirect_dma source(%dma_start3A_8 : memref<10000x64xf32, #tpu.memory_space<hbm>>) target(%arg9 : memref<128x64xf32, #tpu.memory_space<vmem>>) offsets(%dma_start3A_5 : memref<128xi32, #tpu.memory_space<vmem>>) semaphore(%arg18 : memref<!tpu.dma_semaphore, #tpu.memory_space<semaphore_mem>>)
    %dma_start3A_9 = arith.constant 1 : i32
    %dma_start3A_10 = arith.constant 0 : i32
    %dma_start3A_11 = tpu.memref_slice %arg7[%dma_start3A_9, %dma_start3A_10] : memref<80x128xi32, #tpu.memory_space<vmem>> -> memref<1x128xi32, #tpu.memory_space<vmem>>
    %dma_start3A_12 = tpu.memref_squeeze %dma_start3A_11 : memref<1x128xi32, #tpu.memory_space<vmem>> -> memref<128xi32, #tpu.memory_space<vmem>>
    %dma_start3A_13 = arith.constant 0 : i32
    %dma_start3A_14 = arith.constant 0 : i32
    %dma_start3A_15 = tpu.memref_slice %arg2[%dma_start3A_13, %dma_start3A_14] : memref<10000x64xf32, #tpu.memory_space<hbm>> -> memref<10000x64xf32, #tpu.memory_space<hbm>>
    tpu.enqueue_indirect_dma source(%dma_start3A_15 : memref<10000x64xf32, #tpu.memory_space<hbm>>) target(%arg10 : memref<128x64xf32, #tpu.memory_space<vmem>>) offsets(%dma_start3A_12 : memref<128xi32, #tpu.memory_space<vmem>>) semaphore(%arg19 : memref<!tpu.dma_semaphore, #tpu.memory_space<semaphore_mem>>)
    %dma_start3A_16 = arith.constant 2 : i32
    %dma_start3A_17 = arith.constant 0 : i32
    %dma_start3A_18 = tpu.memref_slice %arg7[%dma_start3A_16, %dma_start3A_17] : memref<80x128xi32, #tpu.memory_space<vmem>> -> memref<1x128xi32, #tpu.memory_space<vmem>>
    %dma_start3A_19 = tpu.memref_squeeze %dma_start3A_18 : memref<1x128xi32, #tpu.memory_space<vmem>> -> memref<128xi32, #tpu.memory_space<vmem>>
    %dma_start3A_20 = arith.constant 0 : i32
    %dma_start3A_21 = arith.constant 0 : i32
    %dma_start3A_22 = tpu.memref_slice %arg2[%dma_start3A_20, %dma_start3A_21] : memref<10000x64xf32, #tpu.memory_space<hbm>> -> memref<10000x64xf32, #tpu.memory_space<hbm>>
    tpu.enqueue_indirect_dma source(%dma_start3A_22 : memref<10000x64xf32, #tpu.memory_space<hbm>>) target(%arg11 : memref<128x64xf32, #tpu.memory_space<vmem>>) offsets(%dma_start3A_19 : memref<128xi32, #tpu.memory_space<vmem>>) semaphore(%arg20 : memref<!tpu.dma_semaphore, #tpu.memory_space<semaphore_mem>>)
    %dma_start3A_23 = arith.constant 3 : i32
    %dma_start3A_24 = arith.constant 0 : i32
    %dma_start3A_25 = tpu.memref_slice %arg7[%dma_start3A_23, %dma_start3A_24] : memref<80x128xi32, #tpu.memory_space<vmem>> -> memref<1x128xi32, #tpu.memory_space<vmem>>
    %dma_start3A_26 = tpu.memref_squeeze %dma_start3A_25 : memref<1x128xi32, #tpu.memory_space<vmem>> -> memref<128xi32, #tpu.memory_space<vmem>>
    %dma_start3A_27 = arith.constant 0 : i32
    %dma_start3A_28 = arith.constant 0 : i32
    %dma_start3A_29 = tpu.memref_slice %arg2[%dma_start3A_27, %dma_start3A_28] : memref<10000x64xf32, #tpu.memory_space<hbm>> -> memref<10000x64xf32, #tpu.memory_space<hbm>>
    tpu.enqueue_indirect_dma source(%dma_start3A_29 : memref<10000x64xf32, #tpu.memory_space<hbm>>) target(%arg12 : memref<128x64xf32, #tpu.memory_space<vmem>>) offsets(%dma_start3A_26 : memref<128xi32, #tpu.memory_space<vmem>>) semaphore(%arg21 : memref<!tpu.dma_semaphore, #tpu.memory_space<semaphore_mem>>)
    %barrier3A = arith.constant 0 : index
    tpu.barrier barrier_id(%barrier3A)
    %scan3A = arith.constant 0 : i32
    %scan3A_30 = arith.constant 0 : i32
    %scan3A_31 = arith.constant 10 : i32
    %scan3A_32 = arith.addi %scan3A_30, %scan3A_31 : i32
    %scan3A_33 = arith.constant 1 : i32
    scf.for %scan3A_95 = %scan3A_30 to %scan3A_32 step %scan3A_33  : i32 {
      %mul3A_96 = arith.constant 8 : i32
      %mul3A_97 = arith.muli %scan3A_95, %mul3A_96 : i32
      %add3A_98 = arith.constant 0 : i32
      %add3A_99 = arith.addi %mul3A_97, %add3A_98 : i32
      %add3A_100 = arith.constant 4 : i32
      %add3A_101 = arith.addi %add3A_99, %add3A_100 : i32
      %lt3A = arith.constant 80 : i32
      %lt3A_102 = arith.cmpi slt, %add3A_101, %lt3A : i32
      %convert_element_type3A = arith.extui %lt3A_102 : i1 to i32
      %cond3A = arith.constant 0 : i32
      %cond3A_103 = arith.cmpi ne, %convert_element_type3A, %cond3A : i32
      scf.if %cond3A_103 {
        %add3A_277 = arith.constant 4 : i32
        %add3A_278 = arith.addi %add3A_99, %add3A_277 : i32
        %ge3A = arith.constant 8 : i32
        %ge3A_279 = arith.cmpi sge, %add3A_278, %ge3A : i32
        %convert_element_type3A_280 = arith.extui %ge3A_279 : i1 to i32
        %cond3A_281 = arith.constant 0 : i32
        %cond3A_282 = arith.cmpi ne, %convert_element_type3A_280, %cond3A_281 : i32
        scf.if %cond3A_282 {
          %dma_wait3A_291 = arith.constant 0 : i32
          %dma_wait3A_292 = arith.constant 0 : i32
          %dma_wait3A_293 = tpu.memref_slice %arg8[%dma_wait3A_291, %dma_wait3A_292] : memref<80x128xi32, #tpu.memory_space<vmem>> -> memref<1x128xi32, #tpu.memory_space<vmem>>
          %dma_wait3A_294 = tpu.memref_squeeze %dma_wait3A_293 : memref<1x128xi32, #tpu.memory_space<vmem>> -> memref<128xi32, #tpu.memory_space<vmem>>
          %dma_wait3A_295 = arith.constant 0 : i32
          %dma_wait3A_296 = arith.constant 0 : i32
          %dma_wait3A_297 = tpu.memref_slice %arg17[%dma_wait3A_295, %dma_wait3A_296] : memref<10112x64xf32, #tpu.memory_space<vmem_shared>> -> memref<10112x64xf32, #tpu.memory_space<vmem_shared>>
          tpu.wait_indirect_dma semaphore(%arg30 : memref<!tpu.dma_semaphore, #tpu.memory_space<semaphore_mem>>) src(%arg13 : memref<128x64xf32, #tpu.memory_space<vmem>>) dst(%dma_wait3A_297 : memref<10112x64xf32, #tpu.memory_space<vmem_shared>>)
        } else {
        }
        %add3A_283 = arith.constant 4 : i32
        %add3A_284 = arith.addi %add3A_99, %add3A_283 : i32
        %dma_start3A_285 = arith.constant 0 : i32
        %dma_start3A_286 = tpu.memref_slice %arg7[%add3A_284, %dma_start3A_285] : memref<80x128xi32, #tpu.memory_space<vmem>> -> memref<1x128xi32, #tpu.memory_space<vmem>>
        %dma_start3A_287 = tpu.memref_squeeze %dma_start3A_286 : memref<1x128xi32, #tpu.memory_space<vmem>> -> memref<128xi32, #tpu.memory_space<vmem>>
        %dma_start3A_288 = arith.constant 0 : i32
        %dma_start3A_289 = arith.constant 0 : i32
        %dma_start3A_290 = tpu.memref_slice %arg2[%dma_start3A_288, %dma_start3A_289] : memref<10000x64xf32, #tpu.memory_space<hbm>> -> memref<10000x64xf32, #tpu.memory_space<hbm>>
        tpu.enqueue_indirect_dma source(%dma_start3A_290 : memref<10000x64xf32, #tpu.memory_space<hbm>>) target(%arg13 : memref<128x64xf32, #tpu.memory_space<vmem>>) offsets(%dma_start3A_287 : memref<128xi32, #tpu.memory_space<vmem>>) semaphore(%arg22 : memref<!tpu.dma_semaphore, #tpu.memory_space<semaphore_mem>>)
      } else {
      }
      %dma_wait3A_104 = arith.constant 0 : i32
      %dma_wait3A_105 = tpu.memref_slice %arg7[%add3A_99, %dma_wait3A_104] : memref<80x128xi32, #tpu.memory_space<vmem>> -> memref<1x128xi32, #tpu.memory_space<vmem>>
      %dma_wait3A_106 = tpu.memref_squeeze %dma_wait3A_105 : memref<1x128xi32, #tpu.memory_space<vmem>> -> memref<128xi32, #tpu.memory_space<vmem>>
      %dma_wait3A_107 = arith.constant 0 : i32
      %dma_wait3A_108 = arith.constant 0 : i32
      %dma_wait3A_109 = tpu.memref_slice %arg2[%dma_wait3A_107, %dma_wait3A_108] : memref<10000x64xf32, #tpu.memory_space<hbm>> -> memref<10000x64xf32, #tpu.memory_space<hbm>>
      tpu.wait_indirect_dma semaphore(%arg18 : memref<!tpu.dma_semaphore, #tpu.memory_space<semaphore_mem>>) src(%dma_wait3A_109 : memref<10000x64xf32, #tpu.memory_space<hbm>>) dst(%arg9 : memref<128x64xf32, #tpu.memory_space<vmem>>)
      %dma_start3A_110 = arith.constant 0 : i32
      %dma_start3A_111 = tpu.memref_slice %arg8[%add3A_99, %dma_start3A_110] : memref<80x128xi32, #tpu.memory_space<vmem>> -> memref<1x128xi32, #tpu.memory_space<vmem>>
      %dma_start3A_112 = tpu.memref_squeeze %dma_start3A_111 : memref<1x128xi32, #tpu.memory_space<vmem>> -> memref<128xi32, #tpu.memory_space<vmem>>
      %dma_start3A_113 = arith.constant 0 : i32
      %dma_start3A_114 = arith.constant 0 : i32
      %dma_start3A_115 = tpu.memref_slice %arg17[%dma_start3A_113, %dma_start3A_114] : memref<10112x64xf32, #tpu.memory_space<vmem_shared>> -> memref<10112x64xf32, #tpu.memory_space<vmem_shared>>
      tpu.enqueue_indirect_dma source(%arg9 : memref<128x64xf32, #tpu.memory_space<vmem>>) target(%dma_start3A_115 : memref<10112x64xf32, #tpu.memory_space<vmem_shared>>) offsets(%dma_start3A_112 : memref<128xi32, #tpu.memory_space<vmem>>) semaphore(%arg26 : memref<!tpu.dma_semaphore, #tpu.memory_space<semaphore_mem>>) {add = true}
      %mul3A_116 = arith.constant 8 : i32
      %mul3A_117 = arith.muli %scan3A_95, %mul3A_116 : i32
      %add3A_118 = arith.constant 1 : i32
      %add3A_119 = arith.addi %mul3A_117, %add3A_118 : i32
      %add3A_120 = arith.constant 4 : i32
      %add3A_121 = arith.addi %add3A_119, %add3A_120 : i32
      %lt3A_122 = arith.constant 80 : i32
      %lt3A_123 = arith.cmpi slt, %add3A_121, %lt3A_122 : i32
      %convert_element_type3A_124 = arith.extui %lt3A_123 : i1 to i32
      %cond3A_125 = arith.constant 0 : i32
      %cond3A_126 = arith.cmpi ne, %convert_element_type3A_124, %cond3A_125 : i32
      scf.if %cond3A_126 {
        %add3A_277 = arith.constant 4 : i32
        %add3A_278 = arith.addi %add3A_119, %add3A_277 : i32
        %ge3A = arith.constant 8 : i32
        %ge3A_279 = arith.cmpi sge, %add3A_278, %ge3A : i32
        %convert_element_type3A_280 = arith.extui %ge3A_279 : i1 to i32
        %cond3A_281 = arith.constant 0 : i32
        %cond3A_282 = arith.cmpi ne, %convert_element_type3A_280, %cond3A_281 : i32
        scf.if %cond3A_282 {
          %dma_wait3A_291 = arith.constant 0 : i32
          %dma_wait3A_292 = arith.constant 0 : i32
          %dma_wait3A_293 = tpu.memref_slice %arg8[%dma_wait3A_291, %dma_wait3A_292] : memref<80x128xi32, #tpu.memory_space<vmem>> -> memref<1x128xi32, #tpu.memory_space<vmem>>
          %dma_wait3A_294 = tpu.memref_squeeze %dma_wait3A_293 : memref<1x128xi32, #tpu.memory_space<vmem>> -> memref<128xi32, #tpu.memory_space<vmem>>
          %dma_wait3A_295 = arith.constant 0 : i32
          %dma_wait3A_296 = arith.constant 0 : i32
          %dma_wait3A_297 = tpu.memref_slice %arg17[%dma_wait3A_295, %dma_wait3A_296] : memref<10112x64xf32, #tpu.memory_space<vmem_shared>> -> memref<10112x64xf32, #tpu.memory_space<vmem_shared>>
          tpu.wait_indirect_dma semaphore(%arg31 : memref<!tpu.dma_semaphore, #tpu.memory_space<semaphore_mem>>) src(%arg14 : memref<128x64xf32, #tpu.memory_space<vmem>>) dst(%dma_wait3A_297 : memref<10112x64xf32, #tpu.memory_space<vmem_shared>>)
        } else {
        }
        %add3A_283 = arith.constant 4 : i32
        %add3A_284 = arith.addi %add3A_119, %add3A_283 : i32
        %dma_start3A_285 = arith.constant 0 : i32
        %dma_start3A_286 = tpu.memref_slice %arg7[%add3A_284, %dma_start3A_285] : memref<80x128xi32, #tpu.memory_space<vmem>> -> memref<1x128xi32, #tpu.memory_space<vmem>>
        %dma_start3A_287 = tpu.memref_squeeze %dma_start3A_286 : memref<1x128xi32, #tpu.memory_space<vmem>> -> memref<128xi32, #tpu.memory_space<vmem>>
        %dma_start3A_288 = arith.constant 0 : i32
        %dma_start3A_289 = arith.constant 0 : i32
        %dma_start3A_290 = tpu.memref_slice %arg2[%dma_start3A_288, %dma_start3A_289] : memref<10000x64xf32, #tpu.memory_space<hbm>> -> memref<10000x64xf32, #tpu.memory_space<hbm>>
        tpu.enqueue_indirect_dma source(%dma_start3A_290 : memref<10000x64xf32, #tpu.memory_space<hbm>>) target(%arg14 : memref<128x64xf32, #tpu.memory_space<vmem>>) offsets(%dma_start3A_287 : memref<128xi32, #tpu.memory_space<vmem>>) semaphore(%arg23 : memref<!tpu.dma_semaphore, #tpu.memory_space<semaphore_mem>>)
      } else {
      }
      %dma_wait3A_127 = arith.constant 0 : i32
      %dma_wait3A_128 = tpu.memref_slice %arg7[%add3A_119, %dma_wait3A_127] : memref<80x128xi32, #tpu.memory_space<vmem>> -> memref<1x128xi32, #tpu.memory_space<vmem>>
      %dma_wait3A_129 = tpu.memref_squeeze %dma_wait3A_128 : memref<1x128xi32, #tpu.memory_space<vmem>> -> memref<128xi32, #tpu.memory_space<vmem>>
      %dma_wait3A_130 = arith.constant 0 : i32
      %dma_wait3A_131 = arith.constant 0 : i32
      %dma_wait3A_132 = tpu.memref_slice %arg2[%dma_wait3A_130, %dma_wait3A_131] : memref<10000x64xf32, #tpu.memory_space<hbm>> -> memref<10000x64xf32, #tpu.memory_space<hbm>>
      tpu.wait_indirect_dma semaphore(%arg19 : memref<!tpu.dma_semaphore, #tpu.memory_space<semaphore_mem>>) src(%dma_wait3A_132 : memref<10000x64xf32, #tpu.memory_space<hbm>>) dst(%arg10 : memref<128x64xf32, #tpu.memory_space<vmem>>)
      %dma_start3A_133 = arith.constant 0 : i32
      %dma_start3A_134 = tpu.memref_slice %arg8[%add3A_119, %dma_start3A_133] : memref<80x128xi32, #tpu.memory_space<vmem>> -> memref<1x128xi32, #tpu.memory_space<vmem>>
      %dma_start3A_135 = tpu.memref_squeeze %dma_start3A_134 : memref<1x128xi32, #tpu.memory_space<vmem>> -> memref<128xi32, #tpu.memory_space<vmem>>
      %dma_start3A_136 = arith.constant 0 : i32
      %dma_start3A_137 = arith.constant 0 : i32
      %dma_start3A_138 = tpu.memref_slice %arg17[%dma_start3A_136, %dma_start3A_137] : memref<10112x64xf32, #tpu.memory_space<vmem_shared>> -> memref<10112x64xf32, #tpu.memory_space<vmem_shared>>
      tpu.enqueue_indirect_dma source(%arg10 : memref<128x64xf32, #tpu.memory_space<vmem>>) target(%dma_start3A_138 : memref<10112x64xf32, #tpu.memory_space<vmem_shared>>) offsets(%dma_start3A_135 : memref<128xi32, #tpu.memory_space<vmem>>) semaphore(%arg27 : memref<!tpu.dma_semaphore, #tpu.memory_space<semaphore_mem>>) {add = true}
      %mul3A_139 = arith.constant 8 : i32
      %mul3A_140 = arith.muli %scan3A_95, %mul3A_139 : i32
      %add3A_141 = arith.constant 2 : i32
      %add3A_142 = arith.addi %mul3A_140, %add3A_141 : i32
      %add3A_143 = arith.constant 4 : i32
      %add3A_144 = arith.addi %add3A_142, %add3A_143 : i32
      %lt3A_145 = arith.constant 80 : i32
      %lt3A_146 = arith.cmpi slt, %add3A_144, %lt3A_145 : i32
      %convert_element_type3A_147 = arith.extui %lt3A_146 : i1 to i32
      %cond3A_148 = arith.constant 0 : i32
      %cond3A_149 = arith.cmpi ne, %convert_element_type3A_147, %cond3A_148 : i32
      scf.if %cond3A_149 {
        %add3A_277 = arith.constant 4 : i32
        %add3A_278 = arith.addi %add3A_142, %add3A_277 : i32
        %ge3A = arith.constant 8 : i32
        %ge3A_279 = arith.cmpi sge, %add3A_278, %ge3A : i32
        %convert_element_type3A_280 = arith.extui %ge3A_279 : i1 to i32
        %cond3A_281 = arith.constant 0 : i32
        %cond3A_282 = arith.cmpi ne, %convert_element_type3A_280, %cond3A_281 : i32
        scf.if %cond3A_282 {
          %dma_wait3A_291 = arith.constant 0 : i32
          %dma_wait3A_292 = arith.constant 0 : i32
          %dma_wait3A_293 = tpu.memref_slice %arg8[%dma_wait3A_291, %dma_wait3A_292] : memref<80x128xi32, #tpu.memory_space<vmem>> -> memref<1x128xi32, #tpu.memory_space<vmem>>
          %dma_wait3A_294 = tpu.memref_squeeze %dma_wait3A_293 : memref<1x128xi32, #tpu.memory_space<vmem>> -> memref<128xi32, #tpu.memory_space<vmem>>
          %dma_wait3A_295 = arith.constant 0 : i32
          %dma_wait3A_296 = arith.constant 0 : i32
          %dma_wait3A_297 = tpu.memref_slice %arg17[%dma_wait3A_295, %dma_wait3A_296] : memref<10112x64xf32, #tpu.memory_space<vmem_shared>> -> memref<10112x64xf32, #tpu.memory_space<vmem_shared>>
          tpu.wait_indirect_dma semaphore(%arg32 : memref<!tpu.dma_semaphore, #tpu.memory_space<semaphore_mem>>) src(%arg15 : memref<128x64xf32, #tpu.memory_space<vmem>>) dst(%dma_wait3A_297 : memref<10112x64xf32, #tpu.memory_space<vmem_shared>>)
        } else {
        }
        %add3A_283 = arith.constant 4 : i32
        %add3A_284 = arith.addi %add3A_142, %add3A_283 : i32
        %dma_start3A_285 = arith.constant 0 : i32
        %dma_start3A_286 = tpu.memref_slice %arg7[%add3A_284, %dma_start3A_285] : memref<80x128xi32, #tpu.memory_space<vmem>> -> memref<1x128xi32, #tpu.memory_space<vmem>>
        %dma_start3A_287 = tpu.memref_squeeze %dma_start3A_286 : memref<1x128xi32, #tpu.memory_space<vmem>> -> memref<128xi32, #tpu.memory_space<vmem>>
        %dma_start3A_288 = arith.constant 0 : i32
        %dma_start3A_289 = arith.constant 0 : i32
        %dma_start3A_290 = tpu.memref_slice %arg2[%dma_start3A_288, %dma_start3A_289] : memref<10000x64xf32, #tpu.memory_space<hbm>> -> memref<10000x64xf32, #tpu.memory_space<hbm>>
        tpu.enqueue_indirect_dma source(%dma_start3A_290 : memref<10000x64xf32, #tpu.memory_space<hbm>>) target(%arg15 : memref<128x64xf32, #tpu.memory_space<vmem>>) offsets(%dma_start3A_287 : memref<128xi32, #tpu.memory_space<vmem>>) semaphore(%arg24 : memref<!tpu.dma_semaphore, #tpu.memory_space<semaphore_mem>>)
      } else {
      }
      %dma_wait3A_150 = arith.constant 0 : i32
      %dma_wait3A_151 = tpu.memref_slice %arg7[%add3A_142, %dma_wait3A_150] : memref<80x128xi32, #tpu.memory_space<vmem>> -> memref<1x128xi32, #tpu.memory_space<vmem>>
      %dma_wait3A_152 = tpu.memref_squeeze %dma_wait3A_151 : memref<1x128xi32, #tpu.memory_space<vmem>> -> memref<128xi32, #tpu.memory_space<vmem>>
      %dma_wait3A_153 = arith.constant 0 : i32
      %dma_wait3A_154 = arith.constant 0 : i32
      %dma_wait3A_155 = tpu.memref_slice %arg2[%dma_wait3A_153, %dma_wait3A_154] : memref<10000x64xf32, #tpu.memory_space<hbm>> -> memref<10000x64xf32, #tpu.memory_space<hbm>>
      tpu.wait_indirect_dma semaphore(%arg20 : memref<!tpu.dma_semaphore, #tpu.memory_space<semaphore_mem>>) src(%dma_wait3A_155 : memref<10000x64xf32, #tpu.memory_space<hbm>>) dst(%arg11 : memref<128x64xf32, #tpu.memory_space<vmem>>)
      %dma_start3A_156 = arith.constant 0 : i32
      %dma_start3A_157 = tpu.memref_slice %arg8[%add3A_142, %dma_start3A_156] : memref<80x128xi32, #tpu.memory_space<vmem>> -> memref<1x128xi32, #tpu.memory_space<vmem>>
      %dma_start3A_158 = tpu.memref_squeeze %dma_start3A_157 : memref<1x128xi32, #tpu.memory_space<vmem>> -> memref<128xi32, #tpu.memory_space<vmem>>
      %dma_start3A_159 = arith.constant 0 : i32
      %dma_start3A_160 = arith.constant 0 : i32
      %dma_start3A_161 = tpu.memref_slice %arg17[%dma_start3A_159, %dma_start3A_160] : memref<10112x64xf32, #tpu.memory_space<vmem_shared>> -> memref<10112x64xf32, #tpu.memory_space<vmem_shared>>
      tpu.enqueue_indirect_dma source(%arg11 : memref<128x64xf32, #tpu.memory_space<vmem>>) target(%dma_start3A_161 : memref<10112x64xf32, #tpu.memory_space<vmem_shared>>) offsets(%dma_start3A_158 : memref<128xi32, #tpu.memory_space<vmem>>) semaphore(%arg28 : memref<!tpu.dma_semaphore, #tpu.memory_space<semaphore_mem>>) {add = true}
      %mul3A_162 = arith.constant 8 : i32
      %mul3A_163 = arith.muli %scan3A_95, %mul3A_162 : i32
      %add3A_164 = arith.constant 3 : i32
      %add3A_165 = arith.addi %mul3A_163, %add3A_164 : i32
      %add3A_166 = arith.constant 4 : i32
      %add3A_167 = arith.addi %add3A_165, %add3A_166 : i32
      %lt3A_168 = arith.constant 80 : i32
      %lt3A_169 = arith.cmpi slt, %add3A_167, %lt3A_168 : i32
      %convert_element_type3A_170 = arith.extui %lt3A_169 : i1 to i32
      %cond3A_171 = arith.constant 0 : i32
      %cond3A_172 = arith.cmpi ne, %convert_element_type3A_170, %cond3A_171 : i32
      scf.if %cond3A_172 {
        %add3A_277 = arith.constant 4 : i32
        %add3A_278 = arith.addi %add3A_165, %add3A_277 : i32
        %ge3A = arith.constant 8 : i32
        %ge3A_279 = arith.cmpi sge, %add3A_278, %ge3A : i32
        %convert_element_type3A_280 = arith.extui %ge3A_279 : i1 to i32
        %cond3A_281 = arith.constant 0 : i32
        %cond3A_282 = arith.cmpi ne, %convert_element_type3A_280, %cond3A_281 : i32
        scf.if %cond3A_282 {
          %dma_wait3A_291 = arith.constant 0 : i32
          %dma_wait3A_292 = arith.constant 0 : i32
          %dma_wait3A_293 = tpu.memref_slice %arg8[%dma_wait3A_291, %dma_wait3A_292] : memref<80x128xi32, #tpu.memory_space<vmem>> -> memref<1x128xi32, #tpu.memory_space<vmem>>
          %dma_wait3A_294 = tpu.memref_squeeze %dma_wait3A_293 : memref<1x128xi32, #tpu.memory_space<vmem>> -> memref<128xi32, #tpu.memory_space<vmem>>
          %dma_wait3A_295 = arith.constant 0 : i32
          %dma_wait3A_296 = arith.constant 0 : i32
          %dma_wait3A_297 = tpu.memref_slice %arg17[%dma_wait3A_295, %dma_wait3A_296] : memref<10112x64xf32, #tpu.memory_space<vmem_shared>> -> memref<10112x64xf32, #tpu.memory_space<vmem_shared>>
          tpu.wait_indirect_dma semaphore(%arg33 : memref<!tpu.dma_semaphore, #tpu.memory_space<semaphore_mem>>) src(%arg16 : memref<128x64xf32, #tpu.memory_space<vmem>>) dst(%dma_wait3A_297 : memref<10112x64xf32, #tpu.memory_space<vmem_shared>>)
        } else {
        }
        %add3A_283 = arith.constant 4 : i32
        %add3A_284 = arith.addi %add3A_165, %add3A_283 : i32
        %dma_start3A_285 = arith.constant 0 : i32
        %dma_start3A_286 = tpu.memref_slice %arg7[%add3A_284, %dma_start3A_285] : memref<80x128xi32, #tpu.memory_space<vmem>> -> memref<1x128xi32, #tpu.memory_space<vmem>>
        %dma_start3A_287 = tpu.memref_squeeze %dma_start3A_286 : memref<1x128xi32, #tpu.memory_space<vmem>> -> memref<128xi32, #tpu.memory_space<vmem>>
        %dma_start3A_288 = arith.constant 0 : i32
        %dma_start3A_289 = arith.constant 0 : i32
        %dma_start3A_290 = tpu.memref_slice %arg2[%dma_start3A_288, %dma_start3A_289] : memref<10000x64xf32, #tpu.memory_space<hbm>> -> memref<10000x64xf32, #tpu.memory_space<hbm>>
        tpu.enqueue_indirect_dma source(%dma_start3A_290 : memref<10000x64xf32, #tpu.memory_space<hbm>>) target(%arg16 : memref<128x64xf32, #tpu.memory_space<vmem>>) offsets(%dma_start3A_287 : memref<128xi32, #tpu.memory_space<vmem>>) semaphore(%arg25 : memref<!tpu.dma_semaphore, #tpu.memory_space<semaphore_mem>>)
      } else {
      }
      %dma_wait3A_173 = arith.constant 0 : i32
      %dma_wait3A_174 = tpu.memref_slice %arg7[%add3A_165, %dma_wait3A_173] : memref<80x128xi32, #tpu.memory_space<vmem>> -> memref<1x128xi32, #tpu.memory_space<vmem>>
      %dma_wait3A_175 = tpu.memref_squeeze %dma_wait3A_174 : memref<1x128xi32, #tpu.memory_space<vmem>> -> memref<128xi32, #tpu.memory_space<vmem>>
      %dma_wait3A_176 = arith.constant 0 : i32
      %dma_wait3A_177 = arith.constant 0 : i32
      %dma_wait3A_178 = tpu.memref_slice %arg2[%dma_wait3A_176, %dma_wait3A_177] : memref<10000x64xf32, #tpu.memory_space<hbm>> -> memref<10000x64xf32, #tpu.memory_space<hbm>>
      tpu.wait_indirect_dma semaphore(%arg21 : memref<!tpu.dma_semaphore, #tpu.memory_space<semaphore_mem>>) src(%dma_wait3A_178 : memref<10000x64xf32, #tpu.memory_space<hbm>>) dst(%arg12 : memref<128x64xf32, #tpu.memory_space<vmem>>)
      %dma_start3A_179 = arith.constant 0 : i32
      %dma_start3A_180 = tpu.memref_slice %arg8[%add3A_165, %dma_start3A_179] : memref<80x128xi32, #tpu.memory_space<vmem>> -> memref<1x128xi32, #tpu.memory_space<vmem>>
      %dma_start3A_181 = tpu.memref_squeeze %dma_start3A_180 : memref<1x128xi32, #tpu.memory_space<vmem>> -> memref<128xi32, #tpu.memory_space<vmem>>
      %dma_start3A_182 = arith.constant 0 : i32
      %dma_start3A_183 = arith.constant 0 : i32
      %dma_start3A_184 = tpu.memref_slice %arg17[%dma_start3A_182, %dma_start3A_183] : memref<10112x64xf32, #tpu.memory_space<vmem_shared>> -> memref<10112x64xf32, #tpu.memory_space<vmem_shared>>
      tpu.enqueue_indirect_dma source(%arg12 : memref<128x64xf32, #tpu.memory_space<vmem>>) target(%dma_start3A_184 : memref<10112x64xf32, #tpu.memory_space<vmem_shared>>) offsets(%dma_start3A_181 : memref<128xi32, #tpu.memory_space<vmem>>) semaphore(%arg29 : memref<!tpu.dma_semaphore, #tpu.memory_space<semaphore_mem>>) {add = true}
      %mul3A_185 = arith.constant 8 : i32
      %mul3A_186 = arith.muli %scan3A_95, %mul3A_185 : i32
      %add3A_187 = arith.constant 4 : i32
      %add3A_188 = arith.addi %mul3A_186, %add3A_187 : i32
      %add3A_189 = arith.constant 4 : i32
      %add3A_190 = arith.addi %add3A_188, %add3A_189 : i32
      %lt3A_191 = arith.constant 80 : i32
      %lt3A_192 = arith.cmpi slt, %add3A_190, %lt3A_191 : i32
      %convert_element_type3A_193 = arith.extui %lt3A_192 : i1 to i32
      %cond3A_194 = arith.constant 0 : i32
      %cond3A_195 = arith.cmpi ne, %convert_element_type3A_193, %cond3A_194 : i32
      scf.if %cond3A_195 {
        %add3A_277 = arith.constant 4 : i32
        %add3A_278 = arith.addi %add3A_188, %add3A_277 : i32
        %ge3A = arith.constant 8 : i32
        %ge3A_279 = arith.cmpi sge, %add3A_278, %ge3A : i32
        %convert_element_type3A_280 = arith.extui %ge3A_279 : i1 to i32
        %cond3A_281 = arith.constant 0 : i32
        %cond3A_282 = arith.cmpi ne, %convert_element_type3A_280, %cond3A_281 : i32
        scf.if %cond3A_282 {
          %dma_wait3A_291 = arith.constant 0 : i32
          %dma_wait3A_292 = arith.constant 0 : i32
          %dma_wait3A_293 = tpu.memref_slice %arg8[%dma_wait3A_291, %dma_wait3A_292] : memref<80x128xi32, #tpu.memory_space<vmem>> -> memref<1x128xi32, #tpu.memory_space<vmem>>
          %dma_wait3A_294 = tpu.memref_squeeze %dma_wait3A_293 : memref<1x128xi32, #tpu.memory_space<vmem>> -> memref<128xi32, #tpu.memory_space<vmem>>
          %dma_wait3A_295 = arith.constant 0 : i32
          %dma_wait3A_296 = arith.constant 0 : i32
          %dma_wait3A_297 = tpu.memref_slice %arg17[%dma_wait3A_295, %dma_wait3A_296] : memref<10112x64xf32, #tpu.memory_space<vmem_shared>> -> memref<10112x64xf32, #tpu.memory_space<vmem_shared>>
          tpu.wait_indirect_dma semaphore(%arg26 : memref<!tpu.dma_semaphore, #tpu.memory_space<semaphore_mem>>) src(%arg9 : memref<128x64xf32, #tpu.memory_space<vmem>>) dst(%dma_wait3A_297 : memref<10112x64xf32, #tpu.memory_space<vmem_shared>>)
        } else {
        }
        %add3A_283 = arith.constant 4 : i32
        %add3A_284 = arith.addi %add3A_188, %add3A_283 : i32
        %dma_start3A_285 = arith.constant 0 : i32
        %dma_start3A_286 = tpu.memref_slice %arg7[%add3A_284, %dma_start3A_285] : memref<80x128xi32, #tpu.memory_space<vmem>> -> memref<1x128xi32, #tpu.memory_space<vmem>>
        %dma_start3A_287 = tpu.memref_squeeze %dma_start3A_286 : memref<1x128xi32, #tpu.memory_space<vmem>> -> memref<128xi32, #tpu.memory_space<vmem>>
        %dma_start3A_288 = arith.constant 0 : i32
        %dma_start3A_289 = arith.constant 0 : i32
        %dma_start3A_290 = tpu.memref_slice %arg2[%dma_start3A_288, %dma_start3A_289] : memref<10000x64xf32, #tpu.memory_space<hbm>> -> memref<10000x64xf32, #tpu.memory_space<hbm>>
        tpu.enqueue_indirect_dma source(%dma_start3A_290 : memref<10000x64xf32, #tpu.memory_space<hbm>>) target(%arg9 : memref<128x64xf32, #tpu.memory_space<vmem>>) offsets(%dma_start3A_287 : memref<128xi32, #tpu.memory_space<vmem>>) semaphore(%arg18 : memref<!tpu.dma_semaphore, #tpu.memory_space<semaphore_mem>>)
      } else {
      }
      %dma_wait3A_196 = arith.constant 0 : i32
      %dma_wait3A_197 = tpu.memref_slice %arg7[%add3A_188, %dma_wait3A_196] : memref<80x128xi32, #tpu.memory_space<vmem>> -> memref<1x128xi32, #tpu.memory_space<vmem>>
      %dma_wait3A_198 = tpu.memref_squeeze %dma_wait3A_197 : memref<1x128xi32, #tpu.memory_space<vmem>> -> memref<128xi32, #tpu.memory_space<vmem>>
      %dma_wait3A_199 = arith.constant 0 : i32
      %dma_wait3A_200 = arith.constant 0 : i32
      %dma_wait3A_201 = tpu.memref_slice %arg2[%dma_wait3A_199, %dma_wait3A_200] : memref<10000x64xf32, #tpu.memory_space<hbm>> -> memref<10000x64xf32, #tpu.memory_space<hbm>>
      tpu.wait_indirect_dma semaphore(%arg22 : memref<!tpu.dma_semaphore, #tpu.memory_space<semaphore_mem>>) src(%dma_wait3A_201 : memref<10000x64xf32, #tpu.memory_space<hbm>>) dst(%arg13 : memref<128x64xf32, #tpu.memory_space<vmem>>)
      %dma_start3A_202 = arith.constant 0 : i32
      %dma_start3A_203 = tpu.memref_slice %arg8[%add3A_188, %dma_start3A_202] : memref<80x128xi32, #tpu.memory_space<vmem>> -> memref<1x128xi32, #tpu.memory_space<vmem>>
      %dma_start3A_204 = tpu.memref_squeeze %dma_start3A_203 : memref<1x128xi32, #tpu.memory_space<vmem>> -> memref<128xi32, #tpu.memory_space<vmem>>
      %dma_start3A_205 = arith.constant 0 : i32
      %dma_start3A_206 = arith.constant 0 : i32
      %dma_start3A_207 = tpu.memref_slice %arg17[%dma_start3A_205, %dma_start3A_206] : memref<10112x64xf32, #tpu.memory_space<vmem_shared>> -> memref<10112x64xf32, #tpu.memory_space<vmem_shared>>
      tpu.enqueue_indirect_dma source(%arg13 : memref<128x64xf32, #tpu.memory_space<vmem>>) target(%dma_start3A_207 : memref<10112x64xf32, #tpu.memory_space<vmem_shared>>) offsets(%dma_start3A_204 : memref<128xi32, #tpu.memory_space<vmem>>) semaphore(%arg30 : memref<!tpu.dma_semaphore, #tpu.memory_space<semaphore_mem>>) {add = true}
      %mul3A_208 = arith.constant 8 : i32
      %mul3A_209 = arith.muli %scan3A_95, %mul3A_208 : i32
      %add3A_210 = arith.constant 5 : i32
      %add3A_211 = arith.addi %mul3A_209, %add3A_210 : i32
      %add3A_212 = arith.constant 4 : i32
      %add3A_213 = arith.addi %add3A_211, %add3A_212 : i32
      %lt3A_214 = arith.constant 80 : i32
      %lt3A_215 = arith.cmpi slt, %add3A_213, %lt3A_214 : i32
      %convert_element_type3A_216 = arith.extui %lt3A_215 : i1 to i32
      %cond3A_217 = arith.constant 0 : i32
      %cond3A_218 = arith.cmpi ne, %convert_element_type3A_216, %cond3A_217 : i32
      scf.if %cond3A_218 {
        %add3A_277 = arith.constant 4 : i32
        %add3A_278 = arith.addi %add3A_211, %add3A_277 : i32
        %ge3A = arith.constant 8 : i32
        %ge3A_279 = arith.cmpi sge, %add3A_278, %ge3A : i32
        %convert_element_type3A_280 = arith.extui %ge3A_279 : i1 to i32
        %cond3A_281 = arith.constant 0 : i32
        %cond3A_282 = arith.cmpi ne, %convert_element_type3A_280, %cond3A_281 : i32
        scf.if %cond3A_282 {
          %dma_wait3A_291 = arith.constant 0 : i32
          %dma_wait3A_292 = arith.constant 0 : i32
          %dma_wait3A_293 = tpu.memref_slice %arg8[%dma_wait3A_291, %dma_wait3A_292] : memref<80x128xi32, #tpu.memory_space<vmem>> -> memref<1x128xi32, #tpu.memory_space<vmem>>
          %dma_wait3A_294 = tpu.memref_squeeze %dma_wait3A_293 : memref<1x128xi32, #tpu.memory_space<vmem>> -> memref<128xi32, #tpu.memory_space<vmem>>
          %dma_wait3A_295 = arith.constant 0 : i32
          %dma_wait3A_296 = arith.constant 0 : i32
          %dma_wait3A_297 = tpu.memref_slice %arg17[%dma_wait3A_295, %dma_wait3A_296] : memref<10112x64xf32, #tpu.memory_space<vmem_shared>> -> memref<10112x64xf32, #tpu.memory_space<vmem_shared>>
          tpu.wait_indirect_dma semaphore(%arg27 : memref<!tpu.dma_semaphore, #tpu.memory_space<semaphore_mem>>) src(%arg10 : memref<128x64xf32, #tpu.memory_space<vmem>>) dst(%dma_wait3A_297 : memref<10112x64xf32, #tpu.memory_space<vmem_shared>>)
        } else {
        }
        %add3A_283 = arith.constant 4 : i32
        %add3A_284 = arith.addi %add3A_211, %add3A_283 : i32
        %dma_start3A_285 = arith.constant 0 : i32
        %dma_start3A_286 = tpu.memref_slice %arg7[%add3A_284, %dma_start3A_285] : memref<80x128xi32, #tpu.memory_space<vmem>> -> memref<1x128xi32, #tpu.memory_space<vmem>>
        %dma_start3A_287 = tpu.memref_squeeze %dma_start3A_286 : memref<1x128xi32, #tpu.memory_space<vmem>> -> memref<128xi32, #tpu.memory_space<vmem>>
        %dma_start3A_288 = arith.constant 0 : i32
        %dma_start3A_289 = arith.constant 0 : i32
        %dma_start3A_290 = tpu.memref_slice %arg2[%dma_start3A_288, %dma_start3A_289] : memref<10000x64xf32, #tpu.memory_space<hbm>> -> memref<10000x64xf32, #tpu.memory_space<hbm>>
        tpu.enqueue_indirect_dma source(%dma_start3A_290 : memref<10000x64xf32, #tpu.memory_space<hbm>>) target(%arg10 : memref<128x64xf32, #tpu.memory_space<vmem>>) offsets(%dma_start3A_287 : memref<128xi32, #tpu.memory_space<vmem>>) semaphore(%arg19 : memref<!tpu.dma_semaphore, #tpu.memory_space<semaphore_mem>>)
      } else {
      }
      %dma_wait3A_219 = arith.constant 0 : i32
      %dma_wait3A_220 = tpu.memref_slice %arg7[%add3A_211, %dma_wait3A_219] : memref<80x128xi32, #tpu.memory_space<vmem>> -> memref<1x128xi32, #tpu.memory_space<vmem>>
      %dma_wait3A_221 = tpu.memref_squeeze %dma_wait3A_220 : memref<1x128xi32, #tpu.memory_space<vmem>> -> memref<128xi32, #tpu.memory_space<vmem>>
      %dma_wait3A_222 = arith.constant 0 : i32
      %dma_wait3A_223 = arith.constant 0 : i32
      %dma_wait3A_224 = tpu.memref_slice %arg2[%dma_wait3A_222, %dma_wait3A_223] : memref<10000x64xf32, #tpu.memory_space<hbm>> -> memref<10000x64xf32, #tpu.memory_space<hbm>>
      tpu.wait_indirect_dma semaphore(%arg23 : memref<!tpu.dma_semaphore, #tpu.memory_space<semaphore_mem>>) src(%dma_wait3A_224 : memref<10000x64xf32, #tpu.memory_space<hbm>>) dst(%arg14 : memref<128x64xf32, #tpu.memory_space<vmem>>)
      %dma_start3A_225 = arith.constant 0 : i32
      %dma_start3A_226 = tpu.memref_slice %arg8[%add3A_211, %dma_start3A_225] : memref<80x128xi32, #tpu.memory_space<vmem>> -> memref<1x128xi32, #tpu.memory_space<vmem>>
      %dma_start3A_227 = tpu.memref_squeeze %dma_start3A_226 : memref<1x128xi32, #tpu.memory_space<vmem>> -> memref<128xi32, #tpu.memory_space<vmem>>
      %dma_start3A_228 = arith.constant 0 : i32
      %dma_start3A_229 = arith.constant 0 : i32
      %dma_start3A_230 = tpu.memref_slice %arg17[%dma_start3A_228, %dma_start3A_229] : memref<10112x64xf32, #tpu.memory_space<vmem_shared>> -> memref<10112x64xf32, #tpu.memory_space<vmem_shared>>
      tpu.enqueue_indirect_dma source(%arg14 : memref<128x64xf32, #tpu.memory_space<vmem>>) target(%dma_start3A_230 : memref<10112x64xf32, #tpu.memory_space<vmem_shared>>) offsets(%dma_start3A_227 : memref<128xi32, #tpu.memory_space<vmem>>) semaphore(%arg31 : memref<!tpu.dma_semaphore, #tpu.memory_space<semaphore_mem>>) {add = true}
      %mul3A_231 = arith.constant 8 : i32
      %mul3A_232 = arith.muli %scan3A_95, %mul3A_231 : i32
      %add3A_233 = arith.constant 6 : i32
      %add3A_234 = arith.addi %mul3A_232, %add3A_233 : i32
      %add3A_235 = arith.constant 4 : i32
      %add3A_236 = arith.addi %add3A_234, %add3A_235 : i32
      %lt3A_237 = arith.constant 80 : i32
      %lt3A_238 = arith.cmpi slt, %add3A_236, %lt3A_237 : i32
      %convert_element_type3A_239 = arith.extui %lt3A_238 : i1 to i32
      %cond3A_240 = arith.constant 0 : i32
      %cond3A_241 = arith.cmpi ne, %convert_element_type3A_239, %cond3A_240 : i32
      scf.if %cond3A_241 {
        %add3A_277 = arith.constant 4 : i32
        %add3A_278 = arith.addi %add3A_234, %add3A_277 : i32
        %ge3A = arith.constant 8 : i32
        %ge3A_279 = arith.cmpi sge, %add3A_278, %ge3A : i32
        %convert_element_type3A_280 = arith.extui %ge3A_279 : i1 to i32
        %cond3A_281 = arith.constant 0 : i32
        %cond3A_282 = arith.cmpi ne, %convert_element_type3A_280, %cond3A_281 : i32
        scf.if %cond3A_282 {
          %dma_wait3A_291 = arith.constant 0 : i32
          %dma_wait3A_292 = arith.constant 0 : i32
          %dma_wait3A_293 = tpu.memref_slice %arg8[%dma_wait3A_291, %dma_wait3A_292] : memref<80x128xi32, #tpu.memory_space<vmem>> -> memref<1x128xi32, #tpu.memory_space<vmem>>
          %dma_wait3A_294 = tpu.memref_squeeze %dma_wait3A_293 : memref<1x128xi32, #tpu.memory_space<vmem>> -> memref<128xi32, #tpu.memory_space<vmem>>
          %dma_wait3A_295 = arith.constant 0 : i32
          %dma_wait3A_296 = arith.constant 0 : i32
          %dma_wait3A_297 = tpu.memref_slice %arg17[%dma_wait3A_295, %dma_wait3A_296] : memref<10112x64xf32, #tpu.memory_space<vmem_shared>> -> memref<10112x64xf32, #tpu.memory_space<vmem_shared>>
          tpu.wait_indirect_dma semaphore(%arg28 : memref<!tpu.dma_semaphore, #tpu.memory_space<semaphore_mem>>) src(%arg11 : memref<128x64xf32, #tpu.memory_space<vmem>>) dst(%dma_wait3A_297 : memref<10112x64xf32, #tpu.memory_space<vmem_shared>>)
        } else {
        }
        %add3A_283 = arith.constant 4 : i32
        %add3A_284 = arith.addi %add3A_234, %add3A_283 : i32
        %dma_start3A_285 = arith.constant 0 : i32
        %dma_start3A_286 = tpu.memref_slice %arg7[%add3A_284, %dma_start3A_285] : memref<80x128xi32, #tpu.memory_space<vmem>> -> memref<1x128xi32, #tpu.memory_space<vmem>>
        %dma_start3A_287 = tpu.memref_squeeze %dma_start3A_286 : memref<1x128xi32, #tpu.memory_space<vmem>> -> memref<128xi32, #tpu.memory_space<vmem>>
        %dma_start3A_288 = arith.constant 0 : i32
        %dma_start3A_289 = arith.constant 0 : i32
        %dma_start3A_290 = tpu.memref_slice %arg2[%dma_start3A_288, %dma_start3A_289] : memref<10000x64xf32, #tpu.memory_space<hbm>> -> memref<10000x64xf32, #tpu.memory_space<hbm>>
        tpu.enqueue_indirect_dma source(%dma_start3A_290 : memref<10000x64xf32, #tpu.memory_space<hbm>>) target(%arg11 : memref<128x64xf32, #tpu.memory_space<vmem>>) offsets(%dma_start3A_287 : memref<128xi32, #tpu.memory_space<vmem>>) semaphore(%arg20 : memref<!tpu.dma_semaphore, #tpu.memory_space<semaphore_mem>>)
      } else {
      }
      %dma_wait3A_242 = arith.constant 0 : i32
      %dma_wait3A_243 = tpu.memref_slice %arg7[%add3A_234, %dma_wait3A_242] : memref<80x128xi32, #tpu.memory_space<vmem>> -> memref<1x128xi32, #tpu.memory_space<vmem>>
      %dma_wait3A_244 = tpu.memref_squeeze %dma_wait3A_243 : memref<1x128xi32, #tpu.memory_space<vmem>> -> memref<128xi32, #tpu.memory_space<vmem>>
      %dma_wait3A_245 = arith.constant 0 : i32
      %dma_wait3A_246 = arith.constant 0 : i32
      %dma_wait3A_247 = tpu.memref_slice %arg2[%dma_wait3A_245, %dma_wait3A_246] : memref<10000x64xf32, #tpu.memory_space<hbm>> -> memref<10000x64xf32, #tpu.memory_space<hbm>>
      tpu.wait_indirect_dma semaphore(%arg24 : memref<!tpu.dma_semaphore, #tpu.memory_space<semaphore_mem>>) src(%dma_wait3A_247 : memref<10000x64xf32, #tpu.memory_space<hbm>>) dst(%arg15 : memref<128x64xf32, #tpu.memory_space<vmem>>)
      %dma_start3A_248 = arith.constant 0 : i32
      %dma_start3A_249 = tpu.memref_slice %arg8[%add3A_234, %dma_start3A_248] : memref<80x128xi32, #tpu.memory_space<vmem>> -> memref<1x128xi32, #tpu.memory_space<vmem>>
      %dma_start3A_250 = tpu.memref_squeeze %dma_start3A_249 : memref<1x128xi32, #tpu.memory_space<vmem>> -> memref<128xi32, #tpu.memory_space<vmem>>
      %dma_start3A_251 = arith.constant 0 : i32
      %dma_start3A_252 = arith.constant 0 : i32
      %dma_start3A_253 = tpu.memref_slice %arg17[%dma_start3A_251, %dma_start3A_252] : memref<10112x64xf32, #tpu.memory_space<vmem_shared>> -> memref<10112x64xf32, #tpu.memory_space<vmem_shared>>
      tpu.enqueue_indirect_dma source(%arg15 : memref<128x64xf32, #tpu.memory_space<vmem>>) target(%dma_start3A_253 : memref<10112x64xf32, #tpu.memory_space<vmem_shared>>) offsets(%dma_start3A_250 : memref<128xi32, #tpu.memory_space<vmem>>) semaphore(%arg32 : memref<!tpu.dma_semaphore, #tpu.memory_space<semaphore_mem>>) {add = true}
      %mul3A_254 = arith.constant 8 : i32
      %mul3A_255 = arith.muli %scan3A_95, %mul3A_254 : i32
      %add3A_256 = arith.constant 7 : i32
      %add3A_257 = arith.addi %mul3A_255, %add3A_256 : i32
      %add3A_258 = arith.constant 4 : i32
      %add3A_259 = arith.addi %add3A_257, %add3A_258 : i32
      %lt3A_260 = arith.constant 80 : i32
      %lt3A_261 = arith.cmpi slt, %add3A_259, %lt3A_260 : i32
      %convert_element_type3A_262 = arith.extui %lt3A_261 : i1 to i32
      %cond3A_263 = arith.constant 0 : i32
      %cond3A_264 = arith.cmpi ne, %convert_element_type3A_262, %cond3A_263 : i32
      scf.if %cond3A_264 {
        %add3A_277 = arith.constant 4 : i32
        %add3A_278 = arith.addi %add3A_257, %add3A_277 : i32
        %ge3A = arith.constant 8 : i32
        %ge3A_279 = arith.cmpi sge, %add3A_278, %ge3A : i32
        %convert_element_type3A_280 = arith.extui %ge3A_279 : i1 to i32
        %cond3A_281 = arith.constant 0 : i32
        %cond3A_282 = arith.cmpi ne, %convert_element_type3A_280, %cond3A_281 : i32
        scf.if %cond3A_282 {
          %dma_wait3A_291 = arith.constant 0 : i32
          %dma_wait3A_292 = arith.constant 0 : i32
          %dma_wait3A_293 = tpu.memref_slice %arg8[%dma_wait3A_291, %dma_wait3A_292] : memref<80x128xi32, #tpu.memory_space<vmem>> -> memref<1x128xi32, #tpu.memory_space<vmem>>
          %dma_wait3A_294 = tpu.memref_squeeze %dma_wait3A_293 : memref<1x128xi32, #tpu.memory_space<vmem>> -> memref<128xi32, #tpu.memory_space<vmem>>
          %dma_wait3A_295 = arith.constant 0 : i32
          %dma_wait3A_296 = arith.constant 0 : i32
          %dma_wait3A_297 = tpu.memref_slice %arg17[%dma_wait3A_295, %dma_wait3A_296] : memref<10112x64xf32, #tpu.memory_space<vmem_shared>> -> memref<10112x64xf32, #tpu.memory_space<vmem_shared>>
          tpu.wait_indirect_dma semaphore(%arg29 : memref<!tpu.dma_semaphore, #tpu.memory_space<semaphore_mem>>) src(%arg12 : memref<128x64xf32, #tpu.memory_space<vmem>>) dst(%dma_wait3A_297 : memref<10112x64xf32, #tpu.memory_space<vmem_shared>>)
        } else {
        }
        %add3A_283 = arith.constant 4 : i32
        %add3A_284 = arith.addi %add3A_257, %add3A_283 : i32
        %dma_start3A_285 = arith.constant 0 : i32
        %dma_start3A_286 = tpu.memref_slice %arg7[%add3A_284, %dma_start3A_285] : memref<80x128xi32, #tpu.memory_space<vmem>> -> memref<1x128xi32, #tpu.memory_space<vmem>>
        %dma_start3A_287 = tpu.memref_squeeze %dma_start3A_286 : memref<1x128xi32, #tpu.memory_space<vmem>> -> memref<128xi32, #tpu.memory_space<vmem>>
        %dma_start3A_288 = arith.constant 0 : i32
        %dma_start3A_289 = arith.constant 0 : i32
        %dma_start3A_290 = tpu.memref_slice %arg2[%dma_start3A_288, %dma_start3A_289] : memref<10000x64xf32, #tpu.memory_space<hbm>> -> memref<10000x64xf32, #tpu.memory_space<hbm>>
        tpu.enqueue_indirect_dma source(%dma_start3A_290 : memref<10000x64xf32, #tpu.memory_space<hbm>>) target(%arg12 : memref<128x64xf32, #tpu.memory_space<vmem>>) offsets(%dma_start3A_287 : memref<128xi32, #tpu.memory_space<vmem>>) semaphore(%arg21 : memref<!tpu.dma_semaphore, #tpu.memory_space<semaphore_mem>>)
      } else {
      }
      %dma_wait3A_265 = arith.constant 0 : i32
      %dma_wait3A_266 = tpu.memref_slice %arg7[%add3A_257, %dma_wait3A_265] : memref<80x128xi32, #tpu.memory_space<vmem>> -> memref<1x128xi32, #tpu.memory_space<vmem>>
      %dma_wait3A_267 = tpu.memref_squeeze %dma_wait3A_266 : memref<1x128xi32, #tpu.memory_space<vmem>> -> memref<128xi32, #tpu.memory_space<vmem>>
      %dma_wait3A_268 = arith.constant 0 : i32
      %dma_wait3A_269 = arith.constant 0 : i32
      %dma_wait3A_270 = tpu.memref_slice %arg2[%dma_wait3A_268, %dma_wait3A_269] : memref<10000x64xf32, #tpu.memory_space<hbm>> -> memref<10000x64xf32, #tpu.memory_space<hbm>>
      tpu.wait_indirect_dma semaphore(%arg25 : memref<!tpu.dma_semaphore, #tpu.memory_space<semaphore_mem>>) src(%dma_wait3A_270 : memref<10000x64xf32, #tpu.memory_space<hbm>>) dst(%arg16 : memref<128x64xf32, #tpu.memory_space<vmem>>)
      %dma_start3A_271 = arith.constant 0 : i32
      %dma_start3A_272 = tpu.memref_slice %arg8[%add3A_257, %dma_start3A_271] : memref<80x128xi32, #tpu.memory_space<vmem>> -> memref<1x128xi32, #tpu.memory_space<vmem>>
      %dma_start3A_273 = tpu.memref_squeeze %dma_start3A_272 : memref<1x128xi32, #tpu.memory_space<vmem>> -> memref<128xi32, #tpu.memory_space<vmem>>
      %dma_start3A_274 = arith.constant 0 : i32
      %dma_start3A_275 = arith.constant 0 : i32
      %dma_start3A_276 = tpu.memref_slice %arg17[%dma_start3A_274, %dma_start3A_275] : memref<10112x64xf32, #tpu.memory_space<vmem_shared>> -> memref<10112x64xf32, #tpu.memory_space<vmem_shared>>
      tpu.enqueue_indirect_dma source(%arg16 : memref<128x64xf32, #tpu.memory_space<vmem>>) target(%dma_start3A_276 : memref<10112x64xf32, #tpu.memory_space<vmem_shared>>) offsets(%dma_start3A_273 : memref<128xi32, #tpu.memory_space<vmem>>) semaphore(%arg33 : memref<!tpu.dma_semaphore, #tpu.memory_space<semaphore_mem>>) {add = true}
    }
    %scan3A_34 = arith.constant 10 : i32
    %dma_wait3A = arith.constant 0 : i32
    %dma_wait3A_35 = arith.constant 0 : i32
    %dma_wait3A_36 = tpu.memref_slice %arg8[%dma_wait3A, %dma_wait3A_35] : memref<80x128xi32, #tpu.memory_space<vmem>> -> memref<1x128xi32, #tpu.memory_space<vmem>>
    %dma_wait3A_37 = tpu.memref_squeeze %dma_wait3A_36 : memref<1x128xi32, #tpu.memory_space<vmem>> -> memref<128xi32, #tpu.memory_space<vmem>>
    %dma_wait3A_38 = arith.constant 0 : i32
    %dma_wait3A_39 = arith.constant 0 : i32
    %dma_wait3A_40 = tpu.memref_slice %arg17[%dma_wait3A_38, %dma_wait3A_39] : memref<10112x64xf32, #tpu.memory_space<vmem_shared>> -> memref<10112x64xf32, #tpu.memory_space<vmem_shared>>
    tpu.wait_indirect_dma semaphore(%arg26 : memref<!tpu.dma_semaphore, #tpu.memory_space<semaphore_mem>>) src(%arg9 : memref<128x64xf32, #tpu.memory_space<vmem>>) dst(%dma_wait3A_40 : memref<10112x64xf32, #tpu.memory_space<vmem_shared>>)
    %dma_wait3A_41 = arith.constant 0 : i32
    %dma_wait3A_42 = arith.constant 0 : i32
    %dma_wait3A_43 = tpu.memref_slice %arg8[%dma_wait3A_41, %dma_wait3A_42] : memref<80x128xi32, #tpu.memory_space<vmem>> -> memref<1x128xi32, #tpu.memory_space<vmem>>
    %dma_wait3A_44 = tpu.memref_squeeze %dma_wait3A_43 : memref<1x128xi32, #tpu.memory_space<vmem>> -> memref<128xi32, #tpu.memory_space<vmem>>
    %dma_wait3A_45 = arith.constant 0 : i32
    %dma_wait3A_46 = arith.constant 0 : i32
    %dma_wait3A_47 = tpu.memref_slice %arg17[%dma_wait3A_45, %dma_wait3A_46] : memref<10112x64xf32, #tpu.memory_space<vmem_shared>> -> memref<10112x64xf32, #tpu.memory_space<vmem_shared>>
    tpu.wait_indirect_dma semaphore(%arg27 : memref<!tpu.dma_semaphore, #tpu.memory_space<semaphore_mem>>) src(%arg10 : memref<128x64xf32, #tpu.memory_space<vmem>>) dst(%dma_wait3A_47 : memref<10112x64xf32, #tpu.memory_space<vmem_shared>>)
    %dma_wait3A_48 = arith.constant 0 : i32
    %dma_wait3A_49 = arith.constant 0 : i32
    %dma_wait3A_50 = tpu.memref_slice %arg8[%dma_wait3A_48, %dma_wait3A_49] : memref<80x128xi32, #tpu.memory_space<vmem>> -> memref<1x128xi32, #tpu.memory_space<vmem>>
    %dma_wait3A_51 = tpu.memref_squeeze %dma_wait3A_50 : memref<1x128xi32, #tpu.memory_space<vmem>> -> memref<128xi32, #tpu.memory_space<vmem>>
    %dma_wait3A_52 = arith.constant 0 : i32
    %dma_wait3A_53 = arith.constant 0 : i32
    %dma_wait3A_54 = tpu.memref_slice %arg17[%dma_wait3A_52, %dma_wait3A_53] : memref<10112x64xf32, #tpu.memory_space<vmem_shared>> -> memref<10112x64xf32, #tpu.memory_space<vmem_shared>>
    tpu.wait_indirect_dma semaphore(%arg28 : memref<!tpu.dma_semaphore, #tpu.memory_space<semaphore_mem>>) src(%arg11 : memref<128x64xf32, #tpu.memory_space<vmem>>) dst(%dma_wait3A_54 : memref<10112x64xf32, #tpu.memory_space<vmem_shared>>)
    %dma_wait3A_55 = arith.constant 0 : i32
    %dma_wait3A_56 = arith.constant 0 : i32
    %dma_wait3A_57 = tpu.memref_slice %arg8[%dma_wait3A_55, %dma_wait3A_56] : memref<80x128xi32, #tpu.memory_space<vmem>> -> memref<1x128xi32, #tpu.memory_space<vmem>>
    %dma_wait3A_58 = tpu.memref_squeeze %dma_wait3A_57 : memref<1x128xi32, #tpu.memory_space<vmem>> -> memref<128xi32, #tpu.memory_space<vmem>>
    %dma_wait3A_59 = arith.constant 0 : i32
    %dma_wait3A_60 = arith.constant 0 : i32
    %dma_wait3A_61 = tpu.memref_slice %arg17[%dma_wait3A_59, %dma_wait3A_60] : memref<10112x64xf32, #tpu.memory_space<vmem_shared>> -> memref<10112x64xf32, #tpu.memory_space<vmem_shared>>
    tpu.wait_indirect_dma semaphore(%arg29 : memref<!tpu.dma_semaphore, #tpu.memory_space<semaphore_mem>>) src(%arg12 : memref<128x64xf32, #tpu.memory_space<vmem>>) dst(%dma_wait3A_61 : memref<10112x64xf32, #tpu.memory_space<vmem_shared>>)
    %dma_wait3A_62 = arith.constant 0 : i32
    %dma_wait3A_63 = arith.constant 0 : i32
    %dma_wait3A_64 = tpu.memref_slice %arg8[%dma_wait3A_62, %dma_wait3A_63] : memref<80x128xi32, #tpu.memory_space<vmem>> -> memref<1x128xi32, #tpu.memory_space<vmem>>
    %dma_wait3A_65 = tpu.memref_squeeze %dma_wait3A_64 : memref<1x128xi32, #tpu.memory_space<vmem>> -> memref<128xi32, #tpu.memory_space<vmem>>
    %dma_wait3A_66 = arith.constant 0 : i32
    %dma_wait3A_67 = arith.constant 0 : i32
    %dma_wait3A_68 = tpu.memref_slice %arg17[%dma_wait3A_66, %dma_wait3A_67] : memref<10112x64xf32, #tpu.memory_space<vmem_shared>> -> memref<10112x64xf32, #tpu.memory_space<vmem_shared>>
    tpu.wait_indirect_dma semaphore(%arg30 : memref<!tpu.dma_semaphore, #tpu.memory_space<semaphore_mem>>) src(%arg13 : memref<128x64xf32, #tpu.memory_space<vmem>>) dst(%dma_wait3A_68 : memref<10112x64xf32, #tpu.memory_space<vmem_shared>>)
    %dma_wait3A_69 = arith.constant 0 : i32
    %dma_wait3A_70 = arith.constant 0 : i32
    %dma_wait3A_71 = tpu.memref_slice %arg8[%dma_wait3A_69, %dma_wait3A_70] : memref<80x128xi32, #tpu.memory_space<vmem>> -> memref<1x128xi32, #tpu.memory_space<vmem>>
    %dma_wait3A_72 = tpu.memref_squeeze %dma_wait3A_71 : memref<1x128xi32, #tpu.memory_space<vmem>> -> memref<128xi32, #tpu.memory_space<vmem>>
    %dma_wait3A_73 = arith.constant 0 : i32
    %dma_wait3A_74 = arith.constant 0 : i32
    %dma_wait3A_75 = tpu.memref_slice %arg17[%dma_wait3A_73, %dma_wait3A_74] : memref<10112x64xf32, #tpu.memory_space<vmem_shared>> -> memref<10112x64xf32, #tpu.memory_space<vmem_shared>>
    tpu.wait_indirect_dma semaphore(%arg31 : memref<!tpu.dma_semaphore, #tpu.memory_space<semaphore_mem>>) src(%arg14 : memref<128x64xf32, #tpu.memory_space<vmem>>) dst(%dma_wait3A_75 : memref<10112x64xf32, #tpu.memory_space<vmem_shared>>)
    %dma_wait3A_76 = arith.constant 0 : i32
    %dma_wait3A_77 = arith.constant 0 : i32
    %dma_wait3A_78 = tpu.memref_slice %arg8[%dma_wait3A_76, %dma_wait3A_77] : memref<80x128xi32, #tpu.memory_space<vmem>> -> memref<1x128xi32, #tpu.memory_space<vmem>>
    %dma_wait3A_79 = tpu.memref_squeeze %dma_wait3A_78 : memref<1x128xi32, #tpu.memory_space<vmem>> -> memref<128xi32, #tpu.memory_space<vmem>>
    %dma_wait3A_80 = arith.constant 0 : i32
    %dma_wait3A_81 = arith.constant 0 : i32
    %dma_wait3A_82 = tpu.memref_slice %arg17[%dma_wait3A_80, %dma_wait3A_81] : memref<10112x64xf32, #tpu.memory_space<vmem_shared>> -> memref<10112x64xf32, #tpu.memory_space<vmem_shared>>
    tpu.wait_indirect_dma semaphore(%arg32 : memref<!tpu.dma_semaphore, #tpu.memory_space<semaphore_mem>>) src(%arg15 : memref<128x64xf32, #tpu.memory_space<vmem>>) dst(%dma_wait3A_82 : memref<10112x64xf32, #tpu.memory_space<vmem_shared>>)
    %dma_wait3A_83 = arith.constant 0 : i32
    %dma_wait3A_84 = arith.constant 0 : i32
    %dma_wait3A_85 = tpu.memref_slice %arg8[%dma_wait3A_83, %dma_wait3A_84] : memref<80x128xi32, #tpu.memory_space<vmem>> -> memref<1x128xi32, #tpu.memory_space<vmem>>
    %dma_wait3A_86 = tpu.memref_squeeze %dma_wait3A_85 : memref<1x128xi32, #tpu.memory_space<vmem>> -> memref<128xi32, #tpu.memory_space<vmem>>
    %dma_wait3A_87 = arith.constant 0 : i32
    %dma_wait3A_88 = arith.constant 0 : i32
    %dma_wait3A_89 = tpu.memref_slice %arg17[%dma_wait3A_87, %dma_wait3A_88] : memref<10112x64xf32, #tpu.memory_space<vmem_shared>> -> memref<10112x64xf32, #tpu.memory_space<vmem_shared>>
    tpu.wait_indirect_dma semaphore(%arg33 : memref<!tpu.dma_semaphore, #tpu.memory_space<semaphore_mem>>) src(%arg16 : memref<128x64xf32, #tpu.memory_space<vmem>>) dst(%dma_wait3A_89 : memref<10112x64xf32, #tpu.memory_space<vmem_shared>>)
    %barrier3A_90 = arith.constant 0 : index
    tpu.barrier barrier_id(%barrier3A_90)
    %mul3A_91 = arith.constant 632 : i32
    %mul3A_92 = arith.muli %arg1, %mul3A_91 : i32
    %mul3A_93 = arith.constant 632 : i32
    %mul3A_94 = arith.muli %arg1, %mul3A_93 : i32
    "tpu.region"() ({
      %run_scoped3A = tpu.sem_alloc : memref<!tpu.dma_semaphore, #tpu.memory_space<semaphore_mem>>
      %dma_start3A_95 = arith.constant 0 : i32
      %dma_start3A_96 = tpu.memref_slice %arg6[%arg0, %mul3A_94, %dma_start3A_95] : memref<2x10112x64xf32, #tpu.memory_space<hbm>> -> memref<1x632x64xf32, #tpu.memory_space<hbm>>
      %dma_start3A_97 = tpu.memref_squeeze %dma_start3A_96 : memref<1x632x64xf32, #tpu.memory_space<hbm>> -> memref<632x64xf32, #tpu.memory_space<hbm>>
      %dma_start3A_98 = arith.constant 0 : i32
      %dma_start3A_99 = tpu.memref_slice %arg17[%mul3A_92, %dma_start3A_98] : memref<10112x64xf32, #tpu.memory_space<vmem_shared>> -> memref<632x64xf32, #tpu.memory_space<vmem_shared>>
      tpu.enqueue_dma source(%dma_start3A_99 : memref<632x64xf32, #tpu.memory_space<vmem_shared>>) target(%dma_start3A_97 : memref<632x64xf32, #tpu.memory_space<hbm>>) target_semaphore(%run_scoped3A : memref<!tpu.dma_semaphore, #tpu.memory_space<semaphore_mem>>)
      %dma_wait3A_100 = arith.constant 0 : i32
      %dma_wait3A_101 = tpu.memref_slice %arg6[%arg0, %mul3A_94, %dma_wait3A_100] : memref<2x10112x64xf32, #tpu.memory_space<hbm>> -> memref<1x632x64xf32, #tpu.memory_space<hbm>>
      %dma_wait3A_102 = tpu.memref_squeeze %dma_wait3A_101 : memref<1x632x64xf32, #tpu.memory_space<hbm>> -> memref<632x64xf32, #tpu.memory_space<hbm>>
      %dma_wait3A_103 = arith.constant 0 : i32
      %dma_wait3A_104 = tpu.memref_slice %arg17[%mul3A_92, %dma_wait3A_103] : memref<10112x64xf32, #tpu.memory_space<vmem_shared>> -> memref<632x64xf32, #tpu.memory_space<vmem_shared>>
      tpu.wait_dma2 semaphore(%run_scoped3A : memref<!tpu.dma_semaphore, #tpu.memory_space<semaphore_mem>>) src(%dma_wait3A_104 : memref<632x64xf32, #tpu.memory_space<vmem_shared>>) dst(%dma_wait3A_102 : memref<632x64xf32, #tpu.memory_space<hbm>>)
      tpu.yield
    }) : () -> ()
    return
  }
}

module attributes {stable_mosaic.version = 14 : i64} {
  func.func @_tc1(%arg0: memref<2x10112x16xf32, #tpu.memory_space<vmem>>, %arg1: memref<10000x128xf32, #tpu.memory_space<vmem>>, %arg2: memref<128x32xf32, #tpu.memory_space<vmem>>, %arg3: memref<10000x1xf32, #tpu.memory_space<vmem>>, %arg4: memref<10000x32xf32, #tpu.memory_space<vmem>>) attributes {dimension_semantics = [], scalar_prefetch = 0 : i64, scratch_operands = 0 : i64, tpu.core_type = #tpu.core_type<tc>} {
    %get3A = arith.constant 0 : index
    %get3A_0 = arith.constant 0 : index
    %get3A_1 = arith.constant 0 : index
    %get3A_2 = vector.load %arg0[%get3A, %get3A_0, %get3A_1] : memref<2x10112x16xf32, #tpu.memory_space<vmem>>, vector<1x10000x1xf32>
    %get3A_3 = vector.shape_cast %get3A_2 : vector<1x10000x1xf32> to vector<10000x1xf32>
    %get3A_4 = arith.constant 1 : index
    %get3A_5 = arith.constant 0 : index
    %get3A_6 = arith.constant 0 : index
    %get3A_7 = vector.load %arg0[%get3A_4, %get3A_5, %get3A_6] : memref<2x10112x16xf32, #tpu.memory_space<vmem>>, vector<1x10000x1xf32>
    %get3A_8 = vector.shape_cast %get3A_7 : vector<1x10000x1xf32> to vector<10000x1xf32>
    %add3A = arith.addf %get3A_3, %get3A_8 : vector<10000x1xf32>
    %add3A_9 = arith.constant 1.000000e+00 : f32
    %add3A_10 = vector.broadcast %add3A_9 : f32 to vector<10000x1xf32>
    %add3A_11 = arith.addf %add3A, %add3A_10 : vector<10000x1xf32>
    %rsqrt3A = math.rsqrt %add3A_11 : vector<10000x1xf32>
    %swap3A = arith.constant 0 : index
    %swap3A_12 = arith.constant 0 : index
    %swap3A_13 = vector.load %arg3[%swap3A, %swap3A_12] : memref<10000x1xf32, #tpu.memory_space<vmem>>, vector<10000x1xf32>
    tpu.vector_store %arg3[%swap3A, %swap3A_12], %rsqrt3A {strides = array<i32>} : memref<10000x1xf32, #tpu.memory_space<vmem>>, vector<10000x1xf32>,
    %get3A_14 = arith.constant 0 : index
    %get3A_15 = arith.constant 0 : index
    %get3A_16 = vector.load %arg1[%get3A_14, %get3A_15] : memref<10000x128xf32, #tpu.memory_space<vmem>>, vector<10000x128xf32>
    %get3A_17 = arith.constant 0 : index
    %get3A_18 = arith.constant 0 : index
    %get3A_19 = vector.load %arg2[%get3A_17, %get3A_18] : memref<128x32xf32, #tpu.memory_space<vmem>>, vector<128x32xf32>
    %dot_general3A = arith.constant dense<0.000000e+00> : vector<10000x32xf32>
    %dot_general3A_20 = tpu.matmul %get3A_16, %get3A_19, %dot_general3A {dimension_numbers = #tpu.dot_dimension_numbers<[1], [0], [0], [1], [0, 0, 1, 1], [], []>, transpose_lhs_hint = false} : vector<10000x128xf32>, vector<128x32xf32>, vector<10000x32xf32> -> vector<10000x32xf32>
    %mul3A = vector.broadcast %rsqrt3A : vector<10000x1xf32> to vector<10000x32xf32>
    %mul3A_21 = arith.mulf %mul3A, %dot_general3A_20 : vector<10000x32xf32>
    %swap3A_22 = arith.constant 0 : index
    %swap3A_23 = arith.constant 0 : index
    %swap3A_24 = vector.load %arg4[%swap3A_22, %swap3A_23] : memref<10000x32xf32, #tpu.memory_space<vmem>>, vector<10000x32xf32>
    tpu.vector_store %arg4[%swap3A_22, %swap3A_23], %mul3A_21 {strides = array<i32>} : memref<10000x32xf32, #tpu.memory_space<vmem>>, vector<10000x32xf32>,
    return
  }
}

module attributes {stable_mosaic.version = 14 : i64} {
  func.func @_tc_stage(%arg0: memref<2x10112x32xf32, #tpu.memory_space<vmem>>, %arg1: memref<10000x32xf32, #tpu.memory_space<vmem>>, %arg2: memref<10000x1xf32, #tpu.memory_space<vmem>>, %arg3: memref<1x32xf32, #tpu.memory_space<vmem>>, %arg4: memref<32x32xf32, #tpu.memory_space<vmem>>, %arg5: memref<10000x32xf32, #tpu.memory_space<vmem>>, %arg6: memref<10000x32xf32, #tpu.memory_space<vmem>>) attributes {dimension_semantics = [], scalar_prefetch = 0 : i64, scratch_operands = 0 : i64, tpu.core_type = #tpu.core_type<tc>} {
    %get3A = arith.constant 0 : index
    %get3A_0 = arith.constant 0 : index
    %get3A_1 = vector.load %arg2[%get3A, %get3A_0] : memref<10000x1xf32, #tpu.memory_space<vmem>>, vector<10000x1xf32>
    %get3A_2 = arith.constant 0 : index
    %get3A_3 = arith.constant 0 : index
    %get3A_4 = arith.constant 0 : index
    %get3A_5 = vector.load %arg0[%get3A_2, %get3A_3, %get3A_4] : memref<2x10112x32xf32, #tpu.memory_space<vmem>>, vector<1x10000x32xf32>
    %get3A_6 = vector.shape_cast %get3A_5 : vector<1x10000x32xf32> to vector<10000x32xf32>
    %get3A_7 = arith.constant 1 : index
    %get3A_8 = arith.constant 0 : index
    %get3A_9 = arith.constant 0 : index
    %get3A_10 = vector.load %arg0[%get3A_7, %get3A_8, %get3A_9] : memref<2x10112x32xf32, #tpu.memory_space<vmem>>, vector<1x10000x32xf32>
    %get3A_11 = vector.shape_cast %get3A_10 : vector<1x10000x32xf32> to vector<10000x32xf32>
    %add3A = arith.addf %get3A_6, %get3A_11 : vector<10000x32xf32>
    %get3A_12 = arith.constant 0 : index
    %get3A_13 = arith.constant 0 : index
    %get3A_14 = vector.load %arg1[%get3A_12, %get3A_13] : memref<10000x32xf32, #tpu.memory_space<vmem>>, vector<10000x32xf32>
    %add3A_15 = arith.addf %add3A, %get3A_14 : vector<10000x32xf32>
    %mul3A = vector.broadcast %get3A_1 : vector<10000x1xf32> to vector<10000x32xf32>
    %mul3A_16 = arith.mulf %mul3A, %add3A_15 : vector<10000x32xf32>
    %get3A_17 = arith.constant 0 : index
    %get3A_18 = arith.constant 0 : index
    %get3A_19 = vector.load %arg3[%get3A_17, %get3A_18] : memref<1x32xf32, #tpu.memory_space<vmem>>, vector<1x32xf32>
    %add3A_20 = vector.broadcast %get3A_19 : vector<1x32xf32> to vector<10000x32xf32>
    %add3A_21 = arith.addf %mul3A_16, %add3A_20 : vector<10000x32xf32>
    %max3A = arith.constant 0.000000e+00 : f32
    %max3A_22 = vector.broadcast %max3A : f32 to vector<10000x32xf32>
    %max3A_23 = arith.maximumf %add3A_21, %max3A_22 : vector<10000x32xf32>
    %swap3A = arith.constant 0 : index
    %swap3A_24 = arith.constant 0 : index
    %swap3A_25 = vector.load %arg5[%swap3A, %swap3A_24] : memref<10000x32xf32, #tpu.memory_space<vmem>>, vector<10000x32xf32>
    tpu.vector_store %arg5[%swap3A, %swap3A_24], %max3A_23 {strides = array<i32>} : memref<10000x32xf32, #tpu.memory_space<vmem>>, vector<10000x32xf32>,
    %get3A_26 = arith.constant 0 : index
    %get3A_27 = arith.constant 0 : index
    %get3A_28 = vector.load %arg4[%get3A_26, %get3A_27] : memref<32x32xf32, #tpu.memory_space<vmem>>, vector<32x32xf32>
    %dot_general3A = arith.constant dense<0.000000e+00> : vector<10000x32xf32>
    %dot_general3A_29 = tpu.matmul %max3A_23, %get3A_28, %dot_general3A {dimension_numbers = #tpu.dot_dimension_numbers<[1], [0], [0], [1], [0, 0, 1, 1], [], []>, transpose_lhs_hint = false} : vector<10000x32xf32>, vector<32x32xf32>, vector<10000x32xf32> -> vector<10000x32xf32>
    %mul3A_30 = vector.broadcast %get3A_1 : vector<10000x1xf32> to vector<10000x32xf32>
    %mul3A_31 = arith.mulf %mul3A_30, %dot_general3A_29 : vector<10000x32xf32>
    %swap3A_32 = arith.constant 0 : index
    %swap3A_33 = arith.constant 0 : index
    %swap3A_34 = vector.load %arg6[%swap3A_32, %swap3A_33] : memref<10000x32xf32, #tpu.memory_space<vmem>>, vector<10000x32xf32>
    tpu.vector_store %arg6[%swap3A_32, %swap3A_33], %mul3A_31 {strides = array<i32>} : memref<10000x32xf32, #tpu.memory_space<vmem>>, vector<10000x32xf32>,
    return
  }
}

module attributes {stable_mosaic.version = 14 : i64} {
  func.func @_tc4(%arg0: memref<2x10112x32xf32, #tpu.memory_space<vmem>>, %arg1: memref<10000x32xf32, #tpu.memory_space<vmem>>, %arg2: memref<10000x1xf32, #tpu.memory_space<vmem>>, %arg3: memref<1x32xf32, #tpu.memory_space<vmem>>, %arg4: memref<10000x32xf32, #tpu.memory_space<vmem>>, %arg5: memref<10000x32xf32, #tpu.memory_space<vmem>>, %arg6: memref<32x64xf32, #tpu.memory_space<vmem>>, %arg7: memref<32x64xf32, #tpu.memory_space<vmem>>, %arg8: memref<32x64xf32, #tpu.memory_space<vmem>>, %arg9: memref<1x64xf32, #tpu.memory_space<vmem>>, %arg10: memref<10000x64xf32, #tpu.memory_space<vmem>>) attributes {dimension_semantics = [], scalar_prefetch = 0 : i64, scratch_operands = 0 : i64, tpu.core_type = #tpu.core_type<tc>} {
    %get3A = arith.constant 0 : index
    %get3A_0 = arith.constant 0 : index
    %get3A_1 = vector.load %arg2[%get3A, %get3A_0] : memref<10000x1xf32, #tpu.memory_space<vmem>>, vector<10000x1xf32>
    %get3A_2 = arith.constant 0 : index
    %get3A_3 = arith.constant 0 : index
    %get3A_4 = arith.constant 0 : index
    %get3A_5 = vector.load %arg0[%get3A_2, %get3A_3, %get3A_4] : memref<2x10112x32xf32, #tpu.memory_space<vmem>>, vector<1x10000x32xf32>
    %get3A_6 = vector.shape_cast %get3A_5 : vector<1x10000x32xf32> to vector<10000x32xf32>
    %get3A_7 = arith.constant 1 : index
    %get3A_8 = arith.constant 0 : index
    %get3A_9 = arith.constant 0 : index
    %get3A_10 = vector.load %arg0[%get3A_7, %get3A_8, %get3A_9] : memref<2x10112x32xf32, #tpu.memory_space<vmem>>, vector<1x10000x32xf32>
    %get3A_11 = vector.shape_cast %get3A_10 : vector<1x10000x32xf32> to vector<10000x32xf32>
    %add3A = arith.addf %get3A_6, %get3A_11 : vector<10000x32xf32>
    %get3A_12 = arith.constant 0 : index
    %get3A_13 = arith.constant 0 : index
    %get3A_14 = vector.load %arg1[%get3A_12, %get3A_13] : memref<10000x32xf32, #tpu.memory_space<vmem>>, vector<10000x32xf32>
    %add3A_15 = arith.addf %add3A, %get3A_14 : vector<10000x32xf32>
    %mul3A = vector.broadcast %get3A_1 : vector<10000x1xf32> to vector<10000x32xf32>
    %mul3A_16 = arith.mulf %mul3A, %add3A_15 : vector<10000x32xf32>
    %get3A_17 = arith.constant 0 : index
    %get3A_18 = arith.constant 0 : index
    %get3A_19 = vector.load %arg3[%get3A_17, %get3A_18] : memref<1x32xf32, #tpu.memory_space<vmem>>, vector<1x32xf32>
    %add3A_20 = vector.broadcast %get3A_19 : vector<1x32xf32> to vector<10000x32xf32>
    %add3A_21 = arith.addf %mul3A_16, %add3A_20 : vector<10000x32xf32>
    %max3A = arith.constant 0.000000e+00 : f32
    %max3A_22 = vector.broadcast %max3A : f32 to vector<10000x32xf32>
    %max3A_23 = arith.maximumf %add3A_21, %max3A_22 : vector<10000x32xf32>
    %get3A_24 = arith.constant 0 : index
    %get3A_25 = arith.constant 0 : index
    %get3A_26 = vector.load %arg4[%get3A_24, %get3A_25] : memref<10000x32xf32, #tpu.memory_space<vmem>>, vector<10000x32xf32>
    %get3A_27 = arith.constant 0 : index
    %get3A_28 = arith.constant 0 : index
    %get3A_29 = vector.load %arg6[%get3A_27, %get3A_28] : memref<32x64xf32, #tpu.memory_space<vmem>>, vector<32x64xf32>
    %dot_general3A = arith.constant dense<0.000000e+00> : vector<10000x64xf32>
    %dot_general3A_30 = tpu.matmul %get3A_26, %get3A_29, %dot_general3A {dimension_numbers = #tpu.dot_dimension_numbers<[1], [0], [0], [1], [0, 0, 1, 1], [], []>, transpose_lhs_hint = false} : vector<10000x32xf32>, vector<32x64xf32>, vector<10000x64xf32> -> vector<10000x64xf32>
    %get3A_31 = arith.constant 0 : index
    %get3A_32 = arith.constant 0 : index
    %get3A_33 = vector.load %arg5[%get3A_31, %get3A_32] : memref<10000x32xf32, #tpu.memory_space<vmem>>, vector<10000x32xf32>
    %get3A_34 = arith.constant 0 : index
    %get3A_35 = arith.constant 0 : index
    %get3A_36 = vector.load %arg7[%get3A_34, %get3A_35] : memref<32x64xf32, #tpu.memory_space<vmem>>, vector<32x64xf32>
    %dot_general3A_37 = arith.constant dense<0.000000e+00> : vector<10000x64xf32>
    %dot_general3A_38 = tpu.matmul %get3A_33, %get3A_36, %dot_general3A_37 {dimension_numbers = #tpu.dot_dimension_numbers<[1], [0], [0], [1], [0, 0, 1, 1], [], []>, transpose_lhs_hint = false} : vector<10000x32xf32>, vector<32x64xf32>, vector<10000x64xf32> -> vector<10000x64xf32>
    %add3A_39 = arith.addf %dot_general3A_30, %dot_general3A_38 : vector<10000x64xf32>
    %get3A_40 = arith.constant 0 : index
    %get3A_41 = arith.constant 0 : index
    %get3A_42 = vector.load %arg8[%get3A_40, %get3A_41] : memref<32x64xf32, #tpu.memory_space<vmem>>, vector<32x64xf32>
    %dot_general3A_43 = arith.constant dense<0.000000e+00> : vector<10000x64xf32>
    %dot_general3A_44 = tpu.matmul %max3A_23, %get3A_42, %dot_general3A_43 {dimension_numbers = #tpu.dot_dimension_numbers<[1], [0], [0], [1], [0, 0, 1, 1], [], []>, transpose_lhs_hint = false} : vector<10000x32xf32>, vector<32x64xf32>, vector<10000x64xf32> -> vector<10000x64xf32>
    %add3A_45 = arith.addf %add3A_39, %dot_general3A_44 : vector<10000x64xf32>
    %get3A_46 = arith.constant 0 : index
    %get3A_47 = arith.constant 0 : index
    %get3A_48 = vector.load %arg9[%get3A_46, %get3A_47] : memref<1x64xf32, #tpu.memory_space<vmem>>, vector<1x64xf32>
    %add3A_49 = vector.broadcast %get3A_48 : vector<1x64xf32> to vector<10000x64xf32>
    %add3A_50 = arith.addf %add3A_45, %add3A_49 : vector<10000x64xf32>
    %mul3A_51 = vector.broadcast %get3A_1 : vector<10000x1xf32> to vector<10000x64xf32>
    %mul3A_52 = arith.mulf %mul3A_51, %add3A_50 : vector<10000x64xf32>
    %swap3A = arith.constant 0 : index
    %swap3A_53 = arith.constant 0 : index
    %swap3A_54 = vector.load %arg10[%swap3A, %swap3A_53] : memref<10000x64xf32, #tpu.memory_space<vmem>>, vector<10000x64xf32>
    tpu.vector_store %arg10[%swap3A, %swap3A_53], %mul3A_52 {strides = array<i32>} : memref<10000x64xf32, #tpu.memory_space<vmem>>, vector<10000x64xf32>,
    return
  }
}

module attributes {stable_mosaic.version = 14 : i64} {
  func.func @_tc_attn(%arg0: memref<2x10112x64xf32, #tpu.memory_space<vmem>>, %arg1: memref<10000x64xf32, #tpu.memory_space<vmem>>, %arg2: memref<10000x1xf32, #tpu.memory_space<vmem>>, %arg3: memref<64x64xf32, #tpu.memory_space<vmem>>, %arg4: memref<1x64xf32, #tpu.memory_space<vmem>>, %arg5: memref<64x64xf32, #tpu.memory_space<vmem>>, %arg6: memref<1x64xf32, #tpu.memory_space<vmem>>, %arg7: memref<50x64xf32, #tpu.memory_space<vmem>>, %arg8: memref<64x64xf32, #tpu.memory_space<vmem>>, %arg9: memref<1x64xf32, #tpu.memory_space<vmem>>, %arg10: memref<64x64xf32, #tpu.memory_space<vmem>>, %arg11: memref<1x64xf32, #tpu.memory_space<vmem>>, %arg12: memref<64x64xf32, #tpu.memory_space<vmem>>, %arg13: memref<1x64xf32, #tpu.memory_space<vmem>>, %arg14: memref<64x64xf32, #tpu.memory_space<vmem>>, %arg15: memref<1x64xf32, #tpu.memory_space<vmem>>, %arg16: memref<64x64xf32, #tpu.memory_space<vmem>>, %arg17: memref<1x64xf32, #tpu.memory_space<vmem>>, %arg18: memref<64x64xf32, #tpu.memory_space<vmem>>, %arg19: memref<1x64xf32, #tpu.memory_space<vmem>>, %arg20: memref<1x64xf32, #tpu.memory_space<vmem>>, %arg21: memref<64x64xf32, #tpu.memory_space<vmem>>, %arg22: memref<1x64xf32, #tpu.memory_space<vmem>>, %arg23: memref<64x64xf32, #tpu.memory_space<vmem>>, %arg24: memref<1x64xf32, #tpu.memory_space<vmem>>, %arg25: memref<64x64xf32, #tpu.memory_space<vmem>>, %arg26: memref<1x64xf32, #tpu.memory_space<vmem>>, %arg27: memref<64x64xf32, #tpu.memory_space<vmem>>, %arg28: memref<1x64xf32, #tpu.memory_space<vmem>>, %arg29: memref<64x32xf32, #tpu.memory_space<vmem>>, %arg30: memref<1x32xf32, #tpu.memory_space<vmem>>, %arg31: memref<32x16xf32, #tpu.memory_space<vmem>>, %arg32: memref<1x16xf32, #tpu.memory_space<vmem>>, %arg33: memref<16x10xf32, #tpu.memory_space<vmem>>, %arg34: memref<1x10xf32, #tpu.memory_space<vmem>>, %arg35: memref<50x10xf32, #tpu.memory_space<vmem>>) attributes {dimension_semantics = [], scalar_prefetch = 0 : i64, scratch_operands = 0 : i64, tpu.core_type = #tpu.core_type<tc>} {
    %iota3A = tpu.iota {dimensions = array<i32: 1>} : vector<1x64xi32>
    %jit3A = arith.constant 16 : i32
    %div3A = vector.broadcast %jit3A : i32 to vector<1x64xi32>
    %div3A_0 = arith.divsi %iota3A, %div3A : vector<1x64xi32>
    %sign3A = arith.constant 0 : i32
    %sign3A_1 = vector.broadcast %sign3A : i32 to vector<1x64xi32>
    %sign3A_2 = arith.cmpi sgt, %iota3A, %sign3A_1 : vector<1x64xi32>
    %sign3A_3 = arith.extui %sign3A_2 : vector<1x64xi1> to vector<1x64xi32>
    %sign3A_4 = arith.constant 0 : i32
    %sign3A_5 = vector.broadcast %sign3A_4 : i32 to vector<1x64xi32>
    %sign3A_6 = arith.cmpi slt, %iota3A, %sign3A_5 : vector<1x64xi32>
    %sign3A_7 = arith.extui %sign3A_6 : vector<1x64xi1> to vector<1x64xi32>
    %sign3A_8 = arith.subi %sign3A_3, %sign3A_7 : vector<1x64xi32>
    %sign3A_9 = arith.constant 0 : i32
    %sign3A_10 = arith.cmpi sgt, %jit3A, %sign3A_9 : i32
    %sign3A_11 = arith.extui %sign3A_10 : i1 to i32
    %sign3A_12 = arith.constant 0 : i32
    %sign3A_13 = arith.cmpi slt, %jit3A, %sign3A_12 : i32
    %sign3A_14 = arith.extui %sign3A_13 : i1 to i32
    %sign3A_15 = arith.subi %sign3A_11, %sign3A_14 : i32
    %ne3A = vector.broadcast %sign3A_15 : i32 to vector<1x64xi32>
    %ne3A_16 = arith.cmpi ne, %sign3A_8, %ne3A : vector<1x64xi32>
    %rem3A = vector.broadcast %jit3A : i32 to vector<1x64xi32>
    %rem3A_17 = arith.remsi %iota3A, %rem3A : vector<1x64xi32>
    %ne3A_18 = arith.constant 0 : i32
    %ne3A_19 = vector.broadcast %ne3A_18 : i32 to vector<1x64xi32>
    %ne3A_20 = arith.cmpi ne, %rem3A_17, %ne3A_19 : vector<1x64xi32>
    %and3A = arith.andi %ne3A_16, %ne3A_20 : vector<1x64xi1>
    %sub3A = arith.constant 1 : i32
    %sub3A_21 = vector.broadcast %sub3A : i32 to vector<1x64xi32>
    %sub3A_22 = arith.subi %div3A_0, %sub3A_21 : vector<1x64xi32>
    %select_n3A = arith.select %and3A, %sub3A_22, %div3A_0 : vector<1x64xi1>, vector<1x64xi32>
    %eq3A = arith.constant 0 : i32
    %eq3A_23 = vector.broadcast %eq3A : i32 to vector<1x64xi32>
    %eq3A_24 = arith.cmpi eq, %select_n3A, %eq3A_23 : vector<1x64xi32>
    %convert_element_type3A = arith.extui %eq3A_24 : vector<1x64xi1> to vector<1x64xi32>
    %convert_element_type3A_25 = arith.sitofp %convert_element_type3A : vector<1x64xi32> to vector<1x64xf32>
    %jit3A_26 = arith.constant 16 : i32
    %div3A_27 = vector.broadcast %jit3A_26 : i32 to vector<1x64xi32>
    %div3A_28 = arith.divsi %iota3A, %div3A_27 : vector<1x64xi32>
    %sign3A_29 = arith.constant 0 : i32
    %sign3A_30 = vector.broadcast %sign3A_29 : i32 to vector<1x64xi32>
    %sign3A_31 = arith.cmpi sgt, %iota3A, %sign3A_30 : vector<1x64xi32>
    %sign3A_32 = arith.extui %sign3A_31 : vector<1x64xi1> to vector<1x64xi32>
    %sign3A_33 = arith.constant 0 : i32
    %sign3A_34 = vector.broadcast %sign3A_33 : i32 to vector<1x64xi32>
    %sign3A_35 = arith.cmpi slt, %iota3A, %sign3A_34 : vector<1x64xi32>
    %sign3A_36 = arith.extui %sign3A_35 : vector<1x64xi1> to vector<1x64xi32>
    %sign3A_37 = arith.subi %sign3A_32, %sign3A_36 : vector<1x64xi32>
    %sign3A_38 = arith.constant 0 : i32
    %sign3A_39 = arith.cmpi sgt, %jit3A_26, %sign3A_38 : i32
    %sign3A_40 = arith.extui %sign3A_39 : i1 to i32
    %sign3A_41 = arith.constant 0 : i32
    %sign3A_42 = arith.cmpi slt, %jit3A_26, %sign3A_41 : i32
    %sign3A_43 = arith.extui %sign3A_42 : i1 to i32
    %sign3A_44 = arith.subi %sign3A_40, %sign3A_43 : i32
    %ne3A_45 = vector.broadcast %sign3A_44 : i32 to vector<1x64xi32>
    %ne3A_46 = arith.cmpi ne, %sign3A_37, %ne3A_45 : vector<1x64xi32>
    %rem3A_47 = vector.broadcast %jit3A_26 : i32 to vector<1x64xi32>
    %rem3A_48 = arith.remsi %iota3A, %rem3A_47 : vector<1x64xi32>
    %ne3A_49 = arith.constant 0 : i32
    %ne3A_50 = vector.broadcast %ne3A_49 : i32 to vector<1x64xi32>
    %ne3A_51 = arith.cmpi ne, %rem3A_48, %ne3A_50 : vector<1x64xi32>
    %and3A_52 = arith.andi %ne3A_46, %ne3A_51 : vector<1x64xi1>
    %sub3A_53 = arith.constant 1 : i32
    %sub3A_54 = vector.broadcast %sub3A_53 : i32 to vector<1x64xi32>
    %sub3A_55 = arith.subi %div3A_28, %sub3A_54 : vector<1x64xi32>
    %select_n3A_56 = arith.select %and3A_52, %sub3A_55, %div3A_28 : vector<1x64xi1>, vector<1x64xi32>
    %eq3A_57 = arith.constant 1 : i32
    %eq3A_58 = vector.broadcast %eq3A_57 : i32 to vector<1x64xi32>
    %eq3A_59 = arith.cmpi eq, %select_n3A_56, %eq3A_58 : vector<1x64xi32>
    %convert_element_type3A_60 = arith.extui %eq3A_59 : vector<1x64xi1> to vector<1x64xi32>
    %convert_element_type3A_61 = arith.sitofp %convert_element_type3A_60 : vector<1x64xi32> to vector<1x64xf32>
    %jit3A_62 = arith.constant 16 : i32
    %div3A_63 = vector.broadcast %jit3A_62 : i32 to vector<1x64xi32>
    %div3A_64 = arith.divsi %iota3A, %div3A_63 : vector<1x64xi32>
    %sign3A_65 = arith.constant 0 : i32
    %sign3A_66 = vector.broadcast %sign3A_65 : i32 to vector<1x64xi32>
    %sign3A_67 = arith.cmpi sgt, %iota3A, %sign3A_66 : vector<1x64xi32>
    %sign3A_68 = arith.extui %sign3A_67 : vector<1x64xi1> to vector<1x64xi32>
    %sign3A_69 = arith.constant 0 : i32
    %sign3A_70 = vector.broadcast %sign3A_69 : i32 to vector<1x64xi32>
    %sign3A_71 = arith.cmpi slt, %iota3A, %sign3A_70 : vector<1x64xi32>
    %sign3A_72 = arith.extui %sign3A_71 : vector<1x64xi1> to vector<1x64xi32>
    %sign3A_73 = arith.subi %sign3A_68, %sign3A_72 : vector<1x64xi32>
    %sign3A_74 = arith.constant 0 : i32
    %sign3A_75 = arith.cmpi sgt, %jit3A_62, %sign3A_74 : i32
    %sign3A_76 = arith.extui %sign3A_75 : i1 to i32
    %sign3A_77 = arith.constant 0 : i32
    %sign3A_78 = arith.cmpi slt, %jit3A_62, %sign3A_77 : i32
    %sign3A_79 = arith.extui %sign3A_78 : i1 to i32
    %sign3A_80 = arith.subi %sign3A_76, %sign3A_79 : i32
    %ne3A_81 = vector.broadcast %sign3A_80 : i32 to vector<1x64xi32>
    %ne3A_82 = arith.cmpi ne, %sign3A_73, %ne3A_81 : vector<1x64xi32>
    %rem3A_83 = vector.broadcast %jit3A_62 : i32 to vector<1x64xi32>
    %rem3A_84 = arith.remsi %iota3A, %rem3A_83 : vector<1x64xi32>
    %ne3A_85 = arith.constant 0 : i32
    %ne3A_86 = vector.broadcast %ne3A_85 : i32 to vector<1x64xi32>
    %ne3A_87 = arith.cmpi ne, %rem3A_84, %ne3A_86 : vector<1x64xi32>
    %and3A_88 = arith.andi %ne3A_82, %ne3A_87 : vector<1x64xi1>
    %sub3A_89 = arith.constant 1 : i32
    %sub3A_90 = vector.broadcast %sub3A_89 : i32 to vector<1x64xi32>
    %sub3A_91 = arith.subi %div3A_64, %sub3A_90 : vector<1x64xi32>
    %select_n3A_92 = arith.select %and3A_88, %sub3A_91, %div3A_64 : vector<1x64xi1>, vector<1x64xi32>
    %eq3A_93 = arith.constant 2 : i32
    %eq3A_94 = vector.broadcast %eq3A_93 : i32 to vector<1x64xi32>
    %eq3A_95 = arith.cmpi eq, %select_n3A_92, %eq3A_94 : vector<1x64xi32>
    %convert_element_type3A_96 = arith.extui %eq3A_95 : vector<1x64xi1> to vector<1x64xi32>
    %convert_element_type3A_97 = arith.sitofp %convert_element_type3A_96 : vector<1x64xi32> to vector<1x64xf32>
    %jit3A_98 = arith.constant 16 : i32
    %div3A_99 = vector.broadcast %jit3A_98 : i32 to vector<1x64xi32>
    %div3A_100 = arith.divsi %iota3A, %div3A_99 : vector<1x64xi32>
    %sign3A_101 = arith.constant 0 : i32
    %sign3A_102 = vector.broadcast %sign3A_101 : i32 to vector<1x64xi32>
    %sign3A_103 = arith.cmpi sgt, %iota3A, %sign3A_102 : vector<1x64xi32>
    %sign3A_104 = arith.extui %sign3A_103 : vector<1x64xi1> to vector<1x64xi32>
    %sign3A_105 = arith.constant 0 : i32
    %sign3A_106 = vector.broadcast %sign3A_105 : i32 to vector<1x64xi32>
    %sign3A_107 = arith.cmpi slt, %iota3A, %sign3A_106 : vector<1x64xi32>
    %sign3A_108 = arith.extui %sign3A_107 : vector<1x64xi1> to vector<1x64xi32>
    %sign3A_109 = arith.subi %sign3A_104, %sign3A_108 : vector<1x64xi32>
    %sign3A_110 = arith.constant 0 : i32
    %sign3A_111 = arith.cmpi sgt, %jit3A_98, %sign3A_110 : i32
    %sign3A_112 = arith.extui %sign3A_111 : i1 to i32
    %sign3A_113 = arith.constant 0 : i32
    %sign3A_114 = arith.cmpi slt, %jit3A_98, %sign3A_113 : i32
    %sign3A_115 = arith.extui %sign3A_114 : i1 to i32
    %sign3A_116 = arith.subi %sign3A_112, %sign3A_115 : i32
    %ne3A_117 = vector.broadcast %sign3A_116 : i32 to vector<1x64xi32>
    %ne3A_118 = arith.cmpi ne, %sign3A_109, %ne3A_117 : vector<1x64xi32>
    %rem3A_119 = vector.broadcast %jit3A_98 : i32 to vector<1x64xi32>
    %rem3A_120 = arith.remsi %iota3A, %rem3A_119 : vector<1x64xi32>
    %ne3A_121 = arith.constant 0 : i32
    %ne3A_122 = vector.broadcast %ne3A_121 : i32 to vector<1x64xi32>
    %ne3A_123 = arith.cmpi ne, %rem3A_120, %ne3A_122 : vector<1x64xi32>
    %and3A_124 = arith.andi %ne3A_118, %ne3A_123 : vector<1x64xi1>
    %sub3A_125 = arith.constant 1 : i32
    %sub3A_126 = vector.broadcast %sub3A_125 : i32 to vector<1x64xi32>
    %sub3A_127 = arith.subi %div3A_100, %sub3A_126 : vector<1x64xi32>
    %select_n3A_128 = arith.select %and3A_124, %sub3A_127, %div3A_100 : vector<1x64xi1>, vector<1x64xi32>
    %eq3A_129 = arith.constant 3 : i32
    %eq3A_130 = vector.broadcast %eq3A_129 : i32 to vector<1x64xi32>
    %eq3A_131 = arith.cmpi eq, %select_n3A_128, %eq3A_130 : vector<1x64xi32>
    %convert_element_type3A_132 = arith.extui %eq3A_131 : vector<1x64xi1> to vector<1x64xi32>
    %convert_element_type3A_133 = arith.sitofp %convert_element_type3A_132 : vector<1x64xi32> to vector<1x64xf32>
    %get3A = arith.constant 0 : index
    %get3A_134 = arith.constant 0 : index
    %get3A_135 = vector.load %arg2[%get3A, %get3A_134] : memref<10000x1xf32, #tpu.memory_space<vmem>>, vector<10000x1xf32>
    %get3A_136 = arith.constant 0 : index
    %get3A_137 = arith.constant 0 : index
    %get3A_138 = arith.constant 0 : index
    %get3A_139 = vector.load %arg0[%get3A_136, %get3A_137, %get3A_138] : memref<2x10112x64xf32, #tpu.memory_space<vmem>>, vector<1x10000x64xf32>
    %get3A_140 = vector.shape_cast %get3A_139 : vector<1x10000x64xf32> to vector<10000x64xf32>
    %get3A_141 = arith.constant 1 : index
    %get3A_142 = arith.constant 0 : index
    %get3A_143 = arith.constant 0 : index
    %get3A_144 = vector.load %arg0[%get3A_141, %get3A_142, %get3A_143] : memref<2x10112x64xf32, #tpu.memory_space<vmem>>, vector<1x10000x64xf32>
    %get3A_145 = vector.shape_cast %get3A_144 : vector<1x10000x64xf32> to vector<10000x64xf32>
    %add3A = arith.addf %get3A_140, %get3A_145 : vector<10000x64xf32>
    %get3A_146 = arith.constant 0 : index
    %get3A_147 = arith.constant 0 : index
    %get3A_148 = vector.load %arg1[%get3A_146, %get3A_147] : memref<10000x64xf32, #tpu.memory_space<vmem>>, vector<10000x64xf32>
    %add3A_149 = arith.addf %add3A, %get3A_148 : vector<10000x64xf32>
    %mul3A = vector.broadcast %get3A_135 : vector<10000x1xf32> to vector<10000x64xf32>
    %mul3A_150 = arith.mulf %mul3A, %add3A_149 : vector<10000x64xf32>
    %get3A_151 = arith.constant 0 : index
    %get3A_152 = arith.constant 0 : index
    %get3A_153 = vector.load %arg3[%get3A_151, %get3A_152] : memref<64x64xf32, #tpu.memory_space<vmem>>, vector<64x64xf32>
    %dot_general3A = arith.constant dense<0.000000e+00> : vector<10000x64xf32>
    %dot_general3A_154 = tpu.matmul %mul3A_150, %get3A_153, %dot_general3A {dimension_numbers = #tpu.dot_dimension_numbers<[1], [0], [0], [1], [0, 0, 1, 1], [], []>, transpose_lhs_hint = false} : vector<10000x64xf32>, vector<64x64xf32>, vector<10000x64xf32> -> vector<10000x64xf32>
    %get3A_155 = arith.constant 0 : index
    %get3A_156 = arith.constant 0 : index
    %get3A_157 = vector.load %arg4[%get3A_155, %get3A_156] : memref<1x64xf32, #tpu.memory_space<vmem>>, vector<1x64xf32>
    %add3A_158 = vector.broadcast %get3A_157 : vector<1x64xf32> to vector<10000x64xf32>
    %add3A_159 = arith.addf %dot_general3A_154, %add3A_158 : vector<10000x64xf32>
    %get3A_160 = arith.constant 0 : index
    %get3A_161 = arith.constant 0 : index
    %get3A_162 = vector.load %arg5[%get3A_160, %get3A_161] : memref<64x64xf32, #tpu.memory_space<vmem>>, vector<64x64xf32>
    %dot_general3A_163 = arith.constant dense<0.000000e+00> : vector<10000x64xf32>
    %dot_general3A_164 = tpu.matmul %mul3A_150, %get3A_162, %dot_general3A_163 {dimension_numbers = #tpu.dot_dimension_numbers<[1], [0], [0], [1], [0, 0, 1, 1], [], []>, transpose_lhs_hint = false} : vector<10000x64xf32>, vector<64x64xf32>, vector<10000x64xf32> -> vector<10000x64xf32>
    %get3A_165 = arith.constant 0 : index
    %get3A_166 = arith.constant 0 : index
    %get3A_167 = vector.load %arg6[%get3A_165, %get3A_166] : memref<1x64xf32, #tpu.memory_space<vmem>>, vector<1x64xf32>
    %add3A_168 = vector.broadcast %get3A_167 : vector<1x64xf32> to vector<10000x64xf32>
    %add3A_169 = arith.addf %dot_general3A_164, %add3A_168 : vector<10000x64xf32>
    %get3A_170 = arith.constant 0 : index
    %get3A_171 = arith.constant 0 : index
    %get3A_172 = vector.load %arg7[%get3A_170, %get3A_171] : memref<50x64xf32, #tpu.memory_space<vmem>>, vector<50x64xf32>
    %get3A_173 = arith.constant 0 : index
    %get3A_174 = arith.constant 0 : index
    %get3A_175 = vector.load %arg8[%get3A_173, %get3A_174] : memref<64x64xf32, #tpu.memory_space<vmem>>, vector<64x64xf32>
    %dot_general3A_176 = arith.constant dense<0.000000e+00> : vector<50x64xf32>
    %dot_general3A_177 = tpu.matmul %get3A_172, %get3A_175, %dot_general3A_176 {dimension_numbers = #tpu.dot_dimension_numbers<[1], [0], [0], [1], [0, 0, 1, 1], [], []>, transpose_lhs_hint = false} : vector<50x64xf32>, vector<64x64xf32>, vector<50x64xf32> -> vector<50x64xf32>
    %get3A_178 = arith.constant 0 : index
    %get3A_179 = arith.constant 0 : index
    %get3A_180 = vector.load %arg9[%get3A_178, %get3A_179] : memref<1x64xf32, #tpu.memory_space<vmem>>, vector<1x64xf32>
    %add3A_181 = vector.broadcast %get3A_180 : vector<1x64xf32> to vector<50x64xf32>
    %add3A_182 = arith.addf %dot_general3A_177, %add3A_181 : vector<50x64xf32>
    %mul3A_183 = vector.broadcast %convert_element_type3A_25 : vector<1x64xf32> to vector<50x64xf32>
    %mul3A_184 = arith.mulf %add3A_182, %mul3A_183 : vector<50x64xf32>
    %mul3A_185 = vector.broadcast %convert_element_type3A_61 : vector<1x64xf32> to vector<50x64xf32>
    %mul3A_186 = arith.mulf %add3A_182, %mul3A_185 : vector<50x64xf32>
    %mul3A_187 = vector.broadcast %convert_element_type3A_97 : vector<1x64xf32> to vector<50x64xf32>
    %mul3A_188 = arith.mulf %add3A_182, %mul3A_187 : vector<50x64xf32>
    %mul3A_189 = vector.broadcast %convert_element_type3A_133 : vector<1x64xf32> to vector<50x64xf32>
    %mul3A_190 = arith.mulf %add3A_182, %mul3A_189 : vector<50x64xf32>
    %concatenate3A = tpu.concatenate %mul3A_184, %mul3A_186, %mul3A_188, %mul3A_190 in 0 : vector<50x64xf32>, vector<50x64xf32>, vector<50x64xf32>, vector<50x64xf32> -> vector<200x64xf32>
    %dot_general3A_191 = arith.constant dense<0.000000e+00> : vector<10000x200xf32>
    %dot_general3A_192 = tpu.matmul %add3A_159, %concatenate3A, %dot_general3A_191 {dimension_numbers = #tpu.dot_dimension_numbers<[1], [1], [0], [0], [0, 0, 1, 0], [], []>, transpose_lhs_hint = false} : vector<10000x64xf32>, vector<200x64xf32>, vector<10000x200xf32> -> vector<10000x200xf32>
    %mul3A_193 = arith.constant 1.250000e-01 : f32
    %mul3A_194 = vector.broadcast %mul3A_193 : f32 to vector<10000x200xf32>
    %mul3A_195 = arith.mulf %dot_general3A_192, %mul3A_194 : vector<10000x200xf32>
    %reshape3A = vector.shape_cast %mul3A_195 : vector<10000x200xf32> to vector<50x200x200xf32>
    %reduce_max3A = arith.constant dense<0xFF800000> : vector<50x200xf32>
    %reduce_max3A_196 = vector.multi_reduction <maximumf>, %reshape3A, %reduce_max3A [1] : vector<50x200x200xf32> to vector<50x200xf32>
    %broadcast_in_dim3A = vector.shape_cast %reduce_max3A_196 : vector<50x200xf32> to vector<50x1x200xf32>
    %sub3A_197 = vector.broadcast %broadcast_in_dim3A : vector<50x1x200xf32> to vector<50x200x200xf32>
    %sub3A_198 = arith.subf %reshape3A, %sub3A_197 : vector<50x200x200xf32>
    %exp3A = math.exp %sub3A_198 : vector<50x200x200xf32>
    %reduce_sum3A = arith.constant dense<0.000000e+00> : vector<50x200xf32>
    %reduce_sum3A_199 = vector.multi_reduction <add>, %exp3A, %reduce_sum3A [1] : vector<50x200x200xf32> to vector<50x200xf32>
    %broadcast_in_dim3A_200 = vector.shape_cast %reduce_sum3A_199 : vector<50x200xf32> to vector<50x1x200xf32>
    %div3A_201 = vector.broadcast %broadcast_in_dim3A_200 : vector<50x1x200xf32> to vector<50x200x200xf32>
    %div3A_202 = arith.divf %exp3A, %div3A_201 : vector<50x200x200xf32>
    %reshape3A_203 = vector.shape_cast %add3A_169 : vector<10000x64xf32> to vector<50x200x64xf32>
    %dot_general3A_204 = arith.constant dense<0.000000e+00> : vector<50x200x64xf32>
    %dot_general3A_205 = tpu.matmul %div3A_202, %reshape3A_203, %dot_general3A_204 {dimension_numbers = #tpu.dot_dimension_numbers<[1], [1], [2], [2], [0, 0, 0, 2, 1, 2], [0], [0]>, transpose_lhs_hint = false} : vector<50x200x200xf32>, vector<50x200x64xf32>, vector<50x200x64xf32> -> vector<50x200x64xf32>
    %broadcast_in_dim3A_206 = vector.shape_cast %add3A_182 : vector<50x64xf32> to vector<1x50x64xf32>
    %slice3A = vector.extract_strided_slice %dot_general3A_205 {offsets = [0, 0, 0], sizes = [50, 50, 16], strides = [1, 1, 1]} : vector<50x200x64xf32> to vector<50x50x16xf32>
    %slice3A_207 = vector.extract_strided_slice %dot_general3A_205 {offsets = [0, 50, 16], sizes = [50, 50, 16], strides = [1, 1, 1]} : vector<50x200x64xf32> to vector<50x50x16xf32>
    %slice3A_208 = vector.extract_strided_slice %dot_general3A_205 {offsets = [0, 100, 32], sizes = [50, 50, 16], strides = [1, 1, 1]} : vector<50x200x64xf32> to vector<50x50x16xf32>
    %slice3A_209 = vector.extract_strided_slice %dot_general3A_205 {offsets = [0, 150, 48], sizes = [50, 50, 16], strides = [1, 1, 1]} : vector<50x200x64xf32> to vector<50x50x16xf32>
    %concatenate3A_210 = tpu.concatenate %slice3A, %slice3A_207, %slice3A_208, %slice3A_209 in 2 : vector<50x50x16xf32>, vector<50x50x16xf32>, vector<50x50x16xf32>, vector<50x50x16xf32> -> vector<50x50x64xf32>
    %add3A_211 = vector.broadcast %broadcast_in_dim3A_206 : vector<1x50x64xf32> to vector<50x50x64xf32>
    %add3A_212 = arith.addf %add3A_211, %concatenate3A_210 : vector<50x50x64xf32>
    %reshape3A_213 = vector.shape_cast %add3A_212 : vector<50x50x64xf32> to vector<2500x64xf32>
    %get3A_214 = arith.constant 0 : index
    %get3A_215 = arith.constant 0 : index
    %get3A_216 = vector.load %arg10[%get3A_214, %get3A_215] : memref<64x64xf32, #tpu.memory_space<vmem>>, vector<64x64xf32>
    %dot_general3A_217 = arith.constant dense<0.000000e+00> : vector<2500x64xf32>
    %dot_general3A_218 = tpu.matmul %reshape3A_213, %get3A_216, %dot_general3A_217 {dimension_numbers = #tpu.dot_dimension_numbers<[1], [0], [0], [1], [0, 0, 1, 1], [], []>, transpose_lhs_hint = false} : vector<2500x64xf32>, vector<64x64xf32>, vector<2500x64xf32> -> vector<2500x64xf32>
    %get3A_219 = arith.constant 0 : index
    %get3A_220 = arith.constant 0 : index
    %get3A_221 = vector.load %arg11[%get3A_219, %get3A_220] : memref<1x64xf32, #tpu.memory_space<vmem>>, vector<1x64xf32>
    %add3A_222 = vector.broadcast %get3A_221 : vector<1x64xf32> to vector<2500x64xf32>
    %add3A_223 = arith.addf %dot_general3A_218, %add3A_222 : vector<2500x64xf32>
    %max3A = arith.constant 0.000000e+00 : f32
    %max3A_224 = vector.broadcast %max3A : f32 to vector<2500x64xf32>
    %max3A_225 = arith.maximumf %add3A_223, %max3A_224 : vector<2500x64xf32>
    %add3A_226 = arith.addf %reshape3A_213, %max3A_225 : vector<2500x64xf32>
    %get3A_227 = arith.constant 0 : index
    %get3A_228 = arith.constant 0 : index
    %get3A_229 = vector.load %arg12[%get3A_227, %get3A_228] : memref<64x64xf32, #tpu.memory_space<vmem>>, vector<64x64xf32>
    %dot_general3A_230 = arith.constant dense<0.000000e+00> : vector<2500x64xf32>
    %dot_general3A_231 = tpu.matmul %add3A_226, %get3A_229, %dot_general3A_230 {dimension_numbers = #tpu.dot_dimension_numbers<[1], [0], [0], [1], [0, 0, 1, 1], [], []>, transpose_lhs_hint = false} : vector<2500x64xf32>, vector<64x64xf32>, vector<2500x64xf32> -> vector<2500x64xf32>
    %get3A_232 = arith.constant 0 : index
    %get3A_233 = arith.constant 0 : index
    %get3A_234 = vector.load %arg13[%get3A_232, %get3A_233] : memref<1x64xf32, #tpu.memory_space<vmem>>, vector<1x64xf32>
    %add3A_235 = vector.broadcast %get3A_234 : vector<1x64xf32> to vector<2500x64xf32>
    %add3A_236 = arith.addf %dot_general3A_231, %add3A_235 : vector<2500x64xf32>
    %get3A_237 = arith.constant 0 : index
    %get3A_238 = arith.constant 0 : index
    %get3A_239 = vector.load %arg14[%get3A_237, %get3A_238] : memref<64x64xf32, #tpu.memory_space<vmem>>, vector<64x64xf32>
    %dot_general3A_240 = arith.constant dense<0.000000e+00> : vector<2500x64xf32>
    %dot_general3A_241 = tpu.matmul %add3A_226, %get3A_239, %dot_general3A_240 {dimension_numbers = #tpu.dot_dimension_numbers<[1], [0], [0], [1], [0, 0, 1, 1], [], []>, transpose_lhs_hint = false} : vector<2500x64xf32>, vector<64x64xf32>, vector<2500x64xf32> -> vector<2500x64xf32>
    %get3A_242 = arith.constant 0 : index
    %get3A_243 = arith.constant 0 : index
    %get3A_244 = vector.load %arg15[%get3A_242, %get3A_243] : memref<1x64xf32, #tpu.memory_space<vmem>>, vector<1x64xf32>
    %add3A_245 = vector.broadcast %get3A_244 : vector<1x64xf32> to vector<2500x64xf32>
    %add3A_246 = arith.addf %dot_general3A_241, %add3A_245 : vector<2500x64xf32>
    %get3A_247 = arith.constant 0 : index
    %get3A_248 = arith.constant 0 : index
    %get3A_249 = vector.load %arg16[%get3A_247, %get3A_248] : memref<64x64xf32, #tpu.memory_space<vmem>>, vector<64x64xf32>
    %dot_general3A_250 = arith.constant dense<0.000000e+00> : vector<2500x64xf32>
    %dot_general3A_251 = tpu.matmul %add3A_226, %get3A_249, %dot_general3A_250 {dimension_numbers = #tpu.dot_dimension_numbers<[1], [0], [0], [1], [0, 0, 1, 1], [], []>, transpose_lhs_hint = false} : vector<2500x64xf32>, vector<64x64xf32>, vector<2500x64xf32> -> vector<2500x64xf32>
    %get3A_252 = arith.constant 0 : index
    %get3A_253 = arith.constant 0 : index
    %get3A_254 = vector.load %arg17[%get3A_252, %get3A_253] : memref<1x64xf32, #tpu.memory_space<vmem>>, vector<1x64xf32>
    %add3A_255 = vector.broadcast %get3A_254 : vector<1x64xf32> to vector<2500x64xf32>
    %add3A_256 = arith.addf %dot_general3A_251, %add3A_255 : vector<2500x64xf32>
    %reshape3A_257 = vector.shape_cast %add3A_236 : vector<2500x64xf32> to vector<50x50x64xf32>
    %broadcast_in_dim3A_258 = vector.shape_cast %convert_element_type3A_25 : vector<1x64xf32> to vector<1x1x64xf32>
    %mul3A_259 = vector.broadcast %broadcast_in_dim3A_258 : vector<1x1x64xf32> to vector<50x50x64xf32>
    %mul3A_260 = arith.mulf %reshape3A_257, %mul3A_259 : vector<50x50x64xf32>
    %broadcast_in_dim3A_261 = vector.shape_cast %convert_element_type3A_61 : vector<1x64xf32> to vector<1x1x64xf32>
    %mul3A_262 = vector.broadcast %broadcast_in_dim3A_261 : vector<1x1x64xf32> to vector<50x50x64xf32>
    %mul3A_263 = arith.mulf %reshape3A_257, %mul3A_262 : vector<50x50x64xf32>
    %broadcast_in_dim3A_264 = vector.shape_cast %convert_element_type3A_97 : vector<1x64xf32> to vector<1x1x64xf32>
    %mul3A_265 = vector.broadcast %broadcast_in_dim3A_264 : vector<1x1x64xf32> to vector<50x50x64xf32>
    %mul3A_266 = arith.mulf %reshape3A_257, %mul3A_265 : vector<50x50x64xf32>
    %broadcast_in_dim3A_267 = vector.shape_cast %convert_element_type3A_133 : vector<1x64xf32> to vector<1x1x64xf32>
    %mul3A_268 = vector.broadcast %broadcast_in_dim3A_267 : vector<1x1x64xf32> to vector<50x50x64xf32>
    %mul3A_269 = arith.mulf %reshape3A_257, %mul3A_268 : vector<50x50x64xf32>
    %concatenate3A_270 = tpu.concatenate %mul3A_260, %mul3A_263, %mul3A_266, %mul3A_269 in 1 : vector<50x50x64xf32>, vector<50x50x64xf32>, vector<50x50x64xf32>, vector<50x50x64xf32> -> vector<50x200x64xf32>
    %reshape3A_271 = vector.shape_cast %add3A_246 : vector<2500x64xf32> to vector<50x50x64xf32>
    %reshape3A_272 = vector.shape_cast %add3A_256 : vector<2500x64xf32> to vector<50x50x64xf32>
    %dot_general3A_273 = arith.constant dense<0.000000e+00> : vector<50x200x50xf32>
    %dot_general3A_274 = tpu.matmul %concatenate3A_270, %reshape3A_271, %dot_general3A_273 {dimension_numbers = #tpu.dot_dimension_numbers<[2], [2], [1], [1], [0, 0, 0, 1, 1, 1], [0], [0]>, transpose_lhs_hint = false} : vector<50x200x64xf32>, vector<50x50x64xf32>, vector<50x200x50xf32> -> vector<50x200x50xf32>
    %mul3A_275 = arith.constant 1.250000e-01 : f32
    %mul3A_276 = vector.broadcast %mul3A_275 : f32 to vector<50x200x50xf32>
    %mul3A_277 = arith.mulf %dot_general3A_274, %mul3A_276 : vector<50x200x50xf32>
    %reduce_max3A_278 = arith.constant dense<0xFF800000> : vector<50x200xf32>
    %reduce_max3A_279 = vector.multi_reduction <maximumf>, %mul3A_277, %reduce_max3A_278 [2] : vector<50x200x50xf32> to vector<50x200xf32>
    %broadcast_in_dim3A_280 = vector.shape_cast %reduce_max3A_279 : vector<50x200xf32> to vector<50x200x1xf32>
    %sub3A_281 = vector.broadcast %broadcast_in_dim3A_280 : vector<50x200x1xf32> to vector<50x200x50xf32>
    %sub3A_282 = arith.subf %mul3A_277, %sub3A_281 : vector<50x200x50xf32>
    %exp3A_283 = math.exp %sub3A_282 : vector<50x200x50xf32>
    %reduce_sum3A_284 = arith.constant dense<0.000000e+00> : vector<50x200xf32>
    %reduce_sum3A_285 = vector.multi_reduction <add>, %exp3A_283, %reduce_sum3A_284 [2] : vector<50x200x50xf32> to vector<50x200xf32>
    %broadcast_in_dim3A_286 = vector.shape_cast %reduce_sum3A_285 : vector<50x200xf32> to vector<50x200x1xf32>
    %div3A_287 = vector.broadcast %broadcast_in_dim3A_286 : vector<50x200x1xf32> to vector<50x200x50xf32>
    %div3A_288 = arith.divf %exp3A_283, %div3A_287 : vector<50x200x50xf32>
    %dot_general3A_289 = arith.constant dense<0.000000e+00> : vector<50x200x64xf32>
    %dot_general3A_290 = tpu.matmul %div3A_288, %reshape3A_272, %dot_general3A_289 {dimension_numbers = #tpu.dot_dimension_numbers<[2], [1], [1], [2], [0, 0, 0, 1, 1, 2], [0], [0]>, transpose_lhs_hint = false} : vector<50x200x50xf32>, vector<50x50x64xf32>, vector<50x200x64xf32> -> vector<50x200x64xf32>
    %slice3A_291 = vector.extract_strided_slice %dot_general3A_290 {offsets = [0, 0, 0], sizes = [50, 50, 16], strides = [1, 1, 1]} : vector<50x200x64xf32> to vector<50x50x16xf32>
    %slice3A_292 = vector.extract_strided_slice %dot_general3A_290 {offsets = [0, 50, 16], sizes = [50, 50, 16], strides = [1, 1, 1]} : vector<50x200x64xf32> to vector<50x50x16xf32>
    %slice3A_293 = vector.extract_strided_slice %dot_general3A_290 {offsets = [0, 100, 32], sizes = [50, 50, 16], strides = [1, 1, 1]} : vector<50x200x64xf32> to vector<50x50x16xf32>
    %slice3A_294 = vector.extract_strided_slice %dot_general3A_290 {offsets = [0, 150, 48], sizes = [50, 50, 16], strides = [1, 1, 1]} : vector<50x200x64xf32> to vector<50x50x16xf32>
    %concatenate3A_295 = tpu.concatenate %slice3A_291, %slice3A_292, %slice3A_293, %slice3A_294 in 2 : vector<50x50x16xf32>, vector<50x50x16xf32>, vector<50x50x16xf32>, vector<50x50x16xf32> -> vector<50x50x64xf32>
    %add3A_296 = arith.addf %reshape3A_257, %concatenate3A_295 : vector<50x50x64xf32>
    %reshape3A_297 = vector.shape_cast %add3A_296 : vector<50x50x64xf32> to vector<2500x64xf32>
    %get3A_298 = arith.constant 0 : index
    %get3A_299 = arith.constant 0 : index
    %get3A_300 = vector.load %arg18[%get3A_298, %get3A_299] : memref<64x64xf32, #tpu.memory_space<vmem>>, vector<64x64xf32>
    %dot_general3A_301 = arith.constant dense<0.000000e+00> : vector<2500x64xf32>
    %dot_general3A_302 = tpu.matmul %reshape3A_297, %get3A_300, %dot_general3A_301 {dimension_numbers = #tpu.dot_dimension_numbers<[1], [0], [0], [1], [0, 0, 1, 1], [], []>, transpose_lhs_hint = false} : vector<2500x64xf32>, vector<64x64xf32>, vector<2500x64xf32> -> vector<2500x64xf32>
    %get3A_303 = arith.constant 0 : index
    %get3A_304 = arith.constant 0 : index
    %get3A_305 = vector.load %arg19[%get3A_303, %get3A_304] : memref<1x64xf32, #tpu.memory_space<vmem>>, vector<1x64xf32>
    %add3A_306 = vector.broadcast %get3A_305 : vector<1x64xf32> to vector<2500x64xf32>
    %add3A_307 = arith.addf %dot_general3A_302, %add3A_306 : vector<2500x64xf32>
    %max3A_308 = arith.constant 0.000000e+00 : f32
    %max3A_309 = vector.broadcast %max3A_308 : f32 to vector<2500x64xf32>
    %max3A_310 = arith.maximumf %add3A_307, %max3A_309 : vector<2500x64xf32>
    %add3A_311 = arith.addf %reshape3A_297, %max3A_310 : vector<2500x64xf32>
    %get3A_312 = arith.constant 0 : index
    %get3A_313 = arith.constant 0 : index
    %get3A_314 = vector.load %arg20[%get3A_312, %get3A_313] : memref<1x64xf32, #tpu.memory_space<vmem>>, vector<1x64xf32>
    %get3A_315 = arith.constant 0 : index
    %get3A_316 = arith.constant 0 : index
    %get3A_317 = vector.load %arg21[%get3A_315, %get3A_316] : memref<64x64xf32, #tpu.memory_space<vmem>>, vector<64x64xf32>
    %dot_general3A_318 = arith.constant dense<0.000000e+00> : vector<1x64xf32>
    %dot_general3A_319 = tpu.matmul %get3A_314, %get3A_317, %dot_general3A_318 {dimension_numbers = #tpu.dot_dimension_numbers<[1], [0], [0], [1], [0, 0, 1, 1], [], []>, transpose_lhs_hint = false} : vector<1x64xf32>, vector<64x64xf32>, vector<1x64xf32> -> vector<1x64xf32>
    %get3A_320 = arith.constant 0 : index
    %get3A_321 = arith.constant 0 : index
    %get3A_322 = vector.load %arg22[%get3A_320, %get3A_321] : memref<1x64xf32, #tpu.memory_space<vmem>>, vector<1x64xf32>
    %add3A_323 = arith.addf %dot_general3A_319, %get3A_322 : vector<1x64xf32>
    %mul3A_324 = arith.mulf %add3A_323, %convert_element_type3A_25 : vector<1x64xf32>
    %mul3A_325 = arith.mulf %add3A_323, %convert_element_type3A_61 : vector<1x64xf32>
    %mul3A_326 = arith.mulf %add3A_323, %convert_element_type3A_97 : vector<1x64xf32>
    %mul3A_327 = arith.mulf %add3A_323, %convert_element_type3A_133 : vector<1x64xf32>
    %concatenate3A_328 = tpu.concatenate %mul3A_324, %mul3A_325, %mul3A_326, %mul3A_327 in 0 : vector<1x64xf32>, vector<1x64xf32>, vector<1x64xf32>, vector<1x64xf32> -> vector<4x64xf32>
    %get3A_329 = arith.constant 0 : index
    %get3A_330 = arith.constant 0 : index
    %get3A_331 = vector.load %arg23[%get3A_329, %get3A_330] : memref<64x64xf32, #tpu.memory_space<vmem>>, vector<64x64xf32>
    %dot_general3A_332 = arith.constant dense<0.000000e+00> : vector<2500x64xf32>
    %dot_general3A_333 = tpu.matmul %add3A_311, %get3A_331, %dot_general3A_332 {dimension_numbers = #tpu.dot_dimension_numbers<[1], [0], [0], [1], [0, 0, 1, 1], [], []>, transpose_lhs_hint = false} : vector<2500x64xf32>, vector<64x64xf32>, vector<2500x64xf32> -> vector<2500x64xf32>
    %get3A_334 = arith.constant 0 : index
    %get3A_335 = arith.constant 0 : index
    %get3A_336 = vector.load %arg24[%get3A_334, %get3A_335] : memref<1x64xf32, #tpu.memory_space<vmem>>, vector<1x64xf32>
    %add3A_337 = vector.broadcast %get3A_336 : vector<1x64xf32> to vector<2500x64xf32>
    %add3A_338 = arith.addf %dot_general3A_333, %add3A_337 : vector<2500x64xf32>
    %get3A_339 = arith.constant 0 : index
    %get3A_340 = arith.constant 0 : index
    %get3A_341 = vector.load %arg25[%get3A_339, %get3A_340] : memref<64x64xf32, #tpu.memory_space<vmem>>, vector<64x64xf32>
    %dot_general3A_342 = arith.constant dense<0.000000e+00> : vector<2500x64xf32>
    %dot_general3A_343 = tpu.matmul %add3A_311, %get3A_341, %dot_general3A_342 {dimension_numbers = #tpu.dot_dimension_numbers<[1], [0], [0], [1], [0, 0, 1, 1], [], []>, transpose_lhs_hint = false} : vector<2500x64xf32>, vector<64x64xf32>, vector<2500x64xf32> -> vector<2500x64xf32>
    %get3A_344 = arith.constant 0 : index
    %get3A_345 = arith.constant 0 : index
    %get3A_346 = vector.load %arg26[%get3A_344, %get3A_345] : memref<1x64xf32, #tpu.memory_space<vmem>>, vector<1x64xf32>
    %add3A_347 = vector.broadcast %get3A_346 : vector<1x64xf32> to vector<2500x64xf32>
    %add3A_348 = arith.addf %dot_general3A_343, %add3A_347 : vector<2500x64xf32>
    %broadcast_in_dim3A_349 = vector.shape_cast %add3A_323 : vector<1x64xf32> to vector<1x1x64xf32>
    %broadcast_in_dim3A_350 = vector.shape_cast %concatenate3A_328 : vector<4x64xf32> to vector<1x4x64xf32>
    %broadcast_in_dim3A_351 = vector.shape_cast %broadcast_in_dim3A_350 : vector<1x4x64xf32> to vector<1x4x64xf32>
    %broadcast_in_dim3A_352 = vector.broadcast %broadcast_in_dim3A_351 : vector<1x4x64xf32> to vector<50x4x64xf32>
    %reshape3A_353 = vector.shape_cast %add3A_338 : vector<2500x64xf32> to vector<50x50x64xf32>
    %reshape3A_354 = vector.shape_cast %add3A_348 : vector<2500x64xf32> to vector<50x50x64xf32>
    %dot_general3A_355 = arith.constant dense<0.000000e+00> : vector<50x4x50xf32>
    %dot_general3A_356 = tpu.matmul %broadcast_in_dim3A_352, %reshape3A_353, %dot_general3A_355 {dimension_numbers = #tpu.dot_dimension_numbers<[2], [2], [1], [1], [0, 0, 0, 1, 1, 1], [0], [0]>, transpose_lhs_hint = false} : vector<50x4x64xf32>, vector<50x50x64xf32>, vector<50x4x50xf32> -> vector<50x4x50xf32>
    %mul3A_357 = arith.constant 1.250000e-01 : f32
    %mul3A_358 = vector.broadcast %mul3A_357 : f32 to vector<50x4x50xf32>
    %mul3A_359 = arith.mulf %dot_general3A_356, %mul3A_358 : vector<50x4x50xf32>
    %reduce_max3A_360 = arith.constant dense<0xFF800000> : vector<50x4xf32>
    %reduce_max3A_361 = vector.multi_reduction <maximumf>, %mul3A_359, %reduce_max3A_360 [2] : vector<50x4x50xf32> to vector<50x4xf32>
    %broadcast_in_dim3A_362 = vector.shape_cast %reduce_max3A_361 : vector<50x4xf32> to vector<50x4x1xf32>
    %sub3A_363 = vector.broadcast %broadcast_in_dim3A_362 : vector<50x4x1xf32> to vector<50x4x50xf32>
    %sub3A_364 = arith.subf %mul3A_359, %sub3A_363 : vector<50x4x50xf32>
    %exp3A_365 = math.exp %sub3A_364 : vector<50x4x50xf32>
    %reduce_sum3A_366 = arith.constant dense<0.000000e+00> : vector<50x4xf32>
    %reduce_sum3A_367 = vector.multi_reduction <add>, %exp3A_365, %reduce_sum3A_366 [2] : vector<50x4x50xf32> to vector<50x4xf32>
    %broadcast_in_dim3A_368 = vector.shape_cast %reduce_sum3A_367 : vector<50x4xf32> to vector<50x4x1xf32>
    %div3A_369 = vector.broadcast %broadcast_in_dim3A_368 : vector<50x4x1xf32> to vector<50x4x50xf32>
    %div3A_370 = arith.divf %exp3A_365, %div3A_369 : vector<50x4x50xf32>
    %dot_general3A_371 = arith.constant dense<0.000000e+00> : vector<50x4x64xf32>
    %dot_general3A_372 = tpu.matmul %div3A_370, %reshape3A_354, %dot_general3A_371 {dimension_numbers = #tpu.dot_dimension_numbers<[2], [1], [1], [2], [0, 0, 0, 1, 1, 2], [0], [0]>, transpose_lhs_hint = false} : vector<50x4x50xf32>, vector<50x50x64xf32>, vector<50x4x64xf32> -> vector<50x4x64xf32>
    %slice3A_373 = vector.extract_strided_slice %dot_general3A_372 {offsets = [0, 0, 0], sizes = [50, 1, 16], strides = [1, 1, 1]} : vector<50x4x64xf32> to vector<50x1x16xf32>
    %slice3A_374 = vector.extract_strided_slice %dot_general3A_372 {offsets = [0, 1, 16], sizes = [50, 1, 16], strides = [1, 1, 1]} : vector<50x4x64xf32> to vector<50x1x16xf32>
    %slice3A_375 = vector.extract_strided_slice %dot_general3A_372 {offsets = [0, 2, 32], sizes = [50, 1, 16], strides = [1, 1, 1]} : vector<50x4x64xf32> to vector<50x1x16xf32>
    %slice3A_376 = vector.extract_strided_slice %dot_general3A_372 {offsets = [0, 3, 48], sizes = [50, 1, 16], strides = [1, 1, 1]} : vector<50x4x64xf32> to vector<50x1x16xf32>
    %concatenate3A_377 = tpu.concatenate %slice3A_373, %slice3A_374, %slice3A_375, %slice3A_376 in 2 : vector<50x1x16xf32>, vector<50x1x16xf32>, vector<50x1x16xf32>, vector<50x1x16xf32> -> vector<50x1x64xf32>
    %add3A_378 = vector.broadcast %broadcast_in_dim3A_349 : vector<1x1x64xf32> to vector<50x1x64xf32>
    %add3A_379 = arith.addf %add3A_378, %concatenate3A_377 : vector<50x1x64xf32>
    %reshape3A_380 = vector.shape_cast %add3A_379 : vector<50x1x64xf32> to vector<50x64xf32>
    %get3A_381 = arith.constant 0 : index
    %get3A_382 = arith.constant 0 : index
    %get3A_383 = vector.load %arg27[%get3A_381, %get3A_382] : memref<64x64xf32, #tpu.memory_space<vmem>>, vector<64x64xf32>
    %dot_general3A_384 = arith.constant dense<0.000000e+00> : vector<50x64xf32>
    %dot_general3A_385 = tpu.matmul %reshape3A_380, %get3A_383, %dot_general3A_384 {dimension_numbers = #tpu.dot_dimension_numbers<[1], [0], [0], [1], [0, 0, 1, 1], [], []>, transpose_lhs_hint = false} : vector<50x64xf32>, vector<64x64xf32>, vector<50x64xf32> -> vector<50x64xf32>
    %get3A_386 = arith.constant 0 : index
    %get3A_387 = arith.constant 0 : index
    %get3A_388 = vector.load %arg28[%get3A_386, %get3A_387] : memref<1x64xf32, #tpu.memory_space<vmem>>, vector<1x64xf32>
    %add3A_389 = vector.broadcast %get3A_388 : vector<1x64xf32> to vector<50x64xf32>
    %add3A_390 = arith.addf %dot_general3A_385, %add3A_389 : vector<50x64xf32>
    %max3A_391 = arith.constant 0.000000e+00 : f32
    %max3A_392 = vector.broadcast %max3A_391 : f32 to vector<50x64xf32>
    %max3A_393 = arith.maximumf %add3A_390, %max3A_392 : vector<50x64xf32>
    %add3A_394 = arith.addf %reshape3A_380, %max3A_393 : vector<50x64xf32>
    %get3A_395 = arith.constant 0 : index
    %get3A_396 = arith.constant 0 : index
    %get3A_397 = vector.load %arg29[%get3A_395, %get3A_396] : memref<64x32xf32, #tpu.memory_space<vmem>>, vector<64x32xf32>
    %dot_general3A_398 = arith.constant dense<0.000000e+00> : vector<50x32xf32>
    %dot_general3A_399 = tpu.matmul %add3A_394, %get3A_397, %dot_general3A_398 {dimension_numbers = #tpu.dot_dimension_numbers<[1], [0], [0], [1], [0, 0, 1, 1], [], []>, transpose_lhs_hint = false} : vector<50x64xf32>, vector<64x32xf32>, vector<50x32xf32> -> vector<50x32xf32>
    %get3A_400 = arith.constant 0 : index
    %get3A_401 = arith.constant 0 : index
    %get3A_402 = vector.load %arg30[%get3A_400, %get3A_401] : memref<1x32xf32, #tpu.memory_space<vmem>>, vector<1x32xf32>
    %add3A_403 = vector.broadcast %get3A_402 : vector<1x32xf32> to vector<50x32xf32>
    %add3A_404 = arith.addf %dot_general3A_399, %add3A_403 : vector<50x32xf32>
    %get3A_405 = arith.constant 0 : index
    %get3A_406 = arith.constant 0 : index
    %get3A_407 = vector.load %arg31[%get3A_405, %get3A_406] : memref<32x16xf32, #tpu.memory_space<vmem>>, vector<32x16xf32>
    %dot_general3A_408 = arith.constant dense<0.000000e+00> : vector<50x16xf32>
    %dot_general3A_409 = tpu.matmul %add3A_404, %get3A_407, %dot_general3A_408 {dimension_numbers = #tpu.dot_dimension_numbers<[1], [0], [0], [1], [0, 0, 1, 1], [], []>, transpose_lhs_hint = false} : vector<50x32xf32>, vector<32x16xf32>, vector<50x16xf32> -> vector<50x16xf32>
    %get3A_410 = arith.constant 0 : index
    %get3A_411 = arith.constant 0 : index
    %get3A_412 = vector.load %arg32[%get3A_410, %get3A_411] : memref<1x16xf32, #tpu.memory_space<vmem>>, vector<1x16xf32>
    %add3A_413 = vector.broadcast %get3A_412 : vector<1x16xf32> to vector<50x16xf32>
    %add3A_414 = arith.addf %dot_general3A_409, %add3A_413 : vector<50x16xf32>
    %max3A_415 = arith.constant 0.000000e+00 : f32
    %max3A_416 = vector.broadcast %max3A_415 : f32 to vector<50x16xf32>
    %max3A_417 = arith.maximumf %add3A_414, %max3A_416 : vector<50x16xf32>
    %get3A_418 = arith.constant 0 : index
    %get3A_419 = arith.constant 0 : index
    %get3A_420 = vector.load %arg33[%get3A_418, %get3A_419] : memref<16x10xf32, #tpu.memory_space<vmem>>, vector<16x10xf32>
    %dot_general3A_421 = arith.constant dense<0.000000e+00> : vector<50x10xf32>
    %dot_general3A_422 = tpu.matmul %max3A_417, %get3A_420, %dot_general3A_421 {dimension_numbers = #tpu.dot_dimension_numbers<[1], [0], [0], [1], [0, 0, 1, 1], [], []>, transpose_lhs_hint = false} : vector<50x16xf32>, vector<16x10xf32>, vector<50x10xf32> -> vector<50x10xf32>
    %get3A_423 = arith.constant 0 : index
    %get3A_424 = arith.constant 0 : index
    %get3A_425 = vector.load %arg34[%get3A_423, %get3A_424] : memref<1x10xf32, #tpu.memory_space<vmem>>, vector<1x10xf32>
    %add3A_426 = vector.broadcast %get3A_425 : vector<1x10xf32> to vector<50x10xf32>
    %add3A_427 = arith.addf %dot_general3A_422, %add3A_426 : vector<50x10xf32>
    %reduce_max3A_428 = arith.constant dense<0xFF800000> : vector<50xf32>
    %reduce_max3A_429 = vector.multi_reduction <maximumf>, %add3A_427, %reduce_max3A_428 [1] : vector<50x10xf32> to vector<50xf32>
    %broadcast_in_dim3A_430 = vector.shape_cast %reduce_max3A_429 : vector<50xf32> to vector<50x1xf32>
    %sub3A_431 = vector.broadcast %broadcast_in_dim3A_430 : vector<50x1xf32> to vector<50x10xf32>
    %sub3A_432 = arith.subf %add3A_427, %sub3A_431 : vector<50x10xf32>
    %exp3A_433 = math.exp %sub3A_432 : vector<50x10xf32>
    %reduce_sum3A_434 = arith.constant dense<0.000000e+00> : vector<50xf32>
    %reduce_sum3A_435 = vector.multi_reduction <add>, %exp3A_433, %reduce_sum3A_434 [1] : vector<50x10xf32> to vector<50xf32>
    %broadcast_in_dim3A_436 = vector.shape_cast %reduce_sum3A_435 : vector<50xf32> to vector<50x1xf32>
    %log3A = math.log %broadcast_in_dim3A_436 : vector<50x1xf32>
    %add3A_437 = arith.addf %log3A, %broadcast_in_dim3A_430 : vector<50x1xf32>
    %sub3A_438 = vector.broadcast %add3A_437 : vector<50x1xf32> to vector<50x10xf32>
    %sub3A_439 = arith.subf %add3A_427, %sub3A_438 : vector<50x10xf32>
    %swap3A = arith.constant 0 : index
    %swap3A_440 = arith.constant 0 : index
    %swap3A_441 = vector.load %arg35[%swap3A, %swap3A_440] : memref<50x10xf32, #tpu.memory_space<vmem>>, vector<50x10xf32>
    tpu.vector_store %arg35[%swap3A, %swap3A_440], %sub3A_439 {strides = array<i32>} : memref<50x10xf32, #tpu.memory_space<vmem>>, vector<50x10xf32>,
    return
  }
}

</mosaic_0001>

<sc_bundles>
// kernel: kernel.12.cloned.1.call-start
scs
__scs_entry_jumppad:
0x0: {  	(pc) =	sbr.rel $0x88, $3  }
0x1: {  	(tag) =	ssettag $0x0;
	lr =	simm.s32 $0x1  }
0x2: {  	[smem:$0x3F77] =	sst lr;
	_ =	strace $0xD0000000  }
0x3: {  	_ = 	snop  }
0x4: {  	_ = 	snop  }
0x5: {  	_ = 	snop  }
0x6: {  	_ = 	snop  }
0x7: {  	_ = 	snop  }
__scs_overlays_trampoline_lowered:
0x8: {  	[smem:$0x3F86] =	sst s0  }
0x9: {  	[smem:$0x3F87] =	sst s1  }
0xa: {  	[smem:$0x3F88] =	sst s2  }
0xb: {  	[smem:$0x3F89] =	sst s3  }
0xc: {  	[smem:$0x3F8A] =	sst s4  }
0xd: {  	[smem:$0x3F8B] =	sst s5  }
0xe: {  	[smem:$0x3F8C] =	sst s6  }
0xf: {  	[smem:$0x3F8D] =	sst s7  }
0x10: {  	[smem:$0x3F8E] =	sst s8  }
0x11: {  	[smem:$0x3F8F] =	sst s9;
	s0 =	simm.s32 @!p0 $0x0  }
0x12: {  	s1 =	sld [smem:$0x3F75];
	s0 =	simm.s32 @p0 $0x1  }
0x13: {  	[smem:$0x3F90] =	sst s0;
	s0 =	simm.s32 @!p1 $0x0  }
0x14: {  	s2 =	sld [smem:$0x3F74];
	s0 =	simm.s32 @p1 $0x1  }
0x15: {  	[smem:$0x3F91] =	sst s0;
	s0 =	simm.s32 @!p2 $0x0  }
0x16: {  	s3 =	sld [smem:$0x3FDB];
	s0 =	simm.s32 @p2 $0x1  }
0x17: {  	s4 =	simm.s32 $0x1BF5;
	[smem:$0x3F93] =	sst s0  }
0x18: {  	s0 =	sld [smem:$0x3F76];
	_ =	swait.ge [sflag:s4], $0x0  }
0x19: {  	s7 =	sld [smem:$0x3F77]  }
0x1a: {  	s8 =	sadd.s32 $0xFFFFE003, lr  }
0x1b: {  	s9 =	sadd.s32 $0xFFFFFEF7, lr;
	s5 =	simm.s32 $0xFFFFFFFF;
	p2 =	slt.u32 s8, $0xFFFFF086  }
0x1c: {  	p1 =	slt.u32 s9, $0xF7A;
	s5 =	simm.s32 @!p2 $0x0  }
0x1d: {  	s5 =	simm.s32 @p1 $0x1;
	p0 =	seq.s32 s7, s2  }
0x1e: {  	s7 =	smul.u32 @!p0 $0xF7A, s2;
	p2 =	seq.s32 @!p0 s5, $0x0  }
0x1f: {  	s9 =	smul.u32 $0xF7A, s1;
	s8 =	simm.s32 @!p0 $0x1BF5;
	p2 =	por !p2, p0  }
0x20: {  	[sflag:s8] =	ssyncset.s32 @!p0 $0xFFFFF086;
	s6 =	sadd.s32 @!p0 s3, s7;
	s7 =	simm.s32 @!p0 $0x108  }
0x21: {  	s3 =	sadd.s32 s3, s9;
	s6 =	sadd.s32 @!p0 $0x88, s6;
	s7 =	simm.s32 @p2 $0x1082  }
0x22: {  	[simem:s7], [sflag:s8] =	dma.local @!p0 [hbm:s6], $0xF7A  }
0x23: {  	s9 =	sor.u32 $0xD0000000, s2;
	s6 =	simm.s32 $0x108;
	_ =	swait.ge @!p0 [sflag:s8], $0x0  }
0x24: {  	s3 =	sadd.s32 $0x88, s3;
	s6 =	simm.s32 @!p1 $0x1082;
	[sflag:s4] =	ssyncset.s32 $0xFFFFF086  }
0x25: {  	[simem:s6], [sflag:s4] =	dma.local [hbm:s3], $0xF7A  }
0x26: {  	[smem:$0x3F77] =	sst s1;
	(tag) =	ssettag s2;
	_ =	strace s9  }
0x27: {  	s1 =	sld [smem:$0x3F87]  }
0x28: {  	s2 =	sld [smem:$0x3F88]  }
0x29: {  	s4 =	sld [smem:$0x3F8A]  }
0x2a: {  	p0 =	seq.s32 s5, $0x0;
	s5 =	sld [smem:$0x3F8B]  }
0x2b: {  	s6 =	sld [smem:$0x3F8C]  }
0x2c: {  	s7 =	sld [smem:$0x3F8D]  }
0x2d: {  	s3 =	simm.s32 $0x108;
	s8 =	sld [smem:$0x3F8E]  }
0x2e: {  	s3 =	simm.s32 @!p0 $0x1082;
	s9 =	sld [smem:$0x3F8F]  }
0x2f: {  	lr =	sadd.s32 s0, s3;
	s0 =	sld [smem:$0x3F86]  }
0x30: {  	s3 =	sld [smem:$0x3F89]  }
0x31: {  	[smem:$0x3F92] =	sst s10  }
0x32: {  	s10 =	sld [smem:$0x3F90];
	_ =	sdelay $0x3  }
0x33: {  	p0 =	seq.s32 s10, $0x1;
	s10 =	sld [smem:$0x3F92];
	_ =	sdelay $0x3  }
0x34: {  	[smem:$0x3F92] =	sst s10  }
0x35: {  	s10 =	sld [smem:$0x3F91];
	_ =	sdelay $0x3  }
0x36: {  	p1 =	seq.s32 s10, $0x1;
	s10 =	sld [smem:$0x3F92];
	_ =	sdelay $0x3  }
0x37: {  	[smem:$0x3F92] =	sst s10  }
0x38: {  	s10 =	sld [smem:$0x3F93]  }
0x39: {  	_ = 	snop;
	(pc) =	sbr.ind lr, $3  }
0x3a: {  	_ = 	snop  }
0x3b: {  	_ = 	snop  }
0x3c: {  	p2 =	seq.s32 s10, $0x1;
	s10 =	sld [smem:$0x3F92]  }
0x3d: {  	_ =	shalt  }
0x3e: {  	_ =	shalt  }
0x3f: {  	_ =	shalt  }
0x40: {  	_ =	shalt  }
0x41: {  	_ =	shalt  }
0x42: {  	_ =	shalt  }
0x43: {  	_ =	shalt  }
0x44: {  	_ =	shalt  }
0x45: {  	_ =	shalt  }
0x46: {  	_ =	shalt  }
0x47: {  	_ =	shalt  }
0x48: {  	_ =	shalt  }
0x49: {  	_ =	shalt  }
0x4a: {  	_ =	shalt  }
0x4b: {  	_ =	shalt  }
0x4c: {  	_ =	shalt  }
0x4d: {  	_ =	shalt  }
0x4e: {  	_ =	shalt  }
0x4f: {  	_ =	shalt  }
0x50: {  	_ =	shalt  }
0x51: {  	_ =	shalt  }
0x52: {  	_ =	shalt  }
0x53: {  	_ =	shalt  }
0x54: {  	_ =	shalt  }
0x55: {  	_ =	shalt  }
0x56: {  	_ =	shalt  }
0x57: {  	_ =	shalt  }
0x58: {  	_ =	shalt  }
0x59: {  	_ =	shalt  }
0x5a: {  	_ =	shalt  }
0x5b: {  	_ =	shalt  }
0x5c: {  	_ =	shalt  }
0x5d: {  	_ =	shalt  }
0x5e: {  	_ =	shalt  }
0x5f: {  	_ =	shalt  }
0x60: {  	_ =	shalt  }
0x61: {  	_ =	shalt  }
0x62: {  	_ =	shalt  }
0x63: {  	_ =	shalt  }
0x64: {  	_ =	shalt  }
0x65: {  	_ =	shalt  }
0x66: {  	_ =	shalt  }
0x67: {  	_ =	shalt  }
0x68: {  	_ =	shalt  }
0x69: {  	_ =	shalt  }
0x6a: {  	_ =	shalt  }
0x6b: {  	_ =	shalt  }
0x6c: {  	_ =	shalt  }
0x6d: {  	_ =	shalt  }
0x6e: {  	_ =	shalt  }
0x6f: {  	_ =	shalt  }
0x70: {  	_ =	shalt  }
0x71: {  	_ =	shalt  }
0x72: {  	_ =	shalt  }
0x73: {  	_ =	shalt  }
0x74: {  	_ =	shalt  }
0x75: {  	_ =	shalt  }
0x76: {  	_ =	shalt  }
0x77: {  	_ =	shalt  }
0x78: {  	_ =	shalt  }
0x79: {  	_ =	shalt  }
0x7a: {  	_ =	shalt  }
0x7b: {  	_ =	shalt  }
0x7c: {  	_ =	shalt  }
0x7d: {  	_ =	shalt  }
0x7e: {  	_ =	shalt  }
0x7f: {  	_ =	shalt  }
0x80: {  	_ =	shalt  }
0x81: {  	_ =	shalt  }
0x82: {  	_ =	shalt  }
0x83: {  	_ =	shalt  }
0x84: {  	_ =	shalt  }
0x85: {  	_ =	shalt  }
0x86: {  	_ =	shalt  }
0x87: {  	_ =	shalt  }
.Lfunc_end0:
.L_simem_size_0:
called_computation_lowered:
.L_overlay_start_0:
0x88: {  	s2 =	sld [smem:$0x3FD9]  }
0x89: {  	s3 =	sld [smem:$0x3FFE];
	_ =	sdelay $0x1  }
0x8a: {  	s1 =	srdreg.scid  }
0x8b: {  	s0 =	sand.u32 $0x1, s1  }
0x8c: {  	s17 =	sshll.u32 s0, $0xA;
	s2 =	sadd.s32 s3, s2  }
0x8d: {  	s2 =	sadd.s32 s2, s17  }
0x8e: {  	[smem:$0x3F9E] =	sst s2  }
0x8f: {  	_ = 	snop  }
0x90: {  	s2 =	sld [smem:$0x3FD0];
	(tm) =	ssettm $0x1  }
0x91: {  	s18 =	sld [smem:$0x3FFB];
	_ =	sdelay $0x3  }
0x92: {  	_ =	strace s18  }
0x93: {  	s3 =	sld [smem:$0x3FFC];
	_ =	sdelay $0x3  }
0x94: {  	_ =	strace s3  }
0x95: {  	s3 =	sld [smem:$0x3FFD];
	_ =	sdelay $0x3  }
0x96: {  	_ =	strace s3  }
0x97: {  	_ =	strace $0x8FFFFFFF  }
0x98: {  	s19 =	sld [smem:$0x3FDB];
	_ =	sdelay $0x1  }
0x99: {  	s4 =	simm.s32 $_scs_section_size  }
0x9a: {  	s5 =	simm.s32 $_size__tile_overlayer_lowered;
	s6 =	simm.s32 $_tile_overlayer_lowered  }
0x9b: {  	s22 =	simm.s32 $0x1BFF;
	s21 =	sshll.u32 s6, $0x1;
	s3 =	sadd.s32 s4, s19  }
0x9c: {  	s7 =	simm.s32 $0x0;
	s20 =	sshll.u32 s5, $0x1;
	s5 =	sadd.s32 s21, s3  }
0x9d: {  	[timem:s7], [sflag:s22] =	dma.local [hbm:s5], s20  }
0x9e: {  	_ =	swait.ge [sflag:s22], s20  }
0x9f: {  	s4 =	ssub.s32 $0x0, s20;
	[sflag:s22] =	ssyncset.done $0x0  }
0xa0: {  	[sflag:s22] =	ssyncadd.s32 s4;
	_ =	sdelay $0x1  }
0xa1: {  	s23 =	simm.s32 $0x1B8B  }
0xa2: {  	_ =	swait.ge [sflag:s23], $0x1  }
0xa3: {  	[sflag:s23] =	ssyncset.done $0x0  }
0xa4: {  	s25 =	simm.s32 $0x1B8E;
	s24 =	sld [smem:$0x3FFE];
	[sflag:s23] =	ssyncadd.s32 $0xFFFFFFFF  }
0xa5: {  	s26 =	simm.s32 $execute0_lowered;
	[smem:$0x3FD2] =	sst s25  }
0xa6: {  	s5 =	sshll.u32 s26, $0x1;
	_ =	strace $0x80000046;
	[dreg:$0x1] =	wrdreg $0xFFFFFFFF  }
0xa7: {  	s28 =	simm.s32 $_size_execute0_lowered;
	s3 =	sadd.s32 s3, s5;
	[dreg:$0x0] =	wrdreg $0x0  }
0xa8: {  	s5 =	sshll.u32 s28, $0x1;
	[dreg:$0x2] =	wrdreg s3  }
0xa9: {  	[dreg:$0x3] =	wrdreg s5  }
0xaa: {  	[dreg:$0x4] =	wrdreg $0xC0  }
0xab: {  	_ =	task [dreg:s7], $0x5FFFF  }
0xac: {  	[dreg:$0x1] =	wrdreg $0xFFFFFFFF  }
0xad: {  	[dreg:$0x0] =	wrdreg $0x60  }
0xae: {  	[dreg:$0x2] =	wrdreg s24  }
0xaf: {  	[dreg:$0x3] =	wrdreg s2  }
0xb0: {  	[dreg:$0x4] =	wrdreg $0x30000  }
0xb1: {  	[dreg:$0x5] =	wrdreg $0x9  }
0xb2: {  	_ =	task.clear_ibuf [dreg:s7], $0x6FFFF;
	_ =	strace $0x90000046  }
0xb3: {  	s29 =	simm.s32 $0x9;
	_ =	strace $0x80000048  }
0xb4: {  	_ =	swait.ge [sflag:s29], $0x1  }
0xb5: {  	[sflag:s29] =	ssyncadd.s32 $0xFFFFFFFF  }
0xb6: {  	_ =	strace $0x90000048  }
0xb7: {  	_ =	sfence  }
0xb8: {  	s30 =	sld [smem:$0x0];
	_ =	sdelay $0x2  }
0xb9: {  	s31 =	sshll.u32 s1, $0xD;
	s1 =	sshrl.u32 s1, $0x2  }
0xba: {  	s3 =	sand.u32 $0x4000, s31;
	s1 =	sadd.s32 s1, s30  }
0xbb: {  	s0 =	sor.u32 s3, s0;
	s1 =	sshll.u32 s1, $0x11  }
0xbc: {  	s0 =	sor.u32 s1, s0  }
0xbd: {  	s0 =	sadd.s32 $0x8F2B, s0  }
0xbe: {  	[sflag:s0] =	ssyncadd.remote.s32 $0x1  }
0xbf: {  	_ =	sfence.sel $0xFFFF  }
0xc0: {  	[dreg:$0x0] =	wrdreg $0xFFFFFFFF;
	(pc) =	sbr.abs _section_cstart, $3  }
0xc1: {  	[dreg:$0x1] =	wrdreg $0xFFFFFFFF  }
0xc2: {  	_ =	task.clear_ibuf [dreg:s7], $0x2FFFF;
	_ =	strace $0x9FFFFFFF  }
0xc3: {  	(tm) =	ssettm $0x7FFFFFFF  }
tec
execute0_lowered:
.L_overlay_start_1:
0x0: {  	(tag) =	ssettag $0x1  }
0x1: {  	s7 =	rddreg [dreg:$0x0]  }
0x2: {  	s2 =	rddreg [dreg:$0x1]  }
0x3: {  	s0 =	srdreg.scid;
	s3 =	rddreg [dreg:$0x2];
	s4 =	simm.s32 $0x0  }
0x4: {  	s14 =	simm.s32 $0x1;
	s6 =	sand.u32 $0x1, s0;
	s0 =	stileid.u32  }
0x5: {  	s15 =	simm.s32 $0x0;
	[smem:$0x7FF] =	sst s4;
	s8 =	smul.u32 $0x2780, s0  }
0x6: {  	s1 =	sshll.u32 s6, $0x4;
	s9 =	smul.u32 $0x27800, s6;
	s6 =	ssub.s32 $0x2, s6  }
0x7: {  	s11 =	sshll.u32 s0, $0x6;
	s1 =	sor.u32 s0, s1;
	s31 =	sshrl.u32 s6, $0x1  }
0x8: {  	s5 =	smul.u32 $0x500, s1;
	s1 =	rddreg [dreg:$0x3];
	_ =	strace $0x80000047  }
0x9: {  	s9 =	sadd.s32 s8, s9;
	s12 =	ssub.s32 s6, s31;
	s13 =	sadd.s32 s8, s3  }
0xa: {  	s6 =	sor.u32 $0x1C02, s11;
	s11 =	simm.s32 $0x2;
	s9 =	sshrl.u32 s9, $0x3  }
0xb: {  	s10 =	sadd.s32 s5, s7;
	s5 =	sadd.s32 $0x10E00, s7;
	s9 =	sadd.s32 s9, s7  }
0xc: {  	s7 =	sadd.s32 $0x6E00, s10;
	s8 =	sadd.s32 $0x11400, s9;
	s9 =	smax.u32 s12, $0x1  }
0xd: {  	s10 =	sshrl.u32 s13, $0x3;
	s12 =	simm.s32 $0x2800;
	s13 =	simm.s32 $0x80  }
.LBB2_1:
0xe: {  	[spmem:s10], [sflag:s6] =	dma.local [hbm:s5], $0x4F0  }
0xf: {  	_ =	swait.ge [sflag:s11], $0x4F0  }
0x10: {  	[sflag:s11] =	ssyncset.done $0x0  }
0x11: {  	[sflag:s11] =	ssyncadd.s32 $0xFFFFFB10  }
0x12: {  	[tilespmem:s12], [sflag:$0x2] =	stream.linear.gather [hbm4b:s2+s4], $0x800, $0x38;
	[tilespmem:$0x5780] =	vst v63  }
0x13: {  	_ =	swait.ge [sflag:s11], $0x800  }
0x14: {  	[sflag:s11] =	ssyncset.done $0x0  }
0x15: {  	[sflag:s11] =	ssyncadd.s32 $0xFFFFF800  }
0x16: {  	[tilespmem:s4], [sflag:$0x2] =	stream.linear.gather [hbm4b:s7+s4], $0x2800, $0x38;
	[tilespmem:$0x5780] =	vst v63  }
0x17: {  	_ =	swait.ge [sflag:s11], $0x2800  }
0x18: {  	[sflag:s11] =	ssyncset.done $0x0  }
0x19: {  	[sflag:s11] =	ssyncadd.s32 $0xFFFFD800  }
0x1a: {  	s16 =	simm.s32 $0x0;
	[bflag:$0x0] =	sbarrier.arrive $0xFFFF  }
.LBB2_2:
0x1b: {  	p0 =	sne.s32 s16, $0x9E00  }
.Ltmp0:
0x1c: {  	_ = 	snop;
	(pc) =	sbr.rel @p0 .LBB2_2-.Ltmp0, $3  }
0x1d: {  	_ =	sdelay $0x1  }
0x1e: {  	s17 =	sshra.s32 s16, $0x2;
	s16 =	sadd.s32 $0x200, s16  }
0x1f: {  	[spmem:s3] =	stream.indirect.scatter.add.f32 [tilespmem:s12], [sflag:$0x1], $0x10, s17, s13, $0xb8;
	[tilespmem:$0x5780] =	vst v63  }
0x20: {  	_ =	swait.ge [sflag:s14], $0x800  }
0x21: {  	s16 =	simm.s32 $0x4F;
	[sflag:s14] =	ssyncset.done $0x0  }
.LBB2_4:
0x22: {  	p0 =	sne.s32 s16, $0x1;
	s16 =	sadd.s32 $0xFFFFFFFF, s16;
	[sflag:s14] =	ssyncadd.s32 $0xFFFFF800  }
.Ltmp1:
0x23: {  	(pc) =	sbr.rel @p0 .LBB2_4-.Ltmp1, $3  }
0x24: {  	_ =	sdelay $0x1  }
0x25: {  	_ =	swait.ge [sflag:s14], $0x800  }
0x26: {  	[sflag:s14] =	ssyncset.done $0x0  }
0x27: {  	s15 =	sadd.s32 $0x1, s15  }
0x28: {  	[sflag:s14] =	ssyncadd.s32 $0xFFFFF800;
	p0 =	sne.s32 s15, s9  }
.Ltmp2:
0x29: {  	[bflag:$0x0] =	sbarrier.arrive $0xFFFF;
	(pc) =	sbr.rel @p0 .LBB2_1-.Ltmp2, $4  }
0x2a: {  	[hbm:s8], [sflag:s6] =	dma.local [spmem:s10], $0x4F0  }
0x2b: {  	_ =	swait.ge [sflag:s11], $0x4F0  }
0x2c: {  	[sflag:s11] =	ssyncset.done $0x0  }
0x2d: {  	[sflag:s11] =	ssyncadd.s32 $0xFFFFFB10  }
0x2e: {  	_ =	sfence.sel $0x180000  }
0x2f: {  	[bflag:$0x0] =	sbarrier.arrive $0xFFFF  }
0x30: {  	p0 =	sne.s32 s0, $0x0;
	_ =	strace $0x90000047  }
0x31: {  	s0 =	sadd.s32 @!p0 $0x100000, s1;
	[bflag:$0x2] =	sbarrier.arrive $0xFFFF  }
0x32: {  	[sflag:s0] =	ssyncadd.tile.s32 @!p0 $0x1;
	_ =	shalt  }
.Lfunc_end2:
_tile_overlayer_lowered:
.L_overlay_start_2:
0x33: {  	(tag) =	ssettag $0x2  }
0x34: {  	s0 =	rddreg [dreg:$0x0];
	s2 =	stileid.u32  }
0x35: {  	s1 =	rddreg [dreg:$0x1];
	p0 =	sne.s32 s2, $0x0  }
0x36: {  	s3 =	rddreg [dreg:$0x2];
	[bflag:$0x3] =	sbarrier.arrive $0xFFFF;
	s2 =	simm.s32 @!p0 $0x1C02  }
0x37: {  	[timem:s3], [sflag:s2] =	dma.local @!p0 [hbm:s0], s1  }
0x38: {  	s0 =	simm.s32 @!p0 $0x2  }
0x39: {  	_ =	swait.ge @!p0 [sflag:s0], s1  }
0x3a: {  	s1 =	ssub.s32 @!p0 $0x0, s1;
	[sflag:s0] =	ssyncset.done @!p0 $0x0  }
0x3b: {  	[sflag:s0] =	ssyncadd.s32 @!p0 s1  }
0x3c: {  	[bflag:$0x3] =	sbarrier.arrive $0xFFFF  }
0x3d: {  	_ =	shalt  }

// kernel: kernel.15.cloned.1.call-start
scs
__scs_entry_jumppad:
0x0: {  	(pc) =	sbr.rel $0x88, $3  }
0x1: {  	(tag) =	ssettag $0x0;
	lr =	simm.s32 $0x1  }
0x2: {  	[smem:$0x3F77] =	sst lr;
	_ =	strace $0xD0000000  }
0x3: {  	_ = 	snop  }
0x4: {  	_ = 	snop  }
0x5: {  	_ = 	snop  }
0x6: {  	_ = 	snop  }
0x7: {  	_ = 	snop  }
__scs_overlays_trampoline_lowered:
0x8: {  	[smem:$0x3F86] =	sst s0  }
0x9: {  	[smem:$0x3F87] =	sst s1  }
0xa: {  	[smem:$0x3F88] =	sst s2  }
0xb: {  	[smem:$0x3F89] =	sst s3  }
0xc: {  	[smem:$0x3F8A] =	sst s4  }
0xd: {  	[smem:$0x3F8B] =	sst s5  }
0xe: {  	[smem:$0x3F8C] =	sst s6  }
0xf: {  	[smem:$0x3F8D] =	sst s7  }
0x10: {  	[smem:$0x3F8E] =	sst s8  }
0x11: {  	[smem:$0x3F8F] =	sst s9;
	s0 =	simm.s32 @!p0 $0x0  }
0x12: {  	s1 =	sld [smem:$0x3F75];
	s0 =	simm.s32 @p0 $0x1  }
0x13: {  	[smem:$0x3F90] =	sst s0;
	s0 =	simm.s32 @!p1 $0x0  }
0x14: {  	s2 =	sld [smem:$0x3F74];
	s0 =	simm.s32 @p1 $0x1  }
0x15: {  	[smem:$0x3F91] =	sst s0;
	s0 =	simm.s32 @!p2 $0x0  }
0x16: {  	s3 =	sld [smem:$0x3FDB];
	s0 =	simm.s32 @p2 $0x1  }
0x17: {  	s4 =	simm.s32 $0x1BF5;
	[smem:$0x3F93] =	sst s0  }
0x18: {  	s0 =	sld [smem:$0x3F76];
	_ =	swait.ge [sflag:s4], $0x0  }
0x19: {  	s7 =	sld [smem:$0x3F77]  }
0x1a: {  	s8 =	sadd.s32 $0xFFFFE003, lr  }
0x1b: {  	s9 =	sadd.s32 $0xFFFFFEF7, lr;
	s5 =	simm.s32 $0xFFFFFFFF;
	p2 =	slt.u32 s8, $0xFFFFF086  }
0x1c: {  	p1 =	slt.u32 s9, $0xF7A;
	s5 =	simm.s32 @!p2 $0x0  }
0x1d: {  	s5 =	simm.s32 @p1 $0x1;
	p0 =	seq.s32 s7, s2  }
0x1e: {  	s7 =	smul.u32 @!p0 $0xF7A, s2;
	p2 =	seq.s32 @!p0 s5, $0x0  }
0x1f: {  	s9 =	smul.u32 $0xF7A, s1;
	s8 =	simm.s32 @!p0 $0x1BF5;
	p2 =	por !p2, p0  }
0x20: {  	[sflag:s8] =	ssyncset.s32 @!p0 $0xFFFFF086;
	s6 =	sadd.s32 @!p0 s3, s7;
	s7 =	simm.s32 @!p0 $0x108  }
0x21: {  	s3 =	sadd.s32 s3, s9;
	s6 =	sadd.s32 @!p0 $0x88, s6;
	s7 =	simm.s32 @p2 $0x1082  }
0x22: {  	[simem:s7], [sflag:s8] =	dma.local @!p0 [hbm:s6], $0xF7A  }
0x23: {  	s9 =	sor.u32 $0xD0000000, s2;
	s6 =	simm.s32 $0x108;
	_ =	swait.ge @!p0 [sflag:s8], $0x0  }
0x24: {  	s3 =	sadd.s32 $0x88, s3;
	s6 =	simm.s32 @!p1 $0x1082;
	[sflag:s4] =	ssyncset.s32 $0xFFFFF086  }
0x25: {  	[simem:s6], [sflag:s4] =	dma.local [hbm:s3], $0xF7A  }
0x26: {  	[smem:$0x3F77] =	sst s1;
	(tag) =	ssettag s2;
	_ =	strace s9  }
0x27: {  	s1 =	sld [smem:$0x3F87]  }
0x28: {  	s2 =	sld [smem:$0x3F88]  }
0x29: {  	s4 =	sld [smem:$0x3F8A]  }
0x2a: {  	p0 =	seq.s32 s5, $0x0;
	s5 =	sld [smem:$0x3F8B]  }
0x2b: {  	s6 =	sld [smem:$0x3F8C]  }
0x2c: {  	s7 =	sld [smem:$0x3F8D]  }
0x2d: {  	s3 =	simm.s32 $0x108;
	s8 =	sld [smem:$0x3F8E]  }
0x2e: {  	s3 =	simm.s32 @!p0 $0x1082;
	s9 =	sld [smem:$0x3F8F]  }
0x2f: {  	lr =	sadd.s32 s0, s3;
	s0 =	sld [smem:$0x3F86]  }
0x30: {  	s3 =	sld [smem:$0x3F89]  }
0x31: {  	[smem:$0x3F92] =	sst s10  }
0x32: {  	s10 =	sld [smem:$0x3F90];
	_ =	sdelay $0x3  }
0x33: {  	p0 =	seq.s32 s10, $0x1;
	s10 =	sld [smem:$0x3F92];
	_ =	sdelay $0x3  }
0x34: {  	[smem:$0x3F92] =	sst s10  }
0x35: {  	s10 =	sld [smem:$0x3F91];
	_ =	sdelay $0x3  }
0x36: {  	p1 =	seq.s32 s10, $0x1;
	s10 =	sld [smem:$0x3F92];
	_ =	sdelay $0x3  }
0x37: {  	[smem:$0x3F92] =	sst s10  }
0x38: {  	s10 =	sld [smem:$0x3F93]  }
0x39: {  	_ = 	snop;
	(pc) =	sbr.ind lr, $3  }
0x3a: {  	_ = 	snop  }
0x3b: {  	_ = 	snop  }
0x3c: {  	p2 =	seq.s32 s10, $0x1;
	s10 =	sld [smem:$0x3F92]  }
0x3d: {  	_ =	shalt  }
0x3e: {  	_ =	shalt  }
0x3f: {  	_ =	shalt  }
0x40: {  	_ =	shalt  }
0x41: {  	_ =	shalt  }
0x42: {  	_ =	shalt  }
0x43: {  	_ =	shalt  }
0x44: {  	_ =	shalt  }
0x45: {  	_ =	shalt  }
0x46: {  	_ =	shalt  }
0x47: {  	_ =	shalt  }
0x48: {  	_ =	shalt  }
0x49: {  	_ =	shalt  }
0x4a: {  	_ =	shalt  }
0x4b: {  	_ =	shalt  }
0x4c: {  	_ =	shalt  }
0x4d: {  	_ =	shalt  }
0x4e: {  	_ =	shalt  }
0x4f: {  	_ =	shalt  }
0x50: {  	_ =	shalt  }
0x51: {  	_ =	shalt  }
0x52: {  	_ =	shalt  }
0x53: {  	_ =	shalt  }
0x54: {  	_ =	shalt  }
0x55: {  	_ =	shalt  }
0x56: {  	_ =	shalt  }
0x57: {  	_ =	shalt  }
0x58: {  	_ =	shalt  }
0x59: {  	_ =	shalt  }
0x5a: {  	_ =	shalt  }
0x5b: {  	_ =	shalt  }
0x5c: {  	_ =	shalt  }
0x5d: {  	_ =	shalt  }
0x5e: {  	_ =	shalt  }
0x5f: {  	_ =	shalt  }
0x60: {  	_ =	shalt  }
0x61: {  	_ =	shalt  }
0x62: {  	_ =	shalt  }
0x63: {  	_ =	shalt  }
0x64: {  	_ =	shalt  }
0x65: {  	_ =	shalt  }
0x66: {  	_ =	shalt  }
0x67: {  	_ =	shalt  }
0x68: {  	_ =	shalt  }
0x69: {  	_ =	shalt  }
0x6a: {  	_ =	shalt  }
0x6b: {  	_ =	shalt  }
0x6c: {  	_ =	shalt  }
0x6d: {  	_ =	shalt  }
0x6e: {  	_ =	shalt  }
0x6f: {  	_ =	shalt  }
0x70: {  	_ =	shalt  }
0x71: {  	_ =	shalt  }
0x72: {  	_ =	shalt  }
0x73: {  	_ =	shalt  }
0x74: {  	_ =	shalt  }
0x75: {  	_ =	shalt  }
0x76: {  	_ =	shalt  }
0x77: {  	_ =	shalt  }
0x78: {  	_ =	shalt  }
0x79: {  	_ =	shalt  }
0x7a: {  	_ =	shalt  }
0x7b: {  	_ =	shalt  }
0x7c: {  	_ =	shalt  }
0x7d: {  	_ =	shalt  }
0x7e: {  	_ =	shalt  }
0x7f: {  	_ =	shalt  }
0x80: {  	_ =	shalt  }
0x81: {  	_ =	shalt  }
0x82: {  	_ =	shalt  }
0x83: {  	_ =	shalt  }
0x84: {  	_ =	shalt  }
0x85: {  	_ =	shalt  }
0x86: {  	_ =	shalt  }
0x87: {  	_ =	shalt  }
.Lfunc_end0:
.L_simem_size_0:
called_computation.1_lowered:
.L_overlay_start_0:
0x88: {  	s2 =	sld [smem:$0x3FD9]  }
0x89: {  	s3 =	sld [smem:$0x3FFE];
	_ =	sdelay $0x1  }
0x8a: {  	s1 =	srdreg.scid  }
0x8b: {  	s0 =	sand.u32 $0x1, s1  }
0x8c: {  	s16 =	sshll.u32 s0, $0xA;
	s2 =	sadd.s32 s3, s2  }
0x8d: {  	s2 =	sadd.s32 s2, s16  }
0x8e: {  	[smem:$0x3F9E] =	sst s2  }
0x8f: {  	_ = 	snop  }
0x90: {  	(tm) =	ssettm $0x1  }
0x91: {  	s17 =	sld [smem:$0x3FFB];
	_ =	sdelay $0x3  }
0x92: {  	_ =	strace s17  }
0x93: {  	s2 =	sld [smem:$0x3FFC];
	_ =	sdelay $0x3  }
0x94: {  	_ =	strace s2  }
0x95: {  	s2 =	sld [smem:$0x3FFD];
	_ =	sdelay $0x3  }
0x96: {  	_ =	strace s2  }
0x97: {  	_ =	strace $0x8FFFFFFF  }
0x98: {  	s18 =	sld [smem:$0x3FDB];
	_ =	sdelay $0x1  }
0x99: {  	s19 =	simm.s32 $_scs_section_size  }
0x9a: {  	s4 =	simm.s32 $_size__tile_overlayer_lowered;
	s5 =	simm.s32 $_tile_overlayer_lowered  }
0x9b: {  	s22 =	simm.s32 $0x1BFF;
	s21 =	sshll.u32 s5, $0x1;
	s2 =	sadd.s32 s19, s18  }
0x9c: {  	s6 =	simm.s32 $0x0;
	s20 =	sshll.u32 s4, $0x1;
	s4 =	sadd.s32 s21, s2  }
0x9d: {  	[timem:s6], [sflag:s22] =	dma.local [hbm:s4], s20  }
0x9e: {  	_ =	swait.ge [sflag:s22], s20  }
0x9f: {  	s3 =	ssub.s32 $0x0, s20;
	[sflag:s22] =	ssyncset.done $0x0  }
0xa0: {  	[sflag:s22] =	ssyncadd.s32 s3;
	_ =	sdelay $0x1  }
0xa1: {  	s23 =	simm.s32 $0x1B8B  }
0xa2: {  	_ =	swait.ge [sflag:s23], $0x1  }
0xa3: {  	[sflag:s23] =	ssyncset.done $0x0  }
0xa4: {  	s25 =	simm.s32 $0x1B8E;
	s24 =	sld [smem:$0x3FFE];
	[sflag:s23] =	ssyncadd.s32 $0xFFFFFFFF  }
0xa5: {  	s26 =	simm.s32 $execute0_lowered;
	[smem:$0x3FD2] =	sst s25  }
0xa6: {  	s4 =	sshll.u32 s26, $0x1;
	_ =	strace $0x80000049;
	[dreg:$0x1] =	wrdreg $0xFFFFFFFF  }
0xa7: {  	s28 =	simm.s32 $_size_execute0_lowered;
	s2 =	sadd.s32 s2, s4;
	[dreg:$0x0] =	wrdreg $0x0  }
0xa8: {  	s4 =	sshll.u32 s28, $0x1;
	[dreg:$0x2] =	wrdreg s2  }
0xa9: {  	[dreg:$0x3] =	wrdreg s4  }
0xaa: {  	[dreg:$0x4] =	wrdreg $0xC0  }
0xab: {  	_ =	task [dreg:s6], $0x5FFFF  }
0xac: {  	[dreg:$0x1] =	wrdreg $0xFFFFFFFF  }
0xad: {  	[dreg:$0x0] =	wrdreg $0x60  }
0xae: {  	[dreg:$0x2] =	wrdreg s24  }
0xaf: {  	[dreg:$0x3] =	wrdreg $0xD0000  }
0xb0: {  	[dreg:$0x4] =	wrdreg $0x9  }
0xb1: {  	_ =	task.clear_ibuf [dreg:s6], $0x5FFFF;
	_ =	strace $0x90000049  }
0xb2: {  	s29 =	simm.s32 $0x9;
	_ =	strace $0x8000004B  }
0xb3: {  	_ =	swait.ge [sflag:s29], $0x1  }
0xb4: {  	[sflag:s29] =	ssyncadd.s32 $0xFFFFFFFF  }
0xb5: {  	_ =	strace $0x9000004B  }
0xb6: {  	_ =	sfence  }
0xb7: {  	s30 =	sld [smem:$0x0];
	_ =	sdelay $0x2  }
0xb8: {  	s31 =	sshll.u32 s1, $0xD;
	s1 =	sshrl.u32 s1, $0x2  }
0xb9: {  	s3 =	sand.u32 $0x4000, s31;
	s1 =	sadd.s32 s1, s30  }
0xba: {  	s0 =	sor.u32 s3, s0;
	s1 =	sshll.u32 s1, $0x11  }
0xbb: {  	s0 =	sor.u32 s1, s0  }
0xbc: {  	s0 =	sadd.s32 $0x8F2B, s0  }
0xbd: {  	[sflag:s0] =	ssyncadd.remote.s32 $0x1  }
0xbe: {  	_ =	sfence.sel $0xFFFF  }
0xbf: {  	[dreg:$0x0] =	wrdreg $0xFFFFFFFF;
	(pc) =	sbr.abs _section_cstart, $3  }
0xc0: {  	[dreg:$0x1] =	wrdreg $0xFFFFFFFF  }
0xc1: {  	_ =	task.clear_ibuf [dreg:s6], $0x2FFFF;
	_ =	strace $0x9FFFFFFF  }
0xc2: {  	(tm) =	ssettm $0x7FFFFFFF  }
0xc3: {  	_ =	shalt  }
tec
execute0_lowered:
.L_overlay_start_1:
0x0: {  	(tag) =	ssettag $0x1  }
0x1: {  	s0 =	rddreg [dreg:$0x0];
	s1 =	srdreg.scid  }
0x2: {  	s2 =	rddreg [dreg:$0x1];
	s7 =	stileid.u32;
	s4 =	simm.s32 $0x0  }
0x3: {  	s14 =	simm.s32 $0x80;
	s15 =	simm.s32 $0x5000;
	s16 =	simm.s32 $0x6000  }
0x4: {  	s18 =	simm.s32 $0x7000;
	s30 =	simm.s32 $0x9000;
	s20 =	simm.s32 $0x8000  }
0x5: {  	s21 =	simm.s32 $0x1;
	s22 =	simm.s32 $0xA000;
	s31 =	simm.s32 $0xB000  }
0x6: {  	s28 =	simm.s32 $0x6;
	s29 =	simm.s32 $0x8;
	s1 =	sand.u32 $0x1, s1  }
0x7: {  	s5 =	smul.u32 $0x4F00, s7;
	[smem:$0x7FF] =	sst s4;
	s8 =	sadd.s32 $0x25200, s0  }
0x8: {  	s4 =	sadd.s32 $0x10E00, s0;
	_ =	strace $0x8000004A;
	[dreg:$0x5] =	wrdreg s8  }
0x9: {  	s24 =	sshll.u32 s7, $0x6;
	s3 =	sshll.u32 s1, $0x4;
	[dreg:$0x3] =	wrdreg s30  }
0xa: {  	s6 =	smul.u32 $0x4F000, s1;
	s1 =	ssub.s32 $0x2, s1;
	[dreg:$0x4] =	wrdreg s31  }
0xb: {  	s3 =	sor.u32 s7, s3;
	s23 =	sshrl.u32 s1, $0x1;
	s7 =	simm.s32 $0x0  }
0xc: {  	s3 =	smul.u32 $0x500, s3;
	s6 =	sadd.s32 s5, s6;
	s1 =	ssub.s32 s1, s23  }
0xd: {  	s5 =	sadd.s32 s5, s2;
	s6 =	sshrl.u32 s6, $0x3;
	s26 =	smax.u32 s1, $0x1  }
0xe: {  	s1 =	sshrl.u32 s5, $0x3;
	s3 =	sadd.s32 s3, s0;
	[dreg:$0xa] =	wrdreg s26  }
0xf: {  	s0 =	sadd.s32 s6, s0;
	s6 =	sor.u32 $0x1C11, s24;
	[dreg:$0xb] =	wrdreg s1  }
0x10: {  	s23 =	simm.s32 $0x2;
	s25 =	sadd.s32 $0x1B200, s3;
	[dreg:$0x6] =	wrdreg s6  }
0x11: {  	s24 =	simm.s32 $0x3;
	s3 =	sadd.s32 $0x6E00, s3;
	[dreg:$0x7] =	wrdreg s25  }
0x12: {  	s26 =	simm.s32 $0x4;
	s0 =	sadd.s32 $0x25C00, s0;
	[dreg:$0x8] =	wrdreg s3  }
0x13: {  	[dreg:$0x9] =	wrdreg s0;
	s3 =	simm.s32 $0x11;
	s25 =	simm.s32 $0xC000  }
.LBB2_1:
0x14: {  	s0 =	rddreg [dreg:$0x5]  }
0x15: {  	[spmem:s1], [sflag:s6] =	dma.local [hbm:s0], $0x9E0  }
0x16: {  	_ =	swait.ge [sflag:s3], $0x9E0  }
0x17: {  	[sflag:s3] =	ssyncset.done $0x0  }
0x18: {  	s19 =	simm.s32 $0x0;
	s30 =	rddreg [dreg:$0x7];
	[sflag:s3] =	ssyncadd.s32 $0xFFFFF620  }
0x19: {  	[tilespmem:s19], [sflag:$0x11] =	stream.linear.gather [hbm4b:s30+s19], $0x2800, $0x38;
	[tilespmem:$0x11F00] =	vst v63  }
0x1a: {  	_ =	swait.ge [sflag:s3], $0x2800  }
0x1b: {  	[sflag:s3] =	ssyncset.done $0x0  }
0x1c: {  	s5 =	simm.s32 $0x2800;
	s31 =	rddreg [dreg:$0x8];
	[sflag:s3] =	ssyncadd.s32 $0xFFFFD800  }
0x1d: {  	[tilespmem:s5], [sflag:$0x11] =	stream.linear.gather [hbm4b:s31+s19], $0x2800, $0x38;
	[tilespmem:$0x11F00] =	vst v63  }
0x1e: {  	_ =	swait.ge [sflag:s3], $0x2800  }
0x1f: {  	[sflag:s3] =	ssyncset.done $0x0  }
0x20: {  	[sflag:s3] =	ssyncadd.s32 $0xFFFFD800  }
0x21: {  	[tilespmem:s15], [sflag:$0x1] =	stream.indirect.gather [hbm4b:s4+s14], $0x20, s19, s14, $0xb8;
	[tilespmem:$0x11F00] =	vst v63  }
0x22: {  	_ = 	snop  }
0x23: {  	[tilespmem:s16], [sflag:$0x2] =	stream.indirect.gather [hbm4b:s4+s14], $0x20, s14, s14, $0xb8;
	[tilespmem:$0x11F00] =	vst v63  }
0x24: {  	s3 =	simm.s32 $0x100  }
0x25: {  	[tilespmem:s18], [sflag:$0x3] =	stream.indirect.gather [hbm4b:s4+s14], $0x20, s3, s14, $0xb8;
	[tilespmem:$0x11F00] =	vst v63  }
0x26: {  	p0 =	por $0x1, $0x1;
	s5 =	simm.s32 $0x180  }
0x27: {  	[tilespmem:s20], [sflag:$0x4] =	stream.indirect.gather [hbm4b:s4+s14], $0x20, s5, s14, $0xb8;
	[tilespmem:$0x11F00] =	vst v63  }
0x28: {  	s0 =	simm.s32 @!p0 $0xD;
	[bflag:$0x0] =	sbarrier.arrive $0xFFFF  }
0x29: {  	_ =	swait.ge @!p0 [sflag:s0], $0x1000  }
0x2a: {  	[sflag:s0] =	ssyncset.done @!p0 $0x0  }
0x2b: {  	s8 =	simm.s32 $0x200;
	s6 =	rddreg [dreg:$0x3];
	[sflag:s0] =	ssyncadd.s32 @!p0 $0xFFFFF000  }
0x2c: {  	[tilespmem:s6], [sflag:$0x5] =	stream.indirect.gather [hbm4b:s4+s14], $0x20, s8, s14, $0xb8;
	[tilespmem:$0x11F00] =	vst v63  }
0x2d: {  	_ =	swait.ge [sflag:s21], $0x1000  }
0x2e: {  	[sflag:s21] =	ssyncset.done $0x0  }
0x2f: {  	s9 =	simm.s32 $0x2800;
	s1 =	simm.s32 @!p0 $0xE;
	[sflag:s21] =	ssyncadd.s32 $0xFFFFF000  }
0x30: {  	[spmem:s2] =	stream.indirect.scatter.add.f32 [tilespmem:s15], [sflag:$0x9], $0x20, s9, s14, $0xb8;
	[tilespmem:$0x11F00] =	vst v63  }
0x31: {  	_ =	swait.ge @!p0 [sflag:s1], $0x1000  }
0x32: {  	[sflag:s1] =	ssyncset.done @!p0 $0x0  }
0x33: {  	s10 =	simm.s32 $0x280;
	[sflag:s1] =	ssyncadd.s32 @!p0 $0xFFFFF000  }
0x34: {  	[tilespmem:s22], [sflag:$0x6] =	stream.indirect.gather [hbm4b:s4+s14], $0x20, s10, s14, $0xb8;
	[tilespmem:$0x11F00] =	vst v63  }
0x35: {  	_ =	swait.ge [sflag:s23], $0x1000  }
0x36: {  	[sflag:s23] =	ssyncset.done $0x0  }
0x37: {  	s11 =	simm.s32 $0x2880;
	s1 =	simm.s32 @!p0 $0xF;
	[sflag:s23] =	ssyncadd.s32 $0xFFFFF000  }
0x38: {  	[spmem:s2] =	stream.indirect.scatter.add.f32 [tilespmem:s16], [sflag:$0xA], $0x20, s11, s14, $0xb8;
	[tilespmem:$0x11F00] =	vst v63  }
0x39: {  	_ =	swait.ge @!p0 [sflag:s1], $0x1000  }
0x3a: {  	[sflag:s1] =	ssyncset.done @!p0 $0x0  }
0x3b: {  	s13 =	simm.s32 $0x300;
	s12 =	rddreg [dreg:$0x4];
	[sflag:s1] =	ssyncadd.s32 @!p0 $0xFFFFF000  }
0x3c: {  	[tilespmem:s12], [sflag:$0x7] =	stream.indirect.gather [hbm4b:s4+s14], $0x20, s13, s14, $0xb8;
	[tilespmem:$0x11F00] =	vst v63  }
0x3d: {  	_ =	swait.ge [sflag:s24], $0x1000  }
0x3e: {  	[sflag:s24] =	ssyncset.done $0x0  }
0x3f: {  	s17 =	simm.s32 $0x2900;
	s1 =	simm.s32 @!p0 $0x10;
	[sflag:s24] =	ssyncadd.s32 $0xFFFFF000  }
0x40: {  	[spmem:s2] =	stream.indirect.scatter.add.f32 [tilespmem:s18], [sflag:$0xB], $0x20, s17, s14, $0xb8;
	[tilespmem:$0x11F00] =	vst v63  }
0x41: {  	_ =	swait.ge @!p0 [sflag:s1], $0x1000  }
0x42: {  	[sflag:s1] =	ssyncset.done @!p0 $0x0  }
0x43: {  	s19 =	simm.s32 $0x380;
	[sflag:s1] =	ssyncadd.s32 @!p0 $0xFFFFF000  }
0x44: {  	[tilespmem:s25], [sflag:$0x8] =	stream.indirect.gather [hbm4b:s4+s14], $0x20, s19, s14, $0xb8;
	[tilespmem:$0x11F00] =	vst v63  }
0x45: {  	_ =	swait.ge [sflag:s26], $0x1000  }
0x46: {  	p0 =	por $0x0, $0x0;
	[sflag:s26] =	ssyncset.done $0x0  }
0x47: {  	s30 =	simm.s32 $0x2980;
	s1 =	simm.s32 @p0 $0x5;
	[sflag:s26] =	ssyncadd.s32 $0xFFFFF000  }
0x48: {  	[spmem:s2] =	stream.indirect.scatter.add.f32 [tilespmem:s20], [sflag:$0xC], $0x20, s30, s14, $0xb8;
	[tilespmem:$0x11F00] =	vst v63  }
0x49: {  	_ =	swait.ge @p0 [sflag:s1], $0x1000  }
0x4a: {  	s0 =	simm.s32 @p0 $0x2A00;
	s3 =	simm.s32 @p0 $0x80;
	[sflag:s1] =	ssyncset.done @p0 $0x0  }
0x4b: {  	s8 =	simm.s32 @p0 $0x9000;
	[sflag:s1] =	ssyncadd.s32 @p0 $0xFFFFF000;
	s1 =	simm.s32 @!p0 $0x9  }
0x4c: {  	[spmem:s2] =	stream.indirect.scatter.add.f32 @p0 [tilespmem:s8], [sflag:$0xD], $0x20, s0, s3, $0xb8;
	[tilespmem:$0x11F00] =	vst v63  }
0x4d: {  	_ =	swait.ge @!p0 [sflag:s1], $0x1000  }
0x4e: {  	s0 =	simm.s32 @!p0 $0x400;
	[sflag:s1] =	ssyncset.done @!p0 $0x0  }
0x4f: {  	s8 =	simm.s32 @!p0 $0x80;
	[sflag:s1] =	ssyncadd.s32 @!p0 $0xFFFFF000;
	s1 =	simm.s32 @!p0 $0x5000  }
0x50: {  	[tilespmem:s1], [sflag:$0x1] =	stream.indirect.gather @!p0 [hbm4b:s4+s8], $0x20, s0, s8, $0xb8;
	[tilespmem:$0x11F00] =	vst v63  }
0x51: {  	s0 =	simm.s32 @!p0 $0x5  }
0x52: {  	_ =	swait.ge @!p0 [sflag:s0], $0x1000  }
0x53: {  	[sflag:s0] =	ssyncset.done @!p0 $0x0  }
0x54: {  	s1 =	simm.s32 @!p0 $0x2A00;
	[sflag:s0] =	ssyncadd.s32 @!p0 $0xFFFFF000;
	s0 =	simm.s32 @!p0 $0x9000  }
0x55: {  	[spmem:s2] =	stream.indirect.scatter.add.f32 @!p0 [tilespmem:s0], [sflag:$0xD], $0x20, s1, s8, $0xb8;
	[tilespmem:$0x11F00] =	vst v63  }
0x56: {  	s0 =	simm.s32 @!p0 $0xA  }
0x57: {  	_ =	swait.ge @!p0 [sflag:s0], $0x1000  }
0x58: {  	[sflag:s0] =	ssyncset.done @!p0 $0x0  }
0x59: {  	s1 =	simm.s32 @!p0 $0x480;
	[sflag:s0] =	ssyncadd.s32 @!p0 $0xFFFFF000;
	s0 =	simm.s32 @!p0 $0x6000  }
0x5a: {  	[tilespmem:s0], [sflag:$0x2] =	stream.indirect.gather @!p0 [hbm4b:s4+s8], $0x20, s1, s8, $0xb8;
	[tilespmem:$0x11F00] =	vst v63  }
0x5b: {  	_ =	swait.ge [sflag:s28], $0x1000  }
0x5c: {  	[sflag:s28] =	ssyncset.done $0x0  }
0x5d: {  	s31 =	simm.s32 $0x2A80;
	s1 =	simm.s32 @p0 $0x7;
	[sflag:s28] =	ssyncadd.s32 $0xFFFFF000  }
0x5e: {  	[spmem:s2] =	stream.indirect.scatter.add.f32 [tilespmem:s22], [sflag:$0xE], $0x20, s31, s14, $0xb8;
	[tilespmem:$0x11F00] =	vst v63  }
0x5f: {  	_ =	swait.ge @p0 [sflag:s1], $0x1000  }
0x60: {  	[sflag:s1] =	ssyncset.done @p0 $0x0  }
0x61: {  	s0 =	simm.s32 @p0 $0x2B00;
	[sflag:s1] =	ssyncadd.s32 @p0 $0xFFFFF000;
	s1 =	simm.s32 @p0 $0xB000  }
0x62: {  	[spmem:s2] =	stream.indirect.scatter.add.f32 @p0 [tilespmem:s1], [sflag:$0xF], $0x20, s0, s3, $0xb8;
	[tilespmem:$0x11F00] =	vst v63  }
0x63: {  	s0 =	simm.s32 @!p0 $0xB  }
0x64: {  	_ =	swait.ge @!p0 [sflag:s0], $0x1000  }
0x65: {  	[sflag:s0] =	ssyncset.done @!p0 $0x0  }
0x66: {  	s1 =	simm.s32 @!p0 $0x500;
	[sflag:s0] =	ssyncadd.s32 @!p0 $0xFFFFF000;
	s0 =	simm.s32 @!p0 $0x7000  }
0x67: {  	[tilespmem:s0], [sflag:$0x3] =	stream.indirect.gather @!p0 [hbm4b:s4+s8], $0x20, s1, s8, $0xb8;
	[tilespmem:$0x11F00] =	vst v63  }
0x68: {  	s0 =	simm.s32 @!p0 $0x7  }
0x69: {  	_ =	swait.ge @!p0 [sflag:s0], $0x1000  }
0x6a: {  	[sflag:s0] =	ssyncset.done @!p0 $0x0  }
0x6b: {  	s1 =	simm.s32 @!p0 $0x2B00;
	[sflag:s0] =	ssyncadd.s32 @!p0 $0xFFFFF000;
	s0 =	simm.s32 @!p0 $0xB000  }
0x6c: {  	[spmem:s2] =	stream.indirect.scatter.add.f32 @!p0 [tilespmem:s0], [sflag:$0xF], $0x20, s1, s8, $0xb8;
	[tilespmem:$0x11F00] =	vst v63  }
0x6d: {  	s0 =	simm.s32 @!p0 $0xC  }
0x6e: {  	_ =	swait.ge @!p0 [sflag:s0], $0x1000  }
0x6f: {  	p1 =	por $0x0, $0x0;
	s9 =	simm.s32 $0x2000;
	[sflag:s0] =	ssyncset.done @!p0 $0x0  }
0x70: {  	s1 =	simm.s32 @!p0 $0x580;
	[sflag:s0] =	ssyncadd.s32 @!p0 $0xFFFFF000;
	s0 =	simm.s32 @!p0 $0x8000  }
0x71: {  	[tilespmem:s0], [sflag:$0x4] =	stream.indirect.gather @!p0 [hbm4b:s4+s8], $0x20, s1, s8, $0xb8;
	[tilespmem:$0x11F00] =	vst v63  }
0x72: {  	s10 =	simm.s32 $0x2B80;
	s8 =	simm.s32 $0x1000;
	_ =	swait.ge [sflag:s29], $0x1000  }
.LBB2_2:
0x73: {  	[sflag:s29] =	ssyncset.done $0x0  }
0x74: {  	s0 =	simm.s32 @!p1 $0xD;
	[sflag:s29] =	ssyncadd.s32 $0xFFFFF000  }
0x75: {  	[spmem:s2] =	stream.indirect.scatter.add.f32 [tilespmem:s25], [sflag:$0x10], $0x20, s10, s14, $0xb8;
	[tilespmem:$0x11F00] =	vst v63  }
0x76: {  	_ =	swait.ge @!p1 [sflag:s0], $0x1000  }
0x77: {  	s3 =	sshra.s32 s8, $0x2;
	[sflag:s0] =	ssyncset.done @!p1 $0x0  }
0x78: {  	s31 =	sadd.s32 $0x200, s3;
	s1 =	rddreg [dreg:$0x3];
	[sflag:s0] =	ssyncadd.s32 @!p1 $0xFFFFF000  }
0x79: {  	[tilespmem:s1], [sflag:$0x5] =	stream.indirect.gather [hbm4b:s4+s14], $0x20, s31, s14, $0xb8;
	[tilespmem:$0x11F00] =	vst v63  }
0x7a: {  	_ =	swait.ge [sflag:s21], $0x1000  }
0x7b: {  	[sflag:s21] =	ssyncset.done $0x0  }
0x7c: {  	s5 =	sadd.s32 $0x2800, s3;
	s1 =	simm.s32 @!p1 $0xE;
	[sflag:s21] =	ssyncadd.s32 $0xFFFFF000  }
0x7d: {  	[spmem:s2] =	stream.indirect.scatter.add.f32 [tilespmem:s15], [sflag:$0x9], $0x20, s5, s14, $0xb8;
	[tilespmem:$0x11F00] =	vst v63  }
0x7e: {  	_ =	swait.ge @!p1 [sflag:s1], $0x1000  }
0x7f: {  	[sflag:s1] =	ssyncset.done @!p1 $0x0  }
0x80: {  	s6 =	sadd.s32 $0x280, s3;
	[sflag:s1] =	ssyncadd.s32 @!p1 $0xFFFFF000  }
0x81: {  	[tilespmem:s22], [sflag:$0x6] =	stream.indirect.gather [hbm4b:s4+s14], $0x20, s6, s14, $0xb8;
	[tilespmem:$0x11F00] =	vst v63  }
0x82: {  	_ =	swait.ge [sflag:s23], $0x1000  }
0x83: {  	[sflag:s23] =	ssyncset.done $0x0  }
0x84: {  	s11 =	sadd.s32 $0x2880, s3;
	s1 =	simm.s32 @!p1 $0xF;
	[sflag:s23] =	ssyncadd.s32 $0xFFFFF000  }
0x85: {  	[spmem:s2] =	stream.indirect.scatter.add.f32 [tilespmem:s16], [sflag:$0xA], $0x20, s11, s14, $0xb8;
	[tilespmem:$0x11F00] =	vst v63  }
0x86: {  	_ =	swait.ge @!p1 [sflag:s1], $0x1000  }
0x87: {  	[sflag:s1] =	ssyncset.done @!p1 $0x0  }
0x88: {  	s13 =	sadd.s32 $0x300, s3;
	s12 =	rddreg [dreg:$0x4];
	[sflag:s1] =	ssyncadd.s32 @!p1 $0xFFFFF000  }
0x89: {  	[tilespmem:s12], [sflag:$0x7] =	stream.indirect.gather [hbm4b:s4+s14], $0x20, s13, s14, $0xb8;
	[tilespmem:$0x11F00] =	vst v63  }
0x8a: {  	_ =	swait.ge [sflag:s24], $0x1000  }
0x8b: {  	[sflag:s24] =	ssyncset.done $0x0  }
0x8c: {  	s17 =	sadd.s32 $0x2900, s3;
	s1 =	simm.s32 @!p1 $0x10;
	[sflag:s24] =	ssyncadd.s32 $0xFFFFF000  }
0x8d: {  	[spmem:s2] =	stream.indirect.scatter.add.f32 [tilespmem:s18], [sflag:$0xB], $0x20, s17, s14, $0xb8;
	[tilespmem:$0x11F00] =	vst v63  }
0x8e: {  	_ =	swait.ge @!p1 [sflag:s1], $0x1000  }
0x8f: {  	[sflag:s1] =	ssyncset.done @!p1 $0x0  }
0x90: {  	s19 =	sadd.s32 $0x380, s3;
	[sflag:s1] =	ssyncadd.s32 @!p1 $0xFFFFF000  }
0x91: {  	[tilespmem:s25], [sflag:$0x8] =	stream.indirect.gather [hbm4b:s4+s14], $0x20, s19, s14, $0xb8;
	[tilespmem:$0x11F00] =	vst v63  }
0x92: {  	_ =	swait.ge [sflag:s26], $0x1000  }
0x93: {  	p1 =	seq.s32 s8, $0x9000;
	[sflag:s26] =	ssyncset.done $0x0  }
0x94: {  	s31 =	sadd.s32 $0x2980, s3;
	s1 =	simm.s32 @p1 $0x5;
	[sflag:s26] =	ssyncadd.s32 $0xFFFFF000  }
0x95: {  	[spmem:s2] =	stream.indirect.scatter.add.f32 [tilespmem:s20], [sflag:$0xC], $0x20, s31, s14, $0xb8;
	[tilespmem:$0x11F00] =	vst v63  }
0x96: {  	s13 =	sshra.s32 @p1 s8, $0x2;
	_ =	swait.ge @p1 [sflag:s1], $0x1000  }
0x97: {  	s0 =	simm.s32 @p1 $0x80;
	s17 =	simm.s32 @p1 $0x9000;
	[sflag:s1] =	ssyncset.done @p1 $0x0  }
0x98: {  	s31 =	sadd.s32 @p1 $0x2A00, s13;
	[sflag:s1] =	ssyncadd.s32 @p1 $0xFFFFF000;
	s1 =	simm.s32 @!p1 $0x9  }
0x99: {  	[spmem:s2] =	stream.indirect.scatter.add.f32 @p1 [tilespmem:s17], [sflag:$0xD], $0x20, s31, s0, $0xb8;
	[tilespmem:$0x11F00] =	vst v63  }
0x9a: {  	s8 =	sshra.s32 @!p1 s8, $0x2;
	_ =	swait.ge @!p1 [sflag:s1], $0x1000  }
0x9b: {  	s6 =	simm.s32 @!p1 $0x5000;
	s11 =	simm.s32 @!p1 $0x5;
	[sflag:s1] =	ssyncset.done @!p1 $0x0  }
0x9c: {  	s19 =	sadd.s32 @!p1 $0x400, s8;
	s31 =	simm.s32 @!p1 $0x80;
	[sflag:s1] =	ssyncadd.s32 @!p1 $0xFFFFF000  }
0x9d: {  	[tilespmem:s6], [sflag:$0x1] =	stream.indirect.gather @!p1 [hbm4b:s4+s31], $0x20, s19, s31, $0xb8;
	[tilespmem:$0x11F00] =	vst v63  }
0x9e: {  	_ =	swait.ge @!p1 [sflag:s11], $0x1000  }
0x9f: {  	s12 =	simm.s32 @!p1 $0x9000;
	[sflag:s11] =	ssyncset.done @!p1 $0x0  }
0xa0: {  	s17 =	sadd.s32 @!p1 $0x2A00, s8;
	[sflag:s11] =	ssyncadd.s32 @!p1 $0xFFFFF000;
	s11 =	simm.s32 @!p1 $0xA  }
0xa1: {  	[spmem:s2] =	stream.indirect.scatter.add.f32 @!p1 [tilespmem:s12], [sflag:$0xD], $0x20, s17, s31, $0xb8;
	[tilespmem:$0x11F00] =	vst v63  }
0xa2: {  	_ =	swait.ge @!p1 [sflag:s11], $0x1000  }
0xa3: {  	[sflag:s11] =	ssyncset.done @!p1 $0x0  }
0xa4: {  	s5 =	sadd.s32 @!p1 $0x480, s8;
	s12 =	simm.s32 @!p1 $0x6000;
	[sflag:s11] =	ssyncadd.s32 @!p1 $0xFFFFF000  }
0xa5: {  	[tilespmem:s12], [sflag:$0x2] =	stream.indirect.gather @!p1 [hbm4b:s4+s31], $0x20, s5, s31, $0xb8;
	[tilespmem:$0x11F00] =	vst v63  }
0xa6: {  	_ =	swait.ge [sflag:s28], $0x1000  }
0xa7: {  	s10 =	sadd.s32 $0x2B80, s3;
	[sflag:s28] =	ssyncset.done $0x0  }
0xa8: {  	s3 =	sadd.s32 $0x2A80, s3;
	s5 =	simm.s32 @p1 $0x7;
	[sflag:s28] =	ssyncadd.s32 $0xFFFFF000  }
0xa9: {  	[spmem:s2] =	stream.indirect.scatter.add.f32 [tilespmem:s22], [sflag:$0xE], $0x20, s3, s14, $0xb8;
	[tilespmem:$0x11F00] =	vst v63  }
0xaa: {  	_ =	swait.ge @p1 [sflag:s5], $0x1000  }
0xab: {  	s13 =	sadd.s32 @p1 $0x2B00, s13;
	[sflag:s5] =	ssyncset.done @p1 $0x0  }
0xac: {  	s3 =	simm.s32 @p1 $0xB000;
	[sflag:s5] =	ssyncadd.s32 @p1 $0xFFFFF000;
	s5 =	simm.s32 @!p1 $0xB  }
0xad: {  	[spmem:s2] =	stream.indirect.scatter.add.f32 @p1 [tilespmem:s3], [sflag:$0xF], $0x20, s13, s0, $0xb8;
	[tilespmem:$0x11F00] =	vst v63  }
0xae: {  	_ =	swait.ge @!p1 [sflag:s5], $0x1000  }
0xaf: {  	s6 =	sadd.s32 @!p1 $0x500, s8;
	[sflag:s5] =	ssyncset.done @!p1 $0x0  }
0xb0: {  	s0 =	simm.s32 @!p1 $0x7000;
	s3 =	simm.s32 @!p1 $0x7;
	[sflag:s5] =	ssyncadd.s32 @!p1 $0xFFFFF000  }
0xb1: {  	[tilespmem:s0], [sflag:$0x3] =	stream.indirect.gather @!p1 [hbm4b:s4+s31], $0x20, s6, s31, $0xb8;
	[tilespmem:$0x11F00] =	vst v63  }
0xb2: {  	s30 =	smov.u32 s9;
	s9 =	sadd.s32 $0x1000, s9;
	_ =	swait.ge @!p1 [sflag:s3], $0x1000  }
0xb3: {  	p0 =	sne.s32 s9, $0xA000;
	s19 =	sadd.s32 @!p1 $0x2B00, s8;
	[sflag:s3] =	ssyncset.done @!p1 $0x0  }
0xb4: {  	s0 =	simm.s32 @!p1 $0xB000;
	[sflag:s3] =	ssyncadd.s32 @!p1 $0xFFFFF000;
	s3 =	simm.s32 @!p1 $0xC  }
0xb5: {  	[spmem:s2] =	stream.indirect.scatter.add.f32 @!p1 [tilespmem:s0], [sflag:$0xF], $0x20, s19, s31, $0xb8;
	[tilespmem:$0x11F00] =	vst v63  }
.Ltmp0:
0xb6: {  	_ =	swait.ge @!p1 [sflag:s3], $0x1000;
	(pc) =	sbr.rel @p0 .LBB2_2-.Ltmp0, $4  }
0xb7: {  	s1 =	sadd.s32 @!p1 $0x580, s8;
	[sflag:s3] =	ssyncset.done @!p1 $0x0  }
0xb8: {  	s8 =	smov.u32 s30;
	s0 =	simm.s32 @!p1 $0x8000;
	[sflag:s3] =	ssyncadd.s32 @!p1 $0xFFFFF000  }
0xb9: {  	[tilespmem:s0], [sflag:$0x4] =	stream.indirect.gather @!p1 [hbm4b:s4+s31], $0x20, s1, s31, $0xb8;
	[tilespmem:$0x11F00] =	vst v63  }
0xba: {  	p1 =	seq.s32 s8, $0x0;
	_ =	swait.ge [sflag:s29], $0x1000  }
0xbb: {  	[sflag:s29] =	ssyncset.done $0x0  }
0xbc: {  	s0 =	simm.s32 @!p1 $0xD;
	[sflag:s29] =	ssyncadd.s32 $0xFFFFF000  }
0xbd: {  	[spmem:s2] =	stream.indirect.scatter.add.f32 [tilespmem:s25], [sflag:$0x10], $0x20, s10, s14, $0xb8;
	[tilespmem:$0x11F00] =	vst v63  }
0xbe: {  	_ =	swait.ge @!p1 [sflag:s0], $0x1000  }
0xbf: {  	s3 =	sshra.s32 s8, $0x2;
	[sflag:s0] =	ssyncset.done @!p1 $0x0  }
0xc0: {  	s6 =	sadd.s32 $0x200, s3;
	s1 =	rddreg [dreg:$0x3];
	[sflag:s0] =	ssyncadd.s32 @!p1 $0xFFFFF000  }
0xc1: {  	[tilespmem:s1], [sflag:$0x5] =	stream.indirect.gather [hbm4b:s4+s14], $0x20, s6, s14, $0xb8;
	[tilespmem:$0x11F00] =	vst v63  }
0xc2: {  	_ =	swait.ge [sflag:s21], $0x1000  }
0xc3: {  	[sflag:s21] =	ssyncset.done $0x0  }
0xc4: {  	s9 =	sadd.s32 $0x2800, s3;
	s1 =	simm.s32 @!p1 $0xE;
	[sflag:s21] =	ssyncadd.s32 $0xFFFFF000  }
0xc5: {  	[spmem:s2] =	stream.indirect.scatter.add.f32 [tilespmem:s15], [sflag:$0x9], $0x20, s9, s14, $0xb8;
	[tilespmem:$0x11F00] =	vst v63  }
0xc6: {  	_ =	swait.ge @!p1 [sflag:s1], $0x1000  }
0xc7: {  	[sflag:s1] =	ssyncset.done @!p1 $0x0  }
0xc8: {  	s10 =	sadd.s32 $0x280, s3;
	[sflag:s1] =	ssyncadd.s32 @!p1 $0xFFFFF000  }
0xc9: {  	[tilespmem:s22], [sflag:$0x6] =	stream.indirect.gather [hbm4b:s4+s14], $0x20, s10, s14, $0xb8;
	[tilespmem:$0x11F00] =	vst v63  }
0xca: {  	_ =	swait.ge [sflag:s23], $0x1000  }
0xcb: {  	[sflag:s23] =	ssyncset.done $0x0  }
0xcc: {  	s11 =	sadd.s32 $0x2880, s3;
	s1 =	simm.s32 @!p1 $0xF;
	[sflag:s23] =	ssyncadd.s32 $0xFFFFF000  }
0xcd: {  	[spmem:s2] =	stream.indirect.scatter.add.f32 [tilespmem:s16], [sflag:$0xA], $0x20, s11, s14, $0xb8;
	[tilespmem:$0x11F00] =	vst v63  }
0xce: {  	_ =	swait.ge @!p1 [sflag:s1], $0x1000  }
0xcf: {  	[sflag:s1] =	ssyncset.done @!p1 $0x0  }
0xd0: {  	s13 =	sadd.s32 $0x300, s3;
	s12 =	rddreg [dreg:$0x4];
	[sflag:s1] =	ssyncadd.s32 @!p1 $0xFFFFF000  }
0xd1: {  	[tilespmem:s12], [sflag:$0x7] =	stream.indirect.gather [hbm4b:s4+s14], $0x20, s13, s14, $0xb8;
	[tilespmem:$0x11F00] =	vst v63  }
0xd2: {  	_ =	swait.ge [sflag:s24], $0x1000  }
0xd3: {  	[sflag:s24] =	ssyncset.done $0x0  }
0xd4: {  	s17 =	sadd.s32 $0x2900, s3;
	s1 =	simm.s32 @!p1 $0x10;
	[sflag:s24] =	ssyncadd.s32 $0xFFFFF000  }
0xd5: {  	[spmem:s2] =	stream.indirect.scatter.add.f32 [tilespmem:s18], [sflag:$0xB], $0x20, s17, s14, $0xb8;
	[tilespmem:$0x11F00] =	vst v63  }
0xd6: {  	_ =	swait.ge @!p1 [sflag:s1], $0x1000  }
0xd7: {  	[sflag:s1] =	ssyncset.done @!p1 $0x0  }
0xd8: {  	s19 =	sadd.s32 $0x380, s3;
	[sflag:s1] =	ssyncadd.s32 @!p1 $0xFFFFF000  }
0xd9: {  	[tilespmem:s25], [sflag:$0x8] =	stream.indirect.gather [hbm4b:s4+s14], $0x20, s19, s14, $0xb8;
	[tilespmem:$0x11F00] =	vst v63  }
0xda: {  	_ =	swait.ge [sflag:s26], $0x1000  }
0xdb: {  	p0 =	seq.s32 s8, $0x9000;
	[sflag:s26] =	ssyncset.done $0x0  }
0xdc: {  	s30 =	sadd.s32 $0x2980, s3;
	s1 =	simm.s32 @p0 $0x5;
	[sflag:s26] =	ssyncadd.s32 $0xFFFFF000  }
0xdd: {  	[spmem:s2] =	stream.indirect.scatter.add.f32 [tilespmem:s20], [sflag:$0xC], $0x20, s30, s14, $0xb8;
	[tilespmem:$0x11F00] =	vst v63  }
0xde: {  	s0 =	sshra.s32 @p0 s8, $0x2;
	_ =	swait.ge @p0 [sflag:s1], $0x1000  }
0xdf: {  	s5 =	sadd.s32 @p0 $0x2A00, s0;
	s6 =	simm.s32 @p0 $0x80;
	[sflag:s1] =	ssyncset.done @p0 $0x0  }
0xe0: {  	s9 =	simm.s32 @p0 $0x9000;
	[sflag:s1] =	ssyncadd.s32 @p0 $0xFFFFF000;
	s1 =	simm.s32 @!p0 $0x9  }
0xe1: {  	[spmem:s2] =	stream.indirect.scatter.add.f32 @p0 [tilespmem:s9], [sflag:$0xD], $0x20, s5, s6, $0xb8;
	[tilespmem:$0x11F00] =	vst v63  }
0xe2: {  	_ =	swait.ge @!p0 [sflag:s1], $0x1000  }
0xe3: {  	s5 =	sshra.s32 @!p0 s8, $0x2;
	s9 =	simm.s32 @!p0 $0x80;
	[sflag:s1] =	ssyncset.done @!p0 $0x0  }
0xe4: {  	s8 =	sadd.s32 @!p0 $0x400, s5;
	[sflag:s1] =	ssyncadd.s32 @!p0 $0xFFFFF000;
	s1 =	simm.s32 @!p0 $0x5000  }
0xe5: {  	[tilespmem:s1], [sflag:$0x1] =	stream.indirect.gather @!p0 [hbm4b:s4+s9], $0x20, s8, s9, $0xb8;
	[tilespmem:$0x11F00] =	vst v63  }
0xe6: {  	s1 =	simm.s32 @!p0 $0x5  }
0xe7: {  	_ =	swait.ge @!p0 [sflag:s1], $0x1000  }
0xe8: {  	[sflag:s1] =	ssyncset.done @!p0 $0x0  }
0xe9: {  	s8 =	sadd.s32 @!p0 $0x2A00, s5;
	[sflag:s1] =	ssyncadd.s32 @!p0 $0xFFFFF000;
	s1 =	simm.s32 @!p0 $0x9000  }
0xea: {  	[spmem:s2] =	stream.indirect.scatter.add.f32 @!p0 [tilespmem:s1], [sflag:$0xD], $0x20, s8, s9, $0xb8;
	[tilespmem:$0x11F00] =	vst v63  }
0xeb: {  	s1 =	simm.s32 @!p0 $0xA  }
0xec: {  	_ =	swait.ge @!p0 [sflag:s1], $0x1000  }
0xed: {  	[sflag:s1] =	ssyncset.done @!p0 $0x0  }
0xee: {  	s8 =	sadd.s32 @!p0 $0x480, s5;
	[sflag:s1] =	ssyncadd.s32 @!p0 $0xFFFFF000;
	s1 =	simm.s32 @!p0 $0x6000  }
0xef: {  	[tilespmem:s1], [sflag:$0x2] =	stream.indirect.gather @!p0 [hbm4b:s4+s9], $0x20, s8, s9, $0xb8;
	[tilespmem:$0x11F00] =	vst v63  }
0xf0: {  	_ =	swait.ge [sflag:s28], $0x1000  }
0xf1: {  	[sflag:s28] =	ssyncset.done $0x0  }
0xf2: {  	s31 =	sadd.s32 $0x2A80, s3;
	s1 =	simm.s32 @p0 $0x7;
	[sflag:s28] =	ssyncadd.s32 $0xFFFFF000  }
0xf3: {  	[spmem:s2] =	stream.indirect.scatter.add.f32 [tilespmem:s22], [sflag:$0xE], $0x20, s31, s14, $0xb8;
	[tilespmem:$0x11F00] =	vst v63  }
0xf4: {  	_ =	swait.ge @p0 [sflag:s1], $0x1000  }
0xf5: {  	[sflag:s1] =	ssyncset.done @p0 $0x0  }
0xf6: {  	s0 =	sadd.s32 @p0 $0x2B00, s0;
	[sflag:s1] =	ssyncadd.s32 @p0 $0xFFFFF000;
	s1 =	simm.s32 @p0 $0xB000  }
0xf7: {  	[spmem:s2] =	stream.indirect.scatter.add.f32 @p0 [tilespmem:s1], [sflag:$0xF], $0x20, s0, s6, $0xb8;
	[tilespmem:$0x11F00] =	vst v63  }
0xf8: {  	s0 =	simm.s32 @!p0 $0xB  }
0xf9: {  	_ =	swait.ge @!p0 [sflag:s0], $0x1000  }
0xfa: {  	[sflag:s0] =	ssyncset.done @!p0 $0x0  }
0xfb: {  	s1 =	sadd.s32 @!p0 $0x500, s5;
	[sflag:s0] =	ssyncadd.s32 @!p0 $0xFFFFF000;
	s0 =	simm.s32 @!p0 $0x7000  }
0xfc: {  	[tilespmem:s0], [sflag:$0x3] =	stream.indirect.gather @!p0 [hbm4b:s4+s9], $0x20, s1, s9, $0xb8;
	[tilespmem:$0x11F00] =	vst v63  }
0xfd: {  	s0 =	simm.s32 @!p0 $0x7  }
0xfe: {  	_ =	swait.ge @!p0 [sflag:s0], $0x1000  }
0xff: {  	[sflag:s0] =	ssyncset.done @!p0 $0x0  }
0x100: {  	s1 =	sadd.s32 @!p0 $0x2B00, s5;
	[sflag:s0] =	ssyncadd.s32 @!p0 $0xFFFFF000;
	s0 =	simm.s32 @!p0 $0xB000  }
0x101: {  	[spmem:s2] =	stream.indirect.scatter.add.f32 @!p0 [tilespmem:s0], [sflag:$0xF], $0x20, s1, s9, $0xb8;
	[tilespmem:$0x11F00] =	vst v63  }
0x102: {  	s0 =	simm.s32 @!p0 $0xC  }
0x103: {  	_ =	swait.ge @!p0 [sflag:s0], $0x1000  }
0x104: {  	[sflag:s0] =	ssyncset.done @!p0 $0x0  }
0x105: {  	s1 =	sadd.s32 @!p0 $0x580, s5;
	[sflag:s0] =	ssyncadd.s32 @!p0 $0xFFFFF000;
	s0 =	simm.s32 @!p0 $0x8000  }
0x106: {  	[tilespmem:s0], [sflag:$0x4] =	stream.indirect.gather @!p0 [hbm4b:s4+s9], $0x20, s1, s9, $0xb8;
	[tilespmem:$0x11F00] =	vst v63  }
0x107: {  	_ =	swait.ge [sflag:s29], $0x1000  }
0x108: {  	[sflag:s29] =	ssyncset.done $0x0  }
0x109: {  	s8 =	simm.s32 $0x9;
	s6 =	sadd.s32 $0x2B80, s3;
	[sflag:s29] =	ssyncadd.s32 $0xFFFFF000  }
0x10a: {  	[spmem:s2] =	stream.indirect.scatter.add.f32 [tilespmem:s25], [sflag:$0x10], $0x20, s6, s14, $0xb8;
	[tilespmem:$0x11F00] =	vst v63  }
0x10b: {  	_ =	swait.ge [sflag:s8], $0x1000  }
0x10c: {  	[sflag:s8] =	ssyncset.done $0x0  }
0x10d: {  	s9 =	simm.s32 $0xA;
	[sflag:s8] =	ssyncadd.s32 $0xFFFFF000  }
0x10e: {  	_ =	swait.ge [sflag:s9], $0x1000  }
0x10f: {  	[sflag:s9] =	ssyncset.done $0x0  }
0x110: {  	s10 =	simm.s32 $0xB;
	[sflag:s9] =	ssyncadd.s32 $0xFFFFF000  }
0x111: {  	_ =	swait.ge [sflag:s10], $0x1000  }
0x112: {  	[sflag:s10] =	ssyncset.done $0x0  }
0x113: {  	s11 =	simm.s32 $0xC;
	[sflag:s10] =	ssyncadd.s32 $0xFFFFF000  }
0x114: {  	_ =	swait.ge [sflag:s11], $0x1000  }
0x115: {  	[sflag:s11] =	ssyncset.done $0x0  }
0x116: {  	s12 =	simm.s32 $0xD;
	[sflag:s11] =	ssyncadd.s32 $0xFFFFF000  }
0x117: {  	_ =	swait.ge [sflag:s12], $0x1000  }
0x118: {  	[sflag:s12] =	ssyncset.done $0x0  }
0x119: {  	s13 =	simm.s32 $0xE;
	[sflag:s12] =	ssyncadd.s32 $0xFFFFF000  }
0x11a: {  	_ =	swait.ge [sflag:s13], $0x1000  }
0x11b: {  	[sflag:s13] =	ssyncset.done $0x0  }
0x11c: {  	s17 =	simm.s32 $0xF;
	[sflag:s13] =	ssyncadd.s32 $0xFFFFF000  }
0x11d: {  	_ =	swait.ge [sflag:s17], $0x1000  }
0x11e: {  	[sflag:s17] =	ssyncset.done $0x0  }
0x11f: {  	s19 =	simm.s32 $0x10;
	[sflag:s17] =	ssyncadd.s32 $0xFFFFF000  }
0x120: {  	_ =	swait.ge [sflag:s19], $0x1000  }
0x121: {  	[sflag:s19] =	ssyncset.done $0x0  }
0x122: {  	[sflag:s19] =	ssyncadd.s32 $0xFFFFF000  }
0x123: {  	[bflag:$0x0] =	sbarrier.arrive $0xFFFF  }
0x124: {  	s6 =	rddreg [dreg:$0x6]  }
0x125: {  	s30 =	rddreg [dreg:$0x9]  }
0x126: {  	s3 =	simm.s32 $0x11;
	s1 =	rddreg [dreg:$0xb]  }
0x127: {  	[hbm:s30], [sflag:s6] =	dma.local [spmem:s1], $0x9E0  }
0x128: {  	_ =	swait.ge [sflag:s3], $0x9E0  }
0x129: {  	s7 =	sadd.s32 $0x1, s7;
	s31 =	rddreg [dreg:$0xa]  }
0x12a: {  	p0 =	sne.s32 s7, s31  }
.Ltmp1:
0x12b: {  	_ = 	snop;
	(pc) =	sbr.rel @p0 .LBB2_1-.Ltmp1, $3  }
0x12c: {  	_ =	sdelay $0x1  }
0x12d: {  	[sflag:s3] =	ssyncset.done $0x0  }
0x12e: {  	[sflag:s3] =	ssyncadd.s32 $0xFFFFF620  }
0x12f: {  	_ =	sfence.sel $0x180000  }
0x130: {  	[bflag:$0x0] =	sbarrier.arrive $0xFFFF  }
0x131: {  	_ =	strace $0x9000004A  }
0x132: {  	s0 =	stileid.u32;
	[bflag:$0x2] =	sbarrier.arrive $0xFFFF  }
0x133: {  	p0 =	sne.s32 s0, $0x0;
	s0 =	rddreg [dreg:$0x2]  }
0x134: {  	s0 =	sadd.s32 @!p0 $0x100000, s0  }
0x135: {  	[sflag:s0] =	ssyncadd.tile.s32 @!p0 $0x1;
	_ =	shalt  }
.Lfunc_end2:
_tile_overlayer_lowered:
.L_overlay_start_2:
0x136: {  	(tag) =	ssettag $0x2  }
0x137: {  	s0 =	rddreg [dreg:$0x0];
	s2 =	stileid.u32  }
0x138: {  	s1 =	rddreg [dreg:$0x1];
	p0 =	sne.s32 s2, $0x0  }
0x139: {  	s3 =	rddreg [dreg:$0x2];
	[bflag:$0x3] =	sbarrier.arrive $0xFFFF;
	s2 =	simm.s32 @!p0 $0x1C11  }
0x13a: {  	[timem:s3], [sflag:s2] =	dma.local @!p0 [hbm:s0], s1  }
0x13b: {  	s0 =	simm.s32 @!p0 $0x11  }
0x13c: {  	_ =	swait.ge @!p0 [sflag:s0], s1  }
0x13d: {  	s1 =	ssub.s32 @!p0 $0x0, s1;
	[sflag:s0] =	ssyncset.done @!p0 $0x0  }
0x13e: {  	[sflag:s0] =	ssyncadd.s32 @!p0 s1  }
0x13f: {  	[bflag:$0x3] =	sbarrier.arrive $0xFFFF  }
0x140: {  	_ =	shalt  }

// kernel: kernel.18.cloned.1.call-start
scs
__scs_entry_jumppad:
0x0: {  	(pc) =	sbr.rel $0x88, $3  }
0x1: {  	(tag) =	ssettag $0x0;
	lr =	simm.s32 $0x1  }
0x2: {  	[smem:$0x3F77] =	sst lr;
	_ =	strace $0xD0000000  }
0x3: {  	_ = 	snop  }
0x4: {  	_ = 	snop  }
0x5: {  	_ = 	snop  }
0x6: {  	_ = 	snop  }
0x7: {  	_ = 	snop  }
__scs_overlays_trampoline_lowered:
0x8: {  	[smem:$0x3F86] =	sst s0  }
0x9: {  	[smem:$0x3F87] =	sst s1  }
0xa: {  	[smem:$0x3F88] =	sst s2  }
0xb: {  	[smem:$0x3F89] =	sst s3  }
0xc: {  	[smem:$0x3F8A] =	sst s4  }
0xd: {  	[smem:$0x3F8B] =	sst s5  }
0xe: {  	[smem:$0x3F8C] =	sst s6  }
0xf: {  	[smem:$0x3F8D] =	sst s7  }
0x10: {  	[smem:$0x3F8E] =	sst s8  }
0x11: {  	[smem:$0x3F8F] =	sst s9;
	s0 =	simm.s32 @!p0 $0x0  }
0x12: {  	s1 =	sld [smem:$0x3F75];
	s0 =	simm.s32 @p0 $0x1  }
0x13: {  	[smem:$0x3F90] =	sst s0;
	s0 =	simm.s32 @!p1 $0x0  }
0x14: {  	s2 =	sld [smem:$0x3F74];
	s0 =	simm.s32 @p1 $0x1  }
0x15: {  	[smem:$0x3F91] =	sst s0;
	s0 =	simm.s32 @!p2 $0x0  }
0x16: {  	s3 =	sld [smem:$0x3FDB];
	s0 =	simm.s32 @p2 $0x1  }
0x17: {  	s4 =	simm.s32 $0x1BF5;
	[smem:$0x3F93] =	sst s0  }
0x18: {  	s0 =	sld [smem:$0x3F76];
	_ =	swait.ge [sflag:s4], $0x0  }
0x19: {  	s7 =	sld [smem:$0x3F77]  }
0x1a: {  	s8 =	sadd.s32 $0xFFFFE003, lr  }
0x1b: {  	s9 =	sadd.s32 $0xFFFFFEF7, lr;
	s5 =	simm.s32 $0xFFFFFFFF;
	p2 =	slt.u32 s8, $0xFFFFF086  }
0x1c: {  	p1 =	slt.u32 s9, $0xF7A;
	s5 =	simm.s32 @!p2 $0x0  }
0x1d: {  	s5 =	simm.s32 @p1 $0x1;
	p0 =	seq.s32 s7, s2  }
0x1e: {  	s7 =	smul.u32 @!p0 $0xF7A, s2;
	p2 =	seq.s32 @!p0 s5, $0x0  }
0x1f: {  	s9 =	smul.u32 $0xF7A, s1;
	s8 =	simm.s32 @!p0 $0x1BF5;
	p2 =	por !p2, p0  }
0x20: {  	[sflag:s8] =	ssyncset.s32 @!p0 $0xFFFFF086;
	s6 =	sadd.s32 @!p0 s3, s7;
	s7 =	simm.s32 @!p0 $0x108  }
0x21: {  	s3 =	sadd.s32 s3, s9;
	s6 =	sadd.s32 @!p0 $0x88, s6;
	s7 =	simm.s32 @p2 $0x1082  }
0x22: {  	[simem:s7], [sflag:s8] =	dma.local @!p0 [hbm:s6], $0xF7A  }
0x23: {  	s9 =	sor.u32 $0xD0000000, s2;
	s6 =	simm.s32 $0x108;
	_ =	swait.ge @!p0 [sflag:s8], $0x0  }
0x24: {  	s3 =	sadd.s32 $0x88, s3;
	s6 =	simm.s32 @!p1 $0x1082;
	[sflag:s4] =	ssyncset.s32 $0xFFFFF086  }
0x25: {  	[simem:s6], [sflag:s4] =	dma.local [hbm:s3], $0xF7A  }
0x26: {  	[smem:$0x3F77] =	sst s1;
	(tag) =	ssettag s2;
	_ =	strace s9  }
0x27: {  	s1 =	sld [smem:$0x3F87]  }
0x28: {  	s2 =	sld [smem:$0x3F88]  }
0x29: {  	s4 =	sld [smem:$0x3F8A]  }
0x2a: {  	p0 =	seq.s32 s5, $0x0;
	s5 =	sld [smem:$0x3F8B]  }
0x2b: {  	s6 =	sld [smem:$0x3F8C]  }
0x2c: {  	s7 =	sld [smem:$0x3F8D]  }
0x2d: {  	s3 =	simm.s32 $0x108;
	s8 =	sld [smem:$0x3F8E]  }
0x2e: {  	s3 =	simm.s32 @!p0 $0x1082;
	s9 =	sld [smem:$0x3F8F]  }
0x2f: {  	lr =	sadd.s32 s0, s3;
	s0 =	sld [smem:$0x3F86]  }
0x30: {  	s3 =	sld [smem:$0x3F89]  }
0x31: {  	[smem:$0x3F92] =	sst s10  }
0x32: {  	s10 =	sld [smem:$0x3F90];
	_ =	sdelay $0x3  }
0x33: {  	p0 =	seq.s32 s10, $0x1;
	s10 =	sld [smem:$0x3F92];
	_ =	sdelay $0x3  }
0x34: {  	[smem:$0x3F92] =	sst s10  }
0x35: {  	s10 =	sld [smem:$0x3F91];
	_ =	sdelay $0x3  }
0x36: {  	p1 =	seq.s32 s10, $0x1;
	s10 =	sld [smem:$0x3F92];
	_ =	sdelay $0x3  }
0x37: {  	[smem:$0x3F92] =	sst s10  }
0x38: {  	s10 =	sld [smem:$0x3F93]  }
0x39: {  	_ = 	snop;
	(pc) =	sbr.ind lr, $3  }
0x3a: {  	_ = 	snop  }
0x3b: {  	_ = 	snop  }
0x3c: {  	p2 =	seq.s32 s10, $0x1;
	s10 =	sld [smem:$0x3F92]  }
0x3d: {  	_ =	shalt  }
0x3e: {  	_ =	shalt  }
0x3f: {  	_ =	shalt  }
0x40: {  	_ =	shalt  }
0x41: {  	_ =	shalt  }
0x42: {  	_ =	shalt  }
0x43: {  	_ =	shalt  }
0x44: {  	_ =	shalt  }
0x45: {  	_ =	shalt  }
0x46: {  	_ =	shalt  }
0x47: {  	_ =	shalt  }
0x48: {  	_ =	shalt  }
0x49: {  	_ =	shalt  }
0x4a: {  	_ =	shalt  }
0x4b: {  	_ =	shalt  }
0x4c: {  	_ =	shalt  }
0x4d: {  	_ =	shalt  }
0x4e: {  	_ =	shalt  }
0x4f: {  	_ =	shalt  }
0x50: {  	_ =	shalt  }
0x51: {  	_ =	shalt  }
0x52: {  	_ =	shalt  }
0x53: {  	_ =	shalt  }
0x54: {  	_ =	shalt  }
0x55: {  	_ =	shalt  }
0x56: {  	_ =	shalt  }
0x57: {  	_ =	shalt  }
0x58: {  	_ =	shalt  }
0x59: {  	_ =	shalt  }
0x5a: {  	_ =	shalt  }
0x5b: {  	_ =	shalt  }
0x5c: {  	_ =	shalt  }
0x5d: {  	_ =	shalt  }
0x5e: {  	_ =	shalt  }
0x5f: {  	_ =	shalt  }
0x60: {  	_ =	shalt  }
0x61: {  	_ =	shalt  }
0x62: {  	_ =	shalt  }
0x63: {  	_ =	shalt  }
0x64: {  	_ =	shalt  }
0x65: {  	_ =	shalt  }
0x66: {  	_ =	shalt  }
0x67: {  	_ =	shalt  }
0x68: {  	_ =	shalt  }
0x69: {  	_ =	shalt  }
0x6a: {  	_ =	shalt  }
0x6b: {  	_ =	shalt  }
0x6c: {  	_ =	shalt  }
0x6d: {  	_ =	shalt  }
0x6e: {  	_ =	shalt  }
0x6f: {  	_ =	shalt  }
0x70: {  	_ =	shalt  }
0x71: {  	_ =	shalt  }
0x72: {  	_ =	shalt  }
0x73: {  	_ =	shalt  }
0x74: {  	_ =	shalt  }
0x75: {  	_ =	shalt  }
0x76: {  	_ =	shalt  }
0x77: {  	_ =	shalt  }
0x78: {  	_ =	shalt  }
0x79: {  	_ =	shalt  }
0x7a: {  	_ =	shalt  }
0x7b: {  	_ =	shalt  }
0x7c: {  	_ =	shalt  }
0x7d: {  	_ =	shalt  }
0x7e: {  	_ =	shalt  }
0x7f: {  	_ =	shalt  }
0x80: {  	_ =	shalt  }
0x81: {  	_ =	shalt  }
0x82: {  	_ =	shalt  }
0x83: {  	_ =	shalt  }
0x84: {  	_ =	shalt  }
0x85: {  	_ =	shalt  }
0x86: {  	_ =	shalt  }
0x87: {  	_ =	shalt  }
.Lfunc_end0:
.L_simem_size_0:
called_computation.2_lowered:
.L_overlay_start_0:
0x88: {  	s2 =	sld [smem:$0x3FD9]  }
0x89: {  	s3 =	sld [smem:$0x3FFE];
	_ =	sdelay $0x1  }
0x8a: {  	s1 =	srdreg.scid  }
0x8b: {  	s0 =	sand.u32 $0x1, s1  }
0x8c: {  	s16 =	sshll.u32 s0, $0xA;
	s2 =	sadd.s32 s3, s2  }
0x8d: {  	s2 =	sadd.s32 s2, s16  }
0x8e: {  	[smem:$0x3F9E] =	sst s2  }
0x8f: {  	_ = 	snop  }
0x90: {  	(tm) =	ssettm $0x1  }
0x91: {  	s17 =	sld [smem:$0x3FFB];
	_ =	sdelay $0x3  }
0x92: {  	_ =	strace s17  }
0x93: {  	s2 =	sld [smem:$0x3FFC];
	_ =	sdelay $0x3  }
0x94: {  	_ =	strace s2  }
0x95: {  	s2 =	sld [smem:$0x3FFD];
	_ =	sdelay $0x3  }
0x96: {  	_ =	strace s2  }
0x97: {  	_ =	strace $0x8FFFFFFF  }
0x98: {  	s18 =	sld [smem:$0x3FDB];
	_ =	sdelay $0x1  }
0x99: {  	s19 =	simm.s32 $_scs_section_size  }
0x9a: {  	s4 =	simm.s32 $_size__tile_overlayer_lowered;
	s5 =	simm.s32 $_tile_overlayer_lowered  }
0x9b: {  	s22 =	simm.s32 $0x1BFF;
	s21 =	sshll.u32 s5, $0x1;
	s2 =	sadd.s32 s19, s18  }
0x9c: {  	s6 =	simm.s32 $0x0;
	s20 =	sshll.u32 s4, $0x1;
	s4 =	sadd.s32 s21, s2  }
0x9d: {  	[timem:s6], [sflag:s22] =	dma.local [hbm:s4], s20  }
0x9e: {  	_ =	swait.ge [sflag:s22], s20  }
0x9f: {  	s3 =	ssub.s32 $0x0, s20;
	[sflag:s22] =	ssyncset.done $0x0  }
0xa0: {  	[sflag:s22] =	ssyncadd.s32 s3;
	_ =	sdelay $0x1  }
0xa1: {  	s23 =	simm.s32 $0x1B8B  }
0xa2: {  	_ =	swait.ge [sflag:s23], $0x1  }
0xa3: {  	[sflag:s23] =	ssyncset.done $0x0  }
0xa4: {  	s25 =	simm.s32 $0x1B8E;
	s24 =	sld [smem:$0x3FFE];
	[sflag:s23] =	ssyncadd.s32 $0xFFFFFFFF  }
0xa5: {  	s26 =	simm.s32 $execute0_lowered;
	[smem:$0x3FD2] =	sst s25  }
0xa6: {  	s4 =	sshll.u32 s26, $0x1;
	_ =	strace $0x8000004C;
	[dreg:$0x1] =	wrdreg $0xFFFFFFFF  }
0xa7: {  	s28 =	simm.s32 $_size_execute0_lowered;
	s2 =	sadd.s32 s2, s4;
	[dreg:$0x0] =	wrdreg $0x0  }
0xa8: {  	s4 =	sshll.u32 s28, $0x1;
	[dreg:$0x2] =	wrdreg s2  }
0xa9: {  	[dreg:$0x3] =	wrdreg s4  }
0xaa: {  	[dreg:$0x4] =	wrdreg $0xC0  }
0xab: {  	_ =	task [dreg:s6], $0x5FFFF  }
0xac: {  	[dreg:$0x1] =	wrdreg $0xFFFFFFFF  }
0xad: {  	[dreg:$0x0] =	wrdreg $0x60  }
0xae: {  	[dreg:$0x2] =	wrdreg s24  }
0xaf: {  	[dreg:$0x3] =	wrdreg $0xD0000  }
0xb0: {  	[dreg:$0x4] =	wrdreg $0x9  }
0xb1: {  	_ =	task.clear_ibuf [dreg:s6], $0x5FFFF;
	_ =	strace $0x9000004C  }
0xb2: {  	s29 =	simm.s32 $0x9;
	_ =	strace $0x8000004E  }
0xb3: {  	_ =	swait.ge [sflag:s29], $0x1  }
0xb4: {  	[sflag:s29] =	ssyncadd.s32 $0xFFFFFFFF  }
0xb5: {  	_ =	strace $0x9000004E  }
0xb6: {  	_ =	sfence  }
0xb7: {  	s30 =	sld [smem:$0x0];
	_ =	sdelay $0x2  }
0xb8: {  	s31 =	sshll.u32 s1, $0xD;
	s1 =	sshrl.u32 s1, $0x2  }
0xb9: {  	s3 =	sand.u32 $0x4000, s31;
	s1 =	sadd.s32 s1, s30  }
0xba: {  	s0 =	sor.u32 s3, s0;
	s1 =	sshll.u32 s1, $0x11  }
0xbb: {  	s0 =	sor.u32 s1, s0  }
0xbc: {  	s0 =	sadd.s32 $0x8F2B, s0  }
0xbd: {  	[sflag:s0] =	ssyncadd.remote.s32 $0x1  }
0xbe: {  	_ =	sfence.sel $0xFFFF  }
0xbf: {  	[dreg:$0x0] =	wrdreg $0xFFFFFFFF;
	(pc) =	sbr.abs _section_cstart, $3  }
0xc0: {  	[dreg:$0x1] =	wrdreg $0xFFFFFFFF  }
0xc1: {  	_ =	task.clear_ibuf [dreg:s6], $0x2FFFF;
	_ =	strace $0x9FFFFFFF  }
0xc2: {  	(tm) =	ssettm $0x7FFFFFFF  }
0xc3: {  	_ =	shalt  }
tec
execute0_lowered:
.L_overlay_start_1:
0x0: {  	(tag) =	ssettag $0x1  }
0x1: {  	s0 =	rddreg [dreg:$0x0];
	s1 =	srdreg.scid  }
0x2: {  	s2 =	rddreg [dreg:$0x1];
	s7 =	stileid.u32;
	s4 =	simm.s32 $0x0  }
0x3: {  	s14 =	simm.s32 $0x80;
	s15 =	simm.s32 $0x5000;
	s16 =	simm.s32 $0x6000  }
0x4: {  	s18 =	simm.s32 $0x7000;
	s30 =	simm.s32 $0x9000;
	s20 =	simm.s32 $0x8000  }
0x5: {  	s21 =	simm.s32 $0x1;
	s22 =	simm.s32 $0xA000;
	s31 =	simm.s32 $0xB000  }
0x6: {  	s28 =	simm.s32 $0x6;
	s29 =	simm.s32 $0x8;
	s1 =	sand.u32 $0x1, s1  }
0x7: {  	s5 =	smul.u32 $0x4F00, s7;
	[smem:$0x7FF] =	sst s4;
	s8 =	sadd.s32 $0x25200, s0  }
0x8: {  	s4 =	sadd.s32 $0x10E00, s0;
	_ =	strace $0x8000004D;
	[dreg:$0x5] =	wrdreg s8  }
0x9: {  	s24 =	sshll.u32 s7, $0x6;
	s3 =	sshll.u32 s1, $0x4;
	[dreg:$0x3] =	wrdreg s30  }
0xa: {  	s6 =	smul.u32 $0x4F000, s1;
	s1 =	ssub.s32 $0x2, s1;
	[dreg:$0x4] =	wrdreg s31  }
0xb: {  	s3 =	sor.u32 s7, s3;
	s23 =	sshrl.u32 s1, $0x1;
	s7 =	simm.s32 $0x0  }
0xc: {  	s3 =	smul.u32 $0x500, s3;
	s6 =	sadd.s32 s5, s6;
	s1 =	ssub.s32 s1, s23  }
0xd: {  	s5 =	sadd.s32 s5, s2;
	s6 =	sshrl.u32 s6, $0x3;
	s26 =	smax.u32 s1, $0x1  }
0xe: {  	s1 =	sshrl.u32 s5, $0x3;
	s3 =	sadd.s32 s3, s0;
	[dreg:$0xa] =	wrdreg s26  }
0xf: {  	s0 =	sadd.s32 s6, s0;
	s6 =	sor.u32 $0x1C11, s24;
	[dreg:$0xb] =	wrdreg s1  }
0x10: {  	s23 =	simm.s32 $0x2;
	s25 =	sadd.s32 $0x1B200, s3;
	[dreg:$0x6] =	wrdreg s6  }
0x11: {  	s24 =	simm.s32 $0x3;
	s3 =	sadd.s32 $0x6E00, s3;
	[dreg:$0x7] =	wrdreg s25  }
0x12: {  	s26 =	simm.s32 $0x4;
	s0 =	sadd.s32 $0x25C00, s0;
	[dreg:$0x8] =	wrdreg s3  }
0x13: {  	[dreg:$0x9] =	wrdreg s0;
	s3 =	simm.s32 $0x11;
	s25 =	simm.s32 $0xC000  }
.LBB2_1:
0x14: {  	s0 =	rddreg [dreg:$0x5]  }
0x15: {  	[spmem:s1], [sflag:s6] =	dma.local [hbm:s0], $0x9E0  }
0x16: {  	_ =	swait.ge [sflag:s3], $0x9E0  }
0x17: {  	[sflag:s3] =	ssyncset.done $0x0  }
0x18: {  	s19 =	simm.s32 $0x0;
	s30 =	rddreg [dreg:$0x7];
	[sflag:s3] =	ssyncadd.s32 $0xFFFFF620  }
0x19: {  	[tilespmem:s19], [sflag:$0x11] =	stream.linear.gather [hbm4b:s30+s19], $0x2800, $0x38;
	[tilespmem:$0x11F00] =	vst v63  }
0x1a: {  	_ =	swait.ge [sflag:s3], $0x2800  }
0x1b: {  	[sflag:s3] =	ssyncset.done $0x0  }
0x1c: {  	s5 =	simm.s32 $0x2800;
	s31 =	rddreg [dreg:$0x8];
	[sflag:s3] =	ssyncadd.s32 $0xFFFFD800  }
0x1d: {  	[tilespmem:s5], [sflag:$0x11] =	stream.linear.gather [hbm4b:s31+s19], $0x2800, $0x38;
	[tilespmem:$0x11F00] =	vst v63  }
0x1e: {  	_ =	swait.ge [sflag:s3], $0x2800  }
0x1f: {  	[sflag:s3] =	ssyncset.done $0x0  }
0x20: {  	[sflag:s3] =	ssyncadd.s32 $0xFFFFD800  }
0x21: {  	[tilespmem:s15], [sflag:$0x1] =	stream.indirect.gather [hbm4b:s4+s14], $0x20, s19, s14, $0xb8;
	[tilespmem:$0x11F00] =	vst v63  }
0x22: {  	_ = 	snop  }
0x23: {  	[tilespmem:s16], [sflag:$0x2] =	stream.indirect.gather [hbm4b:s4+s14], $0x20, s14, s14, $0xb8;
	[tilespmem:$0x11F00] =	vst v63  }
0x24: {  	s3 =	simm.s32 $0x100  }
0x25: {  	[tilespmem:s18], [sflag:$0x3] =	stream.indirect.gather [hbm4b:s4+s14], $0x20, s3, s14, $0xb8;
	[tilespmem:$0x11F00] =	vst v63  }
0x26: {  	p0 =	por $0x1, $0x1;
	s5 =	simm.s32 $0x180  }
0x27: {  	[tilespmem:s20], [sflag:$0x4] =	stream.indirect.gather [hbm4b:s4+s14], $0x20, s5, s14, $0xb8;
	[tilespmem:$0x11F00] =	vst v63  }
0x28: {  	s0 =	simm.s32 @!p0 $0xD;
	[bflag:$0x0] =	sbarrier.arrive $0xFFFF  }
0x29: {  	_ =	swait.ge @!p0 [sflag:s0], $0x1000  }
0x2a: {  	[sflag:s0] =	ssyncset.done @!p0 $0x0  }
0x2b: {  	s8 =	simm.s32 $0x200;
	s6 =	rddreg [dreg:$0x3];
	[sflag:s0] =	ssyncadd.s32 @!p0 $0xFFFFF000  }
0x2c: {  	[tilespmem:s6], [sflag:$0x5] =	stream.indirect.gather [hbm4b:s4+s14], $0x20, s8, s14, $0xb8;
	[tilespmem:$0x11F00] =	vst v63  }
0x2d: {  	_ =	swait.ge [sflag:s21], $0x1000  }
0x2e: {  	[sflag:s21] =	ssyncset.done $0x0  }
0x2f: {  	s9 =	simm.s32 $0x2800;
	s1 =	simm.s32 @!p0 $0xE;
	[sflag:s21] =	ssyncadd.s32 $0xFFFFF000  }
0x30: {  	[spmem:s2] =	stream.indirect.scatter.add.f32 [tilespmem:s15], [sflag:$0x9], $0x20, s9, s14, $0xb8;
	[tilespmem:$0x11F00] =	vst v63  }
0x31: {  	_ =	swait.ge @!p0 [sflag:s1], $0x1000  }
0x32: {  	[sflag:s1] =	ssyncset.done @!p0 $0x0  }
0x33: {  	s10 =	simm.s32 $0x280;
	[sflag:s1] =	ssyncadd.s32 @!p0 $0xFFFFF000  }
0x34: {  	[tilespmem:s22], [sflag:$0x6] =	stream.indirect.gather [hbm4b:s4+s14], $0x20, s10, s14, $0xb8;
	[tilespmem:$0x11F00] =	vst v63  }
0x35: {  	_ =	swait.ge [sflag:s23], $0x1000  }
0x36: {  	[sflag:s23] =	ssyncset.done $0x0  }
0x37: {  	s11 =	simm.s32 $0x2880;
	s1 =	simm.s32 @!p0 $0xF;
	[sflag:s23] =	ssyncadd.s32 $0xFFFFF000  }
0x38: {  	[spmem:s2] =	stream.indirect.scatter.add.f32 [tilespmem:s16], [sflag:$0xA], $0x20, s11, s14, $0xb8;
	[tilespmem:$0x11F00] =	vst v63  }
0x39: {  	_ =	swait.ge @!p0 [sflag:s1], $0x1000  }
0x3a: {  	[sflag:s1] =	ssyncset.done @!p0 $0x0  }
0x3b: {  	s13 =	simm.s32 $0x300;
	s12 =	rddreg [dreg:$0x4];
	[sflag:s1] =	ssyncadd.s32 @!p0 $0xFFFFF000  }
0x3c: {  	[tilespmem:s12], [sflag:$0x7] =	stream.indirect.gather [hbm4b:s4+s14], $0x20, s13, s14, $0xb8;
	[tilespmem:$0x11F00] =	vst v63  }
0x3d: {  	_ =	swait.ge [sflag:s24], $0x1000  }
0x3e: {  	[sflag:s24] =	ssyncset.done $0x0  }
0x3f: {  	s17 =	simm.s32 $0x2900;
	s1 =	simm.s32 @!p0 $0x10;
	[sflag:s24] =	ssyncadd.s32 $0xFFFFF000  }
0x40: {  	[spmem:s2] =	stream.indirect.scatter.add.f32 [tilespmem:s18], [sflag:$0xB], $0x20, s17, s14, $0xb8;
	[tilespmem:$0x11F00] =	vst v63  }
0x41: {  	_ =	swait.ge @!p0 [sflag:s1], $0x1000  }
0x42: {  	[sflag:s1] =	ssyncset.done @!p0 $0x0  }
0x43: {  	s19 =	simm.s32 $0x380;
	[sflag:s1] =	ssyncadd.s32 @!p0 $0xFFFFF000  }
0x44: {  	[tilespmem:s25], [sflag:$0x8] =	stream.indirect.gather [hbm4b:s4+s14], $0x20, s19, s14, $0xb8;
	[tilespmem:$0x11F00] =	vst v63  }
0x45: {  	_ =	swait.ge [sflag:s26], $0x1000  }
0x46: {  	p0 =	por $0x0, $0x0;
	[sflag:s26] =	ssyncset.done $0x0  }
0x47: {  	s30 =	simm.s32 $0x2980;
	s1 =	simm.s32 @p0 $0x5;
	[sflag:s26] =	ssyncadd.s32 $0xFFFFF000  }
0x48: {  	[spmem:s2] =	stream.indirect.scatter.add.f32 [tilespmem:s20], [sflag:$0xC], $0x20, s30, s14, $0xb8;
	[tilespmem:$0x11F00] =	vst v63  }
0x49: {  	_ =	swait.ge @p0 [sflag:s1], $0x1000  }
0x4a: {  	s0 =	simm.s32 @p0 $0x2A00;
	s3 =	simm.s32 @p0 $0x80;
	[sflag:s1] =	ssyncset.done @p0 $0x0  }
0x4b: {  	s8 =	simm.s32 @p0 $0x9000;
	[sflag:s1] =	ssyncadd.s32 @p0 $0xFFFFF000;
	s1 =	simm.s32 @!p0 $0x9  }
0x4c: {  	[spmem:s2] =	stream.indirect.scatter.add.f32 @p0 [tilespmem:s8], [sflag:$0xD], $0x20, s0, s3, $0xb8;
	[tilespmem:$0x11F00] =	vst v63  }
0x4d: {  	_ =	swait.ge @!p0 [sflag:s1], $0x1000  }
0x4e: {  	s0 =	simm.s32 @!p0 $0x400;
	[sflag:s1] =	ssyncset.done @!p0 $0x0  }
0x4f: {  	s8 =	simm.s32 @!p0 $0x80;
	[sflag:s1] =	ssyncadd.s32 @!p0 $0xFFFFF000;
	s1 =	simm.s32 @!p0 $0x5000  }
0x50: {  	[tilespmem:s1], [sflag:$0x1] =	stream.indirect.gather @!p0 [hbm4b:s4+s8], $0x20, s0, s8, $0xb8;
	[tilespmem:$0x11F00] =	vst v63  }
0x51: {  	s0 =	simm.s32 @!p0 $0x5  }
0x52: {  	_ =	swait.ge @!p0 [sflag:s0], $0x1000  }
0x53: {  	[sflag:s0] =	ssyncset.done @!p0 $0x0  }
0x54: {  	s1 =	simm.s32 @!p0 $0x2A00;
	[sflag:s0] =	ssyncadd.s32 @!p0 $0xFFFFF000;
	s0 =	simm.s32 @!p0 $0x9000  }
0x55: {  	[spmem:s2] =	stream.indirect.scatter.add.f32 @!p0 [tilespmem:s0], [sflag:$0xD], $0x20, s1, s8, $0xb8;
	[tilespmem:$0x11F00] =	vst v63  }
0x56: {  	s0 =	simm.s32 @!p0 $0xA  }
0x57: {  	_ =	swait.ge @!p0 [sflag:s0], $0x1000  }
0x58: {  	[sflag:s0] =	ssyncset.done @!p0 $0x0  }
0x59: {  	s1 =	simm.s32 @!p0 $0x480;
	[sflag:s0] =	ssyncadd.s32 @!p0 $0xFFFFF000;
	s0 =	simm.s32 @!p0 $0x6000  }
0x5a: {  	[tilespmem:s0], [sflag:$0x2] =	stream.indirect.gather @!p0 [hbm4b:s4+s8], $0x20, s1, s8, $0xb8;
	[tilespmem:$0x11F00] =	vst v63  }
0x5b: {  	_ =	swait.ge [sflag:s28], $0x1000  }
0x5c: {  	[sflag:s28] =	ssyncset.done $0x0  }
0x5d: {  	s31 =	simm.s32 $0x2A80;
	s1 =	simm.s32 @p0 $0x7;
	[sflag:s28] =	ssyncadd.s32 $0xFFFFF000  }
0x5e: {  	[spmem:s2] =	stream.indirect.scatter.add.f32 [tilespmem:s22], [sflag:$0xE], $0x20, s31, s14, $0xb8;
	[tilespmem:$0x11F00] =	vst v63  }
0x5f: {  	_ =	swait.ge @p0 [sflag:s1], $0x1000  }
0x60: {  	[sflag:s1] =	ssyncset.done @p0 $0x0  }
0x61: {  	s0 =	simm.s32 @p0 $0x2B00;
	[sflag:s1] =	ssyncadd.s32 @p0 $0xFFFFF000;
	s1 =	simm.s32 @p0 $0xB000  }
0x62: {  	[spmem:s2] =	stream.indirect.scatter.add.f32 @p0 [tilespmem:s1], [sflag:$0xF], $0x20, s0, s3, $0xb8;
	[tilespmem:$0x11F00] =	vst v63  }
0x63: {  	s0 =	simm.s32 @!p0 $0xB  }
0x64: {  	_ =	swait.ge @!p0 [sflag:s0], $0x1000  }
0x65: {  	[sflag:s0] =	ssyncset.done @!p0 $0x0  }
0x66: {  	s1 =	simm.s32 @!p0 $0x500;
	[sflag:s0] =	ssyncadd.s32 @!p0 $0xFFFFF000;
	s0 =	simm.s32 @!p0 $0x7000  }
0x67: {  	[tilespmem:s0], [sflag:$0x3] =	stream.indirect.gather @!p0 [hbm4b:s4+s8], $0x20, s1, s8, $0xb8;
	[tilespmem:$0x11F00] =	vst v63  }
0x68: {  	s0 =	simm.s32 @!p0 $0x7  }
0x69: {  	_ =	swait.ge @!p0 [sflag:s0], $0x1000  }
0x6a: {  	[sflag:s0] =	ssyncset.done @!p0 $0x0  }
0x6b: {  	s1 =	simm.s32 @!p0 $0x2B00;
	[sflag:s0] =	ssyncadd.s32 @!p0 $0xFFFFF000;
	s0 =	simm.s32 @!p0 $0xB000  }
0x6c: {  	[spmem:s2] =	stream.indirect.scatter.add.f32 @!p0 [tilespmem:s0], [sflag:$0xF], $0x20, s1, s8, $0xb8;
	[tilespmem:$0x11F00] =	vst v63  }
0x6d: {  	s0 =	simm.s32 @!p0 $0xC  }
0x6e: {  	_ =	swait.ge @!p0 [sflag:s0], $0x1000  }
0x6f: {  	p1 =	por $0x0, $0x0;
	s9 =	simm.s32 $0x2000;
	[sflag:s0] =	ssyncset.done @!p0 $0x0  }
0x70: {  	s1 =	simm.s32 @!p0 $0x580;
	[sflag:s0] =	ssyncadd.s32 @!p0 $0xFFFFF000;
	s0 =	simm.s32 @!p0 $0x8000  }
0x71: {  	[tilespmem:s0], [sflag:$0x4] =	stream.indirect.gather @!p0 [hbm4b:s4+s8], $0x20, s1, s8, $0xb8;
	[tilespmem:$0x11F00] =	vst v63  }
0x72: {  	s10 =	simm.s32 $0x2B80;
	s8 =	simm.s32 $0x1000;
	_ =	swait.ge [sflag:s29], $0x1000  }
.LBB2_2:
0x73: {  	[sflag:s29] =	ssyncset.done $0x0  }
0x74: {  	s0 =	simm.s32 @!p1 $0xD;
	[sflag:s29] =	ssyncadd.s32 $0xFFFFF000  }
0x75: {  	[spmem:s2] =	stream.indirect.scatter.add.f32 [tilespmem:s25], [sflag:$0x10], $0x20, s10, s14, $0xb8;
	[tilespmem:$0x11F00] =	vst v63  }
0x76: {  	_ =	swait.ge @!p1 [sflag:s0], $0x1000  }
0x77: {  	s3 =	sshra.s32 s8, $0x2;
	[sflag:s0] =	ssyncset.done @!p1 $0x0  }
0x78: {  	s31 =	sadd.s32 $0x200, s3;
	s1 =	rddreg [dreg:$0x3];
	[sflag:s0] =	ssyncadd.s32 @!p1 $0xFFFFF000  }
0x79: {  	[tilespmem:s1], [sflag:$0x5] =	stream.indirect.gather [hbm4b:s4+s14], $0x20, s31, s14, $0xb8;
	[tilespmem:$0x11F00] =	vst v63  }
0x7a: {  	_ =	swait.ge [sflag:s21], $0x1000  }
0x7b: {  	[sflag:s21] =	ssyncset.done $0x0  }
0x7c: {  	s5 =	sadd.s32 $0x2800, s3;
	s1 =	simm.s32 @!p1 $0xE;
	[sflag:s21] =	ssyncadd.s32 $0xFFFFF000  }
0x7d: {  	[spmem:s2] =	stream.indirect.scatter.add.f32 [tilespmem:s15], [sflag:$0x9], $0x20, s5, s14, $0xb8;
	[tilespmem:$0x11F00] =	vst v63  }
0x7e: {  	_ =	swait.ge @!p1 [sflag:s1], $0x1000  }
0x7f: {  	[sflag:s1] =	ssyncset.done @!p1 $0x0  }
0x80: {  	s6 =	sadd.s32 $0x280, s3;
	[sflag:s1] =	ssyncadd.s32 @!p1 $0xFFFFF000  }
0x81: {  	[tilespmem:s22], [sflag:$0x6] =	stream.indirect.gather [hbm4b:s4+s14], $0x20, s6, s14, $0xb8;
	[tilespmem:$0x11F00] =	vst v63  }
0x82: {  	_ =	swait.ge [sflag:s23], $0x1000  }
0x83: {  	[sflag:s23] =	ssyncset.done $0x0  }
0x84: {  	s11 =	sadd.s32 $0x2880, s3;
	s1 =	simm.s32 @!p1 $0xF;
	[sflag:s23] =	ssyncadd.s32 $0xFFFFF000  }
0x85: {  	[spmem:s2] =	stream.indirect.scatter.add.f32 [tilespmem:s16], [sflag:$0xA], $0x20, s11, s14, $0xb8;
	[tilespmem:$0x11F00] =	vst v63  }
0x86: {  	_ =	swait.ge @!p1 [sflag:s1], $0x1000  }
0x87: {  	[sflag:s1] =	ssyncset.done @!p1 $0x0  }
0x88: {  	s13 =	sadd.s32 $0x300, s3;
	s12 =	rddreg [dreg:$0x4];
	[sflag:s1] =	ssyncadd.s32 @!p1 $0xFFFFF000  }
0x89: {  	[tilespmem:s12], [sflag:$0x7] =	stream.indirect.gather [hbm4b:s4+s14], $0x20, s13, s14, $0xb8;
	[tilespmem:$0x11F00] =	vst v63  }
0x8a: {  	_ =	swait.ge [sflag:s24], $0x1000  }
0x8b: {  	[sflag:s24] =	ssyncset.done $0x0  }
0x8c: {  	s17 =	sadd.s32 $0x2900, s3;
	s1 =	simm.s32 @!p1 $0x10;
	[sflag:s24] =	ssyncadd.s32 $0xFFFFF000  }
0x8d: {  	[spmem:s2] =	stream.indirect.scatter.add.f32 [tilespmem:s18], [sflag:$0xB], $0x20, s17, s14, $0xb8;
	[tilespmem:$0x11F00] =	vst v63  }
0x8e: {  	_ =	swait.ge @!p1 [sflag:s1], $0x1000  }
0x8f: {  	[sflag:s1] =	ssyncset.done @!p1 $0x0  }
0x90: {  	s19 =	sadd.s32 $0x380, s3;
	[sflag:s1] =	ssyncadd.s32 @!p1 $0xFFFFF000  }
0x91: {  	[tilespmem:s25], [sflag:$0x8] =	stream.indirect.gather [hbm4b:s4+s14], $0x20, s19, s14, $0xb8;
	[tilespmem:$0x11F00] =	vst v63  }
0x92: {  	_ =	swait.ge [sflag:s26], $0x1000  }
0x93: {  	p1 =	seq.s32 s8, $0x9000;
	[sflag:s26] =	ssyncset.done $0x0  }
0x94: {  	s31 =	sadd.s32 $0x2980, s3;
	s1 =	simm.s32 @p1 $0x5;
	[sflag:s26] =	ssyncadd.s32 $0xFFFFF000  }
0x95: {  	[spmem:s2] =	stream.indirect.scatter.add.f32 [tilespmem:s20], [sflag:$0xC], $0x20, s31, s14, $0xb8;
	[tilespmem:$0x11F00] =	vst v63  }
0x96: {  	s13 =	sshra.s32 @p1 s8, $0x2;
	_ =	swait.ge @p1 [sflag:s1], $0x1000  }
0x97: {  	s0 =	simm.s32 @p1 $0x80;
	s17 =	simm.s32 @p1 $0x9000;
	[sflag:s1] =	ssyncset.done @p1 $0x0  }
0x98: {  	s31 =	sadd.s32 @p1 $0x2A00, s13;
	[sflag:s1] =	ssyncadd.s32 @p1 $0xFFFFF000;
	s1 =	simm.s32 @!p1 $0x9  }
0x99: {  	[spmem:s2] =	stream.indirect.scatter.add.f32 @p1 [tilespmem:s17], [sflag:$0xD], $0x20, s31, s0, $0xb8;
	[tilespmem:$0x11F00] =	vst v63  }
0x9a: {  	s8 =	sshra.s32 @!p1 s8, $0x2;
	_ =	swait.ge @!p1 [sflag:s1], $0x1000  }
0x9b: {  	s6 =	simm.s32 @!p1 $0x5000;
	s11 =	simm.s32 @!p1 $0x5;
	[sflag:s1] =	ssyncset.done @!p1 $0x0  }
0x9c: {  	s19 =	sadd.s32 @!p1 $0x400, s8;
	s31 =	simm.s32 @!p1 $0x80;
	[sflag:s1] =	ssyncadd.s32 @!p1 $0xFFFFF000  }
0x9d: {  	[tilespmem:s6], [sflag:$0x1] =	stream.indirect.gather @!p1 [hbm4b:s4+s31], $0x20, s19, s31, $0xb8;
	[tilespmem:$0x11F00] =	vst v63  }
0x9e: {  	_ =	swait.ge @!p1 [sflag:s11], $0x1000  }
0x9f: {  	s12 =	simm.s32 @!p1 $0x9000;
	[sflag:s11] =	ssyncset.done @!p1 $0x0  }
0xa0: {  	s17 =	sadd.s32 @!p1 $0x2A00, s8;
	[sflag:s11] =	ssyncadd.s32 @!p1 $0xFFFFF000;
	s11 =	simm.s32 @!p1 $0xA  }
0xa1: {  	[spmem:s2] =	stream.indirect.scatter.add.f32 @!p1 [tilespmem:s12], [sflag:$0xD], $0x20, s17, s31, $0xb8;
	[tilespmem:$0x11F00] =	vst v63  }
0xa2: {  	_ =	swait.ge @!p1 [sflag:s11], $0x1000  }
0xa3: {  	[sflag:s11] =	ssyncset.done @!p1 $0x0  }
0xa4: {  	s5 =	sadd.s32 @!p1 $0x480, s8;
	s12 =	simm.s32 @!p1 $0x6000;
	[sflag:s11] =	ssyncadd.s32 @!p1 $0xFFFFF000  }
0xa5: {  	[tilespmem:s12], [sflag:$0x2] =	stream.indirect.gather @!p1 [hbm4b:s4+s31], $0x20, s5, s31, $0xb8;
	[tilespmem:$0x11F00] =	vst v63  }
0xa6: {  	_ =	swait.ge [sflag:s28], $0x1000  }
0xa7: {  	s10 =	sadd.s32 $0x2B80, s3;
	[sflag:s28] =	ssyncset.done $0x0  }
0xa8: {  	s3 =	sadd.s32 $0x2A80, s3;
	s5 =	simm.s32 @p1 $0x7;
	[sflag:s28] =	ssyncadd.s32 $0xFFFFF000  }
0xa9: {  	[spmem:s2] =	stream.indirect.scatter.add.f32 [tilespmem:s22], [sflag:$0xE], $0x20, s3, s14, $0xb8;
	[tilespmem:$0x11F00] =	vst v63  }
0xaa: {  	_ =	swait.ge @p1 [sflag:s5], $0x1000  }
0xab: {  	s13 =	sadd.s32 @p1 $0x2B00, s13;
	[sflag:s5] =	ssyncset.done @p1 $0x0  }
0xac: {  	s3 =	simm.s32 @p1 $0xB000;
	[sflag:s5] =	ssyncadd.s32 @p1 $0xFFFFF000;
	s5 =	simm.s32 @!p1 $0xB  }
0xad: {  	[spmem:s2] =	stream.indirect.scatter.add.f32 @p1 [tilespmem:s3], [sflag:$0xF], $0x20, s13, s0, $0xb8;
	[tilespmem:$0x11F00] =	vst v63  }
0xae: {  	_ =	swait.ge @!p1 [sflag:s5], $0x1000  }
0xaf: {  	s6 =	sadd.s32 @!p1 $0x500, s8;
	[sflag:s5] =	ssyncset.done @!p1 $0x0  }
0xb0: {  	s0 =	simm.s32 @!p1 $0x7000;
	s3 =	simm.s32 @!p1 $0x7;
	[sflag:s5] =	ssyncadd.s32 @!p1 $0xFFFFF000  }
0xb1: {  	[tilespmem:s0], [sflag:$0x3] =	stream.indirect.gather @!p1 [hbm4b:s4+s31], $0x20, s6, s31, $0xb8;
	[tilespmem:$0x11F00] =	vst v63  }
0xb2: {  	s30 =	smov.u32 s9;
	s9 =	sadd.s32 $0x1000, s9;
	_ =	swait.ge @!p1 [sflag:s3], $0x1000  }
0xb3: {  	p0 =	sne.s32 s9, $0xA000;
	s19 =	sadd.s32 @!p1 $0x2B00, s8;
	[sflag:s3] =	ssyncset.done @!p1 $0x0  }
0xb4: {  	s0 =	simm.s32 @!p1 $0xB000;
	[sflag:s3] =	ssyncadd.s32 @!p1 $0xFFFFF000;
	s3 =	simm.s32 @!p1 $0xC  }
0xb5: {  	[spmem:s2] =	stream.indirect.scatter.add.f32 @!p1 [tilespmem:s0], [sflag:$0xF], $0x20, s19, s31, $0xb8;
	[tilespmem:$0x11F00] =	vst v63  }
.Ltmp0:
0xb6: {  	_ =	swait.ge @!p1 [sflag:s3], $0x1000;
	(pc) =	sbr.rel @p0 .LBB2_2-.Ltmp0, $4  }
0xb7: {  	s1 =	sadd.s32 @!p1 $0x580, s8;
	[sflag:s3] =	ssyncset.done @!p1 $0x0  }
0xb8: {  	s8 =	smov.u32 s30;
	s0 =	simm.s32 @!p1 $0x8000;
	[sflag:s3] =	ssyncadd.s32 @!p1 $0xFFFFF000  }
0xb9: {  	[tilespmem:s0], [sflag:$0x4] =	stream.indirect.gather @!p1 [hbm4b:s4+s31], $0x20, s1, s31, $0xb8;
	[tilespmem:$0x11F00] =	vst v63  }
0xba: {  	p1 =	seq.s32 s8, $0x0;
	_ =	swait.ge [sflag:s29], $0x1000  }
0xbb: {  	[sflag:s29] =	ssyncset.done $0x0  }
0xbc: {  	s0 =	simm.s32 @!p1 $0xD;
	[sflag:s29] =	ssyncadd.s32 $0xFFFFF000  }
0xbd: {  	[spmem:s2] =	stream.indirect.scatter.add.f32 [tilespmem:s25], [sflag:$0x10], $0x20, s10, s14, $0xb8;
	[tilespmem:$0x11F00] =	vst v63  }
0xbe: {  	_ =	swait.ge @!p1 [sflag:s0], $0x1000  }
0xbf: {  	s3 =	sshra.s32 s8, $0x2;
	[sflag:s0] =	ssyncset.done @!p1 $0x0  }
0xc0: {  	s6 =	sadd.s32 $0x200, s3;
	s1 =	rddreg [dreg:$0x3];
	[sflag:s0] =	ssyncadd.s32 @!p1 $0xFFFFF000  }
0xc1: {  	[tilespmem:s1], [sflag:$0x5] =	stream.indirect.gather [hbm4b:s4+s14], $0x20, s6, s14, $0xb8;
	[tilespmem:$0x11F00] =	vst v63  }
0xc2: {  	_ =	swait.ge [sflag:s21], $0x1000  }
0xc3: {  	[sflag:s21] =	ssyncset.done $0x0  }
0xc4: {  	s9 =	sadd.s32 $0x2800, s3;
	s1 =	simm.s32 @!p1 $0xE;
	[sflag:s21] =	ssyncadd.s32 $0xFFFFF000  }
0xc5: {  	[spmem:s2] =	stream.indirect.scatter.add.f32 [tilespmem:s15], [sflag:$0x9], $0x20, s9, s14, $0xb8;
	[tilespmem:$0x11F00] =	vst v63  }
0xc6: {  	_ =	swait.ge @!p1 [sflag:s1], $0x1000  }
0xc7: {  	[sflag:s1] =	ssyncset.done @!p1 $0x0  }
0xc8: {  	s10 =	sadd.s32 $0x280, s3;
	[sflag:s1] =	ssyncadd.s32 @!p1 $0xFFFFF000  }
0xc9: {  	[tilespmem:s22], [sflag:$0x6] =	stream.indirect.gather [hbm4b:s4+s14], $0x20, s10, s14, $0xb8;
	[tilespmem:$0x11F00] =	vst v63  }
0xca: {  	_ =	swait.ge [sflag:s23], $0x1000  }
0xcb: {  	[sflag:s23] =	ssyncset.done $0x0  }
0xcc: {  	s11 =	sadd.s32 $0x2880, s3;
	s1 =	simm.s32 @!p1 $0xF;
	[sflag:s23] =	ssyncadd.s32 $0xFFFFF000  }
0xcd: {  	[spmem:s2] =	stream.indirect.scatter.add.f32 [tilespmem:s16], [sflag:$0xA], $0x20, s11, s14, $0xb8;
	[tilespmem:$0x11F00] =	vst v63  }
0xce: {  	_ =	swait.ge @!p1 [sflag:s1], $0x1000  }
0xcf: {  	[sflag:s1] =	ssyncset.done @!p1 $0x0  }
0xd0: {  	s13 =	sadd.s32 $0x300, s3;
	s12 =	rddreg [dreg:$0x4];
	[sflag:s1] =	ssyncadd.s32 @!p1 $0xFFFFF000  }
0xd1: {  	[tilespmem:s12], [sflag:$0x7] =	stream.indirect.gather [hbm4b:s4+s14], $0x20, s13, s14, $0xb8;
	[tilespmem:$0x11F00] =	vst v63  }
0xd2: {  	_ =	swait.ge [sflag:s24], $0x1000  }
0xd3: {  	[sflag:s24] =	ssyncset.done $0x0  }
0xd4: {  	s17 =	sadd.s32 $0x2900, s3;
	s1 =	simm.s32 @!p1 $0x10;
	[sflag:s24] =	ssyncadd.s32 $0xFFFFF000  }
0xd5: {  	[spmem:s2] =	stream.indirect.scatter.add.f32 [tilespmem:s18], [sflag:$0xB], $0x20, s17, s14, $0xb8;
	[tilespmem:$0x11F00] =	vst v63  }
0xd6: {  	_ =	swait.ge @!p1 [sflag:s1], $0x1000  }
0xd7: {  	[sflag:s1] =	ssyncset.done @!p1 $0x0  }
0xd8: {  	s19 =	sadd.s32 $0x380, s3;
	[sflag:s1] =	ssyncadd.s32 @!p1 $0xFFFFF000  }
0xd9: {  	[tilespmem:s25], [sflag:$0x8] =	stream.indirect.gather [hbm4b:s4+s14], $0x20, s19, s14, $0xb8;
	[tilespmem:$0x11F00] =	vst v63  }
0xda: {  	_ =	swait.ge [sflag:s26], $0x1000  }
0xdb: {  	p0 =	seq.s32 s8, $0x9000;
	[sflag:s26] =	ssyncset.done $0x0  }
0xdc: {  	s30 =	sadd.s32 $0x2980, s3;
	s1 =	simm.s32 @p0 $0x5;
	[sflag:s26] =	ssyncadd.s32 $0xFFFFF000  }
0xdd: {  	[spmem:s2] =	stream.indirect.scatter.add.f32 [tilespmem:s20], [sflag:$0xC], $0x20, s30, s14, $0xb8;
	[tilespmem:$0x11F00] =	vst v63  }
0xde: {  	s0 =	sshra.s32 @p0 s8, $0x2;
	_ =	swait.ge @p0 [sflag:s1], $0x1000  }
0xdf: {  	s5 =	sadd.s32 @p0 $0x2A00, s0;
	s6 =	simm.s32 @p0 $0x80;
	[sflag:s1] =	ssyncset.done @p0 $0x0  }
0xe0: {  	s9 =	simm.s32 @p0 $0x9000;
	[sflag:s1] =	ssyncadd.s32 @p0 $0xFFFFF000;
	s1 =	simm.s32 @!p0 $0x9  }
0xe1: {  	[spmem:s2] =	stream.indirect.scatter.add.f32 @p0 [tilespmem:s9], [sflag:$0xD], $0x20, s5, s6, $0xb8;
	[tilespmem:$0x11F00] =	vst v63  }
0xe2: {  	_ =	swait.ge @!p0 [sflag:s1], $0x1000  }
0xe3: {  	s5 =	sshra.s32 @!p0 s8, $0x2;
	s9 =	simm.s32 @!p0 $0x80;
	[sflag:s1] =	ssyncset.done @!p0 $0x0  }
0xe4: {  	s8 =	sadd.s32 @!p0 $0x400, s5;
	[sflag:s1] =	ssyncadd.s32 @!p0 $0xFFFFF000;
	s1 =	simm.s32 @!p0 $0x5000  }
0xe5: {  	[tilespmem:s1], [sflag:$0x1] =	stream.indirect.gather @!p0 [hbm4b:s4+s9], $0x20, s8, s9, $0xb8;
	[tilespmem:$0x11F00] =	vst v63  }
0xe6: {  	s1 =	simm.s32 @!p0 $0x5  }
0xe7: {  	_ =	swait.ge @!p0 [sflag:s1], $0x1000  }
0xe8: {  	[sflag:s1] =	ssyncset.done @!p0 $0x0  }
0xe9: {  	s8 =	sadd.s32 @!p0 $0x2A00, s5;
	[sflag:s1] =	ssyncadd.s32 @!p0 $0xFFFFF000;
	s1 =	simm.s32 @!p0 $0x9000  }
0xea: {  	[spmem:s2] =	stream.indirect.scatter.add.f32 @!p0 [tilespmem:s1], [sflag:$0xD], $0x20, s8, s9, $0xb8;
	[tilespmem:$0x11F00] =	vst v63  }
0xeb: {  	s1 =	simm.s32 @!p0 $0xA  }
0xec: {  	_ =	swait.ge @!p0 [sflag:s1], $0x1000  }
0xed: {  	[sflag:s1] =	ssyncset.done @!p0 $0x0  }
0xee: {  	s8 =	sadd.s32 @!p0 $0x480, s5;
	[sflag:s1] =	ssyncadd.s32 @!p0 $0xFFFFF000;
	s1 =	simm.s32 @!p0 $0x6000  }
0xef: {  	[tilespmem:s1], [sflag:$0x2] =	stream.indirect.gather @!p0 [hbm4b:s4+s9], $0x20, s8, s9, $0xb8;
	[tilespmem:$0x11F00] =	vst v63  }
0xf0: {  	_ =	swait.ge [sflag:s28], $0x1000  }
0xf1: {  	[sflag:s28] =	ssyncset.done $0x0  }
0xf2: {  	s31 =	sadd.s32 $0x2A80, s3;
	s1 =	simm.s32 @p0 $0x7;
	[sflag:s28] =	ssyncadd.s32 $0xFFFFF000  }
0xf3: {  	[spmem:s2] =	stream.indirect.scatter.add.f32 [tilespmem:s22], [sflag:$0xE], $0x20, s31, s14, $0xb8;
	[tilespmem:$0x11F00] =	vst v63  }
0xf4: {  	_ =	swait.ge @p0 [sflag:s1], $0x1000  }
0xf5: {  	[sflag:s1] =	ssyncset.done @p0 $0x0  }
0xf6: {  	s0 =	sadd.s32 @p0 $0x2B00, s0;
	[sflag:s1] =	ssyncadd.s32 @p0 $0xFFFFF000;
	s1 =	simm.s32 @p0 $0xB000  }
0xf7: {  	[spmem:s2] =	stream.indirect.scatter.add.f32 @p0 [tilespmem:s1], [sflag:$0xF], $0x20, s0, s6, $0xb8;
	[tilespmem:$0x11F00] =	vst v63  }
0xf8: {  	s0 =	simm.s32 @!p0 $0xB  }
0xf9: {  	_ =	swait.ge @!p0 [sflag:s0], $0x1000  }
0xfa: {  	[sflag:s0] =	ssyncset.done @!p0 $0x0  }
0xfb: {  	s1 =	sadd.s32 @!p0 $0x500, s5;
	[sflag:s0] =	ssyncadd.s32 @!p0 $0xFFFFF000;
	s0 =	simm.s32 @!p0 $0x7000  }
0xfc: {  	[tilespmem:s0], [sflag:$0x3] =	stream.indirect.gather @!p0 [hbm4b:s4+s9], $0x20, s1, s9, $0xb8;
	[tilespmem:$0x11F00] =	vst v63  }
0xfd: {  	s0 =	simm.s32 @!p0 $0x7  }
0xfe: {  	_ =	swait.ge @!p0 [sflag:s0], $0x1000  }
0xff: {  	[sflag:s0] =	ssyncset.done @!p0 $0x0  }
0x100: {  	s1 =	sadd.s32 @!p0 $0x2B00, s5;
	[sflag:s0] =	ssyncadd.s32 @!p0 $0xFFFFF000;
	s0 =	simm.s32 @!p0 $0xB000  }
0x101: {  	[spmem:s2] =	stream.indirect.scatter.add.f32 @!p0 [tilespmem:s0], [sflag:$0xF], $0x20, s1, s9, $0xb8;
	[tilespmem:$0x11F00] =	vst v63  }
0x102: {  	s0 =	simm.s32 @!p0 $0xC  }
0x103: {  	_ =	swait.ge @!p0 [sflag:s0], $0x1000  }
0x104: {  	[sflag:s0] =	ssyncset.done @!p0 $0x0  }
0x105: {  	s1 =	sadd.s32 @!p0 $0x580, s5;
	[sflag:s0] =	ssyncadd.s32 @!p0 $0xFFFFF000;
	s0 =	simm.s32 @!p0 $0x8000  }
0x106: {  	[tilespmem:s0], [sflag:$0x4] =	stream.indirect.gather @!p0 [hbm4b:s4+s9], $0x20, s1, s9, $0xb8;
	[tilespmem:$0x11F00] =	vst v63  }
0x107: {  	_ =	swait.ge [sflag:s29], $0x1000  }
0x108: {  	[sflag:s29] =	ssyncset.done $0x0  }
0x109: {  	s8 =	simm.s32 $0x9;
	s6 =	sadd.s32 $0x2B80, s3;
	[sflag:s29] =	ssyncadd.s32 $0xFFFFF000  }
0x10a: {  	[spmem:s2] =	stream.indirect.scatter.add.f32 [tilespmem:s25], [sflag:$0x10], $0x20, s6, s14, $0xb8;
	[tilespmem:$0x11F00] =	vst v63  }
0x10b: {  	_ =	swait.ge [sflag:s8], $0x1000  }
0x10c: {  	[sflag:s8] =	ssyncset.done $0x0  }
0x10d: {  	s9 =	simm.s32 $0xA;
	[sflag:s8] =	ssyncadd.s32 $0xFFFFF000  }
0x10e: {  	_ =	swait.ge [sflag:s9], $0x1000  }
0x10f: {  	[sflag:s9] =	ssyncset.done $0x0  }
0x110: {  	s10 =	simm.s32 $0xB;
	[sflag:s9] =	ssyncadd.s32 $0xFFFFF000  }
0x111: {  	_ =	swait.ge [sflag:s10], $0x1000  }
0x112: {  	[sflag:s10] =	ssyncset.done $0x0  }
0x113: {  	s11 =	simm.s32 $0xC;
	[sflag:s10] =	ssyncadd.s32 $0xFFFFF000  }
0x114: {  	_ =	swait.ge [sflag:s11], $0x1000  }
0x115: {  	[sflag:s11] =	ssyncset.done $0x0  }
0x116: {  	s12 =	simm.s32 $0xD;
	[sflag:s11] =	ssyncadd.s32 $0xFFFFF000  }
0x117: {  	_ =	swait.ge [sflag:s12], $0x1000  }
0x118: {  	[sflag:s12] =	ssyncset.done $0x0  }
0x119: {  	s13 =	simm.s32 $0xE;
	[sflag:s12] =	ssyncadd.s32 $0xFFFFF000  }
0x11a: {  	_ =	swait.ge [sflag:s13], $0x1000  }
0x11b: {  	[sflag:s13] =	ssyncset.done $0x0  }
0x11c: {  	s17 =	simm.s32 $0xF;
	[sflag:s13] =	ssyncadd.s32 $0xFFFFF000  }
0x11d: {  	_ =	swait.ge [sflag:s17], $0x1000  }
0x11e: {  	[sflag:s17] =	ssyncset.done $0x0  }
0x11f: {  	s19 =	simm.s32 $0x10;
	[sflag:s17] =	ssyncadd.s32 $0xFFFFF000  }
0x120: {  	_ =	swait.ge [sflag:s19], $0x1000  }
0x121: {  	[sflag:s19] =	ssyncset.done $0x0  }
0x122: {  	[sflag:s19] =	ssyncadd.s32 $0xFFFFF000  }
0x123: {  	[bflag:$0x0] =	sbarrier.arrive $0xFFFF  }
0x124: {  	s6 =	rddreg [dreg:$0x6]  }
0x125: {  	s30 =	rddreg [dreg:$0x9]  }
0x126: {  	s3 =	simm.s32 $0x11;
	s1 =	rddreg [dreg:$0xb]  }
0x127: {  	[hbm:s30], [sflag:s6] =	dma.local [spmem:s1], $0x9E0  }
0x128: {  	_ =	swait.ge [sflag:s3], $0x9E0  }
0x129: {  	s7 =	sadd.s32 $0x1, s7;
	s31 =	rddreg [dreg:$0xa]  }
0x12a: {  	p0 =	sne.s32 s7, s31  }
.Ltmp1:
0x12b: {  	_ = 	snop;
	(pc) =	sbr.rel @p0 .LBB2_1-.Ltmp1, $3  }
0x12c: {  	_ =	sdelay $0x1  }
0x12d: {  	[sflag:s3] =	ssyncset.done $0x0  }
0x12e: {  	[sflag:s3] =	ssyncadd.s32 $0xFFFFF620  }
0x12f: {  	_ =	sfence.sel $0x180000  }
0x130: {  	[bflag:$0x0] =	sbarrier.arrive $0xFFFF  }
0x131: {  	_ =	strace $0x9000004D  }
0x132: {  	s0 =	stileid.u32;
	[bflag:$0x2] =	sbarrier.arrive $0xFFFF  }
0x133: {  	p0 =	sne.s32 s0, $0x0;
	s0 =	rddreg [dreg:$0x2]  }
0x134: {  	s0 =	sadd.s32 @!p0 $0x100000, s0  }
0x135: {  	[sflag:s0] =	ssyncadd.tile.s32 @!p0 $0x1;
	_ =	shalt  }
.Lfunc_end2:
_tile_overlayer_lowered:
.L_overlay_start_2:
0x136: {  	(tag) =	ssettag $0x2  }
0x137: {  	s0 =	rddreg [dreg:$0x0];
	s2 =	stileid.u32  }
0x138: {  	s1 =	rddreg [dreg:$0x1];
	p0 =	sne.s32 s2, $0x0  }
0x139: {  	s3 =	rddreg [dreg:$0x2];
	[bflag:$0x3] =	sbarrier.arrive $0xFFFF;
	s2 =	simm.s32 @!p0 $0x1C11  }
0x13a: {  	[timem:s3], [sflag:s2] =	dma.local @!p0 [hbm:s0], s1  }
0x13b: {  	s0 =	simm.s32 @!p0 $0x11  }
0x13c: {  	_ =	swait.ge @!p0 [sflag:s0], s1  }
0x13d: {  	s1 =	ssub.s32 @!p0 $0x0, s1;
	[sflag:s0] =	ssyncset.done @!p0 $0x0  }
0x13e: {  	[sflag:s0] =	ssyncadd.s32 @!p0 s1  }
0x13f: {  	[bflag:$0x3] =	sbarrier.arrive $0xFFFF  }
0x140: {  	_ =	shalt  }

// kernel: kernel.21.cloned.1.call-start
scs
__scs_entry_jumppad:
0x0: {  	(pc) =	sbr.rel $0x88, $3  }
0x1: {  	(tag) =	ssettag $0x0;
	lr =	simm.s32 $0x1  }
0x2: {  	[smem:$0x3F77] =	sst lr;
	_ =	strace $0xD0000000  }
0x3: {  	_ = 	snop  }
0x4: {  	_ = 	snop  }
0x5: {  	_ = 	snop  }
0x6: {  	_ = 	snop  }
0x7: {  	_ = 	snop  }
__scs_overlays_trampoline_lowered:
0x8: {  	[smem:$0x3F86] =	sst s0  }
0x9: {  	[smem:$0x3F87] =	sst s1  }
0xa: {  	[smem:$0x3F88] =	sst s2  }
0xb: {  	[smem:$0x3F89] =	sst s3  }
0xc: {  	[smem:$0x3F8A] =	sst s4  }
0xd: {  	[smem:$0x3F8B] =	sst s5  }
0xe: {  	[smem:$0x3F8C] =	sst s6  }
0xf: {  	[smem:$0x3F8D] =	sst s7  }
0x10: {  	[smem:$0x3F8E] =	sst s8  }
0x11: {  	[smem:$0x3F8F] =	sst s9;
	s0 =	simm.s32 @!p0 $0x0  }
0x12: {  	s1 =	sld [smem:$0x3F75];
	s0 =	simm.s32 @p0 $0x1  }
0x13: {  	[smem:$0x3F90] =	sst s0;
	s0 =	simm.s32 @!p1 $0x0  }
0x14: {  	s2 =	sld [smem:$0x3F74];
	s0 =	simm.s32 @p1 $0x1  }
0x15: {  	[smem:$0x3F91] =	sst s0;
	s0 =	simm.s32 @!p2 $0x0  }
0x16: {  	s3 =	sld [smem:$0x3FDB];
	s0 =	simm.s32 @p2 $0x1  }
0x17: {  	s4 =	simm.s32 $0x1BF5;
	[smem:$0x3F93] =	sst s0  }
0x18: {  	s0 =	sld [smem:$0x3F76];
	_ =	swait.ge [sflag:s4], $0x0  }
0x19: {  	s7 =	sld [smem:$0x3F77]  }
0x1a: {  	s8 =	sadd.s32 $0xFFFFE003, lr  }
0x1b: {  	s9 =	sadd.s32 $0xFFFFFEF7, lr;
	s5 =	simm.s32 $0xFFFFFFFF;
	p2 =	slt.u32 s8, $0xFFFFF086  }
0x1c: {  	p1 =	slt.u32 s9, $0xF7A;
	s5 =	simm.s32 @!p2 $0x0  }
0x1d: {  	s5 =	simm.s32 @p1 $0x1;
	p0 =	seq.s32 s7, s2  }
0x1e: {  	s7 =	smul.u32 @!p0 $0xF7A, s2;
	p2 =	seq.s32 @!p0 s5, $0x0  }
0x1f: {  	s9 =	smul.u32 $0xF7A, s1;
	s8 =	simm.s32 @!p0 $0x1BF5;
	p2 =	por !p2, p0  }
0x20: {  	[sflag:s8] =	ssyncset.s32 @!p0 $0xFFFFF086;
	s6 =	sadd.s32 @!p0 s3, s7;
	s7 =	simm.s32 @!p0 $0x108  }
0x21: {  	s3 =	sadd.s32 s3, s9;
	s6 =	sadd.s32 @!p0 $0x88, s6;
	s7 =	simm.s32 @p2 $0x1082  }
0x22: {  	[simem:s7], [sflag:s8] =	dma.local @!p0 [hbm:s6], $0xF7A  }
0x23: {  	s9 =	sor.u32 $0xD0000000, s2;
	s6 =	simm.s32 $0x108;
	_ =	swait.ge @!p0 [sflag:s8], $0x0  }
0x24: {  	s3 =	sadd.s32 $0x88, s3;
	s6 =	simm.s32 @!p1 $0x1082;
	[sflag:s4] =	ssyncset.s32 $0xFFFFF086  }
0x25: {  	[simem:s6], [sflag:s4] =	dma.local [hbm:s3], $0xF7A  }
0x26: {  	[smem:$0x3F77] =	sst s1;
	(tag) =	ssettag s2;
	_ =	strace s9  }
0x27: {  	s1 =	sld [smem:$0x3F87]  }
0x28: {  	s2 =	sld [smem:$0x3F88]  }
0x29: {  	s4 =	sld [smem:$0x3F8A]  }
0x2a: {  	p0 =	seq.s32 s5, $0x0;
	s5 =	sld [smem:$0x3F8B]  }
0x2b: {  	s6 =	sld [smem:$0x3F8C]  }
0x2c: {  	s7 =	sld [smem:$0x3F8D]  }
0x2d: {  	s3 =	simm.s32 $0x108;
	s8 =	sld [smem:$0x3F8E]  }
0x2e: {  	s3 =	simm.s32 @!p0 $0x1082;
	s9 =	sld [smem:$0x3F8F]  }
0x2f: {  	lr =	sadd.s32 s0, s3;
	s0 =	sld [smem:$0x3F86]  }
0x30: {  	s3 =	sld [smem:$0x3F89]  }
0x31: {  	[smem:$0x3F92] =	sst s10  }
0x32: {  	s10 =	sld [smem:$0x3F90];
	_ =	sdelay $0x3  }
0x33: {  	p0 =	seq.s32 s10, $0x1;
	s10 =	sld [smem:$0x3F92];
	_ =	sdelay $0x3  }
0x34: {  	[smem:$0x3F92] =	sst s10  }
0x35: {  	s10 =	sld [smem:$0x3F91];
	_ =	sdelay $0x3  }
0x36: {  	p1 =	seq.s32 s10, $0x1;
	s10 =	sld [smem:$0x3F92];
	_ =	sdelay $0x3  }
0x37: {  	[smem:$0x3F92] =	sst s10  }
0x38: {  	s10 =	sld [smem:$0x3F93]  }
0x39: {  	_ = 	snop;
	(pc) =	sbr.ind lr, $3  }
0x3a: {  	_ = 	snop  }
0x3b: {  	_ = 	snop  }
0x3c: {  	p2 =	seq.s32 s10, $0x1;
	s10 =	sld [smem:$0x3F92]  }
0x3d: {  	_ =	shalt  }
0x3e: {  	_ =	shalt  }
0x3f: {  	_ =	shalt  }
0x40: {  	_ =	shalt  }
0x41: {  	_ =	shalt  }
0x42: {  	_ =	shalt  }
0x43: {  	_ =	shalt  }
0x44: {  	_ =	shalt  }
0x45: {  	_ =	shalt  }
0x46: {  	_ =	shalt  }
0x47: {  	_ =	shalt  }
0x48: {  	_ =	shalt  }
0x49: {  	_ =	shalt  }
0x4a: {  	_ =	shalt  }
0x4b: {  	_ =	shalt  }
0x4c: {  	_ =	shalt  }
0x4d: {  	_ =	shalt  }
0x4e: {  	_ =	shalt  }
0x4f: {  	_ =	shalt  }
0x50: {  	_ =	shalt  }
0x51: {  	_ =	shalt  }
0x52: {  	_ =	shalt  }
0x53: {  	_ =	shalt  }
0x54: {  	_ =	shalt  }
0x55: {  	_ =	shalt  }
0x56: {  	_ =	shalt  }
0x57: {  	_ =	shalt  }
0x58: {  	_ =	shalt  }
0x59: {  	_ =	shalt  }
0x5a: {  	_ =	shalt  }
0x5b: {  	_ =	shalt  }
0x5c: {  	_ =	shalt  }
0x5d: {  	_ =	shalt  }
0x5e: {  	_ =	shalt  }
0x5f: {  	_ =	shalt  }
0x60: {  	_ =	shalt  }
0x61: {  	_ =	shalt  }
0x62: {  	_ =	shalt  }
0x63: {  	_ =	shalt  }
0x64: {  	_ =	shalt  }
0x65: {  	_ =	shalt  }
0x66: {  	_ =	shalt  }
0x67: {  	_ =	shalt  }
0x68: {  	_ =	shalt  }
0x69: {  	_ =	shalt  }
0x6a: {  	_ =	shalt  }
0x6b: {  	_ =	shalt  }
0x6c: {  	_ =	shalt  }
0x6d: {  	_ =	shalt  }
0x6e: {  	_ =	shalt  }
0x6f: {  	_ =	shalt  }
0x70: {  	_ =	shalt  }
0x71: {  	_ =	shalt  }
0x72: {  	_ =	shalt  }
0x73: {  	_ =	shalt  }
0x74: {  	_ =	shalt  }
0x75: {  	_ =	shalt  }
0x76: {  	_ =	shalt  }
0x77: {  	_ =	shalt  }
0x78: {  	_ =	shalt  }
0x79: {  	_ =	shalt  }
0x7a: {  	_ =	shalt  }
0x7b: {  	_ =	shalt  }
0x7c: {  	_ =	shalt  }
0x7d: {  	_ =	shalt  }
0x7e: {  	_ =	shalt  }
0x7f: {  	_ =	shalt  }
0x80: {  	_ =	shalt  }
0x81: {  	_ =	shalt  }
0x82: {  	_ =	shalt  }
0x83: {  	_ =	shalt  }
0x84: {  	_ =	shalt  }
0x85: {  	_ =	shalt  }
0x86: {  	_ =	shalt  }
0x87: {  	_ =	shalt  }
.Lfunc_end0:
.L_simem_size_0:
called_computation.3_lowered:
.L_overlay_start_0:
0x88: {  	s2 =	sld [smem:$0x3FD9]  }
0x89: {  	s3 =	sld [smem:$0x3FFE];
	_ =	sdelay $0x1  }
0x8a: {  	s1 =	srdreg.scid  }
0x8b: {  	s0 =	sand.u32 $0x1, s1  }
0x8c: {  	s16 =	sshll.u32 s0, $0xA;
	s2 =	sadd.s32 s3, s2  }
0x8d: {  	s2 =	sadd.s32 s2, s16  }
0x8e: {  	[smem:$0x3F9E] =	sst s2  }
0x8f: {  	_ = 	snop  }
0x90: {  	(tm) =	ssettm $0x1  }
0x91: {  	s17 =	sld [smem:$0x3FFB];
	_ =	sdelay $0x3  }
0x92: {  	_ =	strace s17  }
0x93: {  	s2 =	sld [smem:$0x3FFC];
	_ =	sdelay $0x3  }
0x94: {  	_ =	strace s2  }
0x95: {  	s2 =	sld [smem:$0x3FFD];
	_ =	sdelay $0x3  }
0x96: {  	_ =	strace s2  }
0x97: {  	_ =	strace $0x8FFFFFFF  }
0x98: {  	s18 =	sld [smem:$0x3FDB];
	_ =	sdelay $0x1  }
0x99: {  	s19 =	simm.s32 $_scs_section_size  }
0x9a: {  	s4 =	simm.s32 $_size__tile_overlayer_lowered;
	s5 =	simm.s32 $_tile_overlayer_lowered  }
0x9b: {  	s22 =	simm.s32 $0x1BFF;
	s21 =	sshll.u32 s5, $0x1;
	s2 =	sadd.s32 s19, s18  }
0x9c: {  	s6 =	simm.s32 $0x0;
	s20 =	sshll.u32 s4, $0x1;
	s4 =	sadd.s32 s21, s2  }
0x9d: {  	[timem:s6], [sflag:s22] =	dma.local [hbm:s4], s20  }
0x9e: {  	_ =	swait.ge [sflag:s22], s20  }
0x9f: {  	s3 =	ssub.s32 $0x0, s20;
	[sflag:s22] =	ssyncset.done $0x0  }
0xa0: {  	[sflag:s22] =	ssyncadd.s32 s3;
	_ =	sdelay $0x1  }
0xa1: {  	s23 =	simm.s32 $0x1B8B  }
0xa2: {  	_ =	swait.ge [sflag:s23], $0x1  }
0xa3: {  	[sflag:s23] =	ssyncset.done $0x0  }
0xa4: {  	s25 =	simm.s32 $0x1B8E;
	s24 =	sld [smem:$0x3FFE];
	[sflag:s23] =	ssyncadd.s32 $0xFFFFFFFF  }
0xa5: {  	s26 =	simm.s32 $execute0_lowered;
	[smem:$0x3FD2] =	sst s25  }
0xa6: {  	s4 =	sshll.u32 s26, $0x1;
	_ =	strace $0x8000004F;
	[dreg:$0x1] =	wrdreg $0xFFFFFFFF  }
0xa7: {  	s28 =	simm.s32 $_size_execute0_lowered;
	s2 =	sadd.s32 s2, s4;
	[dreg:$0x0] =	wrdreg $0x0  }
0xa8: {  	s4 =	sshll.u32 s28, $0x1;
	[dreg:$0x2] =	wrdreg s2  }
0xa9: {  	[dreg:$0x3] =	wrdreg s4  }
0xaa: {  	[dreg:$0x4] =	wrdreg $0xC0  }
0xab: {  	_ =	task [dreg:s6], $0x5FFFF  }
0xac: {  	[dreg:$0x1] =	wrdreg $0xFFFFFFFF  }
0xad: {  	[dreg:$0x0] =	wrdreg $0x60  }
0xae: {  	[dreg:$0x2] =	wrdreg s24  }
0xaf: {  	[dreg:$0x3] =	wrdreg $0xD0000  }
0xb0: {  	[dreg:$0x4] =	wrdreg $0x9  }
0xb1: {  	_ =	task.clear_ibuf [dreg:s6], $0x5FFFF;
	_ =	strace $0x9000004F  }
0xb2: {  	s29 =	simm.s32 $0x9;
	_ =	strace $0x80000051  }
0xb3: {  	_ =	swait.ge [sflag:s29], $0x1  }
0xb4: {  	[sflag:s29] =	ssyncadd.s32 $0xFFFFFFFF  }
0xb5: {  	_ =	strace $0x90000051  }
0xb6: {  	_ =	sfence  }
0xb7: {  	s30 =	sld [smem:$0x0];
	_ =	sdelay $0x2  }
0xb8: {  	s31 =	sshll.u32 s1, $0xD;
	s1 =	sshrl.u32 s1, $0x2  }
0xb9: {  	s3 =	sand.u32 $0x4000, s31;
	s1 =	sadd.s32 s1, s30  }
0xba: {  	s0 =	sor.u32 s3, s0;
	s1 =	sshll.u32 s1, $0x11  }
0xbb: {  	s0 =	sor.u32 s1, s0  }
0xbc: {  	s0 =	sadd.s32 $0x8F2B, s0  }
0xbd: {  	[sflag:s0] =	ssyncadd.remote.s32 $0x1  }
0xbe: {  	_ =	sfence.sel $0xFFFF  }
0xbf: {  	[dreg:$0x0] =	wrdreg $0xFFFFFFFF;
	(pc) =	sbr.abs _section_cstart, $3  }
0xc0: {  	[dreg:$0x1] =	wrdreg $0xFFFFFFFF  }
0xc1: {  	_ =	task.clear_ibuf [dreg:s6], $0x2FFFF;
	_ =	strace $0x9FFFFFFF  }
0xc2: {  	(tm) =	ssettm $0x7FFFFFFF  }
0xc3: {  	_ =	shalt  }
tec
execute0_lowered:
.L_overlay_start_1:
0x0: {  	(tag) =	ssettag $0x1  }
0x1: {  	s0 =	rddreg [dreg:$0x0];
	s1 =	srdreg.scid  }
0x2: {  	s2 =	rddreg [dreg:$0x1];
	s7 =	stileid.u32;
	s4 =	simm.s32 $0x0  }
0x3: {  	s14 =	simm.s32 $0x80;
	s15 =	simm.s32 $0x5000;
	s16 =	simm.s32 $0x6000  }
0x4: {  	s18 =	simm.s32 $0x7000;
	s30 =	simm.s32 $0x9000;
	s20 =	simm.s32 $0x8000  }
0x5: {  	s21 =	simm.s32 $0x1;
	s22 =	simm.s32 $0xA000;
	s31 =	simm.s32 $0xB000  }
0x6: {  	s28 =	simm.s32 $0x6;
	s29 =	simm.s32 $0x8;
	s1 =	sand.u32 $0x1, s1  }
0x7: {  	s5 =	smul.u32 $0x4F00, s7;
	[smem:$0x7FF] =	sst s4;
	s8 =	sadd.s32 $0x25200, s0  }
0x8: {  	s4 =	sadd.s32 $0x10E00, s0;
	_ =	strace $0x80000050;
	[dreg:$0x5] =	wrdreg s8  }
0x9: {  	s24 =	sshll.u32 s7, $0x6;
	s3 =	sshll.u32 s1, $0x4;
	[dreg:$0x3] =	wrdreg s30  }
0xa: {  	s6 =	smul.u32 $0x4F000, s1;
	s1 =	ssub.s32 $0x2, s1;
	[dreg:$0x4] =	wrdreg s31  }
0xb: {  	s3 =	sor.u32 s7, s3;
	s23 =	sshrl.u32 s1, $0x1;
	s7 =	simm.s32 $0x0  }
0xc: {  	s3 =	smul.u32 $0x500, s3;
	s6 =	sadd.s32 s5, s6;
	s1 =	ssub.s32 s1, s23  }
0xd: {  	s5 =	sadd.s32 s5, s2;
	s6 =	sshrl.u32 s6, $0x3;
	s26 =	smax.u32 s1, $0x1  }
0xe: {  	s1 =	sshrl.u32 s5, $0x3;
	s3 =	sadd.s32 s3, s0;
	[dreg:$0xa] =	wrdreg s26  }
0xf: {  	s0 =	sadd.s32 s6, s0;
	s6 =	sor.u32 $0x1C11, s24;
	[dreg:$0xb] =	wrdreg s1  }
0x10: {  	s23 =	simm.s32 $0x2;
	s25 =	sadd.s32 $0x1B200, s3;
	[dreg:$0x6] =	wrdreg s6  }
0x11: {  	s24 =	simm.s32 $0x3;
	s3 =	sadd.s32 $0x6E00, s3;
	[dreg:$0x7] =	wrdreg s25  }
0x12: {  	s26 =	simm.s32 $0x4;
	s0 =	sadd.s32 $0x4CE00, s0;
	[dreg:$0x8] =	wrdreg s3  }
0x13: {  	[dreg:$0x9] =	wrdreg s0;
	s3 =	simm.s32 $0x11;
	s25 =	simm.s32 $0xC000  }
.LBB2_1:
0x14: {  	s0 =	rddreg [dreg:$0x5]  }
0x15: {  	[spmem:s1], [sflag:s6] =	dma.local [hbm:s0], $0x9E0  }
0x16: {  	_ =	swait.ge [sflag:s3], $0x9E0  }
0x17: {  	[sflag:s3] =	ssyncset.done $0x0  }
0x18: {  	s19 =	simm.s32 $0x0;
	s30 =	rddreg [dreg:$0x7];
	[sflag:s3] =	ssyncadd.s32 $0xFFFFF620  }
0x19: {  	[tilespmem:s19], [sflag:$0x11] =	stream.linear.gather [hbm4b:s30+s19], $0x2800, $0x38;
	[tilespmem:$0x11F00] =	vst v63  }
0x1a: {  	_ =	swait.ge [sflag:s3], $0x2800  }
0x1b: {  	[sflag:s3] =	ssyncset.done $0x0  }
0x1c: {  	s5 =	simm.s32 $0x2800;
	s31 =	rddreg [dreg:$0x8];
	[sflag:s3] =	ssyncadd.s32 $0xFFFFD800  }
0x1d: {  	[tilespmem:s5], [sflag:$0x11] =	stream.linear.gather [hbm4b:s31+s19], $0x2800, $0x38;
	[tilespmem:$0x11F00] =	vst v63  }
0x1e: {  	_ =	swait.ge [sflag:s3], $0x2800  }
0x1f: {  	[sflag:s3] =	ssyncset.done $0x0  }
0x20: {  	[sflag:s3] =	ssyncadd.s32 $0xFFFFD800  }
0x21: {  	[tilespmem:s15], [sflag:$0x1] =	stream.indirect.gather [hbm4b:s4+s14], $0x20, s19, s14, $0xb8;
	[tilespmem:$0x11F00] =	vst v63  }
0x22: {  	_ = 	snop  }
0x23: {  	[tilespmem:s16], [sflag:$0x2] =	stream.indirect.gather [hbm4b:s4+s14], $0x20, s14, s14, $0xb8;
	[tilespmem:$0x11F00] =	vst v63  }
0x24: {  	s3 =	simm.s32 $0x100  }
0x25: {  	[tilespmem:s18], [sflag:$0x3] =	stream.indirect.gather [hbm4b:s4+s14], $0x20, s3, s14, $0xb8;
	[tilespmem:$0x11F00] =	vst v63  }
0x26: {  	p0 =	por $0x1, $0x1;
	s5 =	simm.s32 $0x180  }
0x27: {  	[tilespmem:s20], [sflag:$0x4] =	stream.indirect.gather [hbm4b:s4+s14], $0x20, s5, s14, $0xb8;
	[tilespmem:$0x11F00] =	vst v63  }
0x28: {  	s0 =	simm.s32 @!p0 $0xD;
	[bflag:$0x0] =	sbarrier.arrive $0xFFFF  }
0x29: {  	_ =	swait.ge @!p0 [sflag:s0], $0x1000  }
0x2a: {  	[sflag:s0] =	ssyncset.done @!p0 $0x0  }
0x2b: {  	s8 =	simm.s32 $0x200;
	s6 =	rddreg [dreg:$0x3];
	[sflag:s0] =	ssyncadd.s32 @!p0 $0xFFFFF000  }
0x2c: {  	[tilespmem:s6], [sflag:$0x5] =	stream.indirect.gather [hbm4b:s4+s14], $0x20, s8, s14, $0xb8;
	[tilespmem:$0x11F00] =	vst v63  }
0x2d: {  	_ =	swait.ge [sflag:s21], $0x1000  }
0x2e: {  	[sflag:s21] =	ssyncset.done $0x0  }
0x2f: {  	s9 =	simm.s32 $0x2800;
	s1 =	simm.s32 @!p0 $0xE;
	[sflag:s21] =	ssyncadd.s32 $0xFFFFF000  }
0x30: {  	[spmem:s2] =	stream.indirect.scatter.add.f32 [tilespmem:s15], [sflag:$0x9], $0x20, s9, s14, $0xb8;
	[tilespmem:$0x11F00] =	vst v63  }
0x31: {  	_ =	swait.ge @!p0 [sflag:s1], $0x1000  }
0x32: {  	[sflag:s1] =	ssyncset.done @!p0 $0x0  }
0x33: {  	s10 =	simm.s32 $0x280;
	[sflag:s1] =	ssyncadd.s32 @!p0 $0xFFFFF000  }
0x34: {  	[tilespmem:s22], [sflag:$0x6] =	stream.indirect.gather [hbm4b:s4+s14], $0x20, s10, s14, $0xb8;
	[tilespmem:$0x11F00] =	vst v63  }
0x35: {  	_ =	swait.ge [sflag:s23], $0x1000  }
0x36: {  	[sflag:s23] =	ssyncset.done $0x0  }
0x37: {  	s11 =	simm.s32 $0x2880;
	s1 =	simm.s32 @!p0 $0xF;
	[sflag:s23] =	ssyncadd.s32 $0xFFFFF000  }
0x38: {  	[spmem:s2] =	stream.indirect.scatter.add.f32 [tilespmem:s16], [sflag:$0xA], $0x20, s11, s14, $0xb8;
	[tilespmem:$0x11F00] =	vst v63  }
0x39: {  	_ =	swait.ge @!p0 [sflag:s1], $0x1000  }
0x3a: {  	[sflag:s1] =	ssyncset.done @!p0 $0x0  }
0x3b: {  	s13 =	simm.s32 $0x300;
	s12 =	rddreg [dreg:$0x4];
	[sflag:s1] =	ssyncadd.s32 @!p0 $0xFFFFF000  }
0x3c: {  	[tilespmem:s12], [sflag:$0x7] =	stream.indirect.gather [hbm4b:s4+s14], $0x20, s13, s14, $0xb8;
	[tilespmem:$0x11F00] =	vst v63  }
0x3d: {  	_ =	swait.ge [sflag:s24], $0x1000  }
0x3e: {  	[sflag:s24] =	ssyncset.done $0x0  }
0x3f: {  	s17 =	simm.s32 $0x2900;
	s1 =	simm.s32 @!p0 $0x10;
	[sflag:s24] =	ssyncadd.s32 $0xFFFFF000  }
0x40: {  	[spmem:s2] =	stream.indirect.scatter.add.f32 [tilespmem:s18], [sflag:$0xB], $0x20, s17, s14, $0xb8;
	[tilespmem:$0x11F00] =	vst v63  }
0x41: {  	_ =	swait.ge @!p0 [sflag:s1], $0x1000  }
0x42: {  	[sflag:s1] =	ssyncset.done @!p0 $0x0  }
0x43: {  	s19 =	simm.s32 $0x380;
	[sflag:s1] =	ssyncadd.s32 @!p0 $0xFFFFF000  }
0x44: {  	[tilespmem:s25], [sflag:$0x8] =	stream.indirect.gather [hbm4b:s4+s14], $0x20, s19, s14, $0xb8;
	[tilespmem:$0x11F00] =	vst v63  }
0x45: {  	_ =	swait.ge [sflag:s26], $0x1000  }
0x46: {  	p0 =	por $0x0, $0x0;
	[sflag:s26] =	ssyncset.done $0x0  }
0x47: {  	s30 =	simm.s32 $0x2980;
	s1 =	simm.s32 @p0 $0x5;
	[sflag:s26] =	ssyncadd.s32 $0xFFFFF000  }
0x48: {  	[spmem:s2] =	stream.indirect.scatter.add.f32 [tilespmem:s20], [sflag:$0xC], $0x20, s30, s14, $0xb8;
	[tilespmem:$0x11F00] =	vst v63  }
0x49: {  	_ =	swait.ge @p0 [sflag:s1], $0x1000  }
0x4a: {  	s0 =	simm.s32 @p0 $0x2A00;
	s3 =	simm.s32 @p0 $0x80;
	[sflag:s1] =	ssyncset.done @p0 $0x0  }
0x4b: {  	s8 =	simm.s32 @p0 $0x9000;
	[sflag:s1] =	ssyncadd.s32 @p0 $0xFFFFF000;
	s1 =	simm.s32 @!p0 $0x9  }
0x4c: {  	[spmem:s2] =	stream.indirect.scatter.add.f32 @p0 [tilespmem:s8], [sflag:$0xD], $0x20, s0, s3, $0xb8;
	[tilespmem:$0x11F00] =	vst v63  }
0x4d: {  	_ =	swait.ge @!p0 [sflag:s1], $0x1000  }
0x4e: {  	s0 =	simm.s32 @!p0 $0x400;
	[sflag:s1] =	ssyncset.done @!p0 $0x0  }
0x4f: {  	s8 =	simm.s32 @!p0 $0x80;
	[sflag:s1] =	ssyncadd.s32 @!p0 $0xFFFFF000;
	s1 =	simm.s32 @!p0 $0x5000  }
0x50: {  	[tilespmem:s1], [sflag:$0x1] =	stream.indirect.gather @!p0 [hbm4b:s4+s8], $0x20, s0, s8, $0xb8;
	[tilespmem:$0x11F00] =	vst v63  }
0x51: {  	s0 =	simm.s32 @!p0 $0x5  }
0x52: {  	_ =	swait.ge @!p0 [sflag:s0], $0x1000  }
0x53: {  	[sflag:s0] =	ssyncset.done @!p0 $0x0  }
0x54: {  	s1 =	simm.s32 @!p0 $0x2A00;
	[sflag:s0] =	ssyncadd.s32 @!p0 $0xFFFFF000;
	s0 =	simm.s32 @!p0 $0x9000  }
0x55: {  	[spmem:s2] =	stream.indirect.scatter.add.f32 @!p0 [tilespmem:s0], [sflag:$0xD], $0x20, s1, s8, $0xb8;
	[tilespmem:$0x11F00] =	vst v63  }
0x56: {  	s0 =	simm.s32 @!p0 $0xA  }
0x57: {  	_ =	swait.ge @!p0 [sflag:s0], $0x1000  }
0x58: {  	[sflag:s0] =	ssyncset.done @!p0 $0x0  }
0x59: {  	s1 =	simm.s32 @!p0 $0x480;
	[sflag:s0] =	ssyncadd.s32 @!p0 $0xFFFFF000;
	s0 =	simm.s32 @!p0 $0x6000  }
0x5a: {  	[tilespmem:s0], [sflag:$0x2] =	stream.indirect.gather @!p0 [hbm4b:s4+s8], $0x20, s1, s8, $0xb8;
	[tilespmem:$0x11F00] =	vst v63  }
0x5b: {  	_ =	swait.ge [sflag:s28], $0x1000  }
0x5c: {  	[sflag:s28] =	ssyncset.done $0x0  }
0x5d: {  	s31 =	simm.s32 $0x2A80;
	s1 =	simm.s32 @p0 $0x7;
	[sflag:s28] =	ssyncadd.s32 $0xFFFFF000  }
0x5e: {  	[spmem:s2] =	stream.indirect.scatter.add.f32 [tilespmem:s22], [sflag:$0xE], $0x20, s31, s14, $0xb8;
	[tilespmem:$0x11F00] =	vst v63  }
0x5f: {  	_ =	swait.ge @p0 [sflag:s1], $0x1000  }
0x60: {  	[sflag:s1] =	ssyncset.done @p0 $0x0  }
0x61: {  	s0 =	simm.s32 @p0 $0x2B00;
	[sflag:s1] =	ssyncadd.s32 @p0 $0xFFFFF000;
	s1 =	simm.s32 @p0 $0xB000  }
0x62: {  	[spmem:s2] =	stream.indirect.scatter.add.f32 @p0 [tilespmem:s1], [sflag:$0xF], $0x20, s0, s3, $0xb8;
	[tilespmem:$0x11F00] =	vst v63  }
0x63: {  	s0 =	simm.s32 @!p0 $0xB  }
0x64: {  	_ =	swait.ge @!p0 [sflag:s0], $0x1000  }
0x65: {  	[sflag:s0] =	ssyncset.done @!p0 $0x0  }
0x66: {  	s1 =	simm.s32 @!p0 $0x500;
	[sflag:s0] =	ssyncadd.s32 @!p0 $0xFFFFF000;
	s0 =	simm.s32 @!p0 $0x7000  }
0x67: {  	[tilespmem:s0], [sflag:$0x3] =	stream.indirect.gather @!p0 [hbm4b:s4+s8], $0x20, s1, s8, $0xb8;
	[tilespmem:$0x11F00] =	vst v63  }
0x68: {  	s0 =	simm.s32 @!p0 $0x7  }
0x69: {  	_ =	swait.ge @!p0 [sflag:s0], $0x1000  }
0x6a: {  	[sflag:s0] =	ssyncset.done @!p0 $0x0  }
0x6b: {  	s1 =	simm.s32 @!p0 $0x2B00;
	[sflag:s0] =	ssyncadd.s32 @!p0 $0xFFFFF000;
	s0 =	simm.s32 @!p0 $0xB000  }
0x6c: {  	[spmem:s2] =	stream.indirect.scatter.add.f32 @!p0 [tilespmem:s0], [sflag:$0xF], $0x20, s1, s8, $0xb8;
	[tilespmem:$0x11F00] =	vst v63  }
0x6d: {  	s0 =	simm.s32 @!p0 $0xC  }
0x6e: {  	_ =	swait.ge @!p0 [sflag:s0], $0x1000  }
0x6f: {  	p1 =	por $0x0, $0x0;
	s9 =	simm.s32 $0x2000;
	[sflag:s0] =	ssyncset.done @!p0 $0x0  }
0x70: {  	s1 =	simm.s32 @!p0 $0x580;
	[sflag:s0] =	ssyncadd.s32 @!p0 $0xFFFFF000;
	s0 =	simm.s32 @!p0 $0x8000  }
0x71: {  	[tilespmem:s0], [sflag:$0x4] =	stream.indirect.gather @!p0 [hbm4b:s4+s8], $0x20, s1, s8, $0xb8;
	[tilespmem:$0x11F00] =	vst v63  }
0x72: {  	s10 =	simm.s32 $0x2B80;
	s8 =	simm.s32 $0x1000;
	_ =	swait.ge [sflag:s29], $0x1000  }
.LBB2_2:
0x73: {  	[sflag:s29] =	ssyncset.done $0x0  }
0x74: {  	s0 =	simm.s32 @!p1 $0xD;
	[sflag:s29] =	ssyncadd.s32 $0xFFFFF000  }
0x75: {  	[spmem:s2] =	stream.indirect.scatter.add.f32 [tilespmem:s25], [sflag:$0x10], $0x20, s10, s14, $0xb8;
	[tilespmem:$0x11F00] =	vst v63  }
0x76: {  	_ =	swait.ge @!p1 [sflag:s0], $0x1000  }
0x77: {  	s3 =	sshra.s32 s8, $0x2;
	[sflag:s0] =	ssyncset.done @!p1 $0x0  }
0x78: {  	s31 =	sadd.s32 $0x200, s3;
	s1 =	rddreg [dreg:$0x3];
	[sflag:s0] =	ssyncadd.s32 @!p1 $0xFFFFF000  }
0x79: {  	[tilespmem:s1], [sflag:$0x5] =	stream.indirect.gather [hbm4b:s4+s14], $0x20, s31, s14, $0xb8;
	[tilespmem:$0x11F00] =	vst v63  }
0x7a: {  	_ =	swait.ge [sflag:s21], $0x1000  }
0x7b: {  	[sflag:s21] =	ssyncset.done $0x0  }
0x7c: {  	s5 =	sadd.s32 $0x2800, s3;
	s1 =	simm.s32 @!p1 $0xE;
	[sflag:s21] =	ssyncadd.s32 $0xFFFFF000  }
0x7d: {  	[spmem:s2] =	stream.indirect.scatter.add.f32 [tilespmem:s15], [sflag:$0x9], $0x20, s5, s14, $0xb8;
	[tilespmem:$0x11F00] =	vst v63  }
0x7e: {  	_ =	swait.ge @!p1 [sflag:s1], $0x1000  }
0x7f: {  	[sflag:s1] =	ssyncset.done @!p1 $0x0  }
0x80: {  	s6 =	sadd.s32 $0x280, s3;
	[sflag:s1] =	ssyncadd.s32 @!p1 $0xFFFFF000  }
0x81: {  	[tilespmem:s22], [sflag:$0x6] =	stream.indirect.gather [hbm4b:s4+s14], $0x20, s6, s14, $0xb8;
	[tilespmem:$0x11F00] =	vst v63  }
0x82: {  	_ =	swait.ge [sflag:s23], $0x1000  }
0x83: {  	[sflag:s23] =	ssyncset.done $0x0  }
0x84: {  	s11 =	sadd.s32 $0x2880, s3;
	s1 =	simm.s32 @!p1 $0xF;
	[sflag:s23] =	ssyncadd.s32 $0xFFFFF000  }
0x85: {  	[spmem:s2] =	stream.indirect.scatter.add.f32 [tilespmem:s16], [sflag:$0xA], $0x20, s11, s14, $0xb8;
	[tilespmem:$0x11F00] =	vst v63  }
0x86: {  	_ =	swait.ge @!p1 [sflag:s1], $0x1000  }
0x87: {  	[sflag:s1] =	ssyncset.done @!p1 $0x0  }
0x88: {  	s13 =	sadd.s32 $0x300, s3;
	s12 =	rddreg [dreg:$0x4];
	[sflag:s1] =	ssyncadd.s32 @!p1 $0xFFFFF000  }
0x89: {  	[tilespmem:s12], [sflag:$0x7] =	stream.indirect.gather [hbm4b:s4+s14], $0x20, s13, s14, $0xb8;
	[tilespmem:$0x11F00] =	vst v63  }
0x8a: {  	_ =	swait.ge [sflag:s24], $0x1000  }
0x8b: {  	[sflag:s24] =	ssyncset.done $0x0  }
0x8c: {  	s17 =	sadd.s32 $0x2900, s3;
	s1 =	simm.s32 @!p1 $0x10;
	[sflag:s24] =	ssyncadd.s32 $0xFFFFF000  }
0x8d: {  	[spmem:s2] =	stream.indirect.scatter.add.f32 [tilespmem:s18], [sflag:$0xB], $0x20, s17, s14, $0xb8;
	[tilespmem:$0x11F00] =	vst v63  }
0x8e: {  	_ =	swait.ge @!p1 [sflag:s1], $0x1000  }
0x8f: {  	[sflag:s1] =	ssyncset.done @!p1 $0x0  }
0x90: {  	s19 =	sadd.s32 $0x380, s3;
	[sflag:s1] =	ssyncadd.s32 @!p1 $0xFFFFF000  }
0x91: {  	[tilespmem:s25], [sflag:$0x8] =	stream.indirect.gather [hbm4b:s4+s14], $0x20, s19, s14, $0xb8;
	[tilespmem:$0x11F00] =	vst v63  }
0x92: {  	_ =	swait.ge [sflag:s26], $0x1000  }
0x93: {  	p1 =	seq.s32 s8, $0x9000;
	[sflag:s26] =	ssyncset.done $0x0  }
0x94: {  	s31 =	sadd.s32 $0x2980, s3;
	s1 =	simm.s32 @p1 $0x5;
	[sflag:s26] =	ssyncadd.s32 $0xFFFFF000  }
0x95: {  	[spmem:s2] =	stream.indirect.scatter.add.f32 [tilespmem:s20], [sflag:$0xC], $0x20, s31, s14, $0xb8;
	[tilespmem:$0x11F00] =	vst v63  }
0x96: {  	s13 =	sshra.s32 @p1 s8, $0x2;
	_ =	swait.ge @p1 [sflag:s1], $0x1000  }
0x97: {  	s0 =	simm.s32 @p1 $0x80;
	s17 =	simm.s32 @p1 $0x9000;
	[sflag:s1] =	ssyncset.done @p1 $0x0  }
0x98: {  	s31 =	sadd.s32 @p1 $0x2A00, s13;
	[sflag:s1] =	ssyncadd.s32 @p1 $0xFFFFF000;
	s1 =	simm.s32 @!p1 $0x9  }
0x99: {  	[spmem:s2] =	stream.indirect.scatter.add.f32 @p1 [tilespmem:s17], [sflag:$0xD], $0x20, s31, s0, $0xb8;
	[tilespmem:$0x11F00] =	vst v63  }
0x9a: {  	s8 =	sshra.s32 @!p1 s8, $0x2;
	_ =	swait.ge @!p1 [sflag:s1], $0x1000  }
0x9b: {  	s6 =	simm.s32 @!p1 $0x5000;
	s11 =	simm.s32 @!p1 $0x5;
	[sflag:s1] =	ssyncset.done @!p1 $0x0  }
0x9c: {  	s19 =	sadd.s32 @!p1 $0x400, s8;
	s31 =	simm.s32 @!p1 $0x80;
	[sflag:s1] =	ssyncadd.s32 @!p1 $0xFFFFF000  }
0x9d: {  	[tilespmem:s6], [sflag:$0x1] =	stream.indirect.gather @!p1 [hbm4b:s4+s31], $0x20, s19, s31, $0xb8;
	[tilespmem:$0x11F00] =	vst v63  }
0x9e: {  	_ =	swait.ge @!p1 [sflag:s11], $0x1000  }
0x9f: {  	s12 =	simm.s32 @!p1 $0x9000;
	[sflag:s11] =	ssyncset.done @!p1 $0x0  }
0xa0: {  	s17 =	sadd.s32 @!p1 $0x2A00, s8;
	[sflag:s11] =	ssyncadd.s32 @!p1 $0xFFFFF000;
	s11 =	simm.s32 @!p1 $0xA  }
0xa1: {  	[spmem:s2] =	stream.indirect.scatter.add.f32 @!p1 [tilespmem:s12], [sflag:$0xD], $0x20, s17, s31, $0xb8;
	[tilespmem:$0x11F00] =	vst v63  }
0xa2: {  	_ =	swait.ge @!p1 [sflag:s11], $0x1000  }
0xa3: {  	[sflag:s11] =	ssyncset.done @!p1 $0x0  }
0xa4: {  	s5 =	sadd.s32 @!p1 $0x480, s8;
	s12 =	simm.s32 @!p1 $0x6000;
	[sflag:s11] =	ssyncadd.s32 @!p1 $0xFFFFF000  }
0xa5: {  	[tilespmem:s12], [sflag:$0x2] =	stream.indirect.gather @!p1 [hbm4b:s4+s31], $0x20, s5, s31, $0xb8;
	[tilespmem:$0x11F00] =	vst v63  }
0xa6: {  	_ =	swait.ge [sflag:s28], $0x1000  }
0xa7: {  	s10 =	sadd.s32 $0x2B80, s3;
	[sflag:s28] =	ssyncset.done $0x0  }
0xa8: {  	s3 =	sadd.s32 $0x2A80, s3;
	s5 =	simm.s32 @p1 $0x7;
	[sflag:s28] =	ssyncadd.s32 $0xFFFFF000  }
0xa9: {  	[spmem:s2] =	stream.indirect.scatter.add.f32 [tilespmem:s22], [sflag:$0xE], $0x20, s3, s14, $0xb8;
	[tilespmem:$0x11F00] =	vst v63  }
0xaa: {  	_ =	swait.ge @p1 [sflag:s5], $0x1000  }
0xab: {  	s13 =	sadd.s32 @p1 $0x2B00, s13;
	[sflag:s5] =	ssyncset.done @p1 $0x0  }
0xac: {  	s3 =	simm.s32 @p1 $0xB000;
	[sflag:s5] =	ssyncadd.s32 @p1 $0xFFFFF000;
	s5 =	simm.s32 @!p1 $0xB  }
0xad: {  	[spmem:s2] =	stream.indirect.scatter.add.f32 @p1 [tilespmem:s3], [sflag:$0xF], $0x20, s13, s0, $0xb8;
	[tilespmem:$0x11F00] =	vst v63  }
0xae: {  	_ =	swait.ge @!p1 [sflag:s5], $0x1000  }
0xaf: {  	s6 =	sadd.s32 @!p1 $0x500, s8;
	[sflag:s5] =	ssyncset.done @!p1 $0x0  }
0xb0: {  	s0 =	simm.s32 @!p1 $0x7000;
	s3 =	simm.s32 @!p1 $0x7;
	[sflag:s5] =	ssyncadd.s32 @!p1 $0xFFFFF000  }
0xb1: {  	[tilespmem:s0], [sflag:$0x3] =	stream.indirect.gather @!p1 [hbm4b:s4+s31], $0x20, s6, s31, $0xb8;
	[tilespmem:$0x11F00] =	vst v63  }
0xb2: {  	s30 =	smov.u32 s9;
	s9 =	sadd.s32 $0x1000, s9;
	_ =	swait.ge @!p1 [sflag:s3], $0x1000  }
0xb3: {  	p0 =	sne.s32 s9, $0xA000;
	s19 =	sadd.s32 @!p1 $0x2B00, s8;
	[sflag:s3] =	ssyncset.done @!p1 $0x0  }
0xb4: {  	s0 =	simm.s32 @!p1 $0xB000;
	[sflag:s3] =	ssyncadd.s32 @!p1 $0xFFFFF000;
	s3 =	simm.s32 @!p1 $0xC  }
0xb5: {  	[spmem:s2] =	stream.indirect.scatter.add.f32 @!p1 [tilespmem:s0], [sflag:$0xF], $0x20, s19, s31, $0xb8;
	[tilespmem:$0x11F00] =	vst v63  }
.Ltmp0:
0xb6: {  	_ =	swait.ge @!p1 [sflag:s3], $0x1000;
	(pc) =	sbr.rel @p0 .LBB2_2-.Ltmp0, $4  }
0xb7: {  	s1 =	sadd.s32 @!p1 $0x580, s8;
	[sflag:s3] =	ssyncset.done @!p1 $0x0  }
0xb8: {  	s8 =	smov.u32 s30;
	s0 =	simm.s32 @!p1 $0x8000;
	[sflag:s3] =	ssyncadd.s32 @!p1 $0xFFFFF000  }
0xb9: {  	[tilespmem:s0], [sflag:$0x4] =	stream.indirect.gather @!p1 [hbm4b:s4+s31], $0x20, s1, s31, $0xb8;
	[tilespmem:$0x11F00] =	vst v63  }
0xba: {  	p1 =	seq.s32 s8, $0x0;
	_ =	swait.ge [sflag:s29], $0x1000  }
0xbb: {  	[sflag:s29] =	ssyncset.done $0x0  }
0xbc: {  	s0 =	simm.s32 @!p1 $0xD;
	[sflag:s29] =	ssyncadd.s32 $0xFFFFF000  }
0xbd: {  	[spmem:s2] =	stream.indirect.scatter.add.f32 [tilespmem:s25], [sflag:$0x10], $0x20, s10, s14, $0xb8;
	[tilespmem:$0x11F00] =	vst v63  }
0xbe: {  	_ =	swait.ge @!p1 [sflag:s0], $0x1000  }
0xbf: {  	s3 =	sshra.s32 s8, $0x2;
	[sflag:s0] =	ssyncset.done @!p1 $0x0  }
0xc0: {  	s6 =	sadd.s32 $0x200, s3;
	s1 =	rddreg [dreg:$0x3];
	[sflag:s0] =	ssyncadd.s32 @!p1 $0xFFFFF000  }
0xc1: {  	[tilespmem:s1], [sflag:$0x5] =	stream.indirect.gather [hbm4b:s4+s14], $0x20, s6, s14, $0xb8;
	[tilespmem:$0x11F00] =	vst v63  }
0xc2: {  	_ =	swait.ge [sflag:s21], $0x1000  }
0xc3: {  	[sflag:s21] =	ssyncset.done $0x0  }
0xc4: {  	s9 =	sadd.s32 $0x2800, s3;
	s1 =	simm.s32 @!p1 $0xE;
	[sflag:s21] =	ssyncadd.s32 $0xFFFFF000  }
0xc5: {  	[spmem:s2] =	stream.indirect.scatter.add.f32 [tilespmem:s15], [sflag:$0x9], $0x20, s9, s14, $0xb8;
	[tilespmem:$0x11F00] =	vst v63  }
0xc6: {  	_ =	swait.ge @!p1 [sflag:s1], $0x1000  }
0xc7: {  	[sflag:s1] =	ssyncset.done @!p1 $0x0  }
0xc8: {  	s10 =	sadd.s32 $0x280, s3;
	[sflag:s1] =	ssyncadd.s32 @!p1 $0xFFFFF000  }
0xc9: {  	[tilespmem:s22], [sflag:$0x6] =	stream.indirect.gather [hbm4b:s4+s14], $0x20, s10, s14, $0xb8;
	[tilespmem:$0x11F00] =	vst v63  }
0xca: {  	_ =	swait.ge [sflag:s23], $0x1000  }
0xcb: {  	[sflag:s23] =	ssyncset.done $0x0  }
0xcc: {  	s11 =	sadd.s32 $0x2880, s3;
	s1 =	simm.s32 @!p1 $0xF;
	[sflag:s23] =	ssyncadd.s32 $0xFFFFF000  }
0xcd: {  	[spmem:s2] =	stream.indirect.scatter.add.f32 [tilespmem:s16], [sflag:$0xA], $0x20, s11, s14, $0xb8;
	[tilespmem:$0x11F00] =	vst v63  }
0xce: {  	_ =	swait.ge @!p1 [sflag:s1], $0x1000  }
0xcf: {  	[sflag:s1] =	ssyncset.done @!p1 $0x0  }
0xd0: {  	s13 =	sadd.s32 $0x300, s3;
	s12 =	rddreg [dreg:$0x4];
	[sflag:s1] =	ssyncadd.s32 @!p1 $0xFFFFF000  }
0xd1: {  	[tilespmem:s12], [sflag:$0x7] =	stream.indirect.gather [hbm4b:s4+s14], $0x20, s13, s14, $0xb8;
	[tilespmem:$0x11F00] =	vst v63  }
0xd2: {  	_ =	swait.ge [sflag:s24], $0x1000  }
0xd3: {  	[sflag:s24] =	ssyncset.done $0x0  }
0xd4: {  	s17 =	sadd.s32 $0x2900, s3;
	s1 =	simm.s32 @!p1 $0x10;
	[sflag:s24] =	ssyncadd.s32 $0xFFFFF000  }
0xd5: {  	[spmem:s2] =	stream.indirect.scatter.add.f32 [tilespmem:s18], [sflag:$0xB], $0x20, s17, s14, $0xb8;
	[tilespmem:$0x11F00] =	vst v63  }
0xd6: {  	_ =	swait.ge @!p1 [sflag:s1], $0x1000  }
0xd7: {  	[sflag:s1] =	ssyncset.done @!p1 $0x0  }
0xd8: {  	s19 =	sadd.s32 $0x380, s3;
	[sflag:s1] =	ssyncadd.s32 @!p1 $0xFFFFF000  }
0xd9: {  	[tilespmem:s25], [sflag:$0x8] =	stream.indirect.gather [hbm4b:s4+s14], $0x20, s19, s14, $0xb8;
	[tilespmem:$0x11F00] =	vst v63  }
0xda: {  	_ =	swait.ge [sflag:s26], $0x1000  }
0xdb: {  	p0 =	seq.s32 s8, $0x9000;
	[sflag:s26] =	ssyncset.done $0x0  }
0xdc: {  	s30 =	sadd.s32 $0x2980, s3;
	s1 =	simm.s32 @p0 $0x5;
	[sflag:s26] =	ssyncadd.s32 $0xFFFFF000  }
0xdd: {  	[spmem:s2] =	stream.indirect.scatter.add.f32 [tilespmem:s20], [sflag:$0xC], $0x20, s30, s14, $0xb8;
	[tilespmem:$0x11F00] =	vst v63  }
0xde: {  	s0 =	sshra.s32 @p0 s8, $0x2;
	_ =	swait.ge @p0 [sflag:s1], $0x1000  }
0xdf: {  	s5 =	sadd.s32 @p0 $0x2A00, s0;
	s6 =	simm.s32 @p0 $0x80;
	[sflag:s1] =	ssyncset.done @p0 $0x0  }
0xe0: {  	s9 =	simm.s32 @p0 $0x9000;
	[sflag:s1] =	ssyncadd.s32 @p0 $0xFFFFF000;
	s1 =	simm.s32 @!p0 $0x9  }
0xe1: {  	[spmem:s2] =	stream.indirect.scatter.add.f32 @p0 [tilespmem:s9], [sflag:$0xD], $0x20, s5, s6, $0xb8;
	[tilespmem:$0x11F00] =	vst v63  }
0xe2: {  	_ =	swait.ge @!p0 [sflag:s1], $0x1000  }
0xe3: {  	s5 =	sshra.s32 @!p0 s8, $0x2;
	s9 =	simm.s32 @!p0 $0x80;
	[sflag:s1] =	ssyncset.done @!p0 $0x0  }
0xe4: {  	s8 =	sadd.s32 @!p0 $0x400, s5;
	[sflag:s1] =	ssyncadd.s32 @!p0 $0xFFFFF000;
	s1 =	simm.s32 @!p0 $0x5000  }
0xe5: {  	[tilespmem:s1], [sflag:$0x1] =	stream.indirect.gather @!p0 [hbm4b:s4+s9], $0x20, s8, s9, $0xb8;
	[tilespmem:$0x11F00] =	vst v63  }
0xe6: {  	s1 =	simm.s32 @!p0 $0x5  }
0xe7: {  	_ =	swait.ge @!p0 [sflag:s1], $0x1000  }
0xe8: {  	[sflag:s1] =	ssyncset.done @!p0 $0x0  }
0xe9: {  	s8 =	sadd.s32 @!p0 $0x2A00, s5;
	[sflag:s1] =	ssyncadd.s32 @!p0 $0xFFFFF000;
	s1 =	simm.s32 @!p0 $0x9000  }
0xea: {  	[spmem:s2] =	stream.indirect.scatter.add.f32 @!p0 [tilespmem:s1], [sflag:$0xD], $0x20, s8, s9, $0xb8;
	[tilespmem:$0x11F00] =	vst v63  }
0xeb: {  	s1 =	simm.s32 @!p0 $0xA  }
0xec: {  	_ =	swait.ge @!p0 [sflag:s1], $0x1000  }
0xed: {  	[sflag:s1] =	ssyncset.done @!p0 $0x0  }
0xee: {  	s8 =	sadd.s32 @!p0 $0x480, s5;
	[sflag:s1] =	ssyncadd.s32 @!p0 $0xFFFFF000;
	s1 =	simm.s32 @!p0 $0x6000  }
0xef: {  	[tilespmem:s1], [sflag:$0x2] =	stream.indirect.gather @!p0 [hbm4b:s4+s9], $0x20, s8, s9, $0xb8;
	[tilespmem:$0x11F00] =	vst v63  }
0xf0: {  	_ =	swait.ge [sflag:s28], $0x1000  }
0xf1: {  	[sflag:s28] =	ssyncset.done $0x0  }
0xf2: {  	s31 =	sadd.s32 $0x2A80, s3;
	s1 =	simm.s32 @p0 $0x7;
	[sflag:s28] =	ssyncadd.s32 $0xFFFFF000  }
0xf3: {  	[spmem:s2] =	stream.indirect.scatter.add.f32 [tilespmem:s22], [sflag:$0xE], $0x20, s31, s14, $0xb8;
	[tilespmem:$0x11F00] =	vst v63  }
0xf4: {  	_ =	swait.ge @p0 [sflag:s1], $0x1000  }
0xf5: {  	[sflag:s1] =	ssyncset.done @p0 $0x0  }
0xf6: {  	s0 =	sadd.s32 @p0 $0x2B00, s0;
	[sflag:s1] =	ssyncadd.s32 @p0 $0xFFFFF000;
	s1 =	simm.s32 @p0 $0xB000  }
0xf7: {  	[spmem:s2] =	stream.indirect.scatter.add.f32 @p0 [tilespmem:s1], [sflag:$0xF], $0x20, s0, s6, $0xb8;
	[tilespmem:$0x11F00] =	vst v63  }
0xf8: {  	s0 =	simm.s32 @!p0 $0xB  }
0xf9: {  	_ =	swait.ge @!p0 [sflag:s0], $0x1000  }
0xfa: {  	[sflag:s0] =	ssyncset.done @!p0 $0x0  }
0xfb: {  	s1 =	sadd.s32 @!p0 $0x500, s5;
	[sflag:s0] =	ssyncadd.s32 @!p0 $0xFFFFF000;
	s0 =	simm.s32 @!p0 $0x7000  }
0xfc: {  	[tilespmem:s0], [sflag:$0x3] =	stream.indirect.gather @!p0 [hbm4b:s4+s9], $0x20, s1, s9, $0xb8;
	[tilespmem:$0x11F00] =	vst v63  }
0xfd: {  	s0 =	simm.s32 @!p0 $0x7  }
0xfe: {  	_ =	swait.ge @!p0 [sflag:s0], $0x1000  }
0xff: {  	[sflag:s0] =	ssyncset.done @!p0 $0x0  }
0x100: {  	s1 =	sadd.s32 @!p0 $0x2B00, s5;
	[sflag:s0] =	ssyncadd.s32 @!p0 $0xFFFFF000;
	s0 =	simm.s32 @!p0 $0xB000  }
0x101: {  	[spmem:s2] =	stream.indirect.scatter.add.f32 @!p0 [tilespmem:s0], [sflag:$0xF], $0x20, s1, s9, $0xb8;
	[tilespmem:$0x11F00] =	vst v63  }
0x102: {  	s0 =	simm.s32 @!p0 $0xC  }
0x103: {  	_ =	swait.ge @!p0 [sflag:s0], $0x1000  }
0x104: {  	[sflag:s0] =	ssyncset.done @!p0 $0x0  }
0x105: {  	s1 =	sadd.s32 @!p0 $0x580, s5;
	[sflag:s0] =	ssyncadd.s32 @!p0 $0xFFFFF000;
	s0 =	simm.s32 @!p0 $0x8000  }
0x106: {  	[tilespmem:s0], [sflag:$0x4] =	stream.indirect.gather @!p0 [hbm4b:s4+s9], $0x20, s1, s9, $0xb8;
	[tilespmem:$0x11F00] =	vst v63  }
0x107: {  	_ =	swait.ge [sflag:s29], $0x1000  }
0x108: {  	[sflag:s29] =	ssyncset.done $0x0  }
0x109: {  	s8 =	simm.s32 $0x9;
	s6 =	sadd.s32 $0x2B80, s3;
	[sflag:s29] =	ssyncadd.s32 $0xFFFFF000  }
0x10a: {  	[spmem:s2] =	stream.indirect.scatter.add.f32 [tilespmem:s25], [sflag:$0x10], $0x20, s6, s14, $0xb8;
	[tilespmem:$0x11F00] =	vst v63  }
0x10b: {  	_ =	swait.ge [sflag:s8], $0x1000  }
0x10c: {  	[sflag:s8] =	ssyncset.done $0x0  }
0x10d: {  	s9 =	simm.s32 $0xA;
	[sflag:s8] =	ssyncadd.s32 $0xFFFFF000  }
0x10e: {  	_ =	swait.ge [sflag:s9], $0x1000  }
0x10f: {  	[sflag:s9] =	ssyncset.done $0x0  }
0x110: {  	s10 =	simm.s32 $0xB;
	[sflag:s9] =	ssyncadd.s32 $0xFFFFF000  }
0x111: {  	_ =	swait.ge [sflag:s10], $0x1000  }
0x112: {  	[sflag:s10] =	ssyncset.done $0x0  }
0x113: {  	s11 =	simm.s32 $0xC;
	[sflag:s10] =	ssyncadd.s32 $0xFFFFF000  }
0x114: {  	_ =	swait.ge [sflag:s11], $0x1000  }
0x115: {  	[sflag:s11] =	ssyncset.done $0x0  }
0x116: {  	s12 =	simm.s32 $0xD;
	[sflag:s11] =	ssyncadd.s32 $0xFFFFF000  }
0x117: {  	_ =	swait.ge [sflag:s12], $0x1000  }
0x118: {  	[sflag:s12] =	ssyncset.done $0x0  }
0x119: {  	s13 =	simm.s32 $0xE;
	[sflag:s12] =	ssyncadd.s32 $0xFFFFF000  }
0x11a: {  	_ =	swait.ge [sflag:s13], $0x1000  }
0x11b: {  	[sflag:s13] =	ssyncset.done $0x0  }
0x11c: {  	s17 =	simm.s32 $0xF;
	[sflag:s13] =	ssyncadd.s32 $0xFFFFF000  }
0x11d: {  	_ =	swait.ge [sflag:s17], $0x1000  }
0x11e: {  	[sflag:s17] =	ssyncset.done $0x0  }
0x11f: {  	s19 =	simm.s32 $0x10;
	[sflag:s17] =	ssyncadd.s32 $0xFFFFF000  }
0x120: {  	_ =	swait.ge [sflag:s19], $0x1000  }
0x121: {  	[sflag:s19] =	ssyncset.done $0x0  }
0x122: {  	[sflag:s19] =	ssyncadd.s32 $0xFFFFF000  }
0x123: {  	[bflag:$0x0] =	sbarrier.arrive $0xFFFF  }
0x124: {  	s6 =	rddreg [dreg:$0x6]  }
0x125: {  	s30 =	rddreg [dreg:$0x9]  }
0x126: {  	s3 =	simm.s32 $0x11;
	s1 =	rddreg [dreg:$0xb]  }
0x127: {  	[hbm:s30], [sflag:s6] =	dma.local [spmem:s1], $0x9E0  }
0x128: {  	_ =	swait.ge [sflag:s3], $0x9E0  }
0x129: {  	s7 =	sadd.s32 $0x1, s7;
	s31 =	rddreg [dreg:$0xa]  }
0x12a: {  	p0 =	sne.s32 s7, s31  }
.Ltmp1:
0x12b: {  	_ = 	snop;
	(pc) =	sbr.rel @p0 .LBB2_1-.Ltmp1, $3  }
0x12c: {  	_ =	sdelay $0x1  }
0x12d: {  	[sflag:s3] =	ssyncset.done $0x0  }
0x12e: {  	[sflag:s3] =	ssyncadd.s32 $0xFFFFF620  }
0x12f: {  	_ =	sfence.sel $0x180000  }
0x130: {  	[bflag:$0x0] =	sbarrier.arrive $0xFFFF  }
0x131: {  	_ =	strace $0x90000050  }
0x132: {  	s0 =	stileid.u32;
	[bflag:$0x2] =	sbarrier.arrive $0xFFFF  }
0x133: {  	p0 =	sne.s32 s0, $0x0;
	s0 =	rddreg [dreg:$0x2]  }
0x134: {  	s0 =	sadd.s32 @!p0 $0x100000, s0  }
0x135: {  	[sflag:s0] =	ssyncadd.tile.s32 @!p0 $0x1;
	_ =	shalt  }
.Lfunc_end2:
_tile_overlayer_lowered:
.L_overlay_start_2:
0x136: {  	(tag) =	ssettag $0x2  }
0x137: {  	s0 =	rddreg [dreg:$0x0];
	s2 =	stileid.u32  }
0x138: {  	s1 =	rddreg [dreg:$0x1];
	p0 =	sne.s32 s2, $0x0  }
0x139: {  	s3 =	rddreg [dreg:$0x2];
	[bflag:$0x3] =	sbarrier.arrive $0xFFFF;
	s2 =	simm.s32 @!p0 $0x1C11  }
0x13a: {  	[timem:s3], [sflag:s2] =	dma.local @!p0 [hbm:s0], s1  }
0x13b: {  	s0 =	simm.s32 @!p0 $0x11  }
0x13c: {  	_ =	swait.ge @!p0 [sflag:s0], s1  }
0x13d: {  	s1 =	ssub.s32 @!p0 $0x0, s1;
	[sflag:s0] =	ssyncset.done @!p0 $0x0  }
0x13e: {  	[sflag:s0] =	ssyncadd.s32 @!p0 s1  }
0x13f: {  	[bflag:$0x3] =	sbarrier.arrive $0xFFFF  }
0x140: {  	_ =	shalt  }

// kernel: kernel.24.cloned.1.call-start
scs
__scs_entry_jumppad:
0x0: {  	(pc) =	sbr.rel $0x88, $3  }
0x1: {  	(tag) =	ssettag $0x0;
	lr =	simm.s32 $0x1  }
0x2: {  	[smem:$0x3F77] =	sst lr;
	_ =	strace $0xD0000000  }
0x3: {  	_ = 	snop  }
0x4: {  	_ = 	snop  }
0x5: {  	_ = 	snop  }
0x6: {  	_ = 	snop  }
0x7: {  	_ = 	snop  }
__scs_overlays_trampoline_lowered:
0x8: {  	[smem:$0x3F86] =	sst s0  }
0x9: {  	[smem:$0x3F87] =	sst s1  }
0xa: {  	[smem:$0x3F88] =	sst s2  }
0xb: {  	[smem:$0x3F89] =	sst s3  }
0xc: {  	[smem:$0x3F8A] =	sst s4  }
0xd: {  	[smem:$0x3F8B] =	sst s5  }
0xe: {  	[smem:$0x3F8C] =	sst s6  }
0xf: {  	[smem:$0x3F8D] =	sst s7  }
0x10: {  	[smem:$0x3F8E] =	sst s8  }
0x11: {  	[smem:$0x3F8F] =	sst s9;
	s0 =	simm.s32 @!p0 $0x0  }
0x12: {  	s1 =	sld [smem:$0x3F75];
	s0 =	simm.s32 @p0 $0x1  }
0x13: {  	[smem:$0x3F90] =	sst s0;
	s0 =	simm.s32 @!p1 $0x0  }
0x14: {  	s2 =	sld [smem:$0x3F74];
	s0 =	simm.s32 @p1 $0x1  }
0x15: {  	[smem:$0x3F91] =	sst s0;
	s0 =	simm.s32 @!p2 $0x0  }
0x16: {  	s3 =	sld [smem:$0x3FDB];
	s0 =	simm.s32 @p2 $0x1  }
0x17: {  	s4 =	simm.s32 $0x1BF5;
	[smem:$0x3F93] =	sst s0  }
0x18: {  	s0 =	sld [smem:$0x3F76];
	_ =	swait.ge [sflag:s4], $0x0  }
0x19: {  	s7 =	sld [smem:$0x3F77]  }
0x1a: {  	s8 =	sadd.s32 $0xFFFFE003, lr  }
0x1b: {  	s9 =	sadd.s32 $0xFFFFFEF7, lr;
	s5 =	simm.s32 $0xFFFFFFFF;
	p2 =	slt.u32 s8, $0xFFFFF086  }
0x1c: {  	p1 =	slt.u32 s9, $0xF7A;
	s5 =	simm.s32 @!p2 $0x0  }
0x1d: {  	s5 =	simm.s32 @p1 $0x1;
	p0 =	seq.s32 s7, s2  }
0x1e: {  	s7 =	smul.u32 @!p0 $0xF7A, s2;
	p2 =	seq.s32 @!p0 s5, $0x0  }
0x1f: {  	s9 =	smul.u32 $0xF7A, s1;
	s8 =	simm.s32 @!p0 $0x1BF5;
	p2 =	por !p2, p0  }
0x20: {  	[sflag:s8] =	ssyncset.s32 @!p0 $0xFFFFF086;
	s6 =	sadd.s32 @!p0 s3, s7;
	s7 =	simm.s32 @!p0 $0x108  }
0x21: {  	s3 =	sadd.s32 s3, s9;
	s6 =	sadd.s32 @!p0 $0x88, s6;
	s7 =	simm.s32 @p2 $0x1082  }
0x22: {  	[simem:s7], [sflag:s8] =	dma.local @!p0 [hbm:s6], $0xF7A  }
0x23: {  	s9 =	sor.u32 $0xD0000000, s2;
	s6 =	simm.s32 $0x108;
	_ =	swait.ge @!p0 [sflag:s8], $0x0  }
0x24: {  	s3 =	sadd.s32 $0x88, s3;
	s6 =	simm.s32 @!p1 $0x1082;
	[sflag:s4] =	ssyncset.s32 $0xFFFFF086  }
0x25: {  	[simem:s6], [sflag:s4] =	dma.local [hbm:s3], $0xF7A  }
0x26: {  	[smem:$0x3F77] =	sst s1;
	(tag) =	ssettag s2;
	_ =	strace s9  }
0x27: {  	s1 =	sld [smem:$0x3F87]  }
0x28: {  	s2 =	sld [smem:$0x3F88]  }
0x29: {  	s4 =	sld [smem:$0x3F8A]  }
0x2a: {  	p0 =	seq.s32 s5, $0x0;
	s5 =	sld [smem:$0x3F8B]  }
0x2b: {  	s6 =	sld [smem:$0x3F8C]  }
0x2c: {  	s7 =	sld [smem:$0x3F8D]  }
0x2d: {  	s3 =	simm.s32 $0x108;
	s8 =	sld [smem:$0x3F8E]  }
0x2e: {  	s3 =	simm.s32 @!p0 $0x1082;
	s9 =	sld [smem:$0x3F8F]  }
0x2f: {  	lr =	sadd.s32 s0, s3;
	s0 =	sld [smem:$0x3F86]  }
0x30: {  	s3 =	sld [smem:$0x3F89]  }
0x31: {  	[smem:$0x3F92] =	sst s10  }
0x32: {  	s10 =	sld [smem:$0x3F90];
	_ =	sdelay $0x3  }
0x33: {  	p0 =	seq.s32 s10, $0x1;
	s10 =	sld [smem:$0x3F92];
	_ =	sdelay $0x3  }
0x34: {  	[smem:$0x3F92] =	sst s10  }
0x35: {  	s10 =	sld [smem:$0x3F91];
	_ =	sdelay $0x3  }
0x36: {  	p1 =	seq.s32 s10, $0x1;
	s10 =	sld [smem:$0x3F92];
	_ =	sdelay $0x3  }
0x37: {  	[smem:$0x3F92] =	sst s10  }
0x38: {  	s10 =	sld [smem:$0x3F93]  }
0x39: {  	_ = 	snop;
	(pc) =	sbr.ind lr, $3  }
0x3a: {  	_ = 	snop  }
0x3b: {  	_ = 	snop  }
0x3c: {  	p2 =	seq.s32 s10, $0x1;
	s10 =	sld [smem:$0x3F92]  }
0x3d: {  	_ =	shalt  }
0x3e: {  	_ =	shalt  }
0x3f: {  	_ =	shalt  }
0x40: {  	_ =	shalt  }
0x41: {  	_ =	shalt  }
0x42: {  	_ =	shalt  }
0x43: {  	_ =	shalt  }
0x44: {  	_ =	shalt  }
0x45: {  	_ =	shalt  }
0x46: {  	_ =	shalt  }
0x47: {  	_ =	shalt  }
0x48: {  	_ =	shalt  }
0x49: {  	_ =	shalt  }
0x4a: {  	_ =	shalt  }
0x4b: {  	_ =	shalt  }
0x4c: {  	_ =	shalt  }
0x4d: {  	_ =	shalt  }
0x4e: {  	_ =	shalt  }
0x4f: {  	_ =	shalt  }
0x50: {  	_ =	shalt  }
0x51: {  	_ =	shalt  }
0x52: {  	_ =	shalt  }
0x53: {  	_ =	shalt  }
0x54: {  	_ =	shalt  }
0x55: {  	_ =	shalt  }
0x56: {  	_ =	shalt  }
0x57: {  	_ =	shalt  }
0x58: {  	_ =	shalt  }
0x59: {  	_ =	shalt  }
0x5a: {  	_ =	shalt  }
0x5b: {  	_ =	shalt  }
0x5c: {  	_ =	shalt  }
0x5d: {  	_ =	shalt  }
0x5e: {  	_ =	shalt  }
0x5f: {  	_ =	shalt  }
0x60: {  	_ =	shalt  }
0x61: {  	_ =	shalt  }
0x62: {  	_ =	shalt  }
0x63: {  	_ =	shalt  }
0x64: {  	_ =	shalt  }
0x65: {  	_ =	shalt  }
0x66: {  	_ =	shalt  }
0x67: {  	_ =	shalt  }
0x68: {  	_ =	shalt  }
0x69: {  	_ =	shalt  }
0x6a: {  	_ =	shalt  }
0x6b: {  	_ =	shalt  }
0x6c: {  	_ =	shalt  }
0x6d: {  	_ =	shalt  }
0x6e: {  	_ =	shalt  }
0x6f: {  	_ =	shalt  }
0x70: {  	_ =	shalt  }
0x71: {  	_ =	shalt  }
0x72: {  	_ =	shalt  }
0x73: {  	_ =	shalt  }
0x74: {  	_ =	shalt  }
0x75: {  	_ =	shalt  }
0x76: {  	_ =	shalt  }
0x77: {  	_ =	shalt  }
0x78: {  	_ =	shalt  }
0x79: {  	_ =	shalt  }
0x7a: {  	_ =	shalt  }
0x7b: {  	_ =	shalt  }
0x7c: {  	_ =	shalt  }
0x7d: {  	_ =	shalt  }
0x7e: {  	_ =	shalt  }
0x7f: {  	_ =	shalt  }
0x80: {  	_ =	shalt  }
0x81: {  	_ =	shalt  }
0x82: {  	_ =	shalt  }
0x83: {  	_ =	shalt  }
0x84: {  	_ =	shalt  }
0x85: {  	_ =	shalt  }
0x86: {  	_ =	shalt  }
0x87: {  	_ =	shalt  }
.Lfunc_end0:
.L_simem_size_0:
called_computation.4_lowered:
.L_overlay_start_0:
0x88: {  	s2 =	sld [smem:$0x3FD9]  }
0x89: {  	s3 =	sld [smem:$0x3FFE];
	_ =	sdelay $0x1  }
0x8a: {  	s1 =	srdreg.scid  }
0x8b: {  	s0 =	sand.u32 $0x1, s1  }
0x8c: {  	s16 =	sshll.u32 s0, $0xA;
	s2 =	sadd.s32 s3, s2  }
0x8d: {  	s2 =	sadd.s32 s2, s16  }
0x8e: {  	[smem:$0x3F9E] =	sst s2  }
0x8f: {  	_ = 	snop  }
0x90: {  	(tm) =	ssettm $0x1  }
0x91: {  	s17 =	sld [smem:$0x3FFB];
	_ =	sdelay $0x3  }
0x92: {  	_ =	strace s17  }
0x93: {  	s2 =	sld [smem:$0x3FFC];
	_ =	sdelay $0x3  }
0x94: {  	_ =	strace s2  }
0x95: {  	s2 =	sld [smem:$0x3FFD];
	_ =	sdelay $0x3  }
0x96: {  	_ =	strace s2  }
0x97: {  	_ =	strace $0x8FFFFFFF  }
0x98: {  	s18 =	sld [smem:$0x3FDB];
	_ =	sdelay $0x1  }
0x99: {  	s19 =	simm.s32 $_scs_section_size  }
0x9a: {  	s4 =	simm.s32 $_size__tile_overlayer_lowered;
	s5 =	simm.s32 $_tile_overlayer_lowered  }
0x9b: {  	s22 =	simm.s32 $0x1BFF;
	s21 =	sshll.u32 s5, $0x1;
	s2 =	sadd.s32 s19, s18  }
0x9c: {  	s6 =	simm.s32 $0x0;
	s20 =	sshll.u32 s4, $0x1;
	s4 =	sadd.s32 s21, s2  }
0x9d: {  	[timem:s6], [sflag:s22] =	dma.local [hbm:s4], s20  }
0x9e: {  	_ =	swait.ge [sflag:s22], s20  }
0x9f: {  	s3 =	ssub.s32 $0x0, s20;
	[sflag:s22] =	ssyncset.done $0x0  }
0xa0: {  	[sflag:s22] =	ssyncadd.s32 s3;
	_ =	sdelay $0x1  }
0xa1: {  	s23 =	simm.s32 $0x1B8B  }
0xa2: {  	_ =	swait.ge [sflag:s23], $0x1  }
0xa3: {  	[sflag:s23] =	ssyncset.done $0x0  }
0xa4: {  	s25 =	simm.s32 $0x1B8E;
	s24 =	sld [smem:$0x3FFE];
	[sflag:s23] =	ssyncadd.s32 $0xFFFFFFFF  }
0xa5: {  	s26 =	simm.s32 $execute0_lowered;
	[smem:$0x3FD2] =	sst s25  }
0xa6: {  	s4 =	sshll.u32 s26, $0x1;
	_ =	strace $0x80000052;
	[dreg:$0x1] =	wrdreg $0xFFFFFFFF  }
0xa7: {  	s28 =	simm.s32 $_size_execute0_lowered;
	s2 =	sadd.s32 s2, s4;
	[dreg:$0x0] =	wrdreg $0x0  }
0xa8: {  	s4 =	sshll.u32 s28, $0x1;
	[dreg:$0x2] =	wrdreg s2  }
0xa9: {  	[dreg:$0x3] =	wrdreg s4  }
0xaa: {  	[dreg:$0x4] =	wrdreg $0xC0  }
0xab: {  	_ =	task [dreg:s6], $0x5FFFF  }
0xac: {  	[dreg:$0x1] =	wrdreg $0xFFFFFFFF  }
0xad: {  	[dreg:$0x0] =	wrdreg $0x60  }
0xae: {  	[dreg:$0x2] =	wrdreg s24  }
0xaf: {  	[dreg:$0x3] =	wrdreg $0x150000  }
0xb0: {  	[dreg:$0x4] =	wrdreg $0x9  }
0xb1: {  	_ =	task.clear_ibuf [dreg:s6], $0x5FFFF;
	_ =	strace $0x90000052  }
0xb2: {  	s29 =	simm.s32 $0x9;
	_ =	strace $0x80000054  }
0xb3: {  	_ =	swait.ge [sflag:s29], $0x1  }
0xb4: {  	[sflag:s29] =	ssyncadd.s32 $0xFFFFFFFF  }
0xb5: {  	_ =	strace $0x90000054  }
0xb6: {  	_ =	sfence  }
0xb7: {  	s30 =	sld [smem:$0x0];
	_ =	sdelay $0x2  }
0xb8: {  	s31 =	sshll.u32 s1, $0xD;
	s1 =	sshrl.u32 s1, $0x2  }
0xb9: {  	s3 =	sand.u32 $0x4000, s31;
	s1 =	sadd.s32 s1, s30  }
0xba: {  	s0 =	sor.u32 s3, s0;
	s1 =	sshll.u32 s1, $0x11  }
0xbb: {  	s0 =	sor.u32 s1, s0  }
0xbc: {  	s0 =	sadd.s32 $0x8F2B, s0  }
0xbd: {  	[sflag:s0] =	ssyncadd.remote.s32 $0x1  }
0xbe: {  	_ =	sfence.sel $0xFFFF  }
0xbf: {  	[dreg:$0x0] =	wrdreg $0xFFFFFFFF;
	(pc) =	sbr.abs _section_cstart, $3  }
0xc0: {  	[dreg:$0x1] =	wrdreg $0xFFFFFFFF  }
0xc1: {  	_ =	task.clear_ibuf [dreg:s6], $0x2FFFF;
	_ =	strace $0x9FFFFFFF  }
0xc2: {  	(tm) =	ssettm $0x7FFFFFFF  }
0xc3: {  	_ =	shalt  }
tec
execute0_lowered:
.L_overlay_start_1:
0x0: {  	(tag) =	ssettag $0x1  }
0x1: {  	s0 =	rddreg [dreg:$0x0];
	s1 =	srdreg.scid  }
0x2: {  	s2 =	rddreg [dreg:$0x1];
	s7 =	stileid.u32;
	s4 =	simm.s32 $0x0  }
0x3: {  	s14 =	simm.s32 $0x80;
	s15 =	simm.s32 $0x5000;
	s16 =	simm.s32 $0x7000  }
0x4: {  	s18 =	simm.s32 $0x9000;
	s30 =	simm.s32 $0xD000;
	s20 =	simm.s32 $0xB000  }
0x5: {  	s21 =	simm.s32 $0x1;
	s22 =	simm.s32 $0xF000;
	s31 =	simm.s32 $0x11000  }
0x6: {  	s28 =	simm.s32 $0x6;
	s29 =	simm.s32 $0x8;
	s1 =	sand.u32 $0x1, s1  }
0x7: {  	s5 =	smul.u32 $0x9E00, s7;
	[smem:$0x7FF] =	sst s4;
	s8 =	sadd.s32 $0x10E00, s0  }
0x8: {  	s4 =	sadd.s32 $0x25200, s0;
	_ =	strace $0x80000053;
	[dreg:$0x5] =	wrdreg s8  }
0x9: {  	s24 =	sshll.u32 s7, $0x6;
	s3 =	sshll.u32 s1, $0x4;
	[dreg:$0x3] =	wrdreg s30  }
0xa: {  	s6 =	smul.u32 $0x9E000, s1;
	s1 =	ssub.s32 $0x2, s1;
	[dreg:$0x4] =	wrdreg s31  }
0xb: {  	s3 =	sor.u32 s7, s3;
	s23 =	sshrl.u32 s1, $0x1;
	s7 =	simm.s32 $0x0  }
0xc: {  	s3 =	smul.u32 $0x500, s3;
	s6 =	sadd.s32 s5, s6;
	s1 =	ssub.s32 s1, s23  }
0xd: {  	s5 =	sadd.s32 s5, s2;
	s6 =	sshrl.u32 s6, $0x3;
	s26 =	smax.u32 s1, $0x1  }
0xe: {  	s1 =	sshrl.u32 s5, $0x3;
	s3 =	sadd.s32 s3, s0;
	[dreg:$0xa] =	wrdreg s26  }
0xf: {  	s0 =	sadd.s32 s6, s0;
	s6 =	sor.u32 $0x1C11, s24;
	[dreg:$0xb] =	wrdreg s1  }
0x10: {  	s23 =	simm.s32 $0x2;
	s25 =	sadd.s32 $0x1B200, s3;
	[dreg:$0x6] =	wrdreg s6  }
0x11: {  	s24 =	simm.s32 $0x3;
	s3 =	sadd.s32 $0x6E00, s3;
	[dreg:$0x7] =	wrdreg s25  }
0x12: {  	s26 =	simm.s32 $0x4;
	s0 =	sadd.s32 $0x38C00, s0;
	[dreg:$0x8] =	wrdreg s3  }
0x13: {  	[dreg:$0x9] =	wrdreg s0;
	s3 =	simm.s32 $0x11;
	s25 =	simm.s32 $0x13000  }
.LBB2_1:
0x14: {  	s0 =	rddreg [dreg:$0x5]  }
0x15: {  	[spmem:s1], [sflag:s6] =	dma.local [hbm:s0], $0x13C0  }
0x16: {  	_ =	swait.ge [sflag:s3], $0x13C0  }
0x17: {  	[sflag:s3] =	ssyncset.done $0x0  }
0x18: {  	s19 =	simm.s32 $0x0;
	s30 =	rddreg [dreg:$0x7];
	[sflag:s3] =	ssyncadd.s32 $0xFFFFEC40  }
0x19: {  	[tilespmem:s19], [sflag:$0x11] =	stream.linear.gather [hbm4b:s30+s19], $0x2800, $0x38;
	[tilespmem:$0x1EE00] =	vst v63  }
0x1a: {  	_ =	swait.ge [sflag:s3], $0x2800  }
0x1b: {  	[sflag:s3] =	ssyncset.done $0x0  }
0x1c: {  	s5 =	simm.s32 $0x2800;
	s31 =	rddreg [dreg:$0x8];
	[sflag:s3] =	ssyncadd.s32 $0xFFFFD800  }
0x1d: {  	[tilespmem:s5], [sflag:$0x11] =	stream.linear.gather [hbm4b:s31+s19], $0x2800, $0x38;
	[tilespmem:$0x1EE00] =	vst v63  }
0x1e: {  	_ =	swait.ge [sflag:s3], $0x2800  }
0x1f: {  	[sflag:s3] =	ssyncset.done $0x0  }
0x20: {  	[sflag:s3] =	ssyncadd.s32 $0xFFFFD800  }
0x21: {  	[tilespmem:s15], [sflag:$0x1] =	stream.indirect.gather [hbm4b:s4+s14], $0x40, s19, s14, $0xb8;
	[tilespmem:$0x1EE00] =	vst v63  }
0x22: {  	_ = 	snop  }
0x23: {  	[tilespmem:s16], [sflag:$0x2] =	stream.indirect.gather [hbm4b:s4+s14], $0x40, s14, s14, $0xb8;
	[tilespmem:$0x1EE00] =	vst v63  }
0x24: {  	s3 =	simm.s32 $0x100  }
0x25: {  	[tilespmem:s18], [sflag:$0x3] =	stream.indirect.gather [hbm4b:s4+s14], $0x40, s3, s14, $0xb8;
	[tilespmem:$0x1EE00] =	vst v63  }
0x26: {  	p0 =	por $0x1, $0x1;
	s5 =	simm.s32 $0x180  }
0x27: {  	[tilespmem:s20], [sflag:$0x4] =	stream.indirect.gather [hbm4b:s4+s14], $0x40, s5, s14, $0xb8;
	[tilespmem:$0x1EE00] =	vst v63  }
0x28: {  	s0 =	simm.s32 @!p0 $0xD;
	[bflag:$0x0] =	sbarrier.arrive $0xFFFF  }
0x29: {  	_ =	swait.ge @!p0 [sflag:s0], $0x2000  }
0x2a: {  	[sflag:s0] =	ssyncset.done @!p0 $0x0  }
0x2b: {  	s8 =	simm.s32 $0x200;
	s6 =	rddreg [dreg:$0x3];
	[sflag:s0] =	ssyncadd.s32 @!p0 $0xFFFFE000  }
0x2c: {  	[tilespmem:s6], [sflag:$0x5] =	stream.indirect.gather [hbm4b:s4+s14], $0x40, s8, s14, $0xb8;
	[tilespmem:$0x1EE00] =	vst v63  }
0x2d: {  	_ =	swait.ge [sflag:s21], $0x2000  }
0x2e: {  	[sflag:s21] =	ssyncset.done $0x0  }
0x2f: {  	s9 =	simm.s32 $0x2800;
	s1 =	simm.s32 @!p0 $0xE;
	[sflag:s21] =	ssyncadd.s32 $0xFFFFE000  }
0x30: {  	[spmem:s2] =	stream.indirect.scatter.add.f32 [tilespmem:s15], [sflag:$0x9], $0x40, s9, s14, $0xb8;
	[tilespmem:$0x1EE00] =	vst v63  }
0x31: {  	_ =	swait.ge @!p0 [sflag:s1], $0x2000  }
0x32: {  	[sflag:s1] =	ssyncset.done @!p0 $0x0  }
0x33: {  	s10 =	simm.s32 $0x280;
	[sflag:s1] =	ssyncadd.s32 @!p0 $0xFFFFE000  }
0x34: {  	[tilespmem:s22], [sflag:$0x6] =	stream.indirect.gather [hbm4b:s4+s14], $0x40, s10, s14, $0xb8;
	[tilespmem:$0x1EE00] =	vst v63  }
0x35: {  	_ =	swait.ge [sflag:s23], $0x2000  }
0x36: {  	[sflag:s23] =	ssyncset.done $0x0  }
0x37: {  	s11 =	simm.s32 $0x2880;
	s1 =	simm.s32 @!p0 $0xF;
	[sflag:s23] =	ssyncadd.s32 $0xFFFFE000  }
0x38: {  	[spmem:s2] =	stream.indirect.scatter.add.f32 [tilespmem:s16], [sflag:$0xA], $0x40, s11, s14, $0xb8;
	[tilespmem:$0x1EE00] =	vst v63  }
0x39: {  	_ =	swait.ge @!p0 [sflag:s1], $0x2000  }
0x3a: {  	[sflag:s1] =	ssyncset.done @!p0 $0x0  }
0x3b: {  	s13 =	simm.s32 $0x300;
	s12 =	rddreg [dreg:$0x4];
	[sflag:s1] =	ssyncadd.s32 @!p0 $0xFFFFE000  }
0x3c: {  	[tilespmem:s12], [sflag:$0x7] =	stream.indirect.gather [hbm4b:s4+s14], $0x40, s13, s14, $0xb8;
	[tilespmem:$0x1EE00] =	vst v63  }
0x3d: {  	_ =	swait.ge [sflag:s24], $0x2000  }
0x3e: {  	[sflag:s24] =	ssyncset.done $0x0  }
0x3f: {  	s17 =	simm.s32 $0x2900;
	s1 =	simm.s32 @!p0 $0x10;
	[sflag:s24] =	ssyncadd.s32 $0xFFFFE000  }
0x40: {  	[spmem:s2] =	stream.indirect.scatter.add.f32 [tilespmem:s18], [sflag:$0xB], $0x40, s17, s14, $0xb8;
	[tilespmem:$0x1EE00] =	vst v63  }
0x41: {  	_ =	swait.ge @!p0 [sflag:s1], $0x2000  }
0x42: {  	[sflag:s1] =	ssyncset.done @!p0 $0x0  }
0x43: {  	s19 =	simm.s32 $0x380;
	[sflag:s1] =	ssyncadd.s32 @!p0 $0xFFFFE000  }
0x44: {  	[tilespmem:s25], [sflag:$0x8] =	stream.indirect.gather [hbm4b:s4+s14], $0x40, s19, s14, $0xb8;
	[tilespmem:$0x1EE00] =	vst v63  }
0x45: {  	_ =	swait.ge [sflag:s26], $0x2000  }
0x46: {  	p0 =	por $0x0, $0x0;
	[sflag:s26] =	ssyncset.done $0x0  }
0x47: {  	s30 =	simm.s32 $0x2980;
	s1 =	simm.s32 @p0 $0x5;
	[sflag:s26] =	ssyncadd.s32 $0xFFFFE000  }
0x48: {  	[spmem:s2] =	stream.indirect.scatter.add.f32 [tilespmem:s20], [sflag:$0xC], $0x40, s30, s14, $0xb8;
	[tilespmem:$0x1EE00] =	vst v63  }
0x49: {  	_ =	swait.ge @p0 [sflag:s1], $0x2000  }
0x4a: {  	s0 =	simm.s32 @p0 $0x2A00;
	s3 =	simm.s32 @p0 $0x80;
	[sflag:s1] =	ssyncset.done @p0 $0x0  }
0x4b: {  	s8 =	simm.s32 @p0 $0xD000;
	[sflag:s1] =	ssyncadd.s32 @p0 $0xFFFFE000;
	s1 =	simm.s32 @!p0 $0x9  }
0x4c: {  	[spmem:s2] =	stream.indirect.scatter.add.f32 @p0 [tilespmem:s8], [sflag:$0xD], $0x40, s0, s3, $0xb8;
	[tilespmem:$0x1EE00] =	vst v63  }
0x4d: {  	_ =	swait.ge @!p0 [sflag:s1], $0x2000  }
0x4e: {  	s0 =	simm.s32 @!p0 $0x400;
	[sflag:s1] =	ssyncset.done @!p0 $0x0  }
0x4f: {  	s8 =	simm.s32 @!p0 $0x80;
	[sflag:s1] =	ssyncadd.s32 @!p0 $0xFFFFE000;
	s1 =	simm.s32 @!p0 $0x5000  }
0x50: {  	[tilespmem:s1], [sflag:$0x1] =	stream.indirect.gather @!p0 [hbm4b:s4+s8], $0x40, s0, s8, $0xb8;
	[tilespmem:$0x1EE00] =	vst v63  }
0x51: {  	s0 =	simm.s32 @!p0 $0x5  }
0x52: {  	_ =	swait.ge @!p0 [sflag:s0], $0x2000  }
0x53: {  	[sflag:s0] =	ssyncset.done @!p0 $0x0  }
0x54: {  	s1 =	simm.s32 @!p0 $0x2A00;
	[sflag:s0] =	ssyncadd.s32 @!p0 $0xFFFFE000;
	s0 =	simm.s32 @!p0 $0xD000  }
0x55: {  	[spmem:s2] =	stream.indirect.scatter.add.f32 @!p0 [tilespmem:s0], [sflag:$0xD], $0x40, s1, s8, $0xb8;
	[tilespmem:$0x1EE00] =	vst v63  }
0x56: {  	s0 =	simm.s32 @!p0 $0xA  }
0x57: {  	_ =	swait.ge @!p0 [sflag:s0], $0x2000  }
0x58: {  	[sflag:s0] =	ssyncset.done @!p0 $0x0  }
0x59: {  	s1 =	simm.s32 @!p0 $0x480;
	[sflag:s0] =	ssyncadd.s32 @!p0 $0xFFFFE000;
	s0 =	simm.s32 @!p0 $0x7000  }
0x5a: {  	[tilespmem:s0], [sflag:$0x2] =	stream.indirect.gather @!p0 [hbm4b:s4+s8], $0x40, s1, s8, $0xb8;
	[tilespmem:$0x1EE00] =	vst v63  }
0x5b: {  	_ =	swait.ge [sflag:s28], $0x2000  }
0x5c: {  	[sflag:s28] =	ssyncset.done $0x0  }
0x5d: {  	s31 =	simm.s32 $0x2A80;
	s1 =	simm.s32 @p0 $0x7;
	[sflag:s28] =	ssyncadd.s32 $0xFFFFE000  }
0x5e: {  	[spmem:s2] =	stream.indirect.scatter.add.f32 [tilespmem:s22], [sflag:$0xE], $0x40, s31, s14, $0xb8;
	[tilespmem:$0x1EE00] =	vst v63  }
0x5f: {  	_ =	swait.ge @p0 [sflag:s1], $0x2000  }
0x60: {  	[sflag:s1] =	ssyncset.done @p0 $0x0  }
0x61: {  	s0 =	simm.s32 @p0 $0x2B00;
	[sflag:s1] =	ssyncadd.s32 @p0 $0xFFFFE000;
	s1 =	simm.s32 @p0 $0x11000  }
0x62: {  	[spmem:s2] =	stream.indirect.scatter.add.f32 @p0 [tilespmem:s1], [sflag:$0xF], $0x40, s0, s3, $0xb8;
	[tilespmem:$0x1EE00] =	vst v63  }
0x63: {  	s0 =	simm.s32 @!p0 $0xB  }
0x64: {  	_ =	swait.ge @!p0 [sflag:s0], $0x2000  }
0x65: {  	[sflag:s0] =	ssyncset.done @!p0 $0x0  }
0x66: {  	s1 =	simm.s32 @!p0 $0x500;
	[sflag:s0] =	ssyncadd.s32 @!p0 $0xFFFFE000;
	s0 =	simm.s32 @!p0 $0x9000  }
0x67: {  	[tilespmem:s0], [sflag:$0x3] =	stream.indirect.gather @!p0 [hbm4b:s4+s8], $0x40, s1, s8, $0xb8;
	[tilespmem:$0x1EE00] =	vst v63  }
0x68: {  	s0 =	simm.s32 @!p0 $0x7  }
0x69: {  	_ =	swait.ge @!p0 [sflag:s0], $0x2000  }
0x6a: {  	[sflag:s0] =	ssyncset.done @!p0 $0x0  }
0x6b: {  	s1 =	simm.s32 @!p0 $0x2B00;
	[sflag:s0] =	ssyncadd.s32 @!p0 $0xFFFFE000;
	s0 =	simm.s32 @!p0 $0x11000  }
0x6c: {  	[spmem:s2] =	stream.indirect.scatter.add.f32 @!p0 [tilespmem:s0], [sflag:$0xF], $0x40, s1, s8, $0xb8;
	[tilespmem:$0x1EE00] =	vst v63  }
0x6d: {  	s0 =	simm.s32 @!p0 $0xC  }
0x6e: {  	_ =	swait.ge @!p0 [sflag:s0], $0x2000  }
0x6f: {  	p1 =	por $0x0, $0x0;
	s9 =	simm.s32 $0x2000;
	[sflag:s0] =	ssyncset.done @!p0 $0x0  }
0x70: {  	s1 =	simm.s32 @!p0 $0x580;
	[sflag:s0] =	ssyncadd.s32 @!p0 $0xFFFFE000;
	s0 =	simm.s32 @!p0 $0xB000  }
0x71: {  	[tilespmem:s0], [sflag:$0x4] =	stream.indirect.gather @!p0 [hbm4b:s4+s8], $0x40, s1, s8, $0xb8;
	[tilespmem:$0x1EE00] =	vst v63  }
0x72: {  	s10 =	simm.s32 $0x2B80;
	s8 =	simm.s32 $0x1000;
	_ =	swait.ge [sflag:s29], $0x2000  }
.LBB2_2:
0x73: {  	[sflag:s29] =	ssyncset.done $0x0  }
0x74: {  	s0 =	simm.s32 @!p1 $0xD;
	[sflag:s29] =	ssyncadd.s32 $0xFFFFE000  }
0x75: {  	[spmem:s2] =	stream.indirect.scatter.add.f32 [tilespmem:s25], [sflag:$0x10], $0x40, s10, s14, $0xb8;
	[tilespmem:$0x1EE00] =	vst v63  }
0x76: {  	_ =	swait.ge @!p1 [sflag:s0], $0x2000  }
0x77: {  	s3 =	sshra.s32 s8, $0x2;
	[sflag:s0] =	ssyncset.done @!p1 $0x0  }
0x78: {  	s31 =	sadd.s32 $0x200, s3;
	s1 =	rddreg [dreg:$0x3];
	[sflag:s0] =	ssyncadd.s32 @!p1 $0xFFFFE000  }
0x79: {  	[tilespmem:s1], [sflag:$0x5] =	stream.indirect.gather [hbm4b:s4+s14], $0x40, s31, s14, $0xb8;
	[tilespmem:$0x1EE00] =	vst v63  }
0x7a: {  	_ =	swait.ge [sflag:s21], $0x2000  }
0x7b: {  	[sflag:s21] =	ssyncset.done $0x0  }
0x7c: {  	s5 =	sadd.s32 $0x2800, s3;
	s1 =	simm.s32 @!p1 $0xE;
	[sflag:s21] =	ssyncadd.s32 $0xFFFFE000  }
0x7d: {  	[spmem:s2] =	stream.indirect.scatter.add.f32 [tilespmem:s15], [sflag:$0x9], $0x40, s5, s14, $0xb8;
	[tilespmem:$0x1EE00] =	vst v63  }
0x7e: {  	_ =	swait.ge @!p1 [sflag:s1], $0x2000  }
0x7f: {  	[sflag:s1] =	ssyncset.done @!p1 $0x0  }
0x80: {  	s6 =	sadd.s32 $0x280, s3;
	[sflag:s1] =	ssyncadd.s32 @!p1 $0xFFFFE000  }
0x81: {  	[tilespmem:s22], [sflag:$0x6] =	stream.indirect.gather [hbm4b:s4+s14], $0x40, s6, s14, $0xb8;
	[tilespmem:$0x1EE00] =	vst v63  }
0x82: {  	_ =	swait.ge [sflag:s23], $0x2000  }
0x83: {  	[sflag:s23] =	ssyncset.done $0x0  }
0x84: {  	s11 =	sadd.s32 $0x2880, s3;
	s1 =	simm.s32 @!p1 $0xF;
	[sflag:s23] =	ssyncadd.s32 $0xFFFFE000  }
0x85: {  	[spmem:s2] =	stream.indirect.scatter.add.f32 [tilespmem:s16], [sflag:$0xA], $0x40, s11, s14, $0xb8;
	[tilespmem:$0x1EE00] =	vst v63  }
0x86: {  	_ =	swait.ge @!p1 [sflag:s1], $0x2000  }
0x87: {  	[sflag:s1] =	ssyncset.done @!p1 $0x0  }
0x88: {  	s13 =	sadd.s32 $0x300, s3;
	s12 =	rddreg [dreg:$0x4];
	[sflag:s1] =	ssyncadd.s32 @!p1 $0xFFFFE000  }
0x89: {  	[tilespmem:s12], [sflag:$0x7] =	stream.indirect.gather [hbm4b:s4+s14], $0x40, s13, s14, $0xb8;
	[tilespmem:$0x1EE00] =	vst v63  }
0x8a: {  	_ =	swait.ge [sflag:s24], $0x2000  }
0x8b: {  	[sflag:s24] =	ssyncset.done $0x0  }
0x8c: {  	s17 =	sadd.s32 $0x2900, s3;
	s1 =	simm.s32 @!p1 $0x10;
	[sflag:s24] =	ssyncadd.s32 $0xFFFFE000  }
0x8d: {  	[spmem:s2] =	stream.indirect.scatter.add.f32 [tilespmem:s18], [sflag:$0xB], $0x40, s17, s14, $0xb8;
	[tilespmem:$0x1EE00] =	vst v63  }
0x8e: {  	_ =	swait.ge @!p1 [sflag:s1], $0x2000  }
0x8f: {  	[sflag:s1] =	ssyncset.done @!p1 $0x0  }
0x90: {  	s19 =	sadd.s32 $0x380, s3;
	[sflag:s1] =	ssyncadd.s32 @!p1 $0xFFFFE000  }
0x91: {  	[tilespmem:s25], [sflag:$0x8] =	stream.indirect.gather [hbm4b:s4+s14], $0x40, s19, s14, $0xb8;
	[tilespmem:$0x1EE00] =	vst v63  }
0x92: {  	_ =	swait.ge [sflag:s26], $0x2000  }
0x93: {  	p1 =	seq.s32 s8, $0x9000;
	[sflag:s26] =	ssyncset.done $0x0  }
0x94: {  	s31 =	sadd.s32 $0x2980, s3;
	s1 =	simm.s32 @p1 $0x5;
	[sflag:s26] =	ssyncadd.s32 $0xFFFFE000  }
0x95: {  	[spmem:s2] =	stream.indirect.scatter.add.f32 [tilespmem:s20], [sflag:$0xC], $0x40, s31, s14, $0xb8;
	[tilespmem:$0x1EE00] =	vst v63  }
0x96: {  	s13 =	sshra.s32 @p1 s8, $0x2;
	_ =	swait.ge @p1 [sflag:s1], $0x2000  }
0x97: {  	s0 =	simm.s32 @p1 $0x80;
	s17 =	simm.s32 @p1 $0xD000;
	[sflag:s1] =	ssyncset.done @p1 $0x0  }
0x98: {  	s31 =	sadd.s32 @p1 $0x2A00, s13;
	[sflag:s1] =	ssyncadd.s32 @p1 $0xFFFFE000;
	s1 =	simm.s32 @!p1 $0x9  }
0x99: {  	[spmem:s2] =	stream.indirect.scatter.add.f32 @p1 [tilespmem:s17], [sflag:$0xD], $0x40, s31, s0, $0xb8;
	[tilespmem:$0x1EE00] =	vst v63  }
0x9a: {  	s8 =	sshra.s32 @!p1 s8, $0x2;
	_ =	swait.ge @!p1 [sflag:s1], $0x2000  }
0x9b: {  	s6 =	simm.s32 @!p1 $0x5000;
	s11 =	simm.s32 @!p1 $0x5;
	[sflag:s1] =	ssyncset.done @!p1 $0x0  }
0x9c: {  	s19 =	sadd.s32 @!p1 $0x400, s8;
	s31 =	simm.s32 @!p1 $0x80;
	[sflag:s1] =	ssyncadd.s32 @!p1 $0xFFFFE000  }
0x9d: {  	[tilespmem:s6], [sflag:$0x1] =	stream.indirect.gather @!p1 [hbm4b:s4+s31], $0x40, s19, s31, $0xb8;
	[tilespmem:$0x1EE00] =	vst v63  }
0x9e: {  	_ =	swait.ge @!p1 [sflag:s11], $0x2000  }
0x9f: {  	s12 =	simm.s32 @!p1 $0xD000;
	[sflag:s11] =	ssyncset.done @!p1 $0x0  }
0xa0: {  	s17 =	sadd.s32 @!p1 $0x2A00, s8;
	[sflag:s11] =	ssyncadd.s32 @!p1 $0xFFFFE000;
	s11 =	simm.s32 @!p1 $0xA  }
0xa1: {  	[spmem:s2] =	stream.indirect.scatter.add.f32 @!p1 [tilespmem:s12], [sflag:$0xD], $0x40, s17, s31, $0xb8;
	[tilespmem:$0x1EE00] =	vst v63  }
0xa2: {  	_ =	swait.ge @!p1 [sflag:s11], $0x2000  }
0xa3: {  	[sflag:s11] =	ssyncset.done @!p1 $0x0  }
0xa4: {  	s5 =	sadd.s32 @!p1 $0x480, s8;
	s12 =	simm.s32 @!p1 $0x7000;
	[sflag:s11] =	ssyncadd.s32 @!p1 $0xFFFFE000  }
0xa5: {  	[tilespmem:s12], [sflag:$0x2] =	stream.indirect.gather @!p1 [hbm4b:s4+s31], $0x40, s5, s31, $0xb8;
	[tilespmem:$0x1EE00] =	vst v63  }
0xa6: {  	_ =	swait.ge [sflag:s28], $0x2000  }
0xa7: {  	s10 =	sadd.s32 $0x2B80, s3;
	[sflag:s28] =	ssyncset.done $0x0  }
0xa8: {  	s3 =	sadd.s32 $0x2A80, s3;
	s5 =	simm.s32 @p1 $0x7;
	[sflag:s28] =	ssyncadd.s32 $0xFFFFE000  }
0xa9: {  	[spmem:s2] =	stream.indirect.scatter.add.f32 [tilespmem:s22], [sflag:$0xE], $0x40, s3, s14, $0xb8;
	[tilespmem:$0x1EE00] =	vst v63  }
0xaa: {  	_ =	swait.ge @p1 [sflag:s5], $0x2000  }
0xab: {  	s13 =	sadd.s32 @p1 $0x2B00, s13;
	[sflag:s5] =	ssyncset.done @p1 $0x0  }
0xac: {  	s3 =	simm.s32 @p1 $0x11000;
	[sflag:s5] =	ssyncadd.s32 @p1 $0xFFFFE000;
	s5 =	simm.s32 @!p1 $0xB  }
0xad: {  	[spmem:s2] =	stream.indirect.scatter.add.f32 @p1 [tilespmem:s3], [sflag:$0xF], $0x40, s13, s0, $0xb8;
	[tilespmem:$0x1EE00] =	vst v63  }
0xae: {  	_ =	swait.ge @!p1 [sflag:s5], $0x2000  }
0xaf: {  	s6 =	sadd.s32 @!p1 $0x500, s8;
	[sflag:s5] =	ssyncset.done @!p1 $0x0  }
0xb0: {  	s0 =	simm.s32 @!p1 $0x9000;
	s3 =	simm.s32 @!p1 $0x7;
	[sflag:s5] =	ssyncadd.s32 @!p1 $0xFFFFE000  }
0xb1: {  	[tilespmem:s0], [sflag:$0x3] =	stream.indirect.gather @!p1 [hbm4b:s4+s31], $0x40, s6, s31, $0xb8;
	[tilespmem:$0x1EE00] =	vst v63  }
0xb2: {  	s30 =	smov.u32 s9;
	s9 =	sadd.s32 $0x1000, s9;
	_ =	swait.ge @!p1 [sflag:s3], $0x2000  }
0xb3: {  	p0 =	sne.s32 s9, $0xA000;
	s19 =	sadd.s32 @!p1 $0x2B00, s8;
	[sflag:s3] =	ssyncset.done @!p1 $0x0  }
0xb4: {  	s0 =	simm.s32 @!p1 $0x11000;
	[sflag:s3] =	ssyncadd.s32 @!p1 $0xFFFFE000;
	s3 =	simm.s32 @!p1 $0xC  }
0xb5: {  	[spmem:s2] =	stream.indirect.scatter.add.f32 @!p1 [tilespmem:s0], [sflag:$0xF], $0x40, s19, s31, $0xb8;
	[tilespmem:$0x1EE00] =	vst v63  }
.Ltmp0:
0xb6: {  	_ =	swait.ge @!p1 [sflag:s3], $0x2000;
	(pc) =	sbr.rel @p0 .LBB2_2-.Ltmp0, $4  }
0xb7: {  	s1 =	sadd.s32 @!p1 $0x580, s8;
	[sflag:s3] =	ssyncset.done @!p1 $0x0  }
0xb8: {  	s8 =	smov.u32 s30;
	s0 =	simm.s32 @!p1 $0xB000;
	[sflag:s3] =	ssyncadd.s32 @!p1 $0xFFFFE000  }
0xb9: {  	[tilespmem:s0], [sflag:$0x4] =	stream.indirect.gather @!p1 [hbm4b:s4+s31], $0x40, s1, s31, $0xb8;
	[tilespmem:$0x1EE00] =	vst v63  }
0xba: {  	p1 =	seq.s32 s8, $0x0;
	_ =	swait.ge [sflag:s29], $0x2000  }
0xbb: {  	[sflag:s29] =	ssyncset.done $0x0  }
0xbc: {  	s0 =	simm.s32 @!p1 $0xD;
	[sflag:s29] =	ssyncadd.s32 $0xFFFFE000  }
0xbd: {  	[spmem:s2] =	stream.indirect.scatter.add.f32 [tilespmem:s25], [sflag:$0x10], $0x40, s10, s14, $0xb8;
	[tilespmem:$0x1EE00] =	vst v63  }
0xbe: {  	_ =	swait.ge @!p1 [sflag:s0], $0x2000  }
0xbf: {  	s3 =	sshra.s32 s8, $0x2;
	[sflag:s0] =	ssyncset.done @!p1 $0x0  }
0xc0: {  	s6 =	sadd.s32 $0x200, s3;
	s1 =	rddreg [dreg:$0x3];
	[sflag:s0] =	ssyncadd.s32 @!p1 $0xFFFFE000  }
0xc1: {  	[tilespmem:s1], [sflag:$0x5] =	stream.indirect.gather [hbm4b:s4+s14], $0x40, s6, s14, $0xb8;
	[tilespmem:$0x1EE00] =	vst v63  }
0xc2: {  	_ =	swait.ge [sflag:s21], $0x2000  }
0xc3: {  	[sflag:s21] =	ssyncset.done $0x0  }
0xc4: {  	s9 =	sadd.s32 $0x2800, s3;
	s1 =	simm.s32 @!p1 $0xE;
	[sflag:s21] =	ssyncadd.s32 $0xFFFFE000  }
0xc5: {  	[spmem:s2] =	stream.indirect.scatter.add.f32 [tilespmem:s15], [sflag:$0x9], $0x40, s9, s14, $0xb8;
	[tilespmem:$0x1EE00] =	vst v63  }
0xc6: {  	_ =	swait.ge @!p1 [sflag:s1], $0x2000  }
0xc7: {  	[sflag:s1] =	ssyncset.done @!p1 $0x0  }
0xc8: {  	s10 =	sadd.s32 $0x280, s3;
	[sflag:s1] =	ssyncadd.s32 @!p1 $0xFFFFE000  }
0xc9: {  	[tilespmem:s22], [sflag:$0x6] =	stream.indirect.gather [hbm4b:s4+s14], $0x40, s10, s14, $0xb8;
	[tilespmem:$0x1EE00] =	vst v63  }
0xca: {  	_ =	swait.ge [sflag:s23], $0x2000  }
0xcb: {  	[sflag:s23] =	ssyncset.done $0x0  }
0xcc: {  	s11 =	sadd.s32 $0x2880, s3;
	s1 =	simm.s32 @!p1 $0xF;
	[sflag:s23] =	ssyncadd.s32 $0xFFFFE000  }
0xcd: {  	[spmem:s2] =	stream.indirect.scatter.add.f32 [tilespmem:s16], [sflag:$0xA], $0x40, s11, s14, $0xb8;
	[tilespmem:$0x1EE00] =	vst v63  }
0xce: {  	_ =	swait.ge @!p1 [sflag:s1], $0x2000  }
0xcf: {  	[sflag:s1] =	ssyncset.done @!p1 $0x0  }
0xd0: {  	s13 =	sadd.s32 $0x300, s3;
	s12 =	rddreg [dreg:$0x4];
	[sflag:s1] =	ssyncadd.s32 @!p1 $0xFFFFE000  }
0xd1: {  	[tilespmem:s12], [sflag:$0x7] =	stream.indirect.gather [hbm4b:s4+s14], $0x40, s13, s14, $0xb8;
	[tilespmem:$0x1EE00] =	vst v63  }
0xd2: {  	_ =	swait.ge [sflag:s24], $0x2000  }
0xd3: {  	[sflag:s24] =	ssyncset.done $0x0  }
0xd4: {  	s17 =	sadd.s32 $0x2900, s3;
	s1 =	simm.s32 @!p1 $0x10;
	[sflag:s24] =	ssyncadd.s32 $0xFFFFE000  }
0xd5: {  	[spmem:s2] =	stream.indirect.scatter.add.f32 [tilespmem:s18], [sflag:$0xB], $0x40, s17, s14, $0xb8;
	[tilespmem:$0x1EE00] =	vst v63  }
0xd6: {  	_ =	swait.ge @!p1 [sflag:s1], $0x2000  }
0xd7: {  	[sflag:s1] =	ssyncset.done @!p1 $0x0  }
0xd8: {  	s19 =	sadd.s32 $0x380, s3;
	[sflag:s1] =	ssyncadd.s32 @!p1 $0xFFFFE000  }
0xd9: {  	[tilespmem:s25], [sflag:$0x8] =	stream.indirect.gather [hbm4b:s4+s14], $0x40, s19, s14, $0xb8;
	[tilespmem:$0x1EE00] =	vst v63  }
0xda: {  	_ =	swait.ge [sflag:s26], $0x2000  }
0xdb: {  	p0 =	seq.s32 s8, $0x9000;
	[sflag:s26] =	ssyncset.done $0x0  }
0xdc: {  	s30 =	sadd.s32 $0x2980, s3;
	s1 =	simm.s32 @p0 $0x5;
	[sflag:s26] =	ssyncadd.s32 $0xFFFFE000  }
0xdd: {  	[spmem:s2] =	stream.indirect.scatter.add.f32 [tilespmem:s20], [sflag:$0xC], $0x40, s30, s14, $0xb8;
	[tilespmem:$0x1EE00] =	vst v63  }
0xde: {  	s0 =	sshra.s32 @p0 s8, $0x2;
	_ =	swait.ge @p0 [sflag:s1], $0x2000  }
0xdf: {  	s5 =	sadd.s32 @p0 $0x2A00, s0;
	s6 =	simm.s32 @p0 $0x80;
	[sflag:s1] =	ssyncset.done @p0 $0x0  }
0xe0: {  	s9 =	simm.s32 @p0 $0xD000;
	[sflag:s1] =	ssyncadd.s32 @p0 $0xFFFFE000;
	s1 =	simm.s32 @!p0 $0x9  }
0xe1: {  	[spmem:s2] =	stream.indirect.scatter.add.f32 @p0 [tilespmem:s9], [sflag:$0xD], $0x40, s5, s6, $0xb8;
	[tilespmem:$0x1EE00] =	vst v63  }
0xe2: {  	_ =	swait.ge @!p0 [sflag:s1], $0x2000  }
0xe3: {  	s5 =	sshra.s32 @!p0 s8, $0x2;
	s9 =	simm.s32 @!p0 $0x80;
	[sflag:s1] =	ssyncset.done @!p0 $0x0  }
0xe4: {  	s8 =	sadd.s32 @!p0 $0x400, s5;
	[sflag:s1] =	ssyncadd.s32 @!p0 $0xFFFFE000;
	s1 =	simm.s32 @!p0 $0x5000  }
0xe5: {  	[tilespmem:s1], [sflag:$0x1] =	stream.indirect.gather @!p0 [hbm4b:s4+s9], $0x40, s8, s9, $0xb8;
	[tilespmem:$0x1EE00] =	vst v63  }
0xe6: {  	s1 =	simm.s32 @!p0 $0x5  }
0xe7: {  	_ =	swait.ge @!p0 [sflag:s1], $0x2000  }
0xe8: {  	[sflag:s1] =	ssyncset.done @!p0 $0x0  }
0xe9: {  	s8 =	sadd.s32 @!p0 $0x2A00, s5;
	[sflag:s1] =	ssyncadd.s32 @!p0 $0xFFFFE000;
	s1 =	simm.s32 @!p0 $0xD000  }
0xea: {  	[spmem:s2] =	stream.indirect.scatter.add.f32 @!p0 [tilespmem:s1], [sflag:$0xD], $0x40, s8, s9, $0xb8;
	[tilespmem:$0x1EE00] =	vst v63  }
0xeb: {  	s1 =	simm.s32 @!p0 $0xA  }
0xec: {  	_ =	swait.ge @!p0 [sflag:s1], $0x2000  }
0xed: {  	[sflag:s1] =	ssyncset.done @!p0 $0x0  }
0xee: {  	s8 =	sadd.s32 @!p0 $0x480, s5;
	[sflag:s1] =	ssyncadd.s32 @!p0 $0xFFFFE000;
	s1 =	simm.s32 @!p0 $0x7000  }
0xef: {  	[tilespmem:s1], [sflag:$0x2] =	stream.indirect.gather @!p0 [hbm4b:s4+s9], $0x40, s8, s9, $0xb8;
	[tilespmem:$0x1EE00] =	vst v63  }
0xf0: {  	_ =	swait.ge [sflag:s28], $0x2000  }
0xf1: {  	[sflag:s28] =	ssyncset.done $0x0  }
0xf2: {  	s31 =	sadd.s32 $0x2A80, s3;
	s1 =	simm.s32 @p0 $0x7;
	[sflag:s28] =	ssyncadd.s32 $0xFFFFE000  }
0xf3: {  	[spmem:s2] =	stream.indirect.scatter.add.f32 [tilespmem:s22], [sflag:$0xE], $0x40, s31, s14, $0xb8;
	[tilespmem:$0x1EE00] =	vst v63  }
0xf4: {  	_ =	swait.ge @p0 [sflag:s1], $0x2000  }
0xf5: {  	[sflag:s1] =	ssyncset.done @p0 $0x0  }
0xf6: {  	s0 =	sadd.s32 @p0 $0x2B00, s0;
	[sflag:s1] =	ssyncadd.s32 @p0 $0xFFFFE000;
	s1 =	simm.s32 @p0 $0x11000  }
0xf7: {  	[spmem:s2] =	stream.indirect.scatter.add.f32 @p0 [tilespmem:s1], [sflag:$0xF], $0x40, s0, s6, $0xb8;
	[tilespmem:$0x1EE00] =	vst v63  }
0xf8: {  	s0 =	simm.s32 @!p0 $0xB  }
0xf9: {  	_ =	swait.ge @!p0 [sflag:s0], $0x2000  }
0xfa: {  	[sflag:s0] =	ssyncset.done @!p0 $0x0  }
0xfb: {  	s1 =	sadd.s32 @!p0 $0x500, s5;
	[sflag:s0] =	ssyncadd.s32 @!p0 $0xFFFFE000;
	s0 =	simm.s32 @!p0 $0x9000  }
0xfc: {  	[tilespmem:s0], [sflag:$0x3] =	stream.indirect.gather @!p0 [hbm4b:s4+s9], $0x40, s1, s9, $0xb8;
	[tilespmem:$0x1EE00] =	vst v63  }
0xfd: {  	s0 =	simm.s32 @!p0 $0x7  }
0xfe: {  	_ =	swait.ge @!p0 [sflag:s0], $0x2000  }
0xff: {  	[sflag:s0] =	ssyncset.done @!p0 $0x0  }
0x100: {  	s1 =	sadd.s32 @!p0 $0x2B00, s5;
	[sflag:s0] =	ssyncadd.s32 @!p0 $0xFFFFE000;
	s0 =	simm.s32 @!p0 $0x11000  }
0x101: {  	[spmem:s2] =	stream.indirect.scatter.add.f32 @!p0 [tilespmem:s0], [sflag:$0xF], $0x40, s1, s9, $0xb8;
	[tilespmem:$0x1EE00] =	vst v63  }
0x102: {  	s0 =	simm.s32 @!p0 $0xC  }
0x103: {  	_ =	swait.ge @!p0 [sflag:s0], $0x2000  }
0x104: {  	[sflag:s0] =	ssyncset.done @!p0 $0x0  }
0x105: {  	s1 =	sadd.s32 @!p0 $0x580, s5;
	[sflag:s0] =	ssyncadd.s32 @!p0 $0xFFFFE000;
	s0 =	simm.s32 @!p0 $0xB000  }
0x106: {  	[tilespmem:s0], [sflag:$0x4] =	stream.indirect.gather @!p0 [hbm4b:s4+s9], $0x40, s1, s9, $0xb8;
	[tilespmem:$0x1EE00] =	vst v63  }
0x107: {  	_ =	swait.ge [sflag:s29], $0x2000  }
0x108: {  	[sflag:s29] =	ssyncset.done $0x0  }
0x109: {  	s8 =	simm.s32 $0x9;
	s6 =	sadd.s32 $0x2B80, s3;
	[sflag:s29] =	ssyncadd.s32 $0xFFFFE000  }
0x10a: {  	[spmem:s2] =	stream.indirect.scatter.add.f32 [tilespmem:s25], [sflag:$0x10], $0x40, s6, s14, $0xb8;
	[tilespmem:$0x1EE00] =	vst v63  }
0x10b: {  	_ =	swait.ge [sflag:s8], $0x2000  }
0x10c: {  	[sflag:s8] =	ssyncset.done $0x0  }
0x10d: {  	s9 =	simm.s32 $0xA;
	[sflag:s8] =	ssyncadd.s32 $0xFFFFE000  }
0x10e: {  	_ =	swait.ge [sflag:s9], $0x2000  }
0x10f: {  	[sflag:s9] =	ssyncset.done $0x0  }
0x110: {  	s10 =	simm.s32 $0xB;
	[sflag:s9] =	ssyncadd.s32 $0xFFFFE000  }
0x111: {  	_ =	swait.ge [sflag:s10], $0x2000  }
0x112: {  	[sflag:s10] =	ssyncset.done $0x0  }
0x113: {  	s11 =	simm.s32 $0xC;
	[sflag:s10] =	ssyncadd.s32 $0xFFFFE000  }
0x114: {  	_ =	swait.ge [sflag:s11], $0x2000  }
0x115: {  	[sflag:s11] =	ssyncset.done $0x0  }
0x116: {  	s12 =	simm.s32 $0xD;
	[sflag:s11] =	ssyncadd.s32 $0xFFFFE000  }
0x117: {  	_ =	swait.ge [sflag:s12], $0x2000  }
0x118: {  	[sflag:s12] =	ssyncset.done $0x0  }
0x119: {  	s13 =	simm.s32 $0xE;
	[sflag:s12] =	ssyncadd.s32 $0xFFFFE000  }
0x11a: {  	_ =	swait.ge [sflag:s13], $0x2000  }
0x11b: {  	[sflag:s13] =	ssyncset.done $0x0  }
0x11c: {  	s17 =	simm.s32 $0xF;
	[sflag:s13] =	ssyncadd.s32 $0xFFFFE000  }
0x11d: {  	_ =	swait.ge [sflag:s17], $0x2000  }
0x11e: {  	[sflag:s17] =	ssyncset.done $0x0  }
0x11f: {  	s19 =	simm.s32 $0x10;
	[sflag:s17] =	ssyncadd.s32 $0xFFFFE000  }
0x120: {  	_ =	swait.ge [sflag:s19], $0x2000  }
0x121: {  	[sflag:s19] =	ssyncset.done $0x0  }
0x122: {  	[sflag:s19] =	ssyncadd.s32 $0xFFFFE000  }
0x123: {  	[bflag:$0x0] =	sbarrier.arrive $0xFFFF  }
0x124: {  	s6 =	rddreg [dreg:$0x6]  }
0x125: {  	s30 =	rddreg [dreg:$0x9]  }
0x126: {  	s3 =	simm.s32 $0x11;
	s1 =	rddreg [dreg:$0xb]  }
0x127: {  	[hbm:s30], [sflag:s6] =	dma.local [spmem:s1], $0x13C0  }
0x128: {  	_ =	swait.ge [sflag:s3], $0x13C0  }
0x129: {  	s7 =	sadd.s32 $0x1, s7;
	s31 =	rddreg [dreg:$0xa]  }
0x12a: {  	p0 =	sne.s32 s7, s31  }
.Ltmp1:
0x12b: {  	_ = 	snop;
	(pc) =	sbr.rel @p0 .LBB2_1-.Ltmp1, $3  }
0x12c: {  	_ =	sdelay $0x1  }
0x12d: {  	[sflag:s3] =	ssyncset.done $0x0  }
0x12e: {  	[sflag:s3] =	ssyncadd.s32 $0xFFFFEC40  }
0x12f: {  	_ =	sfence.sel $0x180000  }
0x130: {  	[bflag:$0x0] =	sbarrier.arrive $0xFFFF  }
0x131: {  	_ =	strace $0x90000053  }
0x132: {  	s0 =	stileid.u32;
	[bflag:$0x2] =	sbarrier.arrive $0xFFFF  }
0x133: {  	p0 =	sne.s32 s0, $0x0;
	s0 =	rddreg [dreg:$0x2]  }
0x134: {  	s0 =	sadd.s32 @!p0 $0x100000, s0  }
0x135: {  	[sflag:s0] =	ssyncadd.tile.s32 @!p0 $0x1;
	_ =	shalt  }
.Lfunc_end2:
_tile_overlayer_lowered:
.L_overlay_start_2:
0x136: {  	(tag) =	ssettag $0x2  }
0x137: {  	s0 =	rddreg [dreg:$0x0];
	s2 =	stileid.u32  }
0x138: {  	s1 =	rddreg [dreg:$0x1];
	p0 =	sne.s32 s2, $0x0  }
0x139: {  	s3 =	rddreg [dreg:$0x2];
	[bflag:$0x3] =	sbarrier.arrive $0xFFFF;
	s2 =	simm.s32 @!p0 $0x1C11  }
0x13a: {  	[timem:s3], [sflag:s2] =	dma.local @!p0 [hbm:s0], s1  }
0x13b: {  	s0 =	simm.s32 @!p0 $0x11  }
0x13c: {  	_ =	swait.ge @!p0 [sflag:s0], s1  }
0x13d: {  	s1 =	ssub.s32 @!p0 $0x0, s1;
	[sflag:s0] =	ssyncset.done @!p0 $0x0  }
0x13e: {  	[sflag:s0] =	ssyncadd.s32 @!p0 s1  }
0x13f: {  	[bflag:$0x3] =	sbarrier.arrive $0xFFFF  }
0x140: {  	_ =	shalt  }

</sc_bundles>
